<compile_context>
chip_gen: v7x
topology: tpu7x:2x2x1
jax: 0.10.2.dev20260603
libtpu: 0.0.44.dev20260713+nightly
codegen_flags: <defaults>
</compile_context>

<pallas_src>
import dataclasses
import functools

import jax
import jax.numpy as jnp
import numpy as np
from jax import lax
from jax.experimental import pallas as pl
from jax.experimental.pallas import tpu as pltpu
from jax.experimental.pallas import tpu_sc as plsc

N = 10000
E = 320000
D = 128

NC = 2
NS = 16
NW = NC * NS
EPW = E // NW
CHUNK = 80
NSTEPS = EPW // CHUNK
NPAD = 10240
ROWS_PER_TILE = NPAD // NS
DP = D // 2

_QPERM = np.zeros(D, dtype=np.int32)
for _j in range(D // 2):
    _QPERM[_j] = 32 * (_j // 16) + (_j % 16)
    _QPERM[D // 2 + _j] = 32 * (_j // 16) + 16 + (_j % 16)

_HIMASK = -65536



def _bn_body(x_ref, g_ref, b_ref, o_ref):
    x = x_ref[...]
    mean = jnp.mean(x, axis=0, keepdims=True)
    var = jnp.mean((x - mean) ** 2, axis=0, keepdims=True)
    o_ref[...] = (x - mean) * lax.rsqrt(var + 1e-5) * g_ref[...] + b_ref[...]


def _batchnorm(X, gamma, beta):
    return pl.pallas_call(
        _bn_body,
        out_shape=jax.ShapeDtypeStruct((N, D), jnp.float32),
    )(X, gamma.reshape(1, D), beta.reshape(1, D))


def _bf16_pack(m):
    lo = jax.lax.bitcast_convert_type(m[:, :DP], jnp.int32)
    hi = jax.lax.bitcast_convert_type(m[:, DP:], jnp.int32)
    lo = lo + 0x7FFF + ((lo >> 16) & 1)
    hi = hi + 0x7FFF + ((hi >> 16) & 1)
    return ((lo >> 16) & 0xFFFF) | (hi & _HIMASK)


def _edge_mm_body(a_ref, w1_ref, b1_ref, w2_ref, b2_ref, o1_ref, o2_ref):
    a = a_ref[...]
    o1_ref[...] = _bf16_pack(
        jnp.dot(a, w1_ref[...], preferred_element_type=jnp.float32)
        + b1_ref[...])
    o2_ref[...] = _bf16_pack(
        jnp.dot(a, w2_ref[...], preferred_element_type=jnp.float32)
        + b2_ref[...])


_BLK_E = 2560


def _edge_mm(attr, w1_t, b1, w2_t, b2):
    return pl.pallas_call(
        _edge_mm_body,
        grid=(E // _BLK_E,),
        in_specs=[pl.BlockSpec((_BLK_E, D), lambda i: (i, 0)),
                  pl.BlockSpec((D, D), lambda i: (0, 0)),
                  pl.BlockSpec((1, D), lambda i: (0, 0)),
                  pl.BlockSpec((D, D), lambda i: (0, 0)),
                  pl.BlockSpec((1, D), lambda i: (0, 0))],
        out_specs=(pl.BlockSpec((_BLK_E, DP), lambda i: (i, 0)),
                   pl.BlockSpec((_BLK_E, DP), lambda i: (i, 0))),
        out_shape=(jax.ShapeDtypeStruct((E, DP), jnp.int32),
                   jax.ShapeDtypeStruct((E, DP), jnp.int32)),
    )(attr, w1_t, b1.reshape(1, D), w2_t, b2.reshape(1, D))


def _node_body(x_ref, agg_ref, w_ref, b_ref, o_ref):
    h = x_ref[...] + agg_ref[0] + agg_ref[1]
    o_ref[...] = jnp.tanh(
        jnp.dot(h, w_ref[...], preferred_element_type=jnp.float32) + b_ref[...])


def _node_update(x, agg, w_t, b):
    return pl.pallas_call(
        _node_body,
        grid=(1,),
        in_specs=[pl.BlockSpec((N, D), lambda i: (0, 0)),
                  pl.BlockSpec((NC, N, D), lambda i: (0, 0, 0)),
                  pl.BlockSpec((D, D), lambda i: (0, 0)),
                  pl.BlockSpec((1, D), lambda i: (0, 0))],
        out_specs=pl.BlockSpec((N, D), lambda i: (0, 0)),
        out_shape=jax.ShapeDtypeStruct((N, D), jnp.float32),
    )(x, agg, w_t, b.reshape(1, D))


def _final_body(x1_ref, agg_ref, w2_ref, b2_ref, fc_ref, o_ref):
    x1 = x1_ref[...]
    h = x1 + agg_ref[0] + agg_ref[1]
    x2 = jnp.tanh(
        jnp.dot(h, w2_ref[...], preferred_element_type=jnp.float32) + b2_ref[...])
    x3 = jnp.tanh(jnp.dot(x2, fc_ref[...], preferred_element_type=jnp.float32))
    o_ref[...] = jnp.concatenate([x1, x2, x3], axis=-1)


def _final(x1, agg, w2_t, b2, fc_t):
    return pl.pallas_call(
        _final_body,
        grid=(1,),
        in_specs=[pl.BlockSpec((N, D), lambda i: (0, 0)),
                  pl.BlockSpec((NC, N, D), lambda i: (0, 0, 0)),
                  pl.BlockSpec((D, D), lambda i: (0, 0)),
                  pl.BlockSpec((1, D), lambda i: (0, 0)),
                  pl.BlockSpec((D, D), lambda i: (0, 0))],
        out_specs=pl.BlockSpec((N, 3 * D), lambda i: (0, 0)),
        out_shape=jax.ShapeDtypeStruct((N, 3 * D), jnp.float32),
    )(x1, agg, w2_t, b2.reshape(1, D), fc_t)



NDATA = 2
NIDX = 4


def _sc_scatter_body(src_hbm, dst_hbm, ea_hbm, x_hbm, zero_hbm, out_hbm,
                     agg_sp, src_ring, dst_ring, xg_bufs, ea_bufs,
                     gsems, esems, issems, idsems, zsem):
    cid = lax.axis_index("c")
    sid = lax.axis_index("s")
    wid = cid * NS + sid
    base_row = sid * ROWS_PER_TILE
    ebase = wid * EPW

    def _issue_idx(s, j):
        pltpu.async_copy(src_hbm.at[wid, s], src_ring.at[j], issems.at[j])
        pltpu.async_copy(dst_hbm.at[wid, s], dst_ring.at[j], idsems.at[j])

    def _wait_idx(j):
        pltpu.make_async_copy(src_hbm.at[wid, 0], src_ring.at[j],
                              issems.at[j]).wait()
        pltpu.make_async_copy(dst_hbm.at[wid, 0], dst_ring.at[j],
                              idsems.at[j]).wait()

    def _issue_data(s, b, j):
        pltpu.async_copy(x_hbm.at[src_ring.at[j]], xg_bufs.at[b], gsems.at[b])
        pltpu.async_copy(ea_hbm.at[pl.ds(ebase + s * CHUNK, CHUNK)],
                         ea_bufs.at[b], esems.at[b])

    def _wait_data(b):
        pltpu.make_async_copy(x_hbm.at[pl.ds(0, CHUNK)], xg_bufs.at[b],
                              gsems.at[b]).wait()
        pltpu.make_async_copy(ea_hbm.at[pl.ds(0, CHUNK)], ea_bufs.at[b],
                              esems.at[b]).wait()

    pltpu.async_copy(zero_hbm.at[pl.ds(base_row, ROWS_PER_TILE)],
                     agg_sp.at[pl.ds(base_row, ROWS_PER_TILE)], zsem)
    for j in range(NIDX):
        _issue_idx(j, j)
    for b in range(NDATA):
        _wait_idx(b)
        _issue_data(b, b, b)
    pltpu.make_async_copy(zero_hbm.at[pl.ds(base_row, ROWS_PER_TILE)],
                          agg_sp.at[pl.ds(base_row, ROWS_PER_TILE)],
                          zsem).wait()
    plsc.subcore_barrier()

    @pl.loop(0, NSTEPS, step=NIDX)
    def _round(g):
        for b in range(NIDX):
            s = g + b
            db = b % NDATA

            @pl.when(s < NSTEPS)
            def _body():
                xg_b = xg_bufs.at[db]
                ea_b = ea_bufs.at[db]
                _wait_data(db)

                @pl.loop(0, CHUNK)
                def _row(r):
                    for g4 in range(DP // 16):
                        ei = ea_b[r, pl.ds(16 * g4, 16)]
                        xlo = xg_b[r, pl.ds(32 * g4, 16)]
                        xhi = xg_b[r, pl.ds(32 * g4 + 16, 16)]
                        elo = plsc.bitcast(ei << 16, jnp.float32)
                        ehi = plsc.bitcast(ei & _HIMASK, jnp.float32)
                        xg_b[r, pl.ds(32 * g4, 16)] = jnp.maximum(
                            xlo + elo, 0.0)
                        xg_b[r, pl.ds(32 * g4 + 16, 16)] = jnp.maximum(
                            xhi + ehi, 0.0)

                pltpu.sync_copy(xg_b, agg_sp.at[dst_ring.at[b]], add=True)

                @pl.when(s + NIDX < NSTEPS)
                def _refill_idx():
                    _issue_idx(s + NIDX, b)

                @pl.when(s + NDATA < NSTEPS)
                def _refill_data():
                    j2 = (b + NDATA) % NIDX
                    _wait_idx(j2)
                    _issue_data(s + NDATA, db, j2)

    plsc.subcore_barrier()
    pltpu.sync_copy(agg_sp.at[pl.ds(base_row, ROWS_PER_TILE)],
                    out_hbm.at[cid, pl.ds(base_row, ROWS_PER_TILE)])


def _sc_scatter(src, dst, ea_packed, x_packed, zeros):
    mesh = plsc.VectorSubcoreMesh(core_axis_name="c", subcore_axis_name="s")
    cp = pltpu.CompilerParams()
    if "needs_layout_passes" in pltpu.CompilerParams.__dataclass_fields__:
        cp = dataclasses.replace(cp, needs_layout_passes=False)
    run = functools.partial(
        pl.kernel,
        out_type=jax.ShapeDtypeStruct((NC, NPAD, D), jnp.float32),
        mesh=mesh,
        compiler_params=cp,
        scratch_types=[
            pltpu.VMEM_SHARED((NPAD, D), jnp.float32),
            pltpu.VMEM((NIDX, CHUNK), jnp.int32),
            pltpu.VMEM((NIDX, CHUNK), jnp.int32),
            pltpu.VMEM((NDATA, CHUNK, D), jnp.float32),
            pltpu.VMEM((NDATA, CHUNK, DP), jnp.int32),
            pltpu.SemaphoreType.DMA((NDATA,)),
            pltpu.SemaphoreType.DMA((NDATA,)),
            pltpu.SemaphoreType.DMA((NIDX,)),
            pltpu.SemaphoreType.DMA((NIDX,)),
            pltpu.SemaphoreType.DMA,
        ],
    )(_sc_scatter_body)
    return run(src.reshape(NW, NSTEPS, CHUNK), dst.reshape(NW, NSTEPS, CHUNK),
               ea_packed, x_packed, zeros)



def kernel(X, edge_index, edge_attr, bn_gamma, bn_beta,
           lin1e_w, lin1e_b, nn1_w, nn1_b,
           lin2e_w, lin2e_b, nn2_w, nn2_b, fc1_w):
    src = edge_index[0].astype(jnp.int32)
    dst = edge_index[1].astype(jnp.int32)
    zeros = jnp.zeros((NPAD, D), jnp.float32)

    x = _batchnorm(X, bn_gamma, bn_beta)
    ea1, ea2 = _edge_mm(edge_attr, lin1e_w[_QPERM].T, lin1e_b[_QPERM],
                        lin2e_w[_QPERM].T, lin2e_b[_QPERM])
    agg1 = _sc_scatter(src, dst, ea1, x, zeros)
    x1 = _node_update(x, agg1, nn1_w.T, nn1_b)
    agg2 = _sc_scatter(src, dst, ea2, x1, zeros)
    return _final(x1, agg2, nn2_w.T, nn2_b, fc1_w.T)

# --- scband reference (transcript-rebuilt; emitter-appended) ---
"""Pipeline reference for scband-gin-37658273251987 (READ-ONLY COPY).

The authoritative reference and input builder live on the scoring server;
editing this copy changes nothing except your own understanding.
"""

import jax, jax.numpy as jnp
import numpy as np

N = 10000
E = 320000
D_IN = 128
DIM = 128
D_OUT = 128


def _batchnorm(x, gamma, beta, eps=1e-5):
    # torch BatchNorm1d training-mode forward: biased batch statistics
    mean = jnp.mean(x, axis=0)
    var = jnp.var(x, axis=0)
    return (x - mean) / jnp.sqrt(var + eps) * gamma + beta


def _gine_conv(x, edge_index, edge_attr, lin_e_w, lin_e_b, nn_w, nn_b):
    # PyG GINEConv with eps=0, sum aggregation, nn = Linear + Tanh
    src = edge_index[0]
    dst = edge_index[1]
    ea = edge_attr @ lin_e_w.T + lin_e_b          # edge_dim -> node channels
    m = jax.nn.relu(x[src] + ea)                  # gather x_j + edge feature
    agg = jax.ops.segment_sum(m, dst, num_segments=x.shape[0])  # scatter-add
    h = x + agg                                   # (1 + eps) * x + aggr, eps = 0
    return jnp.tanh(h @ nn_w.T + nn_b)


def setup_inputs(seed: int = 0) -> dict:
    key = jax.random.key(seed)
    ks = jax.random.split(key, 16)
    X = jax.random.normal(ks[0], (N, D_IN), dtype=jnp.float32)
    edge_index = jax.random.randint(ks[1], (2, E), 0, N, dtype=jnp.int64)
    edge_attr = jax.random.normal(ks[2], (E, D_IN), dtype=jnp.float32)
    s_in = 1.0 / np.sqrt(D_IN)
    s_dim = 1.0 / np.sqrt(DIM)
    return {
        "X": X,
        "edge_index": edge_index,
        "edge_attr": edge_attr,
        "bn_gamma": jnp.ones((D_IN,), dtype=jnp.float32),
        "bn_beta": jnp.zeros((D_IN,), dtype=jnp.float32),
        "lin1e_w": jax.random.uniform(ks[3], (D_IN, D_IN), jnp.float32, -s_in, s_in),
        "lin1e_b": jax.random.uniform(ks[4], (D_IN,), jnp.float32, -s_in, s_in),
        "nn1_w": jax.random.uniform(ks[5], (DIM, D_IN), jnp.float32, -s_in, s_in),
        "nn1_b": jax.random.uniform(ks[6], (DIM,), jnp.float32, -s_in, s_in),
        "lin2e_w": jax.random.uniform(ks[7], (DIM, D_IN), jnp.float32, -s_in, s_in),
        "lin2e_b": jax.random.uniform(ks[8], (DIM,), jnp.float32, -s_in, s_in),
        "nn2_w": jax.random.uniform(ks[9], (DIM, DIM), jnp.float32, -s_dim, s_dim),
        "nn2_b": jax.random.uniform(ks[10], (DIM,), jnp.float32, -s_dim, s_dim),
        "fc1_w": jax.random.uniform(ks[11], (D_OUT, DIM), jnp.float32, -s_dim, s_dim),
    }


def reference(X, edge_index, edge_attr, bn_gamma, bn_beta,
              lin1e_w, lin1e_b, nn1_w, nn1_b,
              lin2e_w, lin2e_b, nn2_w, nn2_b, fc1_w):
    x = _batchnorm(X, bn_gamma, bn_beta)
    x1 = _gine_conv(x, edge_index, edge_attr, lin1e_w, lin1e_b, nn1_w, nn1_b)
    x2 = _gine_conv(x1, edge_index, edge_attr, lin2e_w, lin2e_b, nn2_w, nn2_b)
    x3 = jnp.tanh(x2 @ fc1_w.T)
    return jnp.concatenate([x1, x2, x3], axis=-1)

if __name__ == "__main__":
    import jax
    _d = setup_inputs()
    print(jax.jit(kernel)(*tuple(_d.values())))

</pallas_src>

<mosaic_0001>
#map = affine_map<(d0, d1) -> (0, 0, 0)>
#map1 = affine_map<(d0, d1) -> (0, 0)>
module attributes {stable_mosaic.version = 14 : i64} {
  func.func @_sc_scatter_body(%arg0: i32, %arg1: i32, %arg2: memref<32x125x80xi32, #tpu.memory_space<hbm>>, %arg3: memref<32x125x80xi32, #tpu.memory_space<hbm>>, %arg4: memref<320000x64xi32, #tpu.memory_space<hbm>>, %arg5: memref<10000x128xf32, #tpu.memory_space<hbm>>, %arg6: memref<10240x128xf32, #tpu.memory_space<hbm>>, %arg7: memref<2x10240x128xf32, #tpu.memory_space<hbm>>, %arg8: memref<10240x128xf32, #tpu.memory_space<vmem_shared>>, %arg9: memref<4x80xi32, #tpu.memory_space<vmem>>, %arg10: memref<4x80xi32, #tpu.memory_space<vmem>>, %arg11: memref<2x80x128xf32, #tpu.memory_space<vmem>>, %arg12: memref<2x80x64xi32, #tpu.memory_space<vmem>>, %arg13: memref<2x!tpu.dma_semaphore, #tpu.memory_space<semaphore_mem>>, %arg14: memref<2x!tpu.dma_semaphore, #tpu.memory_space<semaphore_mem>>, %arg15: memref<4x!tpu.dma_semaphore, #tpu.memory_space<semaphore_mem>>, %arg16: memref<4x!tpu.dma_semaphore, #tpu.memory_space<semaphore_mem>>, %arg17: memref<!tpu.dma_semaphore, #tpu.memory_space<semaphore_mem>>) attributes {dimension_semantics = [#tpu.dimension_semantics<core_parallel>, #tpu.dimension_semantics<subcore_parallel>], iteration_bounds = array<i64: 2, 16>, scalar_prefetch = 0 : i64, scratch_operands = 10 : i64, tpu.core_type = #tpu.core_type<sc_vector_subcore>, window_params = [{transform_indices = #map}, {transform_indices = #map}, {transform_indices = #map1}, {transform_indices = #map1}, {transform_indices = #map1}, {transform_indices = #map}]} {
    %mul3A = arith.constant 16 : i32
    %mul3A_0 = arith.muli %arg0, %mul3A : i32
    %add3A = arith.addi %mul3A_0, %arg1 : i32
    %mul3A_1 = arith.constant 640 : i32
    %mul3A_2 = arith.muli %arg1, %mul3A_1 : i32
    %mul3A_3 = arith.constant 10000 : i32
    %mul3A_4 = arith.muli %add3A, %mul3A_3 : i32
    %dma_start3A = arith.constant 0 : i32
    %dma_start3A_5 = tpu.memref_slice %arg8[%mul3A_2, %dma_start3A] : memref<10240x128xf32, #tpu.memory_space<vmem_shared>> -> memref<640x128xf32, #tpu.memory_space<vmem_shared>>
    %dma_start3A_6 = arith.constant 0 : i32
    %dma_start3A_7 = tpu.memref_slice %arg6[%mul3A_2, %dma_start3A_6] : memref<10240x128xf32, #tpu.memory_space<hbm>> -> memref<640x128xf32, #tpu.memory_space<hbm>>
    tpu.enqueue_dma source(%dma_start3A_7 : memref<640x128xf32, #tpu.memory_space<hbm>>) target(%dma_start3A_5 : memref<640x128xf32, #tpu.memory_space<vmem_shared>>) target_semaphore(%arg17 : memref<!tpu.dma_semaphore, #tpu.memory_space<semaphore_mem>>)
    %dma_start3A_8 = arith.constant 0 : i32
    %dma_start3A_9 = arith.constant 0 : i32
    %dma_start3A_10 = arith.constant 0 : i32
    %dma_start3A_11 = arith.constant 0 : i32
    %dma_start3A_12 = tpu.memref_slice %arg9[%dma_start3A_9, %dma_start3A_11] : memref<4x80xi32, #tpu.memory_space<vmem>> -> memref<1x80xi32, #tpu.memory_space<vmem>>
    %dma_start3A_13 = tpu.memref_squeeze %dma_start3A_12 : memref<1x80xi32, #tpu.memory_space<vmem>> -> memref<80xi32, #tpu.memory_space<vmem>>
    %dma_start3A_14 = arith.constant 0 : i32
    %dma_start3A_15 = tpu.memref_slice %arg2[%add3A, %dma_start3A_8, %dma_start3A_14] : memref<32x125x80xi32, #tpu.memory_space<hbm>> -> memref<1x1x80xi32, #tpu.memory_space<hbm>>
    %dma_start3A_16 = tpu.memref_squeeze %dma_start3A_15 : memref<1x1x80xi32, #tpu.memory_space<hbm>> -> memref<80xi32, #tpu.memory_space<hbm>>
    %dma_start3A_17 = tpu.memref_slice %arg15[%dma_start3A_10] : memref<4x!tpu.dma_semaphore, #tpu.memory_space<semaphore_mem>> -> memref<1x!tpu.dma_semaphore, #tpu.memory_space<semaphore_mem>>
    %dma_start3A_18 = tpu.memref_squeeze %dma_start3A_17 : memref<1x!tpu.dma_semaphore, #tpu.memory_space<semaphore_mem>> -> memref<!tpu.dma_semaphore, #tpu.memory_space<semaphore_mem>>
    %dma_start3A_19 = arith.constant 0 : i32
    %dma_start3A_20 = tpu.memref_slice %arg9[%dma_start3A_9, %dma_start3A_19] : memref<4x80xi32, #tpu.memory_space<vmem>> -> memref<1x80xi32, #tpu.memory_space<vmem>>
    %dma_start3A_21 = tpu.memref_squeeze %dma_start3A_20 : memref<1x80xi32, #tpu.memory_space<vmem>> -> memref<80xi32, #tpu.memory_space<vmem>>
    %dma_start3A_22 = arith.constant 0 : i32
    %dma_start3A_23 = tpu.memref_slice %arg2[%add3A, %dma_start3A_8, %dma_start3A_22] : memref<32x125x80xi32, #tpu.memory_space<hbm>> -> memref<1x1x80xi32, #tpu.memory_space<hbm>>
    %dma_start3A_24 = tpu.memref_squeeze %dma_start3A_23 : memref<1x1x80xi32, #tpu.memory_space<hbm>> -> memref<80xi32, #tpu.memory_space<hbm>>
    tpu.enqueue_dma source(%dma_start3A_24 : memref<80xi32, #tpu.memory_space<hbm>>) target(%dma_start3A_21 : memref<80xi32, #tpu.memory_space<vmem>>) target_semaphore(%dma_start3A_18 : memref<!tpu.dma_semaphore, #tpu.memory_space<semaphore_mem>>)
    %dma_start3A_25 = arith.constant 0 : i32
    %dma_start3A_26 = arith.constant 0 : i32
    %dma_start3A_27 = arith.constant 0 : i32
    %dma_start3A_28 = arith.constant 0 : i32
    %dma_start3A_29 = tpu.memref_slice %arg10[%dma_start3A_26, %dma_start3A_28] : memref<4x80xi32, #tpu.memory_space<vmem>> -> memref<1x80xi32, #tpu.memory_space<vmem>>
    %dma_start3A_30 = tpu.memref_squeeze %dma_start3A_29 : memref<1x80xi32, #tpu.memory_space<vmem>> -> memref<80xi32, #tpu.memory_space<vmem>>
    %dma_start3A_31 = arith.constant 0 : i32
    %dma_start3A_32 = tpu.memref_slice %arg3[%add3A, %dma_start3A_25, %dma_start3A_31] : memref<32x125x80xi32, #tpu.memory_space<hbm>> -> memref<1x1x80xi32, #tpu.memory_space<hbm>>
    %dma_start3A_33 = tpu.memref_squeeze %dma_start3A_32 : memref<1x1x80xi32, #tpu.memory_space<hbm>> -> memref<80xi32, #tpu.memory_space<hbm>>
    %dma_start3A_34 = tpu.memref_slice %arg16[%dma_start3A_27] : memref<4x!tpu.dma_semaphore, #tpu.memory_space<semaphore_mem>> -> memref<1x!tpu.dma_semaphore, #tpu.memory_space<semaphore_mem>>
    %dma_start3A_35 = tpu.memref_squeeze %dma_start3A_34 : memref<1x!tpu.dma_semaphore, #tpu.memory_space<semaphore_mem>> -> memref<!tpu.dma_semaphore, #tpu.memory_space<semaphore_mem>>
    %dma_start3A_36 = arith.constant 0 : i32
    %dma_start3A_37 = tpu.memref_slice %arg10[%dma_start3A_26, %dma_start3A_36] : memref<4x80xi32, #tpu.memory_space<vmem>> -> memref<1x80xi32, #tpu.memory_space<vmem>>
    %dma_start3A_38 = tpu.memref_squeeze %dma_start3A_37 : memref<1x80xi32, #tpu.memory_space<vmem>> -> memref<80xi32, #tpu.memory_space<vmem>>
    %dma_start3A_39 = arith.constant 0 : i32
    %dma_start3A_40 = tpu.memref_slice %arg3[%add3A, %dma_start3A_25, %dma_start3A_39] : memref<32x125x80xi32, #tpu.memory_space<hbm>> -> memref<1x1x80xi32, #tpu.memory_space<hbm>>
    %dma_start3A_41 = tpu.memref_squeeze %dma_start3A_40 : memref<1x1x80xi32, #tpu.memory_space<hbm>> -> memref<80xi32, #tpu.memory_space<hbm>>
    tpu.enqueue_dma source(%dma_start3A_41 : memref<80xi32, #tpu.memory_space<hbm>>) target(%dma_start3A_38 : memref<80xi32, #tpu.memory_space<vmem>>) target_semaphore(%dma_start3A_35 : memref<!tpu.dma_semaphore, #tpu.memory_space<semaphore_mem>>)
    %dma_start3A_42 = arith.constant 1 : i32
    %dma_start3A_43 = arith.constant 1 : i32
    %dma_start3A_44 = arith.constant 1 : i32
    %dma_start3A_45 = arith.constant 0 : i32
    %dma_start3A_46 = tpu.memref_slice %arg9[%dma_start3A_43, %dma_start3A_45] : memref<4x80xi32, #tpu.memory_space<vmem>> -> memref<1x80xi32, #tpu.memory_space<vmem>>
    %dma_start3A_47 = tpu.memref_squeeze %dma_start3A_46 : memref<1x80xi32, #tpu.memory_space<vmem>> -> memref<80xi32, #tpu.memory_space<vmem>>
    %dma_start3A_48 = arith.constant 0 : i32
    %dma_start3A_49 = tpu.memref_slice %arg2[%add3A, %dma_start3A_42, %dma_start3A_48] : memref<32x125x80xi32, #tpu.memory_space<hbm>> -> memref<1x1x80xi32, #tpu.memory_space<hbm>>
    %dma_start3A_50 = tpu.memref_squeeze %dma_start3A_49 : memref<1x1x80xi32, #tpu.memory_space<hbm>> -> memref<80xi32, #tpu.memory_space<hbm>>
    %dma_start3A_51 = tpu.memref_slice %arg15[%dma_start3A_44] : memref<4x!tpu.dma_semaphore, #tpu.memory_space<semaphore_mem>> -> memref<1x!tpu.dma_semaphore, #tpu.memory_space<semaphore_mem>>
    %dma_start3A_52 = tpu.memref_squeeze %dma_start3A_51 : memref<1x!tpu.dma_semaphore, #tpu.memory_space<semaphore_mem>> -> memref<!tpu.dma_semaphore, #tpu.memory_space<semaphore_mem>>
    %dma_start3A_53 = arith.constant 0 : i32
    %dma_start3A_54 = tpu.memref_slice %arg9[%dma_start3A_43, %dma_start3A_53] : memref<4x80xi32, #tpu.memory_space<vmem>> -> memref<1x80xi32, #tpu.memory_space<vmem>>
    %dma_start3A_55 = tpu.memref_squeeze %dma_start3A_54 : memref<1x80xi32, #tpu.memory_space<vmem>> -> memref<80xi32, #tpu.memory_space<vmem>>
    %dma_start3A_56 = arith.constant 0 : i32
    %dma_start3A_57 = tpu.memref_slice %arg2[%add3A, %dma_start3A_42, %dma_start3A_56] : memref<32x125x80xi32, #tpu.memory_space<hbm>> -> memref<1x1x80xi32, #tpu.memory_space<hbm>>
    %dma_start3A_58 = tpu.memref_squeeze %dma_start3A_57 : memref<1x1x80xi32, #tpu.memory_space<hbm>> -> memref<80xi32, #tpu.memory_space<hbm>>
    tpu.enqueue_dma source(%dma_start3A_58 : memref<80xi32, #tpu.memory_space<hbm>>) target(%dma_start3A_55 : memref<80xi32, #tpu.memory_space<vmem>>) target_semaphore(%dma_start3A_52 : memref<!tpu.dma_semaphore, #tpu.memory_space<semaphore_mem>>)
    %dma_start3A_59 = arith.constant 1 : i32
    %dma_start3A_60 = arith.constant 1 : i32
    %dma_start3A_61 = arith.constant 1 : i32
    %dma_start3A_62 = arith.constant 0 : i32
    %dma_start3A_63 = tpu.memref_slice %arg10[%dma_start3A_60, %dma_start3A_62] : memref<4x80xi32, #tpu.memory_space<vmem>> -> memref<1x80xi32, #tpu.memory_space<vmem>>
    %dma_start3A_64 = tpu.memref_squeeze %dma_start3A_63 : memref<1x80xi32, #tpu.memory_space<vmem>> -> memref<80xi32, #tpu.memory_space<vmem>>
    %dma_start3A_65 = arith.constant 0 : i32
    %dma_start3A_66 = tpu.memref_slice %arg3[%add3A, %dma_start3A_59, %dma_start3A_65] : memref<32x125x80xi32, #tpu.memory_space<hbm>> -> memref<1x1x80xi32, #tpu.memory_space<hbm>>
    %dma_start3A_67 = tpu.memref_squeeze %dma_start3A_66 : memref<1x1x80xi32, #tpu.memory_space<hbm>> -> memref<80xi32, #tpu.memory_space<hbm>>
    %dma_start3A_68 = tpu.memref_slice %arg16[%dma_start3A_61] : memref<4x!tpu.dma_semaphore, #tpu.memory_space<semaphore_mem>> -> memref<1x!tpu.dma_semaphore, #tpu.memory_space<semaphore_mem>>
    %dma_start3A_69 = tpu.memref_squeeze %dma_start3A_68 : memref<1x!tpu.dma_semaphore, #tpu.memory_space<semaphore_mem>> -> memref<!tpu.dma_semaphore, #tpu.memory_space<semaphore_mem>>
    %dma_start3A_70 = arith.constant 0 : i32
    %dma_start3A_71 = tpu.memref_slice %arg10[%dma_start3A_60, %dma_start3A_70] : memref<4x80xi32, #tpu.memory_space<vmem>> -> memref<1x80xi32, #tpu.memory_space<vmem>>
    %dma_start3A_72 = tpu.memref_squeeze %dma_start3A_71 : memref<1x80xi32, #tpu.memory_space<vmem>> -> memref<80xi32, #tpu.memory_space<vmem>>
    %dma_start3A_73 = arith.constant 0 : i32
    %dma_start3A_74 = tpu.memref_slice %arg3[%add3A, %dma_start3A_59, %dma_start3A_73] : memref<32x125x80xi32, #tpu.memory_space<hbm>> -> memref<1x1x80xi32, #tpu.memory_space<hbm>>
    %dma_start3A_75 = tpu.memref_squeeze %dma_start3A_74 : memref<1x1x80xi32, #tpu.memory_space<hbm>> -> memref<80xi32, #tpu.memory_space<hbm>>
    tpu.enqueue_dma source(%dma_start3A_75 : memref<80xi32, #tpu.memory_space<hbm>>) target(%dma_start3A_72 : memref<80xi32, #tpu.memory_space<vmem>>) target_semaphore(%dma_start3A_69 : memref<!tpu.dma_semaphore, #tpu.memory_space<semaphore_mem>>)
    %dma_start3A_76 = arith.constant 2 : i32
    %dma_start3A_77 = arith.constant 2 : i32
    %dma_start3A_78 = arith.constant 2 : i32
    %dma_start3A_79 = arith.constant 0 : i32
    %dma_start3A_80 = tpu.memref_slice %arg9[%dma_start3A_77, %dma_start3A_79] : memref<4x80xi32, #tpu.memory_space<vmem>> -> memref<1x80xi32, #tpu.memory_space<vmem>>
    %dma_start3A_81 = tpu.memref_squeeze %dma_start3A_80 : memref<1x80xi32, #tpu.memory_space<vmem>> -> memref<80xi32, #tpu.memory_space<vmem>>
    %dma_start3A_82 = arith.constant 0 : i32
    %dma_start3A_83 = tpu.memref_slice %arg2[%add3A, %dma_start3A_76, %dma_start3A_82] : memref<32x125x80xi32, #tpu.memory_space<hbm>> -> memref<1x1x80xi32, #tpu.memory_space<hbm>>
    %dma_start3A_84 = tpu.memref_squeeze %dma_start3A_83 : memref<1x1x80xi32, #tpu.memory_space<hbm>> -> memref<80xi32, #tpu.memory_space<hbm>>
    %dma_start3A_85 = tpu.memref_slice %arg15[%dma_start3A_78] : memref<4x!tpu.dma_semaphore, #tpu.memory_space<semaphore_mem>> -> memref<1x!tpu.dma_semaphore, #tpu.memory_space<semaphore_mem>>
    %dma_start3A_86 = tpu.memref_squeeze %dma_start3A_85 : memref<1x!tpu.dma_semaphore, #tpu.memory_space<semaphore_mem>> -> memref<!tpu.dma_semaphore, #tpu.memory_space<semaphore_mem>>
    %dma_start3A_87 = arith.constant 0 : i32
    %dma_start3A_88 = tpu.memref_slice %arg9[%dma_start3A_77, %dma_start3A_87] : memref<4x80xi32, #tpu.memory_space<vmem>> -> memref<1x80xi32, #tpu.memory_space<vmem>>
    %dma_start3A_89 = tpu.memref_squeeze %dma_start3A_88 : memref<1x80xi32, #tpu.memory_space<vmem>> -> memref<80xi32, #tpu.memory_space<vmem>>
    %dma_start3A_90 = arith.constant 0 : i32
    %dma_start3A_91 = tpu.memref_slice %arg2[%add3A, %dma_start3A_76, %dma_start3A_90] : memref<32x125x80xi32, #tpu.memory_space<hbm>> -> memref<1x1x80xi32, #tpu.memory_space<hbm>>
    %dma_start3A_92 = tpu.memref_squeeze %dma_start3A_91 : memref<1x1x80xi32, #tpu.memory_space<hbm>> -> memref<80xi32, #tpu.memory_space<hbm>>
    tpu.enqueue_dma source(%dma_start3A_92 : memref<80xi32, #tpu.memory_space<hbm>>) target(%dma_start3A_89 : memref<80xi32, #tpu.memory_space<vmem>>) target_semaphore(%dma_start3A_86 : memref<!tpu.dma_semaphore, #tpu.memory_space<semaphore_mem>>)
    %dma_start3A_93 = arith.constant 2 : i32
    %dma_start3A_94 = arith.constant 2 : i32
    %dma_start3A_95 = arith.constant 2 : i32
    %dma_start3A_96 = arith.constant 0 : i32
    %dma_start3A_97 = tpu.memref_slice %arg10[%dma_start3A_94, %dma_start3A_96] : memref<4x80xi32, #tpu.memory_space<vmem>> -> memref<1x80xi32, #tpu.memory_space<vmem>>
    %dma_start3A_98 = tpu.memref_squeeze %dma_start3A_97 : memref<1x80xi32, #tpu.memory_space<vmem>> -> memref<80xi32, #tpu.memory_space<vmem>>
    %dma_start3A_99 = arith.constant 0 : i32
    %dma_start3A_100 = tpu.memref_slice %arg3[%add3A, %dma_start3A_93, %dma_start3A_99] : memref<32x125x80xi32, #tpu.memory_space<hbm>> -> memref<1x1x80xi32, #tpu.memory_space<hbm>>
    %dma_start3A_101 = tpu.memref_squeeze %dma_start3A_100 : memref<1x1x80xi32, #tpu.memory_space<hbm>> -> memref<80xi32, #tpu.memory_space<hbm>>
    %dma_start3A_102 = tpu.memref_slice %arg16[%dma_start3A_95] : memref<4x!tpu.dma_semaphore, #tpu.memory_space<semaphore_mem>> -> memref<1x!tpu.dma_semaphore, #tpu.memory_space<semaphore_mem>>
    %dma_start3A_103 = tpu.memref_squeeze %dma_start3A_102 : memref<1x!tpu.dma_semaphore, #tpu.memory_space<semaphore_mem>> -> memref<!tpu.dma_semaphore, #tpu.memory_space<semaphore_mem>>
    %dma_start3A_104 = arith.constant 0 : i32
    %dma_start3A_105 = tpu.memref_slice %arg10[%dma_start3A_94, %dma_start3A_104] : memref<4x80xi32, #tpu.memory_space<vmem>> -> memref<1x80xi32, #tpu.memory_space<vmem>>
    %dma_start3A_106 = tpu.memref_squeeze %dma_start3A_105 : memref<1x80xi32, #tpu.memory_space<vmem>> -> memref<80xi32, #tpu.memory_space<vmem>>
    %dma_start3A_107 = arith.constant 0 : i32
    %dma_start3A_108 = tpu.memref_slice %arg3[%add3A, %dma_start3A_93, %dma_start3A_107] : memref<32x125x80xi32, #tpu.memory_space<hbm>> -> memref<1x1x80xi32, #tpu.memory_space<hbm>>
    %dma_start3A_109 = tpu.memref_squeeze %dma_start3A_108 : memref<1x1x80xi32, #tpu.memory_space<hbm>> -> memref<80xi32, #tpu.memory_space<hbm>>
    tpu.enqueue_dma source(%dma_start3A_109 : memref<80xi32, #tpu.memory_space<hbm>>) target(%dma_start3A_106 : memref<80xi32, #tpu.memory_space<vmem>>) target_semaphore(%dma_start3A_103 : memref<!tpu.dma_semaphore, #tpu.memory_space<semaphore_mem>>)
    %dma_start3A_110 = arith.constant 3 : i32
    %dma_start3A_111 = arith.constant 3 : i32
    %dma_start3A_112 = arith.constant 3 : i32
    %dma_start3A_113 = arith.constant 0 : i32
    %dma_start3A_114 = tpu.memref_slice %arg9[%dma_start3A_111, %dma_start3A_113] : memref<4x80xi32, #tpu.memory_space<vmem>> -> memref<1x80xi32, #tpu.memory_space<vmem>>
    %dma_start3A_115 = tpu.memref_squeeze %dma_start3A_114 : memref<1x80xi32, #tpu.memory_space<vmem>> -> memref<80xi32, #tpu.memory_space<vmem>>
    %dma_start3A_116 = arith.constant 0 : i32
    %dma_start3A_117 = tpu.memref_slice %arg2[%add3A, %dma_start3A_110, %dma_start3A_116] : memref<32x125x80xi32, #tpu.memory_space<hbm>> -> memref<1x1x80xi32, #tpu.memory_space<hbm>>
    %dma_start3A_118 = tpu.memref_squeeze %dma_start3A_117 : memref<1x1x80xi32, #tpu.memory_space<hbm>> -> memref<80xi32, #tpu.memory_space<hbm>>
    %dma_start3A_119 = tpu.memref_slice %arg15[%dma_start3A_112] : memref<4x!tpu.dma_semaphore, #tpu.memory_space<semaphore_mem>> -> memref<1x!tpu.dma_semaphore, #tpu.memory_space<semaphore_mem>>
    %dma_start3A_120 = tpu.memref_squeeze %dma_start3A_119 : memref<1x!tpu.dma_semaphore, #tpu.memory_space<semaphore_mem>> -> memref<!tpu.dma_semaphore, #tpu.memory_space<semaphore_mem>>
    %dma_start3A_121 = arith.constant 0 : i32
    %dma_start3A_122 = tpu.memref_slice %arg9[%dma_start3A_111, %dma_start3A_121] : memref<4x80xi32, #tpu.memory_space<vmem>> -> memref<1x80xi32, #tpu.memory_space<vmem>>
    %dma_start3A_123 = tpu.memref_squeeze %dma_start3A_122 : memref<1x80xi32, #tpu.memory_space<vmem>> -> memref<80xi32, #tpu.memory_space<vmem>>
    %dma_start3A_124 = arith.constant 0 : i32
    %dma_start3A_125 = tpu.memref_slice %arg2[%add3A, %dma_start3A_110, %dma_start3A_124] : memref<32x125x80xi32, #tpu.memory_space<hbm>> -> memref<1x1x80xi32, #tpu.memory_space<hbm>>
    %dma_start3A_126 = tpu.memref_squeeze %dma_start3A_125 : memref<1x1x80xi32, #tpu.memory_space<hbm>> -> memref<80xi32, #tpu.memory_space<hbm>>
    tpu.enqueue_dma source(%dma_start3A_126 : memref<80xi32, #tpu.memory_space<hbm>>) target(%dma_start3A_123 : memref<80xi32, #tpu.memory_space<vmem>>) target_semaphore(%dma_start3A_120 : memref<!tpu.dma_semaphore, #tpu.memory_space<semaphore_mem>>)
    %dma_start3A_127 = arith.constant 3 : i32
    %dma_start3A_128 = arith.constant 3 : i32
    %dma_start3A_129 = arith.constant 3 : i32
    %dma_start3A_130 = arith.constant 0 : i32
    %dma_start3A_131 = tpu.memref_slice %arg10[%dma_start3A_128, %dma_start3A_130] : memref<4x80xi32, #tpu.memory_space<vmem>> -> memref<1x80xi32, #tpu.memory_space<vmem>>
    %dma_start3A_132 = tpu.memref_squeeze %dma_start3A_131 : memref<1x80xi32, #tpu.memory_space<vmem>> -> memref<80xi32, #tpu.memory_space<vmem>>
    %dma_start3A_133 = arith.constant 0 : i32
    %dma_start3A_134 = tpu.memref_slice %arg3[%add3A, %dma_start3A_127, %dma_start3A_133] : memref<32x125x80xi32, #tpu.memory_space<hbm>> -> memref<1x1x80xi32, #tpu.memory_space<hbm>>
    %dma_start3A_135 = tpu.memref_squeeze %dma_start3A_134 : memref<1x1x80xi32, #tpu.memory_space<hbm>> -> memref<80xi32, #tpu.memory_space<hbm>>
    %dma_start3A_136 = tpu.memref_slice %arg16[%dma_start3A_129] : memref<4x!tpu.dma_semaphore, #tpu.memory_space<semaphore_mem>> -> memref<1x!tpu.dma_semaphore, #tpu.memory_space<semaphore_mem>>
    %dma_start3A_137 = tpu.memref_squeeze %dma_start3A_136 : memref<1x!tpu.dma_semaphore, #tpu.memory_space<semaphore_mem>> -> memref<!tpu.dma_semaphore, #tpu.memory_space<semaphore_mem>>
    %dma_start3A_138 = arith.constant 0 : i32
    %dma_start3A_139 = tpu.memref_slice %arg10[%dma_start3A_128, %dma_start3A_138] : memref<4x80xi32, #tpu.memory_space<vmem>> -> memref<1x80xi32, #tpu.memory_space<vmem>>
    %dma_start3A_140 = tpu.memref_squeeze %dma_start3A_139 : memref<1x80xi32, #tpu.memory_space<vmem>> -> memref<80xi32, #tpu.memory_space<vmem>>
    %dma_start3A_141 = arith.constant 0 : i32
    %dma_start3A_142 = tpu.memref_slice %arg3[%add3A, %dma_start3A_127, %dma_start3A_141] : memref<32x125x80xi32, #tpu.memory_space<hbm>> -> memref<1x1x80xi32, #tpu.memory_space<hbm>>
    %dma_start3A_143 = tpu.memref_squeeze %dma_start3A_142 : memref<1x1x80xi32, #tpu.memory_space<hbm>> -> memref<80xi32, #tpu.memory_space<hbm>>
    tpu.enqueue_dma source(%dma_start3A_143 : memref<80xi32, #tpu.memory_space<hbm>>) target(%dma_start3A_140 : memref<80xi32, #tpu.memory_space<vmem>>) target_semaphore(%dma_start3A_137 : memref<!tpu.dma_semaphore, #tpu.memory_space<semaphore_mem>>)
    %dma_wait3A = arith.constant 0 : i32
    %dma_wait3A_144 = arith.constant 0 : i32
    %dma_wait3A_145 = arith.constant 0 : i32
    %dma_wait3A_146 = arith.constant 0 : i32
    %dma_wait3A_147 = tpu.memref_slice %arg9[%dma_wait3A_144, %dma_wait3A_146] : memref<4x80xi32, #tpu.memory_space<vmem>> -> memref<1x80xi32, #tpu.memory_space<vmem>>
    %dma_wait3A_148 = tpu.memref_squeeze %dma_wait3A_147 : memref<1x80xi32, #tpu.memory_space<vmem>> -> memref<80xi32, #tpu.memory_space<vmem>>
    %dma_wait3A_149 = arith.constant 0 : i32
    %dma_wait3A_150 = tpu.memref_slice %arg2[%add3A, %dma_wait3A, %dma_wait3A_149] : memref<32x125x80xi32, #tpu.memory_space<hbm>> -> memref<1x1x80xi32, #tpu.memory_space<hbm>>
    %dma_wait3A_151 = tpu.memref_squeeze %dma_wait3A_150 : memref<1x1x80xi32, #tpu.memory_space<hbm>> -> memref<80xi32, #tpu.memory_space<hbm>>
    %dma_wait3A_152 = tpu.memref_slice %arg15[%dma_wait3A_145] : memref<4x!tpu.dma_semaphore, #tpu.memory_space<semaphore_mem>> -> memref<1x!tpu.dma_semaphore, #tpu.memory_space<semaphore_mem>>
    %dma_wait3A_153 = tpu.memref_squeeze %dma_wait3A_152 : memref<1x!tpu.dma_semaphore, #tpu.memory_space<semaphore_mem>> -> memref<!tpu.dma_semaphore, #tpu.memory_space<semaphore_mem>>
    %dma_wait3A_154 = arith.constant 0 : i32
    %dma_wait3A_155 = tpu.memref_slice %arg9[%dma_wait3A_144, %dma_wait3A_154] : memref<4x80xi32, #tpu.memory_space<vmem>> -> memref<1x80xi32, #tpu.memory_space<vmem>>
    %dma_wait3A_156 = tpu.memref_squeeze %dma_wait3A_155 : memref<1x80xi32, #tpu.memory_space<vmem>> -> memref<80xi32, #tpu.memory_space<vmem>>
    %dma_wait3A_157 = arith.constant 0 : i32
    %dma_wait3A_158 = tpu.memref_slice %arg2[%add3A, %dma_wait3A, %dma_wait3A_157] : memref<32x125x80xi32, #tpu.memory_space<hbm>> -> memref<1x1x80xi32, #tpu.memory_space<hbm>>
    %dma_wait3A_159 = tpu.memref_squeeze %dma_wait3A_158 : memref<1x1x80xi32, #tpu.memory_space<hbm>> -> memref<80xi32, #tpu.memory_space<hbm>>
    tpu.wait_dma2 semaphore(%dma_wait3A_153 : memref<!tpu.dma_semaphore, #tpu.memory_space<semaphore_mem>>) src(%dma_wait3A_159 : memref<80xi32, #tpu.memory_space<hbm>>) dst(%dma_wait3A_156 : memref<80xi32, #tpu.memory_space<vmem>>)
    %dma_wait3A_160 = arith.constant 0 : i32
    %dma_wait3A_161 = arith.constant 0 : i32
    %dma_wait3A_162 = arith.constant 0 : i32
    %dma_wait3A_163 = arith.constant 0 : i32
    %dma_wait3A_164 = tpu.memref_slice %arg10[%dma_wait3A_161, %dma_wait3A_163] : memref<4x80xi32, #tpu.memory_space<vmem>> -> memref<1x80xi32, #tpu.memory_space<vmem>>
    %dma_wait3A_165 = tpu.memref_squeeze %dma_wait3A_164 : memref<1x80xi32, #tpu.memory_space<vmem>> -> memref<80xi32, #tpu.memory_space<vmem>>
    %dma_wait3A_166 = arith.constant 0 : i32
    %dma_wait3A_167 = tpu.memref_slice %arg3[%add3A, %dma_wait3A_160, %dma_wait3A_166] : memref<32x125x80xi32, #tpu.memory_space<hbm>> -> memref<1x1x80xi32, #tpu.memory_space<hbm>>
    %dma_wait3A_168 = tpu.memref_squeeze %dma_wait3A_167 : memref<1x1x80xi32, #tpu.memory_space<hbm>> -> memref<80xi32, #tpu.memory_space<hbm>>
    %dma_wait3A_169 = tpu.memref_slice %arg16[%dma_wait3A_162] : memref<4x!tpu.dma_semaphore, #tpu.memory_space<semaphore_mem>> -> memref<1x!tpu.dma_semaphore, #tpu.memory_space<semaphore_mem>>
    %dma_wait3A_170 = tpu.memref_squeeze %dma_wait3A_169 : memref<1x!tpu.dma_semaphore, #tpu.memory_space<semaphore_mem>> -> memref<!tpu.dma_semaphore, #tpu.memory_space<semaphore_mem>>
    %dma_wait3A_171 = arith.constant 0 : i32
    %dma_wait3A_172 = tpu.memref_slice %arg10[%dma_wait3A_161, %dma_wait3A_171] : memref<4x80xi32, #tpu.memory_space<vmem>> -> memref<1x80xi32, #tpu.memory_space<vmem>>
    %dma_wait3A_173 = tpu.memref_squeeze %dma_wait3A_172 : memref<1x80xi32, #tpu.memory_space<vmem>> -> memref<80xi32, #tpu.memory_space<vmem>>
    %dma_wait3A_174 = arith.constant 0 : i32
    %dma_wait3A_175 = tpu.memref_slice %arg3[%add3A, %dma_wait3A_160, %dma_wait3A_174] : memref<32x125x80xi32, #tpu.memory_space<hbm>> -> memref<1x1x80xi32, #tpu.memory_space<hbm>>
    %dma_wait3A_176 = tpu.memref_squeeze %dma_wait3A_175 : memref<1x1x80xi32, #tpu.memory_space<hbm>> -> memref<80xi32, #tpu.memory_space<hbm>>
    tpu.wait_dma2 semaphore(%dma_wait3A_170 : memref<!tpu.dma_semaphore, #tpu.memory_space<semaphore_mem>>) src(%dma_wait3A_176 : memref<80xi32, #tpu.memory_space<hbm>>) dst(%dma_wait3A_173 : memref<80xi32, #tpu.memory_space<vmem>>)
    %dma_start3A_177 = arith.constant 0 : i32
    %dma_start3A_178 = arith.constant 0 : i32
    %dma_start3A_179 = arith.constant 0 : i32
    %dma_start3A_180 = arith.constant 0 : i32
    %dma_start3A_181 = arith.constant 0 : i32
    %dma_start3A_182 = tpu.memref_slice %arg11[%dma_start3A_178, %dma_start3A_180, %dma_start3A_181] : memref<2x80x128xf32, #tpu.memory_space<vmem>> -> memref<1x80x128xf32, #tpu.memory_space<vmem>>
    %dma_start3A_183 = tpu.memref_squeeze %dma_start3A_182 : memref<1x80x128xf32, #tpu.memory_space<vmem>> -> memref<80x128xf32, #tpu.memory_space<vmem>>
    %dma_start3A_184 = arith.constant 0 : i32
    %dma_start3A_185 = tpu.memref_slice %arg9[%dma_start3A_177, %dma_start3A_184] : memref<4x80xi32, #tpu.memory_space<vmem>> -> memref<1x80xi32, #tpu.memory_space<vmem>>
    %dma_start3A_186 = tpu.memref_squeeze %dma_start3A_185 : memref<1x80xi32, #tpu.memory_space<vmem>> -> memref<80xi32, #tpu.memory_space<vmem>>
    %dma_start3A_187 = arith.constant 0 : i32
    %dma_start3A_188 = arith.constant 0 : i32
    %dma_start3A_189 = tpu.memref_slice %arg5[%dma_start3A_187, %dma_start3A_188] : memref<10000x128xf32, #tpu.memory_space<hbm>> -> memref<10000x128xf32, #tpu.memory_space<hbm>>
    %dma_start3A_190 = tpu.memref_slice %arg13[%dma_start3A_179] : memref<2x!tpu.dma_semaphore, #tpu.memory_space<semaphore_mem>> -> memref<1x!tpu.dma_semaphore, #tpu.memory_space<semaphore_mem>>
    %dma_start3A_191 = tpu.memref_squeeze %dma_start3A_190 : memref<1x!tpu.dma_semaphore, #tpu.memory_space<semaphore_mem>> -> memref<!tpu.dma_semaphore, #tpu.memory_space<semaphore_mem>>
    tpu.enqueue_indirect_dma source(%dma_start3A_189 : memref<10000x128xf32, #tpu.memory_space<hbm>>) target(%dma_start3A_183 : memref<80x128xf32, #tpu.memory_space<vmem>>) offsets(%dma_start3A_186 : memref<80xi32, #tpu.memory_space<vmem>>) semaphore(%dma_start3A_191 : memref<!tpu.dma_semaphore, #tpu.memory_space<semaphore_mem>>)
    %add3A_192 = arith.constant 0 : i32
    %add3A_193 = arith.addi %mul3A_4, %add3A_192 : i32
    %dma_start3A_194 = arith.constant 0 : i32
    %dma_start3A_195 = arith.constant 0 : i32
    %dma_start3A_196 = arith.constant 0 : i32
    %dma_start3A_197 = arith.constant 0 : i32
    %dma_start3A_198 = tpu.memref_slice %arg12[%dma_start3A_194, %dma_start3A_196, %dma_start3A_197] : memref<2x80x64xi32, #tpu.memory_space<vmem>> -> memref<1x80x64xi32, #tpu.memory_space<vmem>>
    %dma_start3A_199 = tpu.memref_squeeze %dma_start3A_198 : memref<1x80x64xi32, #tpu.memory_space<vmem>> -> memref<80x64xi32, #tpu.memory_space<vmem>>
    %dma_start3A_200 = arith.constant 0 : i32
    %dma_start3A_201 = tpu.memref_slice %arg4[%add3A_193, %dma_start3A_200] : memref<320000x64xi32, #tpu.memory_space<hbm>> -> memref<80x64xi32, #tpu.memory_space<hbm>>
    %dma_start3A_202 = tpu.memref_slice %arg14[%dma_start3A_195] : memref<2x!tpu.dma_semaphore, #tpu.memory_space<semaphore_mem>> -> memref<1x!tpu.dma_semaphore, #tpu.memory_space<semaphore_mem>>
    %dma_start3A_203 = tpu.memref_squeeze %dma_start3A_202 : memref<1x!tpu.dma_semaphore, #tpu.memory_space<semaphore_mem>> -> memref<!tpu.dma_semaphore, #tpu.memory_space<semaphore_mem>>
    %dma_start3A_204 = arith.constant 0 : i32
    %dma_start3A_205 = arith.constant 0 : i32
    %dma_start3A_206 = tpu.memref_slice %arg12[%dma_start3A_194, %dma_start3A_204, %dma_start3A_205] : memref<2x80x64xi32, #tpu.memory_space<vmem>> -> memref<1x80x64xi32, #tpu.memory_space<vmem>>
    %dma_start3A_207 = tpu.memref_squeeze %dma_start3A_206 : memref<1x80x64xi32, #tpu.memory_space<vmem>> -> memref<80x64xi32, #tpu.memory_space<vmem>>
    %dma_start3A_208 = arith.constant 0 : i32
    %dma_start3A_209 = tpu.memref_slice %arg4[%add3A_193, %dma_start3A_208] : memref<320000x64xi32, #tpu.memory_space<hbm>> -> memref<80x64xi32, #tpu.memory_space<hbm>>
    tpu.enqueue_dma source(%dma_start3A_209 : memref<80x64xi32, #tpu.memory_space<hbm>>) target(%dma_start3A_207 : memref<80x64xi32, #tpu.memory_space<vmem>>) target_semaphore(%dma_start3A_203 : memref<!tpu.dma_semaphore, #tpu.memory_space<semaphore_mem>>)
    %dma_wait3A_210 = arith.constant 0 : i32
    %dma_wait3A_211 = arith.constant 1 : i32
    %dma_wait3A_212 = arith.constant 1 : i32
    %dma_wait3A_213 = arith.constant 0 : i32
    %dma_wait3A_214 = tpu.memref_slice %arg9[%dma_wait3A_211, %dma_wait3A_213] : memref<4x80xi32, #tpu.memory_space<vmem>> -> memref<1x80xi32, #tpu.memory_space<vmem>>
    %dma_wait3A_215 = tpu.memref_squeeze %dma_wait3A_214 : memref<1x80xi32, #tpu.memory_space<vmem>> -> memref<80xi32, #tpu.memory_space<vmem>>
    %dma_wait3A_216 = arith.constant 0 : i32
    %dma_wait3A_217 = tpu.memref_slice %arg2[%add3A, %dma_wait3A_210, %dma_wait3A_216] : memref<32x125x80xi32, #tpu.memory_space<hbm>> -> memref<1x1x80xi32, #tpu.memory_space<hbm>>
    %dma_wait3A_218 = tpu.memref_squeeze %dma_wait3A_217 : memref<1x1x80xi32, #tpu.memory_space<hbm>> -> memref<80xi32, #tpu.memory_space<hbm>>
    %dma_wait3A_219 = tpu.memref_slice %arg15[%dma_wait3A_212] : memref<4x!tpu.dma_semaphore, #tpu.memory_space<semaphore_mem>> -> memref<1x!tpu.dma_semaphore, #tpu.memory_space<semaphore_mem>>
    %dma_wait3A_220 = tpu.memref_squeeze %dma_wait3A_219 : memref<1x!tpu.dma_semaphore, #tpu.memory_space<semaphore_mem>> -> memref<!tpu.dma_semaphore, #tpu.memory_space<semaphore_mem>>
    %dma_wait3A_221 = arith.constant 0 : i32
    %dma_wait3A_222 = tpu.memref_slice %arg9[%dma_wait3A_211, %dma_wait3A_221] : memref<4x80xi32, #tpu.memory_space<vmem>> -> memref<1x80xi32, #tpu.memory_space<vmem>>
    %dma_wait3A_223 = tpu.memref_squeeze %dma_wait3A_222 : memref<1x80xi32, #tpu.memory_space<vmem>> -> memref<80xi32, #tpu.memory_space<vmem>>
    %dma_wait3A_224 = arith.constant 0 : i32
    %dma_wait3A_225 = tpu.memref_slice %arg2[%add3A, %dma_wait3A_210, %dma_wait3A_224] : memref<32x125x80xi32, #tpu.memory_space<hbm>> -> memref<1x1x80xi32, #tpu.memory_space<hbm>>
    %dma_wait3A_226 = tpu.memref_squeeze %dma_wait3A_225 : memref<1x1x80xi32, #tpu.memory_space<hbm>> -> memref<80xi32, #tpu.memory_space<hbm>>
    tpu.wait_dma2 semaphore(%dma_wait3A_220 : memref<!tpu.dma_semaphore, #tpu.memory_space<semaphore_mem>>) src(%dma_wait3A_226 : memref<80xi32, #tpu.memory_space<hbm>>) dst(%dma_wait3A_223 : memref<80xi32, #tpu.memory_space<vmem>>)
    %dma_wait3A_227 = arith.constant 0 : i32
    %dma_wait3A_228 = arith.constant 1 : i32
    %dma_wait3A_229 = arith.constant 1 : i32
    %dma_wait3A_230 = arith.constant 0 : i32
    %dma_wait3A_231 = tpu.memref_slice %arg10[%dma_wait3A_228, %dma_wait3A_230] : memref<4x80xi32, #tpu.memory_space<vmem>> -> memref<1x80xi32, #tpu.memory_space<vmem>>
    %dma_wait3A_232 = tpu.memref_squeeze %dma_wait3A_231 : memref<1x80xi32, #tpu.memory_space<vmem>> -> memref<80xi32, #tpu.memory_space<vmem>>
    %dma_wait3A_233 = arith.constant 0 : i32
    %dma_wait3A_234 = tpu.memref_slice %arg3[%add3A, %dma_wait3A_227, %dma_wait3A_233] : memref<32x125x80xi32, #tpu.memory_space<hbm>> -> memref<1x1x80xi32, #tpu.memory_space<hbm>>
    %dma_wait3A_235 = tpu.memref_squeeze %dma_wait3A_234 : memref<1x1x80xi32, #tpu.memory_space<hbm>> -> memref<80xi32, #tpu.memory_space<hbm>>
    %dma_wait3A_236 = tpu.memref_slice %arg16[%dma_wait3A_229] : memref<4x!tpu.dma_semaphore, #tpu.memory_space<semaphore_mem>> -> memref<1x!tpu.dma_semaphore, #tpu.memory_space<semaphore_mem>>
    %dma_wait3A_237 = tpu.memref_squeeze %dma_wait3A_236 : memref<1x!tpu.dma_semaphore, #tpu.memory_space<semaphore_mem>> -> memref<!tpu.dma_semaphore, #tpu.memory_space<semaphore_mem>>
    %dma_wait3A_238 = arith.constant 0 : i32
    %dma_wait3A_239 = tpu.memref_slice %arg10[%dma_wait3A_228, %dma_wait3A_238] : memref<4x80xi32, #tpu.memory_space<vmem>> -> memref<1x80xi32, #tpu.memory_space<vmem>>
    %dma_wait3A_240 = tpu.memref_squeeze %dma_wait3A_239 : memref<1x80xi32, #tpu.memory_space<vmem>> -> memref<80xi32, #tpu.memory_space<vmem>>
    %dma_wait3A_241 = arith.constant 0 : i32
    %dma_wait3A_242 = tpu.memref_slice %arg3[%add3A, %dma_wait3A_227, %dma_wait3A_241] : memref<32x125x80xi32, #tpu.memory_space<hbm>> -> memref<1x1x80xi32, #tpu.memory_space<hbm>>
    %dma_wait3A_243 = tpu.memref_squeeze %dma_wait3A_242 : memref<1x1x80xi32, #tpu.memory_space<hbm>> -> memref<80xi32, #tpu.memory_space<hbm>>
    tpu.wait_dma2 semaphore(%dma_wait3A_237 : memref<!tpu.dma_semaphore, #tpu.memory_space<semaphore_mem>>) src(%dma_wait3A_243 : memref<80xi32, #tpu.memory_space<hbm>>) dst(%dma_wait3A_240 : memref<80xi32, #tpu.memory_space<vmem>>)
    %dma_start3A_244 = arith.constant 1 : i32
    %dma_start3A_245 = arith.constant 1 : i32
    %dma_start3A_246 = arith.constant 1 : i32
    %dma_start3A_247 = arith.constant 0 : i32
    %dma_start3A_248 = arith.constant 0 : i32
    %dma_start3A_249 = tpu.memref_slice %arg11[%dma_start3A_245, %dma_start3A_247, %dma_start3A_248] : memref<2x80x128xf32, #tpu.memory_space<vmem>> -> memref<1x80x128xf32, #tpu.memory_space<vmem>>
    %dma_start3A_250 = tpu.memref_squeeze %dma_start3A_249 : memref<1x80x128xf32, #tpu.memory_space<vmem>> -> memref<80x128xf32, #tpu.memory_space<vmem>>
    %dma_start3A_251 = arith.constant 0 : i32
    %dma_start3A_252 = tpu.memref_slice %arg9[%dma_start3A_244, %dma_start3A_251] : memref<4x80xi32, #tpu.memory_space<vmem>> -> memref<1x80xi32, #tpu.memory_space<vmem>>
    %dma_start3A_253 = tpu.memref_squeeze %dma_start3A_252 : memref<1x80xi32, #tpu.memory_space<vmem>> -> memref<80xi32, #tpu.memory_space<vmem>>
    %dma_start3A_254 = arith.constant 0 : i32
    %dma_start3A_255 = arith.constant 0 : i32
    %dma_start3A_256 = tpu.memref_slice %arg5[%dma_start3A_254, %dma_start3A_255] : memref<10000x128xf32, #tpu.memory_space<hbm>> -> memref<10000x128xf32, #tpu.memory_space<hbm>>
    %dma_start3A_257 = tpu.memref_slice %arg13[%dma_start3A_246] : memref<2x!tpu.dma_semaphore, #tpu.memory_space<semaphore_mem>> -> memref<1x!tpu.dma_semaphore, #tpu.memory_space<semaphore_mem>>
    %dma_start3A_258 = tpu.memref_squeeze %dma_start3A_257 : memref<1x!tpu.dma_semaphore, #tpu.memory_space<semaphore_mem>> -> memref<!tpu.dma_semaphore, #tpu.memory_space<semaphore_mem>>
    tpu.enqueue_indirect_dma source(%dma_start3A_256 : memref<10000x128xf32, #tpu.memory_space<hbm>>) target(%dma_start3A_250 : memref<80x128xf32, #tpu.memory_space<vmem>>) offsets(%dma_start3A_253 : memref<80xi32, #tpu.memory_space<vmem>>) semaphore(%dma_start3A_258 : memref<!tpu.dma_semaphore, #tpu.memory_space<semaphore_mem>>)
    %add3A_259 = arith.constant 80 : i32
    %add3A_260 = arith.addi %mul3A_4, %add3A_259 : i32
    %dma_start3A_261 = arith.constant 1 : i32
    %dma_start3A_262 = arith.constant 1 : i32
    %dma_start3A_263 = arith.constant 0 : i32
    %dma_start3A_264 = arith.constant 0 : i32
    %dma_start3A_265 = tpu.memref_slice %arg12[%dma_start3A_261, %dma_start3A_263, %dma_start3A_264] : memref<2x80x64xi32, #tpu.memory_space<vmem>> -> memref<1x80x64xi32, #tpu.memory_space<vmem>>
    %dma_start3A_266 = tpu.memref_squeeze %dma_start3A_265 : memref<1x80x64xi32, #tpu.memory_space<vmem>> -> memref<80x64xi32, #tpu.memory_space<vmem>>
    %dma_start3A_267 = arith.constant 0 : i32
    %dma_start3A_268 = tpu.memref_slice %arg4[%add3A_260, %dma_start3A_267] : memref<320000x64xi32, #tpu.memory_space<hbm>> -> memref<80x64xi32, #tpu.memory_space<hbm>>
    %dma_start3A_269 = tpu.memref_slice %arg14[%dma_start3A_262] : memref<2x!tpu.dma_semaphore, #tpu.memory_space<semaphore_mem>> -> memref<1x!tpu.dma_semaphore, #tpu.memory_space<semaphore_mem>>
    %dma_start3A_270 = tpu.memref_squeeze %dma_start3A_269 : memref<1x!tpu.dma_semaphore, #tpu.memory_space<semaphore_mem>> -> memref<!tpu.dma_semaphore, #tpu.memory_space<semaphore_mem>>
    %dma_start3A_271 = arith.constant 0 : i32
    %dma_start3A_272 = arith.constant 0 : i32
    %dma_start3A_273 = tpu.memref_slice %arg12[%dma_start3A_261, %dma_start3A_271, %dma_start3A_272] : memref<2x80x64xi32, #tpu.memory_space<vmem>> -> memref<1x80x64xi32, #tpu.memory_space<vmem>>
    %dma_start3A_274 = tpu.memref_squeeze %dma_start3A_273 : memref<1x80x64xi32, #tpu.memory_space<vmem>> -> memref<80x64xi32, #tpu.memory_space<vmem>>
    %dma_start3A_275 = arith.constant 0 : i32
    %dma_start3A_276 = tpu.memref_slice %arg4[%add3A_260, %dma_start3A_275] : memref<320000x64xi32, #tpu.memory_space<hbm>> -> memref<80x64xi32, #tpu.memory_space<hbm>>
    tpu.enqueue_dma source(%dma_start3A_276 : memref<80x64xi32, #tpu.memory_space<hbm>>) target(%dma_start3A_274 : memref<80x64xi32, #tpu.memory_space<vmem>>) target_semaphore(%dma_start3A_270 : memref<!tpu.dma_semaphore, #tpu.memory_space<semaphore_mem>>)
    %dma_wait3A_277 = arith.constant 0 : i32
    %dma_wait3A_278 = tpu.memref_slice %arg8[%mul3A_2, %dma_wait3A_277] : memref<10240x128xf32, #tpu.memory_space<vmem_shared>> -> memref<640x128xf32, #tpu.memory_space<vmem_shared>>
    %dma_wait3A_279 = arith.constant 0 : i32
    %dma_wait3A_280 = tpu.memref_slice %arg6[%mul3A_2, %dma_wait3A_279] : memref<10240x128xf32, #tpu.memory_space<hbm>> -> memref<640x128xf32, #tpu.memory_space<hbm>>
    tpu.wait_dma2 semaphore(%arg17 : memref<!tpu.dma_semaphore, #tpu.memory_space<semaphore_mem>>) src(%dma_wait3A_280 : memref<640x128xf32, #tpu.memory_space<hbm>>) dst(%dma_wait3A_278 : memref<640x128xf32, #tpu.memory_space<vmem_shared>>)
    %barrier3A = arith.constant 0 : index
    tpu.barrier barrier_id(%barrier3A)
    %scan3A = arith.constant 0 : i32
    %scan3A_281 = arith.constant 32 : i32
    %scan3A_282 = arith.addi %scan3A, %scan3A_281 : i32
    %scan3A_283 = arith.constant 1 : i32
    scf.for %scan3A_286 = %scan3A to %scan3A_282 step %scan3A_283  : i32 {
      %mul3A_287 = arith.constant 4 : i32
      %mul3A_288 = arith.muli %scan3A_286, %mul3A_287 : i32
      %add3A_289 = arith.constant 0 : i32
      %add3A_290 = arith.addi %add3A_289, %mul3A_288 : i32
      %add3A_291 = arith.constant 0 : i32
      %add3A_292 = arith.addi %add3A_290, %add3A_291 : i32
      %lt3A = arith.constant 125 : i32
      %lt3A_293 = arith.cmpi slt, %add3A_292, %lt3A : i32
      %convert_element_type3A = arith.extui %lt3A_293 : i1 to i32
      %cond3A = arith.constant 0 : i32
      %cond3A_294 = arith.cmpi ne, %convert_element_type3A, %cond3A : i32
      scf.if %cond3A_294 {
        %dma_wait3A_316 = arith.constant 0 : i32
        %dma_wait3A_317 = arith.constant 0 : i32
        %dma_wait3A_318 = arith.constant 0 : i32
        %dma_wait3A_319 = arith.constant 0 : i32
        %dma_wait3A_320 = tpu.memref_slice %arg11[%dma_wait3A_316, %dma_wait3A_318, %dma_wait3A_319] : memref<2x80x128xf32, #tpu.memory_space<vmem>> -> memref<1x80x128xf32, #tpu.memory_space<vmem>>
        %dma_wait3A_321 = tpu.memref_squeeze %dma_wait3A_320 : memref<1x80x128xf32, #tpu.memory_space<vmem>> -> memref<80x128xf32, #tpu.memory_space<vmem>>
        %dma_wait3A_322 = arith.constant 0 : i32
        %dma_wait3A_323 = arith.constant 0 : i32
        %dma_wait3A_324 = tpu.memref_slice %arg5[%dma_wait3A_322, %dma_wait3A_323] : memref<10000x128xf32, #tpu.memory_space<hbm>> -> memref<80x128xf32, #tpu.memory_space<hbm>>
        %dma_wait3A_325 = tpu.memref_slice %arg13[%dma_wait3A_317] : memref<2x!tpu.dma_semaphore, #tpu.memory_space<semaphore_mem>> -> memref<1x!tpu.dma_semaphore, #tpu.memory_space<semaphore_mem>>
        %dma_wait3A_326 = tpu.memref_squeeze %dma_wait3A_325 : memref<1x!tpu.dma_semaphore, #tpu.memory_space<semaphore_mem>> -> memref<!tpu.dma_semaphore, #tpu.memory_space<semaphore_mem>>
        %dma_wait3A_327 = arith.constant 0 : i32
        %dma_wait3A_328 = arith.constant 0 : i32
        %dma_wait3A_329 = tpu.memref_slice %arg11[%dma_wait3A_316, %dma_wait3A_327, %dma_wait3A_328] : memref<2x80x128xf32, #tpu.memory_space<vmem>> -> memref<1x80x128xf32, #tpu.memory_space<vmem>>
        %dma_wait3A_330 = tpu.memref_squeeze %dma_wait3A_329 : memref<1x80x128xf32, #tpu.memory_space<vmem>> -> memref<80x128xf32, #tpu.memory_space<vmem>>
        %dma_wait3A_331 = arith.constant 0 : i32
        %dma_wait3A_332 = arith.constant 0 : i32
        %dma_wait3A_333 = tpu.memref_slice %arg5[%dma_wait3A_331, %dma_wait3A_332] : memref<10000x128xf32, #tpu.memory_space<hbm>> -> memref<80x128xf32, #tpu.memory_space<hbm>>
        tpu.wait_dma2 semaphore(%dma_wait3A_326 : memref<!tpu.dma_semaphore, #tpu.memory_space<semaphore_mem>>) src(%dma_wait3A_333 : memref<80x128xf32, #tpu.memory_space<hbm>>) dst(%dma_wait3A_330 : memref<80x128xf32, #tpu.memory_space<vmem>>)
        %dma_wait3A_334 = arith.constant 0 : i32
        %dma_wait3A_335 = arith.constant 0 : i32
        %dma_wait3A_336 = arith.constant 0 : i32
        %dma_wait3A_337 = arith.constant 0 : i32
        %dma_wait3A_338 = tpu.memref_slice %arg12[%dma_wait3A_334, %dma_wait3A_336, %dma_wait3A_337] : memref<2x80x64xi32, #tpu.memory_space<vmem>> -> memref<1x80x64xi32, #tpu.memory_space<vmem>>
        %dma_wait3A_339 = tpu.memref_squeeze %dma_wait3A_338 : memref<1x80x64xi32, #tpu.memory_space<vmem>> -> memref<80x64xi32, #tpu.memory_space<vmem>>
        %dma_wait3A_340 = arith.constant 0 : i32
        %dma_wait3A_341 = arith.constant 0 : i32
        %dma_wait3A_342 = tpu.memref_slice %arg4[%dma_wait3A_340, %dma_wait3A_341] : memref<320000x64xi32, #tpu.memory_space<hbm>> -> memref<80x64xi32, #tpu.memory_space<hbm>>
        %dma_wait3A_343 = tpu.memref_slice %arg14[%dma_wait3A_335] : memref<2x!tpu.dma_semaphore, #tpu.memory_space<semaphore_mem>> -> memref<1x!tpu.dma_semaphore, #tpu.memory_space<semaphore_mem>>
        %dma_wait3A_344 = tpu.memref_squeeze %dma_wait3A_343 : memref<1x!tpu.dma_semaphore, #tpu.memory_space<semaphore_mem>> -> memref<!tpu.dma_semaphore, #tpu.memory_space<semaphore_mem>>
        %dma_wait3A_345 = arith.constant 0 : i32
        %dma_wait3A_346 = arith.constant 0 : i32
        %dma_wait3A_347 = tpu.memref_slice %arg12[%dma_wait3A_334, %dma_wait3A_345, %dma_wait3A_346] : memref<2x80x64xi32, #tpu.memory_space<vmem>> -> memref<1x80x64xi32, #tpu.memory_space<vmem>>
        %dma_wait3A_348 = tpu.memref_squeeze %dma_wait3A_347 : memref<1x80x64xi32, #tpu.memory_space<vmem>> -> memref<80x64xi32, #tpu.memory_space<vmem>>
        %dma_wait3A_349 = arith.constant 0 : i32
        %dma_wait3A_350 = arith.constant 0 : i32
        %dma_wait3A_351 = tpu.memref_slice %arg4[%dma_wait3A_349, %dma_wait3A_350] : memref<320000x64xi32, #tpu.memory_space<hbm>> -> memref<80x64xi32, #tpu.memory_space<hbm>>
        tpu.wait_dma2 semaphore(%dma_wait3A_344 : memref<!tpu.dma_semaphore, #tpu.memory_space<semaphore_mem>>) src(%dma_wait3A_351 : memref<80x64xi32, #tpu.memory_space<hbm>>) dst(%dma_wait3A_348 : memref<80x64xi32, #tpu.memory_space<vmem>>)
        %scan3A_352 = arith.constant 0 : i32
        %scan3A_353 = arith.constant 0 : i32
        %scan3A_354 = arith.constant 0 : i32
        %scan3A_355 = arith.constant 80 : i32
        %scan3A_356 = arith.addi %scan3A_354, %scan3A_355 : i32
        %scan3A_357 = arith.constant 1 : i32
        scf.for %scan3A_374 = %scan3A_354 to %scan3A_356 step %scan3A_357  : i32 {
          %mul3A_375 = arith.constant 1 : i32
          %mul3A_376 = arith.muli %scan3A_374, %mul3A_375 : i32
          %add3A_377 = arith.constant 0 : i32
          %add3A_378 = arith.addi %add3A_377, %mul3A_376 : i32
          %get3A = arith.constant 0 : i32
          %get3A_379 = arith.constant 0 : i32
          %get3A_380 = tpu.memref_slice %arg12[%scan3A_352, %get3A, %get3A_379] : memref<2x80x64xi32, #tpu.memory_space<vmem>> -> memref<1x80x64xi32, #tpu.memory_space<vmem>>
          %get3A_381 = tpu.memref_squeeze %get3A_380 : memref<1x80x64xi32, #tpu.memory_space<vmem>> -> memref<80x64xi32, #tpu.memory_space<vmem>>
          %get3A_382 = arith.index_cast %add3A_378 : i32 to index
          %get3A_383 = arith.constant 0 : index
          %get3A_384 = tpu.vector_load %get3A_381[%get3A_382, %get3A_383] {strides = array<i32>} : memref<80x64xi32, #tpu.memory_space<vmem>>, vector<16xi32>,
          %get3A_385 = arith.constant 0 : i32
          %get3A_386 = arith.constant 0 : i32
          %get3A_387 = tpu.memref_slice %arg11[%scan3A_353, %get3A_385, %get3A_386] : memref<2x80x128xf32, #tpu.memory_space<vmem>> -> memref<1x80x128xf32, #tpu.memory_space<vmem>>
          %get3A_388 = tpu.memref_squeeze %get3A_387 : memref<1x80x128xf32, #tpu.memory_space<vmem>> -> memref<80x128xf32, #tpu.memory_space<vmem>>
          %get3A_389 = arith.index_cast %add3A_378 : i32 to index
          %get3A_390 = arith.constant 0 : index
          %get3A_391 = tpu.vector_load %get3A_388[%get3A_389, %get3A_390] {strides = array<i32>} : memref<80x128xf32, #tpu.memory_space<vmem>>, vector<16xf32>,
          %get3A_392 = arith.constant 0 : i32
          %get3A_393 = arith.constant 0 : i32
          %get3A_394 = tpu.memref_slice %arg11[%scan3A_353, %get3A_392, %get3A_393] : memref<2x80x128xf32, #tpu.memory_space<vmem>> -> memref<1x80x128xf32, #tpu.memory_space<vmem>>
          %get3A_395 = tpu.memref_squeeze %get3A_394 : memref<1x80x128xf32, #tpu.memory_space<vmem>> -> memref<80x128xf32, #tpu.memory_space<vmem>>
          %get3A_396 = arith.index_cast %add3A_378 : i32 to index
          %get3A_397 = arith.constant 16 : index
          %get3A_398 = tpu.vector_load %get3A_395[%get3A_396, %get3A_397] {strides = array<i32>} : memref<80x128xf32, #tpu.memory_space<vmem>>, vector<16xf32>,
          %shift_left3A = arith.constant 16 : i32
          %shift_left3A_399 = vector.broadcast %shift_left3A : i32 to vector<16xi32>
          %shift_left3A_400 = arith.shli %get3A_384, %shift_left3A_399 : vector<16xi32>
          %bitcast3A = vector.bitcast %shift_left3A_400 : vector<16xi32> to vector<16xf32>
          %and3A = arith.constant -65536 : i32
          %and3A_401 = vector.broadcast %and3A : i32 to vector<16xi32>
          %and3A_402 = arith.andi %get3A_384, %and3A_401 : vector<16xi32>
          %bitcast3A_403 = vector.bitcast %and3A_402 : vector<16xi32> to vector<16xf32>
          %add3A_404 = arith.addf %get3A_391, %bitcast3A : vector<16xf32>
          %max3A = arith.constant 0.000000e+00 : f32
          %max3A_405 = vector.broadcast %max3A : f32 to vector<16xf32>
          %max3A_406 = arith.maximumf %add3A_404, %max3A_405 : vector<16xf32>
          %swap3A = arith.constant 0 : i32
          %swap3A_407 = arith.constant 0 : i32
          %swap3A_408 = tpu.memref_slice %arg11[%scan3A_353, %swap3A, %swap3A_407] : memref<2x80x128xf32, #tpu.memory_space<vmem>> -> memref<1x80x128xf32, #tpu.memory_space<vmem>>
          %swap3A_409 = tpu.memref_squeeze %swap3A_408 : memref<1x80x128xf32, #tpu.memory_space<vmem>> -> memref<80x128xf32, #tpu.memory_space<vmem>>
          %swap3A_410 = arith.index_cast %add3A_378 : i32 to index
          %swap3A_411 = arith.constant 0 : index
          %swap3A_412 = tpu.vector_load %swap3A_409[%swap3A_410, %swap3A_411] {strides = array<i32>} : memref<80x128xf32, #tpu.memory_space<vmem>>, vector<16xf32>,
          tpu.vector_store %swap3A_409[%swap3A_410, %swap3A_411], %max3A_406 {strides = array<i32>} : memref<80x128xf32, #tpu.memory_space<vmem>>, vector<16xf32>,
          %add3A_413 = arith.addf %get3A_398, %bitcast3A_403 : vector<16xf32>
          %max3A_414 = arith.constant 0.000000e+00 : f32
          %max3A_415 = vector.broadcast %max3A_414 : f32 to vector<16xf32>
          %max3A_416 = arith.maximumf %add3A_413, %max3A_415 : vector<16xf32>
          %swap3A_417 = arith.constant 0 : i32
          %swap3A_418 = arith.constant 0 : i32
          %swap3A_419 = tpu.memref_slice %arg11[%scan3A_353, %swap3A_417, %swap3A_418] : memref<2x80x128xf32, #tpu.memory_space<vmem>> -> memref<1x80x128xf32, #tpu.memory_space<vmem>>
          %swap3A_420 = tpu.memref_squeeze %swap3A_419 : memref<1x80x128xf32, #tpu.memory_space<vmem>> -> memref<80x128xf32, #tpu.memory_space<vmem>>
          %swap3A_421 = arith.index_cast %add3A_378 : i32 to index
          %swap3A_422 = arith.constant 16 : index
          %swap3A_423 = tpu.vector_load %swap3A_420[%swap3A_421, %swap3A_422] {strides = array<i32>} : memref<80x128xf32, #tpu.memory_space<vmem>>, vector<16xf32>,
          tpu.vector_store %swap3A_420[%swap3A_421, %swap3A_422], %max3A_416 {strides = array<i32>} : memref<80x128xf32, #tpu.memory_space<vmem>>, vector<16xf32>,
          %get3A_424 = arith.constant 0 : i32
          %get3A_425 = arith.constant 0 : i32
          %get3A_426 = tpu.memref_slice %arg12[%scan3A_352, %get3A_424, %get3A_425] : memref<2x80x64xi32, #tpu.memory_space<vmem>> -> memref<1x80x64xi32, #tpu.memory_space<vmem>>
          %get3A_427 = tpu.memref_squeeze %get3A_426 : memref<1x80x64xi32, #tpu.memory_space<vmem>> -> memref<80x64xi32, #tpu.memory_space<vmem>>
          %get3A_428 = arith.index_cast %add3A_378 : i32 to index
          %get3A_429 = arith.constant 16 : index
          %get3A_430 = tpu.vector_load %get3A_427[%get3A_428, %get3A_429] {strides = array<i32>} : memref<80x64xi32, #tpu.memory_space<vmem>>, vector<16xi32>,
          %get3A_431 = arith.constant 0 : i32
          %get3A_432 = arith.constant 0 : i32
          %get3A_433 = tpu.memref_slice %arg11[%scan3A_353, %get3A_431, %get3A_432] : memref<2x80x128xf32, #tpu.memory_space<vmem>> -> memref<1x80x128xf32, #tpu.memory_space<vmem>>
          %get3A_434 = tpu.memref_squeeze %get3A_433 : memref<1x80x128xf32, #tpu.memory_space<vmem>> -> memref<80x128xf32, #tpu.memory_space<vmem>>
          %get3A_435 = arith.index_cast %add3A_378 : i32 to index
          %get3A_436 = arith.constant 32 : index
          %get3A_437 = tpu.vector_load %get3A_434[%get3A_435, %get3A_436] {strides = array<i32>} : memref<80x128xf32, #tpu.memory_space<vmem>>, vector<16xf32>,
          %get3A_438 = arith.constant 0 : i32
          %get3A_439 = arith.constant 0 : i32
          %get3A_440 = tpu.memref_slice %arg11[%scan3A_353, %get3A_438, %get3A_439] : memref<2x80x128xf32, #tpu.memory_space<vmem>> -> memref<1x80x128xf32, #tpu.memory_space<vmem>>
          %get3A_441 = tpu.memref_squeeze %get3A_440 : memref<1x80x128xf32, #tpu.memory_space<vmem>> -> memref<80x128xf32, #tpu.memory_space<vmem>>
          %get3A_442 = arith.index_cast %add3A_378 : i32 to index
          %get3A_443 = arith.constant 48 : index
          %get3A_444 = tpu.vector_load %get3A_441[%get3A_442, %get3A_443] {strides = array<i32>} : memref<80x128xf32, #tpu.memory_space<vmem>>, vector<16xf32>,
          %shift_left3A_445 = arith.constant 16 : i32
          %shift_left3A_446 = vector.broadcast %shift_left3A_445 : i32 to vector<16xi32>
          %shift_left3A_447 = arith.shli %get3A_430, %shift_left3A_446 : vector<16xi32>
          %bitcast3A_448 = vector.bitcast %shift_left3A_447 : vector<16xi32> to vector<16xf32>
          %and3A_449 = arith.constant -65536 : i32
          %and3A_450 = vector.broadcast %and3A_449 : i32 to vector<16xi32>
          %and3A_451 = arith.andi %get3A_430, %and3A_450 : vector<16xi32>
          %bitcast3A_452 = vector.bitcast %and3A_451 : vector<16xi32> to vector<16xf32>
          %add3A_453 = arith.addf %get3A_437, %bitcast3A_448 : vector<16xf32>
          %max3A_454 = arith.constant 0.000000e+00 : f32
          %max3A_455 = vector.broadcast %max3A_454 : f32 to vector<16xf32>
          %max3A_456 = arith.maximumf %add3A_453, %max3A_455 : vector<16xf32>
          %swap3A_457 = arith.constant 0 : i32
          %swap3A_458 = arith.constant 0 : i32
          %swap3A_459 = tpu.memref_slice %arg11[%scan3A_353, %swap3A_457, %swap3A_458] : memref<2x80x128xf32, #tpu.memory_space<vmem>> -> memref<1x80x128xf32, #tpu.memory_space<vmem>>
          %swap3A_460 = tpu.memref_squeeze %swap3A_459 : memref<1x80x128xf32, #tpu.memory_space<vmem>> -> memref<80x128xf32, #tpu.memory_space<vmem>>
          %swap3A_461 = arith.index_cast %add3A_378 : i32 to index
          %swap3A_462 = arith.constant 32 : index
          %swap3A_463 = tpu.vector_load %swap3A_460[%swap3A_461, %swap3A_462] {strides = array<i32>} : memref<80x128xf32, #tpu.memory_space<vmem>>, vector<16xf32>,
          tpu.vector_store %swap3A_460[%swap3A_461, %swap3A_462], %max3A_456 {strides = array<i32>} : memref<80x128xf32, #tpu.memory_space<vmem>>, vector<16xf32>,
          %add3A_464 = arith.addf %get3A_444, %bitcast3A_452 : vector<16xf32>
          %max3A_465 = arith.constant 0.000000e+00 : f32
          %max3A_466 = vector.broadcast %max3A_465 : f32 to vector<16xf32>
          %max3A_467 = arith.maximumf %add3A_464, %max3A_466 : vector<16xf32>
          %swap3A_468 = arith.constant 0 : i32
          %swap3A_469 = arith.constant 0 : i32
          %swap3A_470 = tpu.memref_slice %arg11[%scan3A_353, %swap3A_468, %swap3A_469] : memref<2x80x128xf32, #tpu.memory_space<vmem>> -> memref<1x80x128xf32, #tpu.memory_space<vmem>>
          %swap3A_471 = tpu.memref_squeeze %swap3A_470 : memref<1x80x128xf32, #tpu.memory_space<vmem>> -> memref<80x128xf32, #tpu.memory_space<vmem>>
          %swap3A_472 = arith.index_cast %add3A_378 : i32 to index
          %swap3A_473 = arith.constant 48 : index
          %swap3A_474 = tpu.vector_load %swap3A_471[%swap3A_472, %swap3A_473] {strides = array<i32>} : memref<80x128xf32, #tpu.memory_space<vmem>>, vector<16xf32>,
          tpu.vector_store %swap3A_471[%swap3A_472, %swap3A_473], %max3A_467 {strides = array<i32>} : memref<80x128xf32, #tpu.memory_space<vmem>>, vector<16xf32>,
          %get3A_475 = arith.constant 0 : i32
          %get3A_476 = arith.constant 0 : i32
          %get3A_477 = tpu.memref_slice %arg12[%scan3A_352, %get3A_475, %get3A_476] : memref<2x80x64xi32, #tpu.memory_space<vmem>> -> memref<1x80x64xi32, #tpu.memory_space<vmem>>
          %get3A_478 = tpu.memref_squeeze %get3A_477 : memref<1x80x64xi32, #tpu.memory_space<vmem>> -> memref<80x64xi32, #tpu.memory_space<vmem>>
          %get3A_479 = arith.index_cast %add3A_378 : i32 to index
          %get3A_480 = arith.constant 32 : index
          %get3A_481 = tpu.vector_load %get3A_478[%get3A_479, %get3A_480] {strides = array<i32>} : memref<80x64xi32, #tpu.memory_space<vmem>>, vector<16xi32>,
          %get3A_482 = arith.constant 0 : i32
          %get3A_483 = arith.constant 0 : i32
          %get3A_484 = tpu.memref_slice %arg11[%scan3A_353, %get3A_482, %get3A_483] : memref<2x80x128xf32, #tpu.memory_space<vmem>> -> memref<1x80x128xf32, #tpu.memory_space<vmem>>
          %get3A_485 = tpu.memref_squeeze %get3A_484 : memref<1x80x128xf32, #tpu.memory_space<vmem>> -> memref<80x128xf32, #tpu.memory_space<vmem>>
          %get3A_486 = arith.index_cast %add3A_378 : i32 to index
          %get3A_487 = arith.constant 64 : index
          %get3A_488 = tpu.vector_load %get3A_485[%get3A_486, %get3A_487] {strides = array<i32>} : memref<80x128xf32, #tpu.memory_space<vmem>>, vector<16xf32>,
          %get3A_489 = arith.constant 0 : i32
          %get3A_490 = arith.constant 0 : i32
          %get3A_491 = tpu.memref_slice %arg11[%scan3A_353, %get3A_489, %get3A_490] : memref<2x80x128xf32, #tpu.memory_space<vmem>> -> memref<1x80x128xf32, #tpu.memory_space<vmem>>
          %get3A_492 = tpu.memref_squeeze %get3A_491 : memref<1x80x128xf32, #tpu.memory_space<vmem>> -> memref<80x128xf32, #tpu.memory_space<vmem>>
          %get3A_493 = arith.index_cast %add3A_378 : i32 to index
          %get3A_494 = arith.constant 80 : index
          %get3A_495 = tpu.vector_load %get3A_492[%get3A_493, %get3A_494] {strides = array<i32>} : memref<80x128xf32, #tpu.memory_space<vmem>>, vector<16xf32>,
          %shift_left3A_496 = arith.constant 16 : i32
          %shift_left3A_497 = vector.broadcast %shift_left3A_496 : i32 to vector<16xi32>
          %shift_left3A_498 = arith.shli %get3A_481, %shift_left3A_497 : vector<16xi32>
          %bitcast3A_499 = vector.bitcast %shift_left3A_498 : vector<16xi32> to vector<16xf32>
          %and3A_500 = arith.constant -65536 : i32
          %and3A_501 = vector.broadcast %and3A_500 : i32 to vector<16xi32>
          %and3A_502 = arith.andi %get3A_481, %and3A_501 : vector<16xi32>
          %bitcast3A_503 = vector.bitcast %and3A_502 : vector<16xi32> to vector<16xf32>
          %add3A_504 = arith.addf %get3A_488, %bitcast3A_499 : vector<16xf32>
          %max3A_505 = arith.constant 0.000000e+00 : f32
          %max3A_506 = vector.broadcast %max3A_505 : f32 to vector<16xf32>
          %max3A_507 = arith.maximumf %add3A_504, %max3A_506 : vector<16xf32>
          %swap3A_508 = arith.constant 0 : i32
          %swap3A_509 = arith.constant 0 : i32
          %swap3A_510 = tpu.memref_slice %arg11[%scan3A_353, %swap3A_508, %swap3A_509] : memref<2x80x128xf32, #tpu.memory_space<vmem>> -> memref<1x80x128xf32, #tpu.memory_space<vmem>>
          %swap3A_511 = tpu.memref_squeeze %swap3A_510 : memref<1x80x128xf32, #tpu.memory_space<vmem>> -> memref<80x128xf32, #tpu.memory_space<vmem>>
          %swap3A_512 = arith.index_cast %add3A_378 : i32 to index
          %swap3A_513 = arith.constant 64 : index
          %swap3A_514 = tpu.vector_load %swap3A_511[%swap3A_512, %swap3A_513] {strides = array<i32>} : memref<80x128xf32, #tpu.memory_space<vmem>>, vector<16xf32>,
          tpu.vector_store %swap3A_511[%swap3A_512, %swap3A_513], %max3A_507 {strides = array<i32>} : memref<80x128xf32, #tpu.memory_space<vmem>>, vector<16xf32>,
          %add3A_515 = arith.addf %get3A_495, %bitcast3A_503 : vector<16xf32>
          %max3A_516 = arith.constant 0.000000e+00 : f32
          %max3A_517 = vector.broadcast %max3A_516 : f32 to vector<16xf32>
          %max3A_518 = arith.maximumf %add3A_515, %max3A_517 : vector<16xf32>
          %swap3A_519 = arith.constant 0 : i32
          %swap3A_520 = arith.constant 0 : i32
          %swap3A_521 = tpu.memref_slice %arg11[%scan3A_353, %swap3A_519, %swap3A_520] : memref<2x80x128xf32, #tpu.memory_space<vmem>> -> memref<1x80x128xf32, #tpu.memory_space<vmem>>
          %swap3A_522 = tpu.memref_squeeze %swap3A_521 : memref<1x80x128xf32, #tpu.memory_space<vmem>> -> memref<80x128xf32, #tpu.memory_space<vmem>>
          %swap3A_523 = arith.index_cast %add3A_378 : i32 to index
          %swap3A_524 = arith.constant 80 : index
          %swap3A_525 = tpu.vector_load %swap3A_522[%swap3A_523, %swap3A_524] {strides = array<i32>} : memref<80x128xf32, #tpu.memory_space<vmem>>, vector<16xf32>,
          tpu.vector_store %swap3A_522[%swap3A_523, %swap3A_524], %max3A_518 {strides = array<i32>} : memref<80x128xf32, #tpu.memory_space<vmem>>, vector<16xf32>,
          %get3A_526 = arith.constant 0 : i32
          %get3A_527 = arith.constant 0 : i32
          %get3A_528 = tpu.memref_slice %arg12[%scan3A_352, %get3A_526, %get3A_527] : memref<2x80x64xi32, #tpu.memory_space<vmem>> -> memref<1x80x64xi32, #tpu.memory_space<vmem>>
          %get3A_529 = tpu.memref_squeeze %get3A_528 : memref<1x80x64xi32, #tpu.memory_space<vmem>> -> memref<80x64xi32, #tpu.memory_space<vmem>>
          %get3A_530 = arith.index_cast %add3A_378 : i32 to index
          %get3A_531 = arith.constant 48 : index
          %get3A_532 = tpu.vector_load %get3A_529[%get3A_530, %get3A_531] {strides = array<i32>} : memref<80x64xi32, #tpu.memory_space<vmem>>, vector<16xi32>,
          %get3A_533 = arith.constant 0 : i32
          %get3A_534 = arith.constant 0 : i32
          %get3A_535 = tpu.memref_slice %arg11[%scan3A_353, %get3A_533, %get3A_534] : memref<2x80x128xf32, #tpu.memory_space<vmem>> -> memref<1x80x128xf32, #tpu.memory_space<vmem>>
          %get3A_536 = tpu.memref_squeeze %get3A_535 : memref<1x80x128xf32, #tpu.memory_space<vmem>> -> memref<80x128xf32, #tpu.memory_space<vmem>>
          %get3A_537 = arith.index_cast %add3A_378 : i32 to index
          %get3A_538 = arith.constant 96 : index
          %get3A_539 = tpu.vector_load %get3A_536[%get3A_537, %get3A_538] {strides = array<i32>} : memref<80x128xf32, #tpu.memory_space<vmem>>, vector<16xf32>,
          %get3A_540 = arith.constant 0 : i32
          %get3A_541 = arith.constant 0 : i32
          %get3A_542 = tpu.memref_slice %arg11[%scan3A_353, %get3A_540, %get3A_541] : memref<2x80x128xf32, #tpu.memory_space<vmem>> -> memref<1x80x128xf32, #tpu.memory_space<vmem>>
          %get3A_543 = tpu.memref_squeeze %get3A_542 : memref<1x80x128xf32, #tpu.memory_space<vmem>> -> memref<80x128xf32, #tpu.memory_space<vmem>>
          %get3A_544 = arith.index_cast %add3A_378 : i32 to index
          %get3A_545 = arith.constant 112 : index
          %get3A_546 = tpu.vector_load %get3A_543[%get3A_544, %get3A_545] {strides = array<i32>} : memref<80x128xf32, #tpu.memory_space<vmem>>, vector<16xf32>,
          %shift_left3A_547 = arith.constant 16 : i32
          %shift_left3A_548 = vector.broadcast %shift_left3A_547 : i32 to vector<16xi32>
          %shift_left3A_549 = arith.shli %get3A_532, %shift_left3A_548 : vector<16xi32>
          %bitcast3A_550 = vector.bitcast %shift_left3A_549 : vector<16xi32> to vector<16xf32>
          %and3A_551 = arith.constant -65536 : i32
          %and3A_552 = vector.broadcast %and3A_551 : i32 to vector<16xi32>
          %and3A_553 = arith.andi %get3A_532, %and3A_552 : vector<16xi32>
          %bitcast3A_554 = vector.bitcast %and3A_553 : vector<16xi32> to vector<16xf32>
          %add3A_555 = arith.addf %get3A_539, %bitcast3A_550 : vector<16xf32>
          %max3A_556 = arith.constant 0.000000e+00 : f32
          %max3A_557 = vector.broadcast %max3A_556 : f32 to vector<16xf32>
          %max3A_558 = arith.maximumf %add3A_555, %max3A_557 : vector<16xf32>
          %swap3A_559 = arith.constant 0 : i32
          %swap3A_560 = arith.constant 0 : i32
          %swap3A_561 = tpu.memref_slice %arg11[%scan3A_353, %swap3A_559, %swap3A_560] : memref<2x80x128xf32, #tpu.memory_space<vmem>> -> memref<1x80x128xf32, #tpu.memory_space<vmem>>
          %swap3A_562 = tpu.memref_squeeze %swap3A_561 : memref<1x80x128xf32, #tpu.memory_space<vmem>> -> memref<80x128xf32, #tpu.memory_space<vmem>>
          %swap3A_563 = arith.index_cast %add3A_378 : i32 to index
          %swap3A_564 = arith.constant 96 : index
          %swap3A_565 = tpu.vector_load %swap3A_562[%swap3A_563, %swap3A_564] {strides = array<i32>} : memref<80x128xf32, #tpu.memory_space<vmem>>, vector<16xf32>,
          tpu.vector_store %swap3A_562[%swap3A_563, %swap3A_564], %max3A_558 {strides = array<i32>} : memref<80x128xf32, #tpu.memory_space<vmem>>, vector<16xf32>,
          %add3A_566 = arith.addf %get3A_546, %bitcast3A_554 : vector<16xf32>
          %max3A_567 = arith.constant 0.000000e+00 : f32
          %max3A_568 = vector.broadcast %max3A_567 : f32 to vector<16xf32>
          %max3A_569 = arith.maximumf %add3A_566, %max3A_568 : vector<16xf32>
          %swap3A_570 = arith.constant 0 : i32
          %swap3A_571 = arith.constant 0 : i32
          %swap3A_572 = tpu.memref_slice %arg11[%scan3A_353, %swap3A_570, %swap3A_571] : memref<2x80x128xf32, #tpu.memory_space<vmem>> -> memref<1x80x128xf32, #tpu.memory_space<vmem>>
          %swap3A_573 = tpu.memref_squeeze %swap3A_572 : memref<1x80x128xf32, #tpu.memory_space<vmem>> -> memref<80x128xf32, #tpu.memory_space<vmem>>
          %swap3A_574 = arith.index_cast %add3A_378 : i32 to index
          %swap3A_575 = arith.constant 112 : index
          %swap3A_576 = tpu.vector_load %swap3A_573[%swap3A_574, %swap3A_575] {strides = array<i32>} : memref<80x128xf32, #tpu.memory_space<vmem>>, vector<16xf32>,
          tpu.vector_store %swap3A_573[%swap3A_574, %swap3A_575], %max3A_569 {strides = array<i32>} : memref<80x128xf32, #tpu.memory_space<vmem>>, vector<16xf32>,
        }
        %scan3A_358 = arith.constant 80 : i32
        %run_scoped3A = arith.constant 0 : i32
        %run_scoped3A_359 = arith.constant 0 : i32
        "tpu.region"() ({
          %run_scoped3A_374 = tpu.sem_alloc : memref<!tpu.dma_semaphore, #tpu.memory_space<semaphore_mem>>
          %dma_start3A_375 = arith.constant 0 : i32
          %dma_start3A_376 = arith.constant 0 : i32
          %dma_start3A_377 = tpu.memref_slice %arg11[%run_scoped3A, %dma_start3A_375, %dma_start3A_376] : memref<2x80x128xf32, #tpu.memory_space<vmem>> -> memref<1x80x128xf32, #tpu.memory_space<vmem>>
          %dma_start3A_378 = tpu.memref_squeeze %dma_start3A_377 : memref<1x80x128xf32, #tpu.memory_space<vmem>> -> memref<80x128xf32, #tpu.memory_space<vmem>>
          %dma_start3A_379 = arith.constant 0 : i32
          %dma_start3A_380 = tpu.memref_slice %arg10[%run_scoped3A_359, %dma_start3A_379] : memref<4x80xi32, #tpu.memory_space<vmem>> -> memref<1x80xi32, #tpu.memory_space<vmem>>
          %dma_start3A_381 = tpu.memref_squeeze %dma_start3A_380 : memref<1x80xi32, #tpu.memory_space<vmem>> -> memref<80xi32, #tpu.memory_space<vmem>>
          %dma_start3A_382 = arith.constant 0 : i32
          %dma_start3A_383 = arith.constant 0 : i32
          %dma_start3A_384 = tpu.memref_slice %arg8[%dma_start3A_382, %dma_start3A_383] : memref<10240x128xf32, #tpu.memory_space<vmem_shared>> -> memref<10240x128xf32, #tpu.memory_space<vmem_shared>>
          tpu.enqueue_indirect_dma source(%dma_start3A_378 : memref<80x128xf32, #tpu.memory_space<vmem>>) target(%dma_start3A_384 : memref<10240x128xf32, #tpu.memory_space<vmem_shared>>) offsets(%dma_start3A_381 : memref<80xi32, #tpu.memory_space<vmem>>) semaphore(%run_scoped3A_374 : memref<!tpu.dma_semaphore, #tpu.memory_space<semaphore_mem>>) {add = true}
          %dma_wait3A_385 = arith.constant 0 : i32
          %dma_wait3A_386 = arith.constant 0 : i32
          %dma_wait3A_387 = tpu.memref_slice %arg11[%run_scoped3A, %dma_wait3A_385, %dma_wait3A_386] : memref<2x80x128xf32, #tpu.memory_space<vmem>> -> memref<1x80x128xf32, #tpu.memory_space<vmem>>
          %dma_wait3A_388 = tpu.memref_squeeze %dma_wait3A_387 : memref<1x80x128xf32, #tpu.memory_space<vmem>> -> memref<80x128xf32, #tpu.memory_space<vmem>>
          %dma_wait3A_389 = arith.constant 0 : i32
          %dma_wait3A_390 = tpu.memref_slice %arg10[%run_scoped3A_359, %dma_wait3A_389] : memref<4x80xi32, #tpu.memory_space<vmem>> -> memref<1x80xi32, #tpu.memory_space<vmem>>
          %dma_wait3A_391 = tpu.memref_squeeze %dma_wait3A_390 : memref<1x80xi32, #tpu.memory_space<vmem>> -> memref<80xi32, #tpu.memory_space<vmem>>
          %dma_wait3A_392 = arith.constant 0 : i32
          %dma_wait3A_393 = arith.constant 0 : i32
          %dma_wait3A_394 = tpu.memref_slice %arg8[%dma_wait3A_392, %dma_wait3A_393] : memref<10240x128xf32, #tpu.memory_space<vmem_shared>> -> memref<10240x128xf32, #tpu.memory_space<vmem_shared>>
          tpu.wait_indirect_dma semaphore(%run_scoped3A_374 : memref<!tpu.dma_semaphore, #tpu.memory_space<semaphore_mem>>) src(%dma_wait3A_388 : memref<80x128xf32, #tpu.memory_space<vmem>>) dst(%dma_wait3A_394 : memref<10240x128xf32, #tpu.memory_space<vmem_shared>>)
          tpu.yield
        }) : () -> ()
        %add3A_360 = arith.constant 4 : i32
        %add3A_361 = arith.addi %add3A_292, %add3A_360 : i32
        %lt3A_362 = arith.constant 125 : i32
        %lt3A_363 = arith.cmpi slt, %add3A_361, %lt3A_362 : i32
        %convert_element_type3A_364 = arith.extui %lt3A_363 : i1 to i32
        %cond3A_365 = arith.constant 0 : i32
        %cond3A_366 = arith.cmpi ne, %convert_element_type3A_364, %cond3A_365 : i32
        scf.if %cond3A_366 {
          %add3A_374 = arith.constant 4 : i32
          %add3A_375 = arith.addi %add3A_292, %add3A_374 : i32
          %dma_start3A_376 = arith.constant 0 : i32
          %dma_start3A_377 = arith.constant 0 : i32
          %dma_start3A_378 = arith.constant 0 : i32
          %dma_start3A_379 = tpu.memref_slice %arg9[%dma_start3A_376, %dma_start3A_378] : memref<4x80xi32, #tpu.memory_space<vmem>> -> memref<1x80xi32, #tpu.memory_space<vmem>>
          %dma_start3A_380 = tpu.memref_squeeze %dma_start3A_379 : memref<1x80xi32, #tpu.memory_space<vmem>> -> memref<80xi32, #tpu.memory_space<vmem>>
          %dma_start3A_381 = arith.constant 0 : i32
          %dma_start3A_382 = tpu.memref_slice %arg2[%add3A, %add3A_375, %dma_start3A_381] : memref<32x125x80xi32, #tpu.memory_space<hbm>> -> memref<1x1x80xi32, #tpu.memory_space<hbm>>
          %dma_start3A_383 = tpu.memref_squeeze %dma_start3A_382 : memref<1x1x80xi32, #tpu.memory_space<hbm>> -> memref<80xi32, #tpu.memory_space<hbm>>
          %dma_start3A_384 = tpu.memref_slice %arg15[%dma_start3A_377] : memref<4x!tpu.dma_semaphore, #tpu.memory_space<semaphore_mem>> -> memref<1x!tpu.dma_semaphore, #tpu.memory_space<semaphore_mem>>
          %dma_start3A_385 = tpu.memref_squeeze %dma_start3A_384 : memref<1x!tpu.dma_semaphore, #tpu.memory_space<semaphore_mem>> -> memref<!tpu.dma_semaphore, #tpu.memory_space<semaphore_mem>>
          %dma_start3A_386 = arith.constant 0 : i32
          %dma_start3A_387 = tpu.memref_slice %arg9[%dma_start3A_376, %dma_start3A_386] : memref<4x80xi32, #tpu.memory_space<vmem>> -> memref<1x80xi32, #tpu.memory_space<vmem>>
          %dma_start3A_388 = tpu.memref_squeeze %dma_start3A_387 : memref<1x80xi32, #tpu.memory_space<vmem>> -> memref<80xi32, #tpu.memory_space<vmem>>
          %dma_start3A_389 = arith.constant 0 : i32
          %dma_start3A_390 = tpu.memref_slice %arg2[%add3A, %add3A_375, %dma_start3A_389] : memref<32x125x80xi32, #tpu.memory_space<hbm>> -> memref<1x1x80xi32, #tpu.memory_space<hbm>>
          %dma_start3A_391 = tpu.memref_squeeze %dma_start3A_390 : memref<1x1x80xi32, #tpu.memory_space<hbm>> -> memref<80xi32, #tpu.memory_space<hbm>>
          tpu.enqueue_dma source(%dma_start3A_391 : memref<80xi32, #tpu.memory_space<hbm>>) target(%dma_start3A_388 : memref<80xi32, #tpu.memory_space<vmem>>) target_semaphore(%dma_start3A_385 : memref<!tpu.dma_semaphore, #tpu.memory_space<semaphore_mem>>)
          %dma_start3A_392 = arith.constant 0 : i32
          %dma_start3A_393 = arith.constant 0 : i32
          %dma_start3A_394 = arith.constant 0 : i32
          %dma_start3A_395 = tpu.memref_slice %arg10[%dma_start3A_392, %dma_start3A_394] : memref<4x80xi32, #tpu.memory_space<vmem>> -> memref<1x80xi32, #tpu.memory_space<vmem>>
          %dma_start3A_396 = tpu.memref_squeeze %dma_start3A_395 : memref<1x80xi32, #tpu.memory_space<vmem>> -> memref<80xi32, #tpu.memory_space<vmem>>
          %dma_start3A_397 = arith.constant 0 : i32
          %dma_start3A_398 = tpu.memref_slice %arg3[%add3A, %add3A_375, %dma_start3A_397] : memref<32x125x80xi32, #tpu.memory_space<hbm>> -> memref<1x1x80xi32, #tpu.memory_space<hbm>>
          %dma_start3A_399 = tpu.memref_squeeze %dma_start3A_398 : memref<1x1x80xi32, #tpu.memory_space<hbm>> -> memref<80xi32, #tpu.memory_space<hbm>>
          %dma_start3A_400 = tpu.memref_slice %arg16[%dma_start3A_393] : memref<4x!tpu.dma_semaphore, #tpu.memory_space<semaphore_mem>> -> memref<1x!tpu.dma_semaphore, #tpu.memory_space<semaphore_mem>>
          %dma_start3A_401 = tpu.memref_squeeze %dma_start3A_400 : memref<1x!tpu.dma_semaphore, #tpu.memory_space<semaphore_mem>> -> memref<!tpu.dma_semaphore, #tpu.memory_space<semaphore_mem>>
          %dma_start3A_402 = arith.constant 0 : i32
          %dma_start3A_403 = tpu.memref_slice %arg10[%dma_start3A_392, %dma_start3A_402] : memref<4x80xi32, #tpu.memory_space<vmem>> -> memref<1x80xi32, #tpu.memory_space<vmem>>
          %dma_start3A_404 = tpu.memref_squeeze %dma_start3A_403 : memref<1x80xi32, #tpu.memory_space<vmem>> -> memref<80xi32, #tpu.memory_space<vmem>>
          %dma_start3A_405 = arith.constant 0 : i32
          %dma_start3A_406 = tpu.memref_slice %arg3[%add3A, %add3A_375, %dma_start3A_405] : memref<32x125x80xi32, #tpu.memory_space<hbm>> -> memref<1x1x80xi32, #tpu.memory_space<hbm>>
          %dma_start3A_407 = tpu.memref_squeeze %dma_start3A_406 : memref<1x1x80xi32, #tpu.memory_space<hbm>> -> memref<80xi32, #tpu.memory_space<hbm>>
          tpu.enqueue_dma source(%dma_start3A_407 : memref<80xi32, #tpu.memory_space<hbm>>) target(%dma_start3A_404 : memref<80xi32, #tpu.memory_space<vmem>>) target_semaphore(%dma_start3A_401 : memref<!tpu.dma_semaphore, #tpu.memory_space<semaphore_mem>>)
        } else {
        }
        %add3A_367 = arith.constant 2 : i32
        %add3A_368 = arith.addi %add3A_292, %add3A_367 : i32
        %lt3A_369 = arith.constant 125 : i32
        %lt3A_370 = arith.cmpi slt, %add3A_368, %lt3A_369 : i32
        %convert_element_type3A_371 = arith.extui %lt3A_370 : i1 to i32
        %cond3A_372 = arith.constant 0 : i32
        %cond3A_373 = arith.cmpi ne, %convert_element_type3A_371, %cond3A_372 : i32
        scf.if %cond3A_373 {
          %dma_wait3A_374 = arith.constant 0 : i32
          %dma_wait3A_375 = arith.constant 2 : i32
          %dma_wait3A_376 = arith.constant 2 : i32
          %dma_wait3A_377 = arith.constant 0 : i32
          %dma_wait3A_378 = tpu.memref_slice %arg9[%dma_wait3A_375, %dma_wait3A_377] : memref<4x80xi32, #tpu.memory_space<vmem>> -> memref<1x80xi32, #tpu.memory_space<vmem>>
          %dma_wait3A_379 = tpu.memref_squeeze %dma_wait3A_378 : memref<1x80xi32, #tpu.memory_space<vmem>> -> memref<80xi32, #tpu.memory_space<vmem>>
          %dma_wait3A_380 = arith.constant 0 : i32
          %dma_wait3A_381 = tpu.memref_slice %arg2[%add3A, %dma_wait3A_374, %dma_wait3A_380] : memref<32x125x80xi32, #tpu.memory_space<hbm>> -> memref<1x1x80xi32, #tpu.memory_space<hbm>>
          %dma_wait3A_382 = tpu.memref_squeeze %dma_wait3A_381 : memref<1x1x80xi32, #tpu.memory_space<hbm>> -> memref<80xi32, #tpu.memory_space<hbm>>
          %dma_wait3A_383 = tpu.memref_slice %arg15[%dma_wait3A_376] : memref<4x!tpu.dma_semaphore, #tpu.memory_space<semaphore_mem>> -> memref<1x!tpu.dma_semaphore, #tpu.memory_space<semaphore_mem>>
          %dma_wait3A_384 = tpu.memref_squeeze %dma_wait3A_383 : memref<1x!tpu.dma_semaphore, #tpu.memory_space<semaphore_mem>> -> memref<!tpu.dma_semaphore, #tpu.memory_space<semaphore_mem>>
          %dma_wait3A_385 = arith.constant 0 : i32
          %dma_wait3A_386 = tpu.memref_slice %arg9[%dma_wait3A_375, %dma_wait3A_385] : memref<4x80xi32, #tpu.memory_space<vmem>> -> memref<1x80xi32, #tpu.memory_space<vmem>>
          %dma_wait3A_387 = tpu.memref_squeeze %dma_wait3A_386 : memref<1x80xi32, #tpu.memory_space<vmem>> -> memref<80xi32, #tpu.memory_space<vmem>>
          %dma_wait3A_388 = arith.constant 0 : i32
          %dma_wait3A_389 = tpu.memref_slice %arg2[%add3A, %dma_wait3A_374, %dma_wait3A_388] : memref<32x125x80xi32, #tpu.memory_space<hbm>> -> memref<1x1x80xi32, #tpu.memory_space<hbm>>
          %dma_wait3A_390 = tpu.memref_squeeze %dma_wait3A_389 : memref<1x1x80xi32, #tpu.memory_space<hbm>> -> memref<80xi32, #tpu.memory_space<hbm>>
          tpu.wait_dma2 semaphore(%dma_wait3A_384 : memref<!tpu.dma_semaphore, #tpu.memory_space<semaphore_mem>>) src(%dma_wait3A_390 : memref<80xi32, #tpu.memory_space<hbm>>) dst(%dma_wait3A_387 : memref<80xi32, #tpu.memory_space<vmem>>)
          %dma_wait3A_391 = arith.constant 0 : i32
          %dma_wait3A_392 = arith.constant 2 : i32
          %dma_wait3A_393 = arith.constant 2 : i32
          %dma_wait3A_394 = arith.constant 0 : i32
          %dma_wait3A_395 = tpu.memref_slice %arg10[%dma_wait3A_392, %dma_wait3A_394] : memref<4x80xi32, #tpu.memory_space<vmem>> -> memref<1x80xi32, #tpu.memory_space<vmem>>
          %dma_wait3A_396 = tpu.memref_squeeze %dma_wait3A_395 : memref<1x80xi32, #tpu.memory_space<vmem>> -> memref<80xi32, #tpu.memory_space<vmem>>
          %dma_wait3A_397 = arith.constant 0 : i32
          %dma_wait3A_398 = tpu.memref_slice %arg3[%add3A, %dma_wait3A_391, %dma_wait3A_397] : memref<32x125x80xi32, #tpu.memory_space<hbm>> -> memref<1x1x80xi32, #tpu.memory_space<hbm>>
          %dma_wait3A_399 = tpu.memref_squeeze %dma_wait3A_398 : memref<1x1x80xi32, #tpu.memory_space<hbm>> -> memref<80xi32, #tpu.memory_space<hbm>>
          %dma_wait3A_400 = tpu.memref_slice %arg16[%dma_wait3A_393] : memref<4x!tpu.dma_semaphore, #tpu.memory_space<semaphore_mem>> -> memref<1x!tpu.dma_semaphore, #tpu.memory_space<semaphore_mem>>
          %dma_wait3A_401 = tpu.memref_squeeze %dma_wait3A_400 : memref<1x!tpu.dma_semaphore, #tpu.memory_space<semaphore_mem>> -> memref<!tpu.dma_semaphore, #tpu.memory_space<semaphore_mem>>
          %dma_wait3A_402 = arith.constant 0 : i32
          %dma_wait3A_403 = tpu.memref_slice %arg10[%dma_wait3A_392, %dma_wait3A_402] : memref<4x80xi32, #tpu.memory_space<vmem>> -> memref<1x80xi32, #tpu.memory_space<vmem>>
          %dma_wait3A_404 = tpu.memref_squeeze %dma_wait3A_403 : memref<1x80xi32, #tpu.memory_space<vmem>> -> memref<80xi32, #tpu.memory_space<vmem>>
          %dma_wait3A_405 = arith.constant 0 : i32
          %dma_wait3A_406 = tpu.memref_slice %arg3[%add3A, %dma_wait3A_391, %dma_wait3A_405] : memref<32x125x80xi32, #tpu.memory_space<hbm>> -> memref<1x1x80xi32, #tpu.memory_space<hbm>>
          %dma_wait3A_407 = tpu.memref_squeeze %dma_wait3A_406 : memref<1x1x80xi32, #tpu.memory_space<hbm>> -> memref<80xi32, #tpu.memory_space<hbm>>
          tpu.wait_dma2 semaphore(%dma_wait3A_401 : memref<!tpu.dma_semaphore, #tpu.memory_space<semaphore_mem>>) src(%dma_wait3A_407 : memref<80xi32, #tpu.memory_space<hbm>>) dst(%dma_wait3A_404 : memref<80xi32, #tpu.memory_space<vmem>>)
          %add3A_408 = arith.constant 2 : i32
          %add3A_409 = arith.addi %add3A_292, %add3A_408 : i32
          %dma_start3A_410 = arith.constant 2 : i32
          %dma_start3A_411 = arith.constant 0 : i32
          %dma_start3A_412 = arith.constant 0 : i32
          %dma_start3A_413 = arith.constant 0 : i32
          %dma_start3A_414 = arith.constant 0 : i32
          %dma_start3A_415 = tpu.memref_slice %arg11[%dma_start3A_411, %dma_start3A_413, %dma_start3A_414] : memref<2x80x128xf32, #tpu.memory_space<vmem>> -> memref<1x80x128xf32, #tpu.memory_space<vmem>>
          %dma_start3A_416 = tpu.memref_squeeze %dma_start3A_415 : memref<1x80x128xf32, #tpu.memory_space<vmem>> -> memref<80x128xf32, #tpu.memory_space<vmem>>
          %dma_start3A_417 = arith.constant 0 : i32
          %dma_start3A_418 = tpu.memref_slice %arg9[%dma_start3A_410, %dma_start3A_417] : memref<4x80xi32, #tpu.memory_space<vmem>> -> memref<1x80xi32, #tpu.memory_space<vmem>>
          %dma_start3A_419 = tpu.memref_squeeze %dma_start3A_418 : memref<1x80xi32, #tpu.memory_space<vmem>> -> memref<80xi32, #tpu.memory_space<vmem>>
          %dma_start3A_420 = arith.constant 0 : i32
          %dma_start3A_421 = arith.constant 0 : i32
          %dma_start3A_422 = tpu.memref_slice %arg5[%dma_start3A_420, %dma_start3A_421] : memref<10000x128xf32, #tpu.memory_space<hbm>> -> memref<10000x128xf32, #tpu.memory_space<hbm>>
          %dma_start3A_423 = tpu.memref_slice %arg13[%dma_start3A_412] : memref<2x!tpu.dma_semaphore, #tpu.memory_space<semaphore_mem>> -> memref<1x!tpu.dma_semaphore, #tpu.memory_space<semaphore_mem>>
          %dma_start3A_424 = tpu.memref_squeeze %dma_start3A_423 : memref<1x!tpu.dma_semaphore, #tpu.memory_space<semaphore_mem>> -> memref<!tpu.dma_semaphore, #tpu.memory_space<semaphore_mem>>
          tpu.enqueue_indirect_dma source(%dma_start3A_422 : memref<10000x128xf32, #tpu.memory_space<hbm>>) target(%dma_start3A_416 : memref<80x128xf32, #tpu.memory_space<vmem>>) offsets(%dma_start3A_419 : memref<80xi32, #tpu.memory_space<vmem>>) semaphore(%dma_start3A_424 : memref<!tpu.dma_semaphore, #tpu.memory_space<semaphore_mem>>)
          %mul3A_425 = arith.constant 80 : i32
          %mul3A_426 = arith.muli %add3A_409, %mul3A_425 : i32
          %add3A_427 = arith.addi %mul3A_4, %mul3A_426 : i32
          %dma_start3A_428 = arith.constant 0 : i32
          %dma_start3A_429 = arith.constant 0 : i32
          %dma_start3A_430 = arith.constant 0 : i32
          %dma_start3A_431 = arith.constant 0 : i32
          %dma_start3A_432 = tpu.memref_slice %arg12[%dma_start3A_428, %dma_start3A_430, %dma_start3A_431] : memref<2x80x64xi32, #tpu.memory_space<vmem>> -> memref<1x80x64xi32, #tpu.memory_space<vmem>>
          %dma_start3A_433 = tpu.memref_squeeze %dma_start3A_432 : memref<1x80x64xi32, #tpu.memory_space<vmem>> -> memref<80x64xi32, #tpu.memory_space<vmem>>
          %dma_start3A_434 = arith.constant 0 : i32
          %dma_start3A_435 = tpu.memref_slice %arg4[%add3A_427, %dma_start3A_434] : memref<320000x64xi32, #tpu.memory_space<hbm>> -> memref<80x64xi32, #tpu.memory_space<hbm>>
          %dma_start3A_436 = tpu.memref_slice %arg14[%dma_start3A_429] : memref<2x!tpu.dma_semaphore, #tpu.memory_space<semaphore_mem>> -> memref<1x!tpu.dma_semaphore, #tpu.memory_space<semaphore_mem>>
          %dma_start3A_437 = tpu.memref_squeeze %dma_start3A_436 : memref<1x!tpu.dma_semaphore, #tpu.memory_space<semaphore_mem>> -> memref<!tpu.dma_semaphore, #tpu.memory_space<semaphore_mem>>
          %dma_start3A_438 = arith.constant 0 : i32
          %dma_start3A_439 = arith.constant 0 : i32
          %dma_start3A_440 = tpu.memref_slice %arg12[%dma_start3A_428, %dma_start3A_438, %dma_start3A_439] : memref<2x80x64xi32, #tpu.memory_space<vmem>> -> memref<1x80x64xi32, #tpu.memory_space<vmem>>
          %dma_start3A_441 = tpu.memref_squeeze %dma_start3A_440 : memref<1x80x64xi32, #tpu.memory_space<vmem>> -> memref<80x64xi32, #tpu.memory_space<vmem>>
          %dma_start3A_442 = arith.constant 0 : i32
          %dma_start3A_443 = tpu.memref_slice %arg4[%add3A_427, %dma_start3A_442] : memref<320000x64xi32, #tpu.memory_space<hbm>> -> memref<80x64xi32, #tpu.memory_space<hbm>>
          tpu.enqueue_dma source(%dma_start3A_443 : memref<80x64xi32, #tpu.memory_space<hbm>>) target(%dma_start3A_441 : memref<80x64xi32, #tpu.memory_space<vmem>>) target_semaphore(%dma_start3A_437 : memref<!tpu.dma_semaphore, #tpu.memory_space<semaphore_mem>>)
        } else {
        }
      } else {
      }
      %add3A_295 = arith.constant 1 : i32
      %add3A_296 = arith.addi %add3A_290, %add3A_295 : i32
      %lt3A_297 = arith.constant 125 : i32
      %lt3A_298 = arith.cmpi slt, %add3A_296, %lt3A_297 : i32
      %convert_element_type3A_299 = arith.extui %lt3A_298 : i1 to i32
      %cond3A_300 = arith.constant 0 : i32
      %cond3A_301 = arith.cmpi ne, %convert_element_type3A_299, %cond3A_300 : i32
      scf.if %cond3A_301 {
        %dma_wait3A_316 = arith.constant 1 : i32
        %dma_wait3A_317 = arith.constant 1 : i32
        %dma_wait3A_318 = arith.constant 0 : i32
        %dma_wait3A_319 = arith.constant 0 : i32
        %dma_wait3A_320 = tpu.memref_slice %arg11[%dma_wait3A_316, %dma_wait3A_318, %dma_wait3A_319] : memref<2x80x128xf32, #tpu.memory_space<vmem>> -> memref<1x80x128xf32, #tpu.memory_space<vmem>>
        %dma_wait3A_321 = tpu.memref_squeeze %dma_wait3A_320 : memref<1x80x128xf32, #tpu.memory_space<vmem>> -> memref<80x128xf32, #tpu.memory_space<vmem>>
        %dma_wait3A_322 = arith.constant 0 : i32
        %dma_wait3A_323 = arith.constant 0 : i32
        %dma_wait3A_324 = tpu.memref_slice %arg5[%dma_wait3A_322, %dma_wait3A_323] : memref<10000x128xf32, #tpu.memory_space<hbm>> -> memref<80x128xf32, #tpu.memory_space<hbm>>
        %dma_wait3A_325 = tpu.memref_slice %arg13[%dma_wait3A_317] : memref<2x!tpu.dma_semaphore, #tpu.memory_space<semaphore_mem>> -> memref<1x!tpu.dma_semaphore, #tpu.memory_space<semaphore_mem>>
        %dma_wait3A_326 = tpu.memref_squeeze %dma_wait3A_325 : memref<1x!tpu.dma_semaphore, #tpu.memory_space<semaphore_mem>> -> memref<!tpu.dma_semaphore, #tpu.memory_space<semaphore_mem>>
        %dma_wait3A_327 = arith.constant 0 : i32
        %dma_wait3A_328 = arith.constant 0 : i32
        %dma_wait3A_329 = tpu.memref_slice %arg11[%dma_wait3A_316, %dma_wait3A_327, %dma_wait3A_328] : memref<2x80x128xf32, #tpu.memory_space<vmem>> -> memref<1x80x128xf32, #tpu.memory_space<vmem>>
        %dma_wait3A_330 = tpu.memref_squeeze %dma_wait3A_329 : memref<1x80x128xf32, #tpu.memory_space<vmem>> -> memref<80x128xf32, #tpu.memory_space<vmem>>
        %dma_wait3A_331 = arith.constant 0 : i32
        %dma_wait3A_332 = arith.constant 0 : i32
        %dma_wait3A_333 = tpu.memref_slice %arg5[%dma_wait3A_331, %dma_wait3A_332] : memref<10000x128xf32, #tpu.memory_space<hbm>> -> memref<80x128xf32, #tpu.memory_space<hbm>>
        tpu.wait_dma2 semaphore(%dma_wait3A_326 : memref<!tpu.dma_semaphore, #tpu.memory_space<semaphore_mem>>) src(%dma_wait3A_333 : memref<80x128xf32, #tpu.memory_space<hbm>>) dst(%dma_wait3A_330 : memref<80x128xf32, #tpu.memory_space<vmem>>)
        %dma_wait3A_334 = arith.constant 1 : i32
        %dma_wait3A_335 = arith.constant 1 : i32
        %dma_wait3A_336 = arith.constant 0 : i32
        %dma_wait3A_337 = arith.constant 0 : i32
        %dma_wait3A_338 = tpu.memref_slice %arg12[%dma_wait3A_334, %dma_wait3A_336, %dma_wait3A_337] : memref<2x80x64xi32, #tpu.memory_space<vmem>> -> memref<1x80x64xi32, #tpu.memory_space<vmem>>
        %dma_wait3A_339 = tpu.memref_squeeze %dma_wait3A_338 : memref<1x80x64xi32, #tpu.memory_space<vmem>> -> memref<80x64xi32, #tpu.memory_space<vmem>>
        %dma_wait3A_340 = arith.constant 0 : i32
        %dma_wait3A_341 = arith.constant 0 : i32
        %dma_wait3A_342 = tpu.memref_slice %arg4[%dma_wait3A_340, %dma_wait3A_341] : memref<320000x64xi32, #tpu.memory_space<hbm>> -> memref<80x64xi32, #tpu.memory_space<hbm>>
        %dma_wait3A_343 = tpu.memref_slice %arg14[%dma_wait3A_335] : memref<2x!tpu.dma_semaphore, #tpu.memory_space<semaphore_mem>> -> memref<1x!tpu.dma_semaphore, #tpu.memory_space<semaphore_mem>>
        %dma_wait3A_344 = tpu.memref_squeeze %dma_wait3A_343 : memref<1x!tpu.dma_semaphore, #tpu.memory_space<semaphore_mem>> -> memref<!tpu.dma_semaphore, #tpu.memory_space<semaphore_mem>>
        %dma_wait3A_345 = arith.constant 0 : i32
        %dma_wait3A_346 = arith.constant 0 : i32
        %dma_wait3A_347 = tpu.memref_slice %arg12[%dma_wait3A_334, %dma_wait3A_345, %dma_wait3A_346] : memref<2x80x64xi32, #tpu.memory_space<vmem>> -> memref<1x80x64xi32, #tpu.memory_space<vmem>>
        %dma_wait3A_348 = tpu.memref_squeeze %dma_wait3A_347 : memref<1x80x64xi32, #tpu.memory_space<vmem>> -> memref<80x64xi32, #tpu.memory_space<vmem>>
        %dma_wait3A_349 = arith.constant 0 : i32
        %dma_wait3A_350 = arith.constant 0 : i32
        %dma_wait3A_351 = tpu.memref_slice %arg4[%dma_wait3A_349, %dma_wait3A_350] : memref<320000x64xi32, #tpu.memory_space<hbm>> -> memref<80x64xi32, #tpu.memory_space<hbm>>
        tpu.wait_dma2 semaphore(%dma_wait3A_344 : memref<!tpu.dma_semaphore, #tpu.memory_space<semaphore_mem>>) src(%dma_wait3A_351 : memref<80x64xi32, #tpu.memory_space<hbm>>) dst(%dma_wait3A_348 : memref<80x64xi32, #tpu.memory_space<vmem>>)
        %scan3A_352 = arith.constant 1 : i32
        %scan3A_353 = arith.constant 1 : i32
        %scan3A_354 = arith.constant 0 : i32
        %scan3A_355 = arith.constant 80 : i32
        %scan3A_356 = arith.addi %scan3A_354, %scan3A_355 : i32
        %scan3A_357 = arith.constant 1 : i32
        scf.for %scan3A_374 = %scan3A_354 to %scan3A_356 step %scan3A_357  : i32 {
          %mul3A_375 = arith.constant 1 : i32
          %mul3A_376 = arith.muli %scan3A_374, %mul3A_375 : i32
          %add3A_377 = arith.constant 0 : i32
          %add3A_378 = arith.addi %add3A_377, %mul3A_376 : i32
          %get3A = arith.constant 0 : i32
          %get3A_379 = arith.constant 0 : i32
          %get3A_380 = tpu.memref_slice %arg12[%scan3A_352, %get3A, %get3A_379] : memref<2x80x64xi32, #tpu.memory_space<vmem>> -> memref<1x80x64xi32, #tpu.memory_space<vmem>>
          %get3A_381 = tpu.memref_squeeze %get3A_380 : memref<1x80x64xi32, #tpu.memory_space<vmem>> -> memref<80x64xi32, #tpu.memory_space<vmem>>
          %get3A_382 = arith.index_cast %add3A_378 : i32 to index
          %get3A_383 = arith.constant 0 : index
          %get3A_384 = tpu.vector_load %get3A_381[%get3A_382, %get3A_383] {strides = array<i32>} : memref<80x64xi32, #tpu.memory_space<vmem>>, vector<16xi32>,
          %get3A_385 = arith.constant 0 : i32
          %get3A_386 = arith.constant 0 : i32
          %get3A_387 = tpu.memref_slice %arg11[%scan3A_353, %get3A_385, %get3A_386] : memref<2x80x128xf32, #tpu.memory_space<vmem>> -> memref<1x80x128xf32, #tpu.memory_space<vmem>>
          %get3A_388 = tpu.memref_squeeze %get3A_387 : memref<1x80x128xf32, #tpu.memory_space<vmem>> -> memref<80x128xf32, #tpu.memory_space<vmem>>
          %get3A_389 = arith.index_cast %add3A_378 : i32 to index
          %get3A_390 = arith.constant 0 : index
          %get3A_391 = tpu.vector_load %get3A_388[%get3A_389, %get3A_390] {strides = array<i32>} : memref<80x128xf32, #tpu.memory_space<vmem>>, vector<16xf32>,
          %get3A_392 = arith.constant 0 : i32
          %get3A_393 = arith.constant 0 : i32
          %get3A_394 = tpu.memref_slice %arg11[%scan3A_353, %get3A_392, %get3A_393] : memref<2x80x128xf32, #tpu.memory_space<vmem>> -> memref<1x80x128xf32, #tpu.memory_space<vmem>>
          %get3A_395 = tpu.memref_squeeze %get3A_394 : memref<1x80x128xf32, #tpu.memory_space<vmem>> -> memref<80x128xf32, #tpu.memory_space<vmem>>
          %get3A_396 = arith.index_cast %add3A_378 : i32 to index
          %get3A_397 = arith.constant 16 : index
          %get3A_398 = tpu.vector_load %get3A_395[%get3A_396, %get3A_397] {strides = array<i32>} : memref<80x128xf32, #tpu.memory_space<vmem>>, vector<16xf32>,
          %shift_left3A = arith.constant 16 : i32
          %shift_left3A_399 = vector.broadcast %shift_left3A : i32 to vector<16xi32>
          %shift_left3A_400 = arith.shli %get3A_384, %shift_left3A_399 : vector<16xi32>
          %bitcast3A = vector.bitcast %shift_left3A_400 : vector<16xi32> to vector<16xf32>
          %and3A = arith.constant -65536 : i32
          %and3A_401 = vector.broadcast %and3A : i32 to vector<16xi32>
          %and3A_402 = arith.andi %get3A_384, %and3A_401 : vector<16xi32>
          %bitcast3A_403 = vector.bitcast %and3A_402 : vector<16xi32> to vector<16xf32>
          %add3A_404 = arith.addf %get3A_391, %bitcast3A : vector<16xf32>
          %max3A = arith.constant 0.000000e+00 : f32
          %max3A_405 = vector.broadcast %max3A : f32 to vector<16xf32>
          %max3A_406 = arith.maximumf %add3A_404, %max3A_405 : vector<16xf32>
          %swap3A = arith.constant 0 : i32
          %swap3A_407 = arith.constant 0 : i32
          %swap3A_408 = tpu.memref_slice %arg11[%scan3A_353, %swap3A, %swap3A_407] : memref<2x80x128xf32, #tpu.memory_space<vmem>> -> memref<1x80x128xf32, #tpu.memory_space<vmem>>
          %swap3A_409 = tpu.memref_squeeze %swap3A_408 : memref<1x80x128xf32, #tpu.memory_space<vmem>> -> memref<80x128xf32, #tpu.memory_space<vmem>>
          %swap3A_410 = arith.index_cast %add3A_378 : i32 to index
          %swap3A_411 = arith.constant 0 : index
          %swap3A_412 = tpu.vector_load %swap3A_409[%swap3A_410, %swap3A_411] {strides = array<i32>} : memref<80x128xf32, #tpu.memory_space<vmem>>, vector<16xf32>,
          tpu.vector_store %swap3A_409[%swap3A_410, %swap3A_411], %max3A_406 {strides = array<i32>} : memref<80x128xf32, #tpu.memory_space<vmem>>, vector<16xf32>,
          %add3A_413 = arith.addf %get3A_398, %bitcast3A_403 : vector<16xf32>
          %max3A_414 = arith.constant 0.000000e+00 : f32
          %max3A_415 = vector.broadcast %max3A_414 : f32 to vector<16xf32>
          %max3A_416 = arith.maximumf %add3A_413, %max3A_415 : vector<16xf32>
          %swap3A_417 = arith.constant 0 : i32
          %swap3A_418 = arith.constant 0 : i32
          %swap3A_419 = tpu.memref_slice %arg11[%scan3A_353, %swap3A_417, %swap3A_418] : memref<2x80x128xf32, #tpu.memory_space<vmem>> -> memref<1x80x128xf32, #tpu.memory_space<vmem>>
          %swap3A_420 = tpu.memref_squeeze %swap3A_419 : memref<1x80x128xf32, #tpu.memory_space<vmem>> -> memref<80x128xf32, #tpu.memory_space<vmem>>
          %swap3A_421 = arith.index_cast %add3A_378 : i32 to index
          %swap3A_422 = arith.constant 16 : index
          %swap3A_423 = tpu.vector_load %swap3A_420[%swap3A_421, %swap3A_422] {strides = array<i32>} : memref<80x128xf32, #tpu.memory_space<vmem>>, vector<16xf32>,
          tpu.vector_store %swap3A_420[%swap3A_421, %swap3A_422], %max3A_416 {strides = array<i32>} : memref<80x128xf32, #tpu.memory_space<vmem>>, vector<16xf32>,
          %get3A_424 = arith.constant 0 : i32
          %get3A_425 = arith.constant 0 : i32
          %get3A_426 = tpu.memref_slice %arg12[%scan3A_352, %get3A_424, %get3A_425] : memref<2x80x64xi32, #tpu.memory_space<vmem>> -> memref<1x80x64xi32, #tpu.memory_space<vmem>>
          %get3A_427 = tpu.memref_squeeze %get3A_426 : memref<1x80x64xi32, #tpu.memory_space<vmem>> -> memref<80x64xi32, #tpu.memory_space<vmem>>
          %get3A_428 = arith.index_cast %add3A_378 : i32 to index
          %get3A_429 = arith.constant 16 : index
          %get3A_430 = tpu.vector_load %get3A_427[%get3A_428, %get3A_429] {strides = array<i32>} : memref<80x64xi32, #tpu.memory_space<vmem>>, vector<16xi32>,
          %get3A_431 = arith.constant 0 : i32
          %get3A_432 = arith.constant 0 : i32
          %get3A_433 = tpu.memref_slice %arg11[%scan3A_353, %get3A_431, %get3A_432] : memref<2x80x128xf32, #tpu.memory_space<vmem>> -> memref<1x80x128xf32, #tpu.memory_space<vmem>>
          %get3A_434 = tpu.memref_squeeze %get3A_433 : memref<1x80x128xf32, #tpu.memory_space<vmem>> -> memref<80x128xf32, #tpu.memory_space<vmem>>
          %get3A_435 = arith.index_cast %add3A_378 : i32 to index
          %get3A_436 = arith.constant 32 : index
          %get3A_437 = tpu.vector_load %get3A_434[%get3A_435, %get3A_436] {strides = array<i32>} : memref<80x128xf32, #tpu.memory_space<vmem>>, vector<16xf32>,
          %get3A_438 = arith.constant 0 : i32
          %get3A_439 = arith.constant 0 : i32
          %get3A_440 = tpu.memref_slice %arg11[%scan3A_353, %get3A_438, %get3A_439] : memref<2x80x128xf32, #tpu.memory_space<vmem>> -> memref<1x80x128xf32, #tpu.memory_space<vmem>>
          %get3A_441 = tpu.memref_squeeze %get3A_440 : memref<1x80x128xf32, #tpu.memory_space<vmem>> -> memref<80x128xf32, #tpu.memory_space<vmem>>
          %get3A_442 = arith.index_cast %add3A_378 : i32 to index
          %get3A_443 = arith.constant 48 : index
          %get3A_444 = tpu.vector_load %get3A_441[%get3A_442, %get3A_443] {strides = array<i32>} : memref<80x128xf32, #tpu.memory_space<vmem>>, vector<16xf32>,
          %shift_left3A_445 = arith.constant 16 : i32
          %shift_left3A_446 = vector.broadcast %shift_left3A_445 : i32 to vector<16xi32>
          %shift_left3A_447 = arith.shli %get3A_430, %shift_left3A_446 : vector<16xi32>
          %bitcast3A_448 = vector.bitcast %shift_left3A_447 : vector<16xi32> to vector<16xf32>
          %and3A_449 = arith.constant -65536 : i32
          %and3A_450 = vector.broadcast %and3A_449 : i32 to vector<16xi32>
          %and3A_451 = arith.andi %get3A_430, %and3A_450 : vector<16xi32>
          %bitcast3A_452 = vector.bitcast %and3A_451 : vector<16xi32> to vector<16xf32>
          %add3A_453 = arith.addf %get3A_437, %bitcast3A_448 : vector<16xf32>
          %max3A_454 = arith.constant 0.000000e+00 : f32
          %max3A_455 = vector.broadcast %max3A_454 : f32 to vector<16xf32>
          %max3A_456 = arith.maximumf %add3A_453, %max3A_455 : vector<16xf32>
          %swap3A_457 = arith.constant 0 : i32
          %swap3A_458 = arith.constant 0 : i32
          %swap3A_459 = tpu.memref_slice %arg11[%scan3A_353, %swap3A_457, %swap3A_458] : memref<2x80x128xf32, #tpu.memory_space<vmem>> -> memref<1x80x128xf32, #tpu.memory_space<vmem>>
          %swap3A_460 = tpu.memref_squeeze %swap3A_459 : memref<1x80x128xf32, #tpu.memory_space<vmem>> -> memref<80x128xf32, #tpu.memory_space<vmem>>
          %swap3A_461 = arith.index_cast %add3A_378 : i32 to index
          %swap3A_462 = arith.constant 32 : index
          %swap3A_463 = tpu.vector_load %swap3A_460[%swap3A_461, %swap3A_462] {strides = array<i32>} : memref<80x128xf32, #tpu.memory_space<vmem>>, vector<16xf32>,
          tpu.vector_store %swap3A_460[%swap3A_461, %swap3A_462], %max3A_456 {strides = array<i32>} : memref<80x128xf32, #tpu.memory_space<vmem>>, vector<16xf32>,
          %add3A_464 = arith.addf %get3A_444, %bitcast3A_452 : vector<16xf32>
          %max3A_465 = arith.constant 0.000000e+00 : f32
          %max3A_466 = vector.broadcast %max3A_465 : f32 to vector<16xf32>
          %max3A_467 = arith.maximumf %add3A_464, %max3A_466 : vector<16xf32>
          %swap3A_468 = arith.constant 0 : i32
          %swap3A_469 = arith.constant 0 : i32
          %swap3A_470 = tpu.memref_slice %arg11[%scan3A_353, %swap3A_468, %swap3A_469] : memref<2x80x128xf32, #tpu.memory_space<vmem>> -> memref<1x80x128xf32, #tpu.memory_space<vmem>>
          %swap3A_471 = tpu.memref_squeeze %swap3A_470 : memref<1x80x128xf32, #tpu.memory_space<vmem>> -> memref<80x128xf32, #tpu.memory_space<vmem>>
          %swap3A_472 = arith.index_cast %add3A_378 : i32 to index
          %swap3A_473 = arith.constant 48 : index
          %swap3A_474 = tpu.vector_load %swap3A_471[%swap3A_472, %swap3A_473] {strides = array<i32>} : memref<80x128xf32, #tpu.memory_space<vmem>>, vector<16xf32>,
          tpu.vector_store %swap3A_471[%swap3A_472, %swap3A_473], %max3A_467 {strides = array<i32>} : memref<80x128xf32, #tpu.memory_space<vmem>>, vector<16xf32>,
          %get3A_475 = arith.constant 0 : i32
          %get3A_476 = arith.constant 0 : i32
          %get3A_477 = tpu.memref_slice %arg12[%scan3A_352, %get3A_475, %get3A_476] : memref<2x80x64xi32, #tpu.memory_space<vmem>> -> memref<1x80x64xi32, #tpu.memory_space<vmem>>
          %get3A_478 = tpu.memref_squeeze %get3A_477 : memref<1x80x64xi32, #tpu.memory_space<vmem>> -> memref<80x64xi32, #tpu.memory_space<vmem>>
          %get3A_479 = arith.index_cast %add3A_378 : i32 to index
          %get3A_480 = arith.constant 32 : index
          %get3A_481 = tpu.vector_load %get3A_478[%get3A_479, %get3A_480] {strides = array<i32>} : memref<80x64xi32, #tpu.memory_space<vmem>>, vector<16xi32>,
          %get3A_482 = arith.constant 0 : i32
          %get3A_483 = arith.constant 0 : i32
          %get3A_484 = tpu.memref_slice %arg11[%scan3A_353, %get3A_482, %get3A_483] : memref<2x80x128xf32, #tpu.memory_space<vmem>> -> memref<1x80x128xf32, #tpu.memory_space<vmem>>
          %get3A_485 = tpu.memref_squeeze %get3A_484 : memref<1x80x128xf32, #tpu.memory_space<vmem>> -> memref<80x128xf32, #tpu.memory_space<vmem>>
          %get3A_486 = arith.index_cast %add3A_378 : i32 to index
          %get3A_487 = arith.constant 64 : index
          %get3A_488 = tpu.vector_load %get3A_485[%get3A_486, %get3A_487] {strides = array<i32>} : memref<80x128xf32, #tpu.memory_space<vmem>>, vector<16xf32>,
          %get3A_489 = arith.constant 0 : i32
          %get3A_490 = arith.constant 0 : i32
          %get3A_491 = tpu.memref_slice %arg11[%scan3A_353, %get3A_489, %get3A_490] : memref<2x80x128xf32, #tpu.memory_space<vmem>> -> memref<1x80x128xf32, #tpu.memory_space<vmem>>
          %get3A_492 = tpu.memref_squeeze %get3A_491 : memref<1x80x128xf32, #tpu.memory_space<vmem>> -> memref<80x128xf32, #tpu.memory_space<vmem>>
          %get3A_493 = arith.index_cast %add3A_378 : i32 to index
          %get3A_494 = arith.constant 80 : index
          %get3A_495 = tpu.vector_load %get3A_492[%get3A_493, %get3A_494] {strides = array<i32>} : memref<80x128xf32, #tpu.memory_space<vmem>>, vector<16xf32>,
          %shift_left3A_496 = arith.constant 16 : i32
          %shift_left3A_497 = vector.broadcast %shift_left3A_496 : i32 to vector<16xi32>
          %shift_left3A_498 = arith.shli %get3A_481, %shift_left3A_497 : vector<16xi32>
          %bitcast3A_499 = vector.bitcast %shift_left3A_498 : vector<16xi32> to vector<16xf32>
          %and3A_500 = arith.constant -65536 : i32
          %and3A_501 = vector.broadcast %and3A_500 : i32 to vector<16xi32>
          %and3A_502 = arith.andi %get3A_481, %and3A_501 : vector<16xi32>
          %bitcast3A_503 = vector.bitcast %and3A_502 : vector<16xi32> to vector<16xf32>
          %add3A_504 = arith.addf %get3A_488, %bitcast3A_499 : vector<16xf32>
          %max3A_505 = arith.constant 0.000000e+00 : f32
          %max3A_506 = vector.broadcast %max3A_505 : f32 to vector<16xf32>
          %max3A_507 = arith.maximumf %add3A_504, %max3A_506 : vector<16xf32>
          %swap3A_508 = arith.constant 0 : i32
          %swap3A_509 = arith.constant 0 : i32
          %swap3A_510 = tpu.memref_slice %arg11[%scan3A_353, %swap3A_508, %swap3A_509] : memref<2x80x128xf32, #tpu.memory_space<vmem>> -> memref<1x80x128xf32, #tpu.memory_space<vmem>>
          %swap3A_511 = tpu.memref_squeeze %swap3A_510 : memref<1x80x128xf32, #tpu.memory_space<vmem>> -> memref<80x128xf32, #tpu.memory_space<vmem>>
          %swap3A_512 = arith.index_cast %add3A_378 : i32 to index
          %swap3A_513 = arith.constant 64 : index
          %swap3A_514 = tpu.vector_load %swap3A_511[%swap3A_512, %swap3A_513] {strides = array<i32>} : memref<80x128xf32, #tpu.memory_space<vmem>>, vector<16xf32>,
          tpu.vector_store %swap3A_511[%swap3A_512, %swap3A_513], %max3A_507 {strides = array<i32>} : memref<80x128xf32, #tpu.memory_space<vmem>>, vector<16xf32>,
          %add3A_515 = arith.addf %get3A_495, %bitcast3A_503 : vector<16xf32>
          %max3A_516 = arith.constant 0.000000e+00 : f32
          %max3A_517 = vector.broadcast %max3A_516 : f32 to vector<16xf32>
          %max3A_518 = arith.maximumf %add3A_515, %max3A_517 : vector<16xf32>
          %swap3A_519 = arith.constant 0 : i32
          %swap3A_520 = arith.constant 0 : i32
          %swap3A_521 = tpu.memref_slice %arg11[%scan3A_353, %swap3A_519, %swap3A_520] : memref<2x80x128xf32, #tpu.memory_space<vmem>> -> memref<1x80x128xf32, #tpu.memory_space<vmem>>
          %swap3A_522 = tpu.memref_squeeze %swap3A_521 : memref<1x80x128xf32, #tpu.memory_space<vmem>> -> memref<80x128xf32, #tpu.memory_space<vmem>>
          %swap3A_523 = arith.index_cast %add3A_378 : i32 to index
          %swap3A_524 = arith.constant 80 : index
          %swap3A_525 = tpu.vector_load %swap3A_522[%swap3A_523, %swap3A_524] {strides = array<i32>} : memref<80x128xf32, #tpu.memory_space<vmem>>, vector<16xf32>,
          tpu.vector_store %swap3A_522[%swap3A_523, %swap3A_524], %max3A_518 {strides = array<i32>} : memref<80x128xf32, #tpu.memory_space<vmem>>, vector<16xf32>,
          %get3A_526 = arith.constant 0 : i32
          %get3A_527 = arith.constant 0 : i32
          %get3A_528 = tpu.memref_slice %arg12[%scan3A_352, %get3A_526, %get3A_527] : memref<2x80x64xi32, #tpu.memory_space<vmem>> -> memref<1x80x64xi32, #tpu.memory_space<vmem>>
          %get3A_529 = tpu.memref_squeeze %get3A_528 : memref<1x80x64xi32, #tpu.memory_space<vmem>> -> memref<80x64xi32, #tpu.memory_space<vmem>>
          %get3A_530 = arith.index_cast %add3A_378 : i32 to index
          %get3A_531 = arith.constant 48 : index
          %get3A_532 = tpu.vector_load %get3A_529[%get3A_530, %get3A_531] {strides = array<i32>} : memref<80x64xi32, #tpu.memory_space<vmem>>, vector<16xi32>,
          %get3A_533 = arith.constant 0 : i32
          %get3A_534 = arith.constant 0 : i32
          %get3A_535 = tpu.memref_slice %arg11[%scan3A_353, %get3A_533, %get3A_534] : memref<2x80x128xf32, #tpu.memory_space<vmem>> -> memref<1x80x128xf32, #tpu.memory_space<vmem>>
          %get3A_536 = tpu.memref_squeeze %get3A_535 : memref<1x80x128xf32, #tpu.memory_space<vmem>> -> memref<80x128xf32, #tpu.memory_space<vmem>>
          %get3A_537 = arith.index_cast %add3A_378 : i32 to index
          %get3A_538 = arith.constant 96 : index
          %get3A_539 = tpu.vector_load %get3A_536[%get3A_537, %get3A_538] {strides = array<i32>} : memref<80x128xf32, #tpu.memory_space<vmem>>, vector<16xf32>,
          %get3A_540 = arith.constant 0 : i32
          %get3A_541 = arith.constant 0 : i32
          %get3A_542 = tpu.memref_slice %arg11[%scan3A_353, %get3A_540, %get3A_541] : memref<2x80x128xf32, #tpu.memory_space<vmem>> -> memref<1x80x128xf32, #tpu.memory_space<vmem>>
          %get3A_543 = tpu.memref_squeeze %get3A_542 : memref<1x80x128xf32, #tpu.memory_space<vmem>> -> memref<80x128xf32, #tpu.memory_space<vmem>>
          %get3A_544 = arith.index_cast %add3A_378 : i32 to index
          %get3A_545 = arith.constant 112 : index
          %get3A_546 = tpu.vector_load %get3A_543[%get3A_544, %get3A_545] {strides = array<i32>} : memref<80x128xf32, #tpu.memory_space<vmem>>, vector<16xf32>,
          %shift_left3A_547 = arith.constant 16 : i32
          %shift_left3A_548 = vector.broadcast %shift_left3A_547 : i32 to vector<16xi32>
          %shift_left3A_549 = arith.shli %get3A_532, %shift_left3A_548 : vector<16xi32>
          %bitcast3A_550 = vector.bitcast %shift_left3A_549 : vector<16xi32> to vector<16xf32>
          %and3A_551 = arith.constant -65536 : i32
          %and3A_552 = vector.broadcast %and3A_551 : i32 to vector<16xi32>
          %and3A_553 = arith.andi %get3A_532, %and3A_552 : vector<16xi32>
          %bitcast3A_554 = vector.bitcast %and3A_553 : vector<16xi32> to vector<16xf32>
          %add3A_555 = arith.addf %get3A_539, %bitcast3A_550 : vector<16xf32>
          %max3A_556 = arith.constant 0.000000e+00 : f32
          %max3A_557 = vector.broadcast %max3A_556 : f32 to vector<16xf32>
          %max3A_558 = arith.maximumf %add3A_555, %max3A_557 : vector<16xf32>
          %swap3A_559 = arith.constant 0 : i32
          %swap3A_560 = arith.constant 0 : i32
          %swap3A_561 = tpu.memref_slice %arg11[%scan3A_353, %swap3A_559, %swap3A_560] : memref<2x80x128xf32, #tpu.memory_space<vmem>> -> memref<1x80x128xf32, #tpu.memory_space<vmem>>
          %swap3A_562 = tpu.memref_squeeze %swap3A_561 : memref<1x80x128xf32, #tpu.memory_space<vmem>> -> memref<80x128xf32, #tpu.memory_space<vmem>>
          %swap3A_563 = arith.index_cast %add3A_378 : i32 to index
          %swap3A_564 = arith.constant 96 : index
          %swap3A_565 = tpu.vector_load %swap3A_562[%swap3A_563, %swap3A_564] {strides = array<i32>} : memref<80x128xf32, #tpu.memory_space<vmem>>, vector<16xf32>,
          tpu.vector_store %swap3A_562[%swap3A_563, %swap3A_564], %max3A_558 {strides = array<i32>} : memref<80x128xf32, #tpu.memory_space<vmem>>, vector<16xf32>,
          %add3A_566 = arith.addf %get3A_546, %bitcast3A_554 : vector<16xf32>
          %max3A_567 = arith.constant 0.000000e+00 : f32
          %max3A_568 = vector.broadcast %max3A_567 : f32 to vector<16xf32>
          %max3A_569 = arith.maximumf %add3A_566, %max3A_568 : vector<16xf32>
          %swap3A_570 = arith.constant 0 : i32
          %swap3A_571 = arith.constant 0 : i32
          %swap3A_572 = tpu.memref_slice %arg11[%scan3A_353, %swap3A_570, %swap3A_571] : memref<2x80x128xf32, #tpu.memory_space<vmem>> -> memref<1x80x128xf32, #tpu.memory_space<vmem>>
          %swap3A_573 = tpu.memref_squeeze %swap3A_572 : memref<1x80x128xf32, #tpu.memory_space<vmem>> -> memref<80x128xf32, #tpu.memory_space<vmem>>
          %swap3A_574 = arith.index_cast %add3A_378 : i32 to index
          %swap3A_575 = arith.constant 112 : index
          %swap3A_576 = tpu.vector_load %swap3A_573[%swap3A_574, %swap3A_575] {strides = array<i32>} : memref<80x128xf32, #tpu.memory_space<vmem>>, vector<16xf32>,
          tpu.vector_store %swap3A_573[%swap3A_574, %swap3A_575], %max3A_569 {strides = array<i32>} : memref<80x128xf32, #tpu.memory_space<vmem>>, vector<16xf32>,
        }
        %scan3A_358 = arith.constant 80 : i32
        %run_scoped3A = arith.constant 1 : i32
        %run_scoped3A_359 = arith.constant 1 : i32
        "tpu.region"() ({
          %run_scoped3A_374 = tpu.sem_alloc : memref<!tpu.dma_semaphore, #tpu.memory_space<semaphore_mem>>
          %dma_start3A_375 = arith.constant 0 : i32
          %dma_start3A_376 = arith.constant 0 : i32
          %dma_start3A_377 = tpu.memref_slice %arg11[%run_scoped3A, %dma_start3A_375, %dma_start3A_376] : memref<2x80x128xf32, #tpu.memory_space<vmem>> -> memref<1x80x128xf32, #tpu.memory_space<vmem>>
          %dma_start3A_378 = tpu.memref_squeeze %dma_start3A_377 : memref<1x80x128xf32, #tpu.memory_space<vmem>> -> memref<80x128xf32, #tpu.memory_space<vmem>>
          %dma_start3A_379 = arith.constant 0 : i32
          %dma_start3A_380 = tpu.memref_slice %arg10[%run_scoped3A_359, %dma_start3A_379] : memref<4x80xi32, #tpu.memory_space<vmem>> -> memref<1x80xi32, #tpu.memory_space<vmem>>
          %dma_start3A_381 = tpu.memref_squeeze %dma_start3A_380 : memref<1x80xi32, #tpu.memory_space<vmem>> -> memref<80xi32, #tpu.memory_space<vmem>>
          %dma_start3A_382 = arith.constant 0 : i32
          %dma_start3A_383 = arith.constant 0 : i32
          %dma_start3A_384 = tpu.memref_slice %arg8[%dma_start3A_382, %dma_start3A_383] : memref<10240x128xf32, #tpu.memory_space<vmem_shared>> -> memref<10240x128xf32, #tpu.memory_space<vmem_shared>>
          tpu.enqueue_indirect_dma source(%dma_start3A_378 : memref<80x128xf32, #tpu.memory_space<vmem>>) target(%dma_start3A_384 : memref<10240x128xf32, #tpu.memory_space<vmem_shared>>) offsets(%dma_start3A_381 : memref<80xi32, #tpu.memory_space<vmem>>) semaphore(%run_scoped3A_374 : memref<!tpu.dma_semaphore, #tpu.memory_space<semaphore_mem>>) {add = true}
          %dma_wait3A_385 = arith.constant 0 : i32
          %dma_wait3A_386 = arith.constant 0 : i32
          %dma_wait3A_387 = tpu.memref_slice %arg11[%run_scoped3A, %dma_wait3A_385, %dma_wait3A_386] : memref<2x80x128xf32, #tpu.memory_space<vmem>> -> memref<1x80x128xf32, #tpu.memory_space<vmem>>
          %dma_wait3A_388 = tpu.memref_squeeze %dma_wait3A_387 : memref<1x80x128xf32, #tpu.memory_space<vmem>> -> memref<80x128xf32, #tpu.memory_space<vmem>>
          %dma_wait3A_389 = arith.constant 0 : i32
          %dma_wait3A_390 = tpu.memref_slice %arg10[%run_scoped3A_359, %dma_wait3A_389] : memref<4x80xi32, #tpu.memory_space<vmem>> -> memref<1x80xi32, #tpu.memory_space<vmem>>
          %dma_wait3A_391 = tpu.memref_squeeze %dma_wait3A_390 : memref<1x80xi32, #tpu.memory_space<vmem>> -> memref<80xi32, #tpu.memory_space<vmem>>
          %dma_wait3A_392 = arith.constant 0 : i32
          %dma_wait3A_393 = arith.constant 0 : i32
          %dma_wait3A_394 = tpu.memref_slice %arg8[%dma_wait3A_392, %dma_wait3A_393] : memref<10240x128xf32, #tpu.memory_space<vmem_shared>> -> memref<10240x128xf32, #tpu.memory_space<vmem_shared>>
          tpu.wait_indirect_dma semaphore(%run_scoped3A_374 : memref<!tpu.dma_semaphore, #tpu.memory_space<semaphore_mem>>) src(%dma_wait3A_388 : memref<80x128xf32, #tpu.memory_space<vmem>>) dst(%dma_wait3A_394 : memref<10240x128xf32, #tpu.memory_space<vmem_shared>>)
          tpu.yield
        }) : () -> ()
        %add3A_360 = arith.constant 4 : i32
        %add3A_361 = arith.addi %add3A_296, %add3A_360 : i32
        %lt3A_362 = arith.constant 125 : i32
        %lt3A_363 = arith.cmpi slt, %add3A_361, %lt3A_362 : i32
        %convert_element_type3A_364 = arith.extui %lt3A_363 : i1 to i32
        %cond3A_365 = arith.constant 0 : i32
        %cond3A_366 = arith.cmpi ne, %convert_element_type3A_364, %cond3A_365 : i32
        scf.if %cond3A_366 {
          %add3A_374 = arith.constant 4 : i32
          %add3A_375 = arith.addi %add3A_296, %add3A_374 : i32
          %dma_start3A_376 = arith.constant 1 : i32
          %dma_start3A_377 = arith.constant 1 : i32
          %dma_start3A_378 = arith.constant 0 : i32
          %dma_start3A_379 = tpu.memref_slice %arg9[%dma_start3A_376, %dma_start3A_378] : memref<4x80xi32, #tpu.memory_space<vmem>> -> memref<1x80xi32, #tpu.memory_space<vmem>>
          %dma_start3A_380 = tpu.memref_squeeze %dma_start3A_379 : memref<1x80xi32, #tpu.memory_space<vmem>> -> memref<80xi32, #tpu.memory_space<vmem>>
          %dma_start3A_381 = arith.constant 0 : i32
          %dma_start3A_382 = tpu.memref_slice %arg2[%add3A, %add3A_375, %dma_start3A_381] : memref<32x125x80xi32, #tpu.memory_space<hbm>> -> memref<1x1x80xi32, #tpu.memory_space<hbm>>
          %dma_start3A_383 = tpu.memref_squeeze %dma_start3A_382 : memref<1x1x80xi32, #tpu.memory_space<hbm>> -> memref<80xi32, #tpu.memory_space<hbm>>
          %dma_start3A_384 = tpu.memref_slice %arg15[%dma_start3A_377] : memref<4x!tpu.dma_semaphore, #tpu.memory_space<semaphore_mem>> -> memref<1x!tpu.dma_semaphore, #tpu.memory_space<semaphore_mem>>
          %dma_start3A_385 = tpu.memref_squeeze %dma_start3A_384 : memref<1x!tpu.dma_semaphore, #tpu.memory_space<semaphore_mem>> -> memref<!tpu.dma_semaphore, #tpu.memory_space<semaphore_mem>>
          %dma_start3A_386 = arith.constant 0 : i32
          %dma_start3A_387 = tpu.memref_slice %arg9[%dma_start3A_376, %dma_start3A_386] : memref<4x80xi32, #tpu.memory_space<vmem>> -> memref<1x80xi32, #tpu.memory_space<vmem>>
          %dma_start3A_388 = tpu.memref_squeeze %dma_start3A_387 : memref<1x80xi32, #tpu.memory_space<vmem>> -> memref<80xi32, #tpu.memory_space<vmem>>
          %dma_start3A_389 = arith.constant 0 : i32
          %dma_start3A_390 = tpu.memref_slice %arg2[%add3A, %add3A_375, %dma_start3A_389] : memref<32x125x80xi32, #tpu.memory_space<hbm>> -> memref<1x1x80xi32, #tpu.memory_space<hbm>>
          %dma_start3A_391 = tpu.memref_squeeze %dma_start3A_390 : memref<1x1x80xi32, #tpu.memory_space<hbm>> -> memref<80xi32, #tpu.memory_space<hbm>>
          tpu.enqueue_dma source(%dma_start3A_391 : memref<80xi32, #tpu.memory_space<hbm>>) target(%dma_start3A_388 : memref<80xi32, #tpu.memory_space<vmem>>) target_semaphore(%dma_start3A_385 : memref<!tpu.dma_semaphore, #tpu.memory_space<semaphore_mem>>)
          %dma_start3A_392 = arith.constant 1 : i32
          %dma_start3A_393 = arith.constant 1 : i32
          %dma_start3A_394 = arith.constant 0 : i32
          %dma_start3A_395 = tpu.memref_slice %arg10[%dma_start3A_392, %dma_start3A_394] : memref<4x80xi32, #tpu.memory_space<vmem>> -> memref<1x80xi32, #tpu.memory_space<vmem>>
          %dma_start3A_396 = tpu.memref_squeeze %dma_start3A_395 : memref<1x80xi32, #tpu.memory_space<vmem>> -> memref<80xi32, #tpu.memory_space<vmem>>
          %dma_start3A_397 = arith.constant 0 : i32
          %dma_start3A_398 = tpu.memref_slice %arg3[%add3A, %add3A_375, %dma_start3A_397] : memref<32x125x80xi32, #tpu.memory_space<hbm>> -> memref<1x1x80xi32, #tpu.memory_space<hbm>>
          %dma_start3A_399 = tpu.memref_squeeze %dma_start3A_398 : memref<1x1x80xi32, #tpu.memory_space<hbm>> -> memref<80xi32, #tpu.memory_space<hbm>>
          %dma_start3A_400 = tpu.memref_slice %arg16[%dma_start3A_393] : memref<4x!tpu.dma_semaphore, #tpu.memory_space<semaphore_mem>> -> memref<1x!tpu.dma_semaphore, #tpu.memory_space<semaphore_mem>>
          %dma_start3A_401 = tpu.memref_squeeze %dma_start3A_400 : memref<1x!tpu.dma_semaphore, #tpu.memory_space<semaphore_mem>> -> memref<!tpu.dma_semaphore, #tpu.memory_space<semaphore_mem>>
          %dma_start3A_402 = arith.constant 0 : i32
          %dma_start3A_403 = tpu.memref_slice %arg10[%dma_start3A_392, %dma_start3A_402] : memref<4x80xi32, #tpu.memory_space<vmem>> -> memref<1x80xi32, #tpu.memory_space<vmem>>
          %dma_start3A_404 = tpu.memref_squeeze %dma_start3A_403 : memref<1x80xi32, #tpu.memory_space<vmem>> -> memref<80xi32, #tpu.memory_space<vmem>>
          %dma_start3A_405 = arith.constant 0 : i32
          %dma_start3A_406 = tpu.memref_slice %arg3[%add3A, %add3A_375, %dma_start3A_405] : memref<32x125x80xi32, #tpu.memory_space<hbm>> -> memref<1x1x80xi32, #tpu.memory_space<hbm>>
          %dma_start3A_407 = tpu.memref_squeeze %dma_start3A_406 : memref<1x1x80xi32, #tpu.memory_space<hbm>> -> memref<80xi32, #tpu.memory_space<hbm>>
          tpu.enqueue_dma source(%dma_start3A_407 : memref<80xi32, #tpu.memory_space<hbm>>) target(%dma_start3A_404 : memref<80xi32, #tpu.memory_space<vmem>>) target_semaphore(%dma_start3A_401 : memref<!tpu.dma_semaphore, #tpu.memory_space<semaphore_mem>>)
        } else {
        }
        %add3A_367 = arith.constant 2 : i32
        %add3A_368 = arith.addi %add3A_296, %add3A_367 : i32
        %lt3A_369 = arith.constant 125 : i32
        %lt3A_370 = arith.cmpi slt, %add3A_368, %lt3A_369 : i32
        %convert_element_type3A_371 = arith.extui %lt3A_370 : i1 to i32
        %cond3A_372 = arith.constant 0 : i32
        %cond3A_373 = arith.cmpi ne, %convert_element_type3A_371, %cond3A_372 : i32
        scf.if %cond3A_373 {
          %dma_wait3A_374 = arith.constant 0 : i32
          %dma_wait3A_375 = arith.constant 3 : i32
          %dma_wait3A_376 = arith.constant 3 : i32
          %dma_wait3A_377 = arith.constant 0 : i32
          %dma_wait3A_378 = tpu.memref_slice %arg9[%dma_wait3A_375, %dma_wait3A_377] : memref<4x80xi32, #tpu.memory_space<vmem>> -> memref<1x80xi32, #tpu.memory_space<vmem>>
          %dma_wait3A_379 = tpu.memref_squeeze %dma_wait3A_378 : memref<1x80xi32, #tpu.memory_space<vmem>> -> memref<80xi32, #tpu.memory_space<vmem>>
          %dma_wait3A_380 = arith.constant 0 : i32
          %dma_wait3A_381 = tpu.memref_slice %arg2[%add3A, %dma_wait3A_374, %dma_wait3A_380] : memref<32x125x80xi32, #tpu.memory_space<hbm>> -> memref<1x1x80xi32, #tpu.memory_space<hbm>>
          %dma_wait3A_382 = tpu.memref_squeeze %dma_wait3A_381 : memref<1x1x80xi32, #tpu.memory_space<hbm>> -> memref<80xi32, #tpu.memory_space<hbm>>
          %dma_wait3A_383 = tpu.memref_slice %arg15[%dma_wait3A_376] : memref<4x!tpu.dma_semaphore, #tpu.memory_space<semaphore_mem>> -> memref<1x!tpu.dma_semaphore, #tpu.memory_space<semaphore_mem>>
          %dma_wait3A_384 = tpu.memref_squeeze %dma_wait3A_383 : memref<1x!tpu.dma_semaphore, #tpu.memory_space<semaphore_mem>> -> memref<!tpu.dma_semaphore, #tpu.memory_space<semaphore_mem>>
          %dma_wait3A_385 = arith.constant 0 : i32
          %dma_wait3A_386 = tpu.memref_slice %arg9[%dma_wait3A_375, %dma_wait3A_385] : memref<4x80xi32, #tpu.memory_space<vmem>> -> memref<1x80xi32, #tpu.memory_space<vmem>>
          %dma_wait3A_387 = tpu.memref_squeeze %dma_wait3A_386 : memref<1x80xi32, #tpu.memory_space<vmem>> -> memref<80xi32, #tpu.memory_space<vmem>>
          %dma_wait3A_388 = arith.constant 0 : i32
          %dma_wait3A_389 = tpu.memref_slice %arg2[%add3A, %dma_wait3A_374, %dma_wait3A_388] : memref<32x125x80xi32, #tpu.memory_space<hbm>> -> memref<1x1x80xi32, #tpu.memory_space<hbm>>
          %dma_wait3A_390 = tpu.memref_squeeze %dma_wait3A_389 : memref<1x1x80xi32, #tpu.memory_space<hbm>> -> memref<80xi32, #tpu.memory_space<hbm>>
          tpu.wait_dma2 semaphore(%dma_wait3A_384 : memref<!tpu.dma_semaphore, #tpu.memory_space<semaphore_mem>>) src(%dma_wait3A_390 : memref<80xi32, #tpu.memory_space<hbm>>) dst(%dma_wait3A_387 : memref<80xi32, #tpu.memory_space<vmem>>)
          %dma_wait3A_391 = arith.constant 0 : i32
          %dma_wait3A_392 = arith.constant 3 : i32
          %dma_wait3A_393 = arith.constant 3 : i32
          %dma_wait3A_394 = arith.constant 0 : i32
          %dma_wait3A_395 = tpu.memref_slice %arg10[%dma_wait3A_392, %dma_wait3A_394] : memref<4x80xi32, #tpu.memory_space<vmem>> -> memref<1x80xi32, #tpu.memory_space<vmem>>
          %dma_wait3A_396 = tpu.memref_squeeze %dma_wait3A_395 : memref<1x80xi32, #tpu.memory_space<vmem>> -> memref<80xi32, #tpu.memory_space<vmem>>
          %dma_wait3A_397 = arith.constant 0 : i32
          %dma_wait3A_398 = tpu.memref_slice %arg3[%add3A, %dma_wait3A_391, %dma_wait3A_397] : memref<32x125x80xi32, #tpu.memory_space<hbm>> -> memref<1x1x80xi32, #tpu.memory_space<hbm>>
          %dma_wait3A_399 = tpu.memref_squeeze %dma_wait3A_398 : memref<1x1x80xi32, #tpu.memory_space<hbm>> -> memref<80xi32, #tpu.memory_space<hbm>>
          %dma_wait3A_400 = tpu.memref_slice %arg16[%dma_wait3A_393] : memref<4x!tpu.dma_semaphore, #tpu.memory_space<semaphore_mem>> -> memref<1x!tpu.dma_semaphore, #tpu.memory_space<semaphore_mem>>
          %dma_wait3A_401 = tpu.memref_squeeze %dma_wait3A_400 : memref<1x!tpu.dma_semaphore, #tpu.memory_space<semaphore_mem>> -> memref<!tpu.dma_semaphore, #tpu.memory_space<semaphore_mem>>
          %dma_wait3A_402 = arith.constant 0 : i32
          %dma_wait3A_403 = tpu.memref_slice %arg10[%dma_wait3A_392, %dma_wait3A_402] : memref<4x80xi32, #tpu.memory_space<vmem>> -> memref<1x80xi32, #tpu.memory_space<vmem>>
          %dma_wait3A_404 = tpu.memref_squeeze %dma_wait3A_403 : memref<1x80xi32, #tpu.memory_space<vmem>> -> memref<80xi32, #tpu.memory_space<vmem>>
          %dma_wait3A_405 = arith.constant 0 : i32
          %dma_wait3A_406 = tpu.memref_slice %arg3[%add3A, %dma_wait3A_391, %dma_wait3A_405] : memref<32x125x80xi32, #tpu.memory_space<hbm>> -> memref<1x1x80xi32, #tpu.memory_space<hbm>>
          %dma_wait3A_407 = tpu.memref_squeeze %dma_wait3A_406 : memref<1x1x80xi32, #tpu.memory_space<hbm>> -> memref<80xi32, #tpu.memory_space<hbm>>
          tpu.wait_dma2 semaphore(%dma_wait3A_401 : memref<!tpu.dma_semaphore, #tpu.memory_space<semaphore_mem>>) src(%dma_wait3A_407 : memref<80xi32, #tpu.memory_space<hbm>>) dst(%dma_wait3A_404 : memref<80xi32, #tpu.memory_space<vmem>>)
          %add3A_408 = arith.constant 2 : i32
          %add3A_409 = arith.addi %add3A_296, %add3A_408 : i32
          %dma_start3A_410 = arith.constant 3 : i32
          %dma_start3A_411 = arith.constant 1 : i32
          %dma_start3A_412 = arith.constant 1 : i32
          %dma_start3A_413 = arith.constant 0 : i32
          %dma_start3A_414 = arith.constant 0 : i32
          %dma_start3A_415 = tpu.memref_slice %arg11[%dma_start3A_411, %dma_start3A_413, %dma_start3A_414] : memref<2x80x128xf32, #tpu.memory_space<vmem>> -> memref<1x80x128xf32, #tpu.memory_space<vmem>>
          %dma_start3A_416 = tpu.memref_squeeze %dma_start3A_415 : memref<1x80x128xf32, #tpu.memory_space<vmem>> -> memref<80x128xf32, #tpu.memory_space<vmem>>
          %dma_start3A_417 = arith.constant 0 : i32
          %dma_start3A_418 = tpu.memref_slice %arg9[%dma_start3A_410, %dma_start3A_417] : memref<4x80xi32, #tpu.memory_space<vmem>> -> memref<1x80xi32, #tpu.memory_space<vmem>>
          %dma_start3A_419 = tpu.memref_squeeze %dma_start3A_418 : memref<1x80xi32, #tpu.memory_space<vmem>> -> memref<80xi32, #tpu.memory_space<vmem>>
          %dma_start3A_420 = arith.constant 0 : i32
          %dma_start3A_421 = arith.constant 0 : i32
          %dma_start3A_422 = tpu.memref_slice %arg5[%dma_start3A_420, %dma_start3A_421] : memref<10000x128xf32, #tpu.memory_space<hbm>> -> memref<10000x128xf32, #tpu.memory_space<hbm>>
          %dma_start3A_423 = tpu.memref_slice %arg13[%dma_start3A_412] : memref<2x!tpu.dma_semaphore, #tpu.memory_space<semaphore_mem>> -> memref<1x!tpu.dma_semaphore, #tpu.memory_space<semaphore_mem>>
          %dma_start3A_424 = tpu.memref_squeeze %dma_start3A_423 : memref<1x!tpu.dma_semaphore, #tpu.memory_space<semaphore_mem>> -> memref<!tpu.dma_semaphore, #tpu.memory_space<semaphore_mem>>
          tpu.enqueue_indirect_dma source(%dma_start3A_422 : memref<10000x128xf32, #tpu.memory_space<hbm>>) target(%dma_start3A_416 : memref<80x128xf32, #tpu.memory_space<vmem>>) offsets(%dma_start3A_419 : memref<80xi32, #tpu.memory_space<vmem>>) semaphore(%dma_start3A_424 : memref<!tpu.dma_semaphore, #tpu.memory_space<semaphore_mem>>)
          %mul3A_425 = arith.constant 80 : i32
          %mul3A_426 = arith.muli %add3A_409, %mul3A_425 : i32
          %add3A_427 = arith.addi %mul3A_4, %mul3A_426 : i32
          %dma_start3A_428 = arith.constant 1 : i32
          %dma_start3A_429 = arith.constant 1 : i32
          %dma_start3A_430 = arith.constant 0 : i32
          %dma_start3A_431 = arith.constant 0 : i32
          %dma_start3A_432 = tpu.memref_slice %arg12[%dma_start3A_428, %dma_start3A_430, %dma_start3A_431] : memref<2x80x64xi32, #tpu.memory_space<vmem>> -> memref<1x80x64xi32, #tpu.memory_space<vmem>>
          %dma_start3A_433 = tpu.memref_squeeze %dma_start3A_432 : memref<1x80x64xi32, #tpu.memory_space<vmem>> -> memref<80x64xi32, #tpu.memory_space<vmem>>
          %dma_start3A_434 = arith.constant 0 : i32
          %dma_start3A_435 = tpu.memref_slice %arg4[%add3A_427, %dma_start3A_434] : memref<320000x64xi32, #tpu.memory_space<hbm>> -> memref<80x64xi32, #tpu.memory_space<hbm>>
          %dma_start3A_436 = tpu.memref_slice %arg14[%dma_start3A_429] : memref<2x!tpu.dma_semaphore, #tpu.memory_space<semaphore_mem>> -> memref<1x!tpu.dma_semaphore, #tpu.memory_space<semaphore_mem>>
          %dma_start3A_437 = tpu.memref_squeeze %dma_start3A_436 : memref<1x!tpu.dma_semaphore, #tpu.memory_space<semaphore_mem>> -> memref<!tpu.dma_semaphore, #tpu.memory_space<semaphore_mem>>
          %dma_start3A_438 = arith.constant 0 : i32
          %dma_start3A_439 = arith.constant 0 : i32
          %dma_start3A_440 = tpu.memref_slice %arg12[%dma_start3A_428, %dma_start3A_438, %dma_start3A_439] : memref<2x80x64xi32, #tpu.memory_space<vmem>> -> memref<1x80x64xi32, #tpu.memory_space<vmem>>
          %dma_start3A_441 = tpu.memref_squeeze %dma_start3A_440 : memref<1x80x64xi32, #tpu.memory_space<vmem>> -> memref<80x64xi32, #tpu.memory_space<vmem>>
          %dma_start3A_442 = arith.constant 0 : i32
          %dma_start3A_443 = tpu.memref_slice %arg4[%add3A_427, %dma_start3A_442] : memref<320000x64xi32, #tpu.memory_space<hbm>> -> memref<80x64xi32, #tpu.memory_space<hbm>>
          tpu.enqueue_dma source(%dma_start3A_443 : memref<80x64xi32, #tpu.memory_space<hbm>>) target(%dma_start3A_441 : memref<80x64xi32, #tpu.memory_space<vmem>>) target_semaphore(%dma_start3A_437 : memref<!tpu.dma_semaphore, #tpu.memory_space<semaphore_mem>>)
        } else {
        }
      } else {
      }
      %add3A_302 = arith.constant 2 : i32
      %add3A_303 = arith.addi %add3A_290, %add3A_302 : i32
      %lt3A_304 = arith.constant 125 : i32
      %lt3A_305 = arith.cmpi slt, %add3A_303, %lt3A_304 : i32
      %convert_element_type3A_306 = arith.extui %lt3A_305 : i1 to i32
      %cond3A_307 = arith.constant 0 : i32
      %cond3A_308 = arith.cmpi ne, %convert_element_type3A_306, %cond3A_307 : i32
      scf.if %cond3A_308 {
        %dma_wait3A_316 = arith.constant 0 : i32
        %dma_wait3A_317 = arith.constant 0 : i32
        %dma_wait3A_318 = arith.constant 0 : i32
        %dma_wait3A_319 = arith.constant 0 : i32
        %dma_wait3A_320 = tpu.memref_slice %arg11[%dma_wait3A_316, %dma_wait3A_318, %dma_wait3A_319] : memref<2x80x128xf32, #tpu.memory_space<vmem>> -> memref<1x80x128xf32, #tpu.memory_space<vmem>>
        %dma_wait3A_321 = tpu.memref_squeeze %dma_wait3A_320 : memref<1x80x128xf32, #tpu.memory_space<vmem>> -> memref<80x128xf32, #tpu.memory_space<vmem>>
        %dma_wait3A_322 = arith.constant 0 : i32
        %dma_wait3A_323 = arith.constant 0 : i32
        %dma_wait3A_324 = tpu.memref_slice %arg5[%dma_wait3A_322, %dma_wait3A_323] : memref<10000x128xf32, #tpu.memory_space<hbm>> -> memref<80x128xf32, #tpu.memory_space<hbm>>
        %dma_wait3A_325 = tpu.memref_slice %arg13[%dma_wait3A_317] : memref<2x!tpu.dma_semaphore, #tpu.memory_space<semaphore_mem>> -> memref<1x!tpu.dma_semaphore, #tpu.memory_space<semaphore_mem>>
        %dma_wait3A_326 = tpu.memref_squeeze %dma_wait3A_325 : memref<1x!tpu.dma_semaphore, #tpu.memory_space<semaphore_mem>> -> memref<!tpu.dma_semaphore, #tpu.memory_space<semaphore_mem>>
        %dma_wait3A_327 = arith.constant 0 : i32
        %dma_wait3A_328 = arith.constant 0 : i32
        %dma_wait3A_329 = tpu.memref_slice %arg11[%dma_wait3A_316, %dma_wait3A_327, %dma_wait3A_328] : memref<2x80x128xf32, #tpu.memory_space<vmem>> -> memref<1x80x128xf32, #tpu.memory_space<vmem>>
        %dma_wait3A_330 = tpu.memref_squeeze %dma_wait3A_329 : memref<1x80x128xf32, #tpu.memory_space<vmem>> -> memref<80x128xf32, #tpu.memory_space<vmem>>
        %dma_wait3A_331 = arith.constant 0 : i32
        %dma_wait3A_332 = arith.constant 0 : i32
        %dma_wait3A_333 = tpu.memref_slice %arg5[%dma_wait3A_331, %dma_wait3A_332] : memref<10000x128xf32, #tpu.memory_space<hbm>> -> memref<80x128xf32, #tpu.memory_space<hbm>>
        tpu.wait_dma2 semaphore(%dma_wait3A_326 : memref<!tpu.dma_semaphore, #tpu.memory_space<semaphore_mem>>) src(%dma_wait3A_333 : memref<80x128xf32, #tpu.memory_space<hbm>>) dst(%dma_wait3A_330 : memref<80x128xf32, #tpu.memory_space<vmem>>)
        %dma_wait3A_334 = arith.constant 0 : i32
        %dma_wait3A_335 = arith.constant 0 : i32
        %dma_wait3A_336 = arith.constant 0 : i32
        %dma_wait3A_337 = arith.constant 0 : i32
        %dma_wait3A_338 = tpu.memref_slice %arg12[%dma_wait3A_334, %dma_wait3A_336, %dma_wait3A_337] : memref<2x80x64xi32, #tpu.memory_space<vmem>> -> memref<1x80x64xi32, #tpu.memory_space<vmem>>
        %dma_wait3A_339 = tpu.memref_squeeze %dma_wait3A_338 : memref<1x80x64xi32, #tpu.memory_space<vmem>> -> memref<80x64xi32, #tpu.memory_space<vmem>>
        %dma_wait3A_340 = arith.constant 0 : i32
        %dma_wait3A_341 = arith.constant 0 : i32
        %dma_wait3A_342 = tpu.memref_slice %arg4[%dma_wait3A_340, %dma_wait3A_341] : memref<320000x64xi32, #tpu.memory_space<hbm>> -> memref<80x64xi32, #tpu.memory_space<hbm>>
        %dma_wait3A_343 = tpu.memref_slice %arg14[%dma_wait3A_335] : memref<2x!tpu.dma_semaphore, #tpu.memory_space<semaphore_mem>> -> memref<1x!tpu.dma_semaphore, #tpu.memory_space<semaphore_mem>>
        %dma_wait3A_344 = tpu.memref_squeeze %dma_wait3A_343 : memref<1x!tpu.dma_semaphore, #tpu.memory_space<semaphore_mem>> -> memref<!tpu.dma_semaphore, #tpu.memory_space<semaphore_mem>>
        %dma_wait3A_345 = arith.constant 0 : i32
        %dma_wait3A_346 = arith.constant 0 : i32
        %dma_wait3A_347 = tpu.memref_slice %arg12[%dma_wait3A_334, %dma_wait3A_345, %dma_wait3A_346] : memref<2x80x64xi32, #tpu.memory_space<vmem>> -> memref<1x80x64xi32, #tpu.memory_space<vmem>>
        %dma_wait3A_348 = tpu.memref_squeeze %dma_wait3A_347 : memref<1x80x64xi32, #tpu.memory_space<vmem>> -> memref<80x64xi32, #tpu.memory_space<vmem>>
        %dma_wait3A_349 = arith.constant 0 : i32
        %dma_wait3A_350 = arith.constant 0 : i32
        %dma_wait3A_351 = tpu.memref_slice %arg4[%dma_wait3A_349, %dma_wait3A_350] : memref<320000x64xi32, #tpu.memory_space<hbm>> -> memref<80x64xi32, #tpu.memory_space<hbm>>
        tpu.wait_dma2 semaphore(%dma_wait3A_344 : memref<!tpu.dma_semaphore, #tpu.memory_space<semaphore_mem>>) src(%dma_wait3A_351 : memref<80x64xi32, #tpu.memory_space<hbm>>) dst(%dma_wait3A_348 : memref<80x64xi32, #tpu.memory_space<vmem>>)
        %scan3A_352 = arith.constant 0 : i32
        %scan3A_353 = arith.constant 0 : i32
        %scan3A_354 = arith.constant 0 : i32
        %scan3A_355 = arith.constant 80 : i32
        %scan3A_356 = arith.addi %scan3A_354, %scan3A_355 : i32
        %scan3A_357 = arith.constant 1 : i32
        scf.for %scan3A_374 = %scan3A_354 to %scan3A_356 step %scan3A_357  : i32 {
          %mul3A_375 = arith.constant 1 : i32
          %mul3A_376 = arith.muli %scan3A_374, %mul3A_375 : i32
          %add3A_377 = arith.constant 0 : i32
          %add3A_378 = arith.addi %add3A_377, %mul3A_376 : i32
          %get3A = arith.constant 0 : i32
          %get3A_379 = arith.constant 0 : i32
          %get3A_380 = tpu.memref_slice %arg12[%scan3A_352, %get3A, %get3A_379] : memref<2x80x64xi32, #tpu.memory_space<vmem>> -> memref<1x80x64xi32, #tpu.memory_space<vmem>>
          %get3A_381 = tpu.memref_squeeze %get3A_380 : memref<1x80x64xi32, #tpu.memory_space<vmem>> -> memref<80x64xi32, #tpu.memory_space<vmem>>
          %get3A_382 = arith.index_cast %add3A_378 : i32 to index
          %get3A_383 = arith.constant 0 : index
          %get3A_384 = tpu.vector_load %get3A_381[%get3A_382, %get3A_383] {strides = array<i32>} : memref<80x64xi32, #tpu.memory_space<vmem>>, vector<16xi32>,
          %get3A_385 = arith.constant 0 : i32
          %get3A_386 = arith.constant 0 : i32
          %get3A_387 = tpu.memref_slice %arg11[%scan3A_353, %get3A_385, %get3A_386] : memref<2x80x128xf32, #tpu.memory_space<vmem>> -> memref<1x80x128xf32, #tpu.memory_space<vmem>>
          %get3A_388 = tpu.memref_squeeze %get3A_387 : memref<1x80x128xf32, #tpu.memory_space<vmem>> -> memref<80x128xf32, #tpu.memory_space<vmem>>
          %get3A_389 = arith.index_cast %add3A_378 : i32 to index
          %get3A_390 = arith.constant 0 : index
          %get3A_391 = tpu.vector_load %get3A_388[%get3A_389, %get3A_390] {strides = array<i32>} : memref<80x128xf32, #tpu.memory_space<vmem>>, vector<16xf32>,
          %get3A_392 = arith.constant 0 : i32
          %get3A_393 = arith.constant 0 : i32
          %get3A_394 = tpu.memref_slice %arg11[%scan3A_353, %get3A_392, %get3A_393] : memref<2x80x128xf32, #tpu.memory_space<vmem>> -> memref<1x80x128xf32, #tpu.memory_space<vmem>>
          %get3A_395 = tpu.memref_squeeze %get3A_394 : memref<1x80x128xf32, #tpu.memory_space<vmem>> -> memref<80x128xf32, #tpu.memory_space<vmem>>
          %get3A_396 = arith.index_cast %add3A_378 : i32 to index
          %get3A_397 = arith.constant 16 : index
          %get3A_398 = tpu.vector_load %get3A_395[%get3A_396, %get3A_397] {strides = array<i32>} : memref<80x128xf32, #tpu.memory_space<vmem>>, vector<16xf32>,
          %shift_left3A = arith.constant 16 : i32
          %shift_left3A_399 = vector.broadcast %shift_left3A : i32 to vector<16xi32>
          %shift_left3A_400 = arith.shli %get3A_384, %shift_left3A_399 : vector<16xi32>
          %bitcast3A = vector.bitcast %shift_left3A_400 : vector<16xi32> to vector<16xf32>
          %and3A = arith.constant -65536 : i32
          %and3A_401 = vector.broadcast %and3A : i32 to vector<16xi32>
          %and3A_402 = arith.andi %get3A_384, %and3A_401 : vector<16xi32>
          %bitcast3A_403 = vector.bitcast %and3A_402 : vector<16xi32> to vector<16xf32>
          %add3A_404 = arith.addf %get3A_391, %bitcast3A : vector<16xf32>
          %max3A = arith.constant 0.000000e+00 : f32
          %max3A_405 = vector.broadcast %max3A : f32 to vector<16xf32>
          %max3A_406 = arith.maximumf %add3A_404, %max3A_405 : vector<16xf32>
          %swap3A = arith.constant 0 : i32
          %swap3A_407 = arith.constant 0 : i32
          %swap3A_408 = tpu.memref_slice %arg11[%scan3A_353, %swap3A, %swap3A_407] : memref<2x80x128xf32, #tpu.memory_space<vmem>> -> memref<1x80x128xf32, #tpu.memory_space<vmem>>
          %swap3A_409 = tpu.memref_squeeze %swap3A_408 : memref<1x80x128xf32, #tpu.memory_space<vmem>> -> memref<80x128xf32, #tpu.memory_space<vmem>>
          %swap3A_410 = arith.index_cast %add3A_378 : i32 to index
          %swap3A_411 = arith.constant 0 : index
          %swap3A_412 = tpu.vector_load %swap3A_409[%swap3A_410, %swap3A_411] {strides = array<i32>} : memref<80x128xf32, #tpu.memory_space<vmem>>, vector<16xf32>,
          tpu.vector_store %swap3A_409[%swap3A_410, %swap3A_411], %max3A_406 {strides = array<i32>} : memref<80x128xf32, #tpu.memory_space<vmem>>, vector<16xf32>,
          %add3A_413 = arith.addf %get3A_398, %bitcast3A_403 : vector<16xf32>
          %max3A_414 = arith.constant 0.000000e+00 : f32
          %max3A_415 = vector.broadcast %max3A_414 : f32 to vector<16xf32>
          %max3A_416 = arith.maximumf %add3A_413, %max3A_415 : vector<16xf32>
          %swap3A_417 = arith.constant 0 : i32
          %swap3A_418 = arith.constant 0 : i32
          %swap3A_419 = tpu.memref_slice %arg11[%scan3A_353, %swap3A_417, %swap3A_418] : memref<2x80x128xf32, #tpu.memory_space<vmem>> -> memref<1x80x128xf32, #tpu.memory_space<vmem>>
          %swap3A_420 = tpu.memref_squeeze %swap3A_419 : memref<1x80x128xf32, #tpu.memory_space<vmem>> -> memref<80x128xf32, #tpu.memory_space<vmem>>
          %swap3A_421 = arith.index_cast %add3A_378 : i32 to index
          %swap3A_422 = arith.constant 16 : index
          %swap3A_423 = tpu.vector_load %swap3A_420[%swap3A_421, %swap3A_422] {strides = array<i32>} : memref<80x128xf32, #tpu.memory_space<vmem>>, vector<16xf32>,
          tpu.vector_store %swap3A_420[%swap3A_421, %swap3A_422], %max3A_416 {strides = array<i32>} : memref<80x128xf32, #tpu.memory_space<vmem>>, vector<16xf32>,
          %get3A_424 = arith.constant 0 : i32
          %get3A_425 = arith.constant 0 : i32
          %get3A_426 = tpu.memref_slice %arg12[%scan3A_352, %get3A_424, %get3A_425] : memref<2x80x64xi32, #tpu.memory_space<vmem>> -> memref<1x80x64xi32, #tpu.memory_space<vmem>>
          %get3A_427 = tpu.memref_squeeze %get3A_426 : memref<1x80x64xi32, #tpu.memory_space<vmem>> -> memref<80x64xi32, #tpu.memory_space<vmem>>
          %get3A_428 = arith.index_cast %add3A_378 : i32 to index
          %get3A_429 = arith.constant 16 : index
          %get3A_430 = tpu.vector_load %get3A_427[%get3A_428, %get3A_429] {strides = array<i32>} : memref<80x64xi32, #tpu.memory_space<vmem>>, vector<16xi32>,
          %get3A_431 = arith.constant 0 : i32
          %get3A_432 = arith.constant 0 : i32
          %get3A_433 = tpu.memref_slice %arg11[%scan3A_353, %get3A_431, %get3A_432] : memref<2x80x128xf32, #tpu.memory_space<vmem>> -> memref<1x80x128xf32, #tpu.memory_space<vmem>>
          %get3A_434 = tpu.memref_squeeze %get3A_433 : memref<1x80x128xf32, #tpu.memory_space<vmem>> -> memref<80x128xf32, #tpu.memory_space<vmem>>
          %get3A_435 = arith.index_cast %add3A_378 : i32 to index
          %get3A_436 = arith.constant 32 : index
          %get3A_437 = tpu.vector_load %get3A_434[%get3A_435, %get3A_436] {strides = array<i32>} : memref<80x128xf32, #tpu.memory_space<vmem>>, vector<16xf32>,
          %get3A_438 = arith.constant 0 : i32
          %get3A_439 = arith.constant 0 : i32
          %get3A_440 = tpu.memref_slice %arg11[%scan3A_353, %get3A_438, %get3A_439] : memref<2x80x128xf32, #tpu.memory_space<vmem>> -> memref<1x80x128xf32, #tpu.memory_space<vmem>>
          %get3A_441 = tpu.memref_squeeze %get3A_440 : memref<1x80x128xf32, #tpu.memory_space<vmem>> -> memref<80x128xf32, #tpu.memory_space<vmem>>
          %get3A_442 = arith.index_cast %add3A_378 : i32 to index
          %get3A_443 = arith.constant 48 : index
          %get3A_444 = tpu.vector_load %get3A_441[%get3A_442, %get3A_443] {strides = array<i32>} : memref<80x128xf32, #tpu.memory_space<vmem>>, vector<16xf32>,
          %shift_left3A_445 = arith.constant 16 : i32
          %shift_left3A_446 = vector.broadcast %shift_left3A_445 : i32 to vector<16xi32>
          %shift_left3A_447 = arith.shli %get3A_430, %shift_left3A_446 : vector<16xi32>
          %bitcast3A_448 = vector.bitcast %shift_left3A_447 : vector<16xi32> to vector<16xf32>
          %and3A_449 = arith.constant -65536 : i32
          %and3A_450 = vector.broadcast %and3A_449 : i32 to vector<16xi32>
          %and3A_451 = arith.andi %get3A_430, %and3A_450 : vector<16xi32>
          %bitcast3A_452 = vector.bitcast %and3A_451 : vector<16xi32> to vector<16xf32>
          %add3A_453 = arith.addf %get3A_437, %bitcast3A_448 : vector<16xf32>
          %max3A_454 = arith.constant 0.000000e+00 : f32
          %max3A_455 = vector.broadcast %max3A_454 : f32 to vector<16xf32>
          %max3A_456 = arith.maximumf %add3A_453, %max3A_455 : vector<16xf32>
          %swap3A_457 = arith.constant 0 : i32
          %swap3A_458 = arith.constant 0 : i32
          %swap3A_459 = tpu.memref_slice %arg11[%scan3A_353, %swap3A_457, %swap3A_458] : memref<2x80x128xf32, #tpu.memory_space<vmem>> -> memref<1x80x128xf32, #tpu.memory_space<vmem>>
          %swap3A_460 = tpu.memref_squeeze %swap3A_459 : memref<1x80x128xf32, #tpu.memory_space<vmem>> -> memref<80x128xf32, #tpu.memory_space<vmem>>
          %swap3A_461 = arith.index_cast %add3A_378 : i32 to index
          %swap3A_462 = arith.constant 32 : index
          %swap3A_463 = tpu.vector_load %swap3A_460[%swap3A_461, %swap3A_462] {strides = array<i32>} : memref<80x128xf32, #tpu.memory_space<vmem>>, vector<16xf32>,
          tpu.vector_store %swap3A_460[%swap3A_461, %swap3A_462], %max3A_456 {strides = array<i32>} : memref<80x128xf32, #tpu.memory_space<vmem>>, vector<16xf32>,
          %add3A_464 = arith.addf %get3A_444, %bitcast3A_452 : vector<16xf32>
          %max3A_465 = arith.constant 0.000000e+00 : f32
          %max3A_466 = vector.broadcast %max3A_465 : f32 to vector<16xf32>
          %max3A_467 = arith.maximumf %add3A_464, %max3A_466 : vector<16xf32>
          %swap3A_468 = arith.constant 0 : i32
          %swap3A_469 = arith.constant 0 : i32
          %swap3A_470 = tpu.memref_slice %arg11[%scan3A_353, %swap3A_468, %swap3A_469] : memref<2x80x128xf32, #tpu.memory_space<vmem>> -> memref<1x80x128xf32, #tpu.memory_space<vmem>>
          %swap3A_471 = tpu.memref_squeeze %swap3A_470 : memref<1x80x128xf32, #tpu.memory_space<vmem>> -> memref<80x128xf32, #tpu.memory_space<vmem>>
          %swap3A_472 = arith.index_cast %add3A_378 : i32 to index
          %swap3A_473 = arith.constant 48 : index
          %swap3A_474 = tpu.vector_load %swap3A_471[%swap3A_472, %swap3A_473] {strides = array<i32>} : memref<80x128xf32, #tpu.memory_space<vmem>>, vector<16xf32>,
          tpu.vector_store %swap3A_471[%swap3A_472, %swap3A_473], %max3A_467 {strides = array<i32>} : memref<80x128xf32, #tpu.memory_space<vmem>>, vector<16xf32>,
          %get3A_475 = arith.constant 0 : i32
          %get3A_476 = arith.constant 0 : i32
          %get3A_477 = tpu.memref_slice %arg12[%scan3A_352, %get3A_475, %get3A_476] : memref<2x80x64xi32, #tpu.memory_space<vmem>> -> memref<1x80x64xi32, #tpu.memory_space<vmem>>
          %get3A_478 = tpu.memref_squeeze %get3A_477 : memref<1x80x64xi32, #tpu.memory_space<vmem>> -> memref<80x64xi32, #tpu.memory_space<vmem>>
          %get3A_479 = arith.index_cast %add3A_378 : i32 to index
          %get3A_480 = arith.constant 32 : index
          %get3A_481 = tpu.vector_load %get3A_478[%get3A_479, %get3A_480] {strides = array<i32>} : memref<80x64xi32, #tpu.memory_space<vmem>>, vector<16xi32>,
          %get3A_482 = arith.constant 0 : i32
          %get3A_483 = arith.constant 0 : i32
          %get3A_484 = tpu.memref_slice %arg11[%scan3A_353, %get3A_482, %get3A_483] : memref<2x80x128xf32, #tpu.memory_space<vmem>> -> memref<1x80x128xf32, #tpu.memory_space<vmem>>
          %get3A_485 = tpu.memref_squeeze %get3A_484 : memref<1x80x128xf32, #tpu.memory_space<vmem>> -> memref<80x128xf32, #tpu.memory_space<vmem>>
          %get3A_486 = arith.index_cast %add3A_378 : i32 to index
          %get3A_487 = arith.constant 64 : index
          %get3A_488 = tpu.vector_load %get3A_485[%get3A_486, %get3A_487] {strides = array<i32>} : memref<80x128xf32, #tpu.memory_space<vmem>>, vector<16xf32>,
          %get3A_489 = arith.constant 0 : i32
          %get3A_490 = arith.constant 0 : i32
          %get3A_491 = tpu.memref_slice %arg11[%scan3A_353, %get3A_489, %get3A_490] : memref<2x80x128xf32, #tpu.memory_space<vmem>> -> memref<1x80x128xf32, #tpu.memory_space<vmem>>
          %get3A_492 = tpu.memref_squeeze %get3A_491 : memref<1x80x128xf32, #tpu.memory_space<vmem>> -> memref<80x128xf32, #tpu.memory_space<vmem>>
          %get3A_493 = arith.index_cast %add3A_378 : i32 to index
          %get3A_494 = arith.constant 80 : index
          %get3A_495 = tpu.vector_load %get3A_492[%get3A_493, %get3A_494] {strides = array<i32>} : memref<80x128xf32, #tpu.memory_space<vmem>>, vector<16xf32>,
          %shift_left3A_496 = arith.constant 16 : i32
          %shift_left3A_497 = vector.broadcast %shift_left3A_496 : i32 to vector<16xi32>
          %shift_left3A_498 = arith.shli %get3A_481, %shift_left3A_497 : vector<16xi32>
          %bitcast3A_499 = vector.bitcast %shift_left3A_498 : vector<16xi32> to vector<16xf32>
          %and3A_500 = arith.constant -65536 : i32
          %and3A_501 = vector.broadcast %and3A_500 : i32 to vector<16xi32>
          %and3A_502 = arith.andi %get3A_481, %and3A_501 : vector<16xi32>
          %bitcast3A_503 = vector.bitcast %and3A_502 : vector<16xi32> to vector<16xf32>
          %add3A_504 = arith.addf %get3A_488, %bitcast3A_499 : vector<16xf32>
          %max3A_505 = arith.constant 0.000000e+00 : f32
          %max3A_506 = vector.broadcast %max3A_505 : f32 to vector<16xf32>
          %max3A_507 = arith.maximumf %add3A_504, %max3A_506 : vector<16xf32>
          %swap3A_508 = arith.constant 0 : i32
          %swap3A_509 = arith.constant 0 : i32
          %swap3A_510 = tpu.memref_slice %arg11[%scan3A_353, %swap3A_508, %swap3A_509] : memref<2x80x128xf32, #tpu.memory_space<vmem>> -> memref<1x80x128xf32, #tpu.memory_space<vmem>>
          %swap3A_511 = tpu.memref_squeeze %swap3A_510 : memref<1x80x128xf32, #tpu.memory_space<vmem>> -> memref<80x128xf32, #tpu.memory_space<vmem>>
          %swap3A_512 = arith.index_cast %add3A_378 : i32 to index
          %swap3A_513 = arith.constant 64 : index
          %swap3A_514 = tpu.vector_load %swap3A_511[%swap3A_512, %swap3A_513] {strides = array<i32>} : memref<80x128xf32, #tpu.memory_space<vmem>>, vector<16xf32>,
          tpu.vector_store %swap3A_511[%swap3A_512, %swap3A_513], %max3A_507 {strides = array<i32>} : memref<80x128xf32, #tpu.memory_space<vmem>>, vector<16xf32>,
          %add3A_515 = arith.addf %get3A_495, %bitcast3A_503 : vector<16xf32>
          %max3A_516 = arith.constant 0.000000e+00 : f32
          %max3A_517 = vector.broadcast %max3A_516 : f32 to vector<16xf32>
          %max3A_518 = arith.maximumf %add3A_515, %max3A_517 : vector<16xf32>
          %swap3A_519 = arith.constant 0 : i32
          %swap3A_520 = arith.constant 0 : i32
          %swap3A_521 = tpu.memref_slice %arg11[%scan3A_353, %swap3A_519, %swap3A_520] : memref<2x80x128xf32, #tpu.memory_space<vmem>> -> memref<1x80x128xf32, #tpu.memory_space<vmem>>
          %swap3A_522 = tpu.memref_squeeze %swap3A_521 : memref<1x80x128xf32, #tpu.memory_space<vmem>> -> memref<80x128xf32, #tpu.memory_space<vmem>>
          %swap3A_523 = arith.index_cast %add3A_378 : i32 to index
          %swap3A_524 = arith.constant 80 : index
          %swap3A_525 = tpu.vector_load %swap3A_522[%swap3A_523, %swap3A_524] {strides = array<i32>} : memref<80x128xf32, #tpu.memory_space<vmem>>, vector<16xf32>,
          tpu.vector_store %swap3A_522[%swap3A_523, %swap3A_524], %max3A_518 {strides = array<i32>} : memref<80x128xf32, #tpu.memory_space<vmem>>, vector<16xf32>,
          %get3A_526 = arith.constant 0 : i32
          %get3A_527 = arith.constant 0 : i32
          %get3A_528 = tpu.memref_slice %arg12[%scan3A_352, %get3A_526, %get3A_527] : memref<2x80x64xi32, #tpu.memory_space<vmem>> -> memref<1x80x64xi32, #tpu.memory_space<vmem>>
          %get3A_529 = tpu.memref_squeeze %get3A_528 : memref<1x80x64xi32, #tpu.memory_space<vmem>> -> memref<80x64xi32, #tpu.memory_space<vmem>>
          %get3A_530 = arith.index_cast %add3A_378 : i32 to index
          %get3A_531 = arith.constant 48 : index
          %get3A_532 = tpu.vector_load %get3A_529[%get3A_530, %get3A_531] {strides = array<i32>} : memref<80x64xi32, #tpu.memory_space<vmem>>, vector<16xi32>,
          %get3A_533 = arith.constant 0 : i32
          %get3A_534 = arith.constant 0 : i32
          %get3A_535 = tpu.memref_slice %arg11[%scan3A_353, %get3A_533, %get3A_534] : memref<2x80x128xf32, #tpu.memory_space<vmem>> -> memref<1x80x128xf32, #tpu.memory_space<vmem>>
          %get3A_536 = tpu.memref_squeeze %get3A_535 : memref<1x80x128xf32, #tpu.memory_space<vmem>> -> memref<80x128xf32, #tpu.memory_space<vmem>>
          %get3A_537 = arith.index_cast %add3A_378 : i32 to index
          %get3A_538 = arith.constant 96 : index
          %get3A_539 = tpu.vector_load %get3A_536[%get3A_537, %get3A_538] {strides = array<i32>} : memref<80x128xf32, #tpu.memory_space<vmem>>, vector<16xf32>,
          %get3A_540 = arith.constant 0 : i32
          %get3A_541 = arith.constant 0 : i32
          %get3A_542 = tpu.memref_slice %arg11[%scan3A_353, %get3A_540, %get3A_541] : memref<2x80x128xf32, #tpu.memory_space<vmem>> -> memref<1x80x128xf32, #tpu.memory_space<vmem>>
          %get3A_543 = tpu.memref_squeeze %get3A_542 : memref<1x80x128xf32, #tpu.memory_space<vmem>> -> memref<80x128xf32, #tpu.memory_space<vmem>>
          %get3A_544 = arith.index_cast %add3A_378 : i32 to index
          %get3A_545 = arith.constant 112 : index
          %get3A_546 = tpu.vector_load %get3A_543[%get3A_544, %get3A_545] {strides = array<i32>} : memref<80x128xf32, #tpu.memory_space<vmem>>, vector<16xf32>,
          %shift_left3A_547 = arith.constant 16 : i32
          %shift_left3A_548 = vector.broadcast %shift_left3A_547 : i32 to vector<16xi32>
          %shift_left3A_549 = arith.shli %get3A_532, %shift_left3A_548 : vector<16xi32>
          %bitcast3A_550 = vector.bitcast %shift_left3A_549 : vector<16xi32> to vector<16xf32>
          %and3A_551 = arith.constant -65536 : i32
          %and3A_552 = vector.broadcast %and3A_551 : i32 to vector<16xi32>
          %and3A_553 = arith.andi %get3A_532, %and3A_552 : vector<16xi32>
          %bitcast3A_554 = vector.bitcast %and3A_553 : vector<16xi32> to vector<16xf32>
          %add3A_555 = arith.addf %get3A_539, %bitcast3A_550 : vector<16xf32>
          %max3A_556 = arith.constant 0.000000e+00 : f32
          %max3A_557 = vector.broadcast %max3A_556 : f32 to vector<16xf32>
          %max3A_558 = arith.maximumf %add3A_555, %max3A_557 : vector<16xf32>
          %swap3A_559 = arith.constant 0 : i32
          %swap3A_560 = arith.constant 0 : i32
          %swap3A_561 = tpu.memref_slice %arg11[%scan3A_353, %swap3A_559, %swap3A_560] : memref<2x80x128xf32, #tpu.memory_space<vmem>> -> memref<1x80x128xf32, #tpu.memory_space<vmem>>
          %swap3A_562 = tpu.memref_squeeze %swap3A_561 : memref<1x80x128xf32, #tpu.memory_space<vmem>> -> memref<80x128xf32, #tpu.memory_space<vmem>>
          %swap3A_563 = arith.index_cast %add3A_378 : i32 to index
          %swap3A_564 = arith.constant 96 : index
          %swap3A_565 = tpu.vector_load %swap3A_562[%swap3A_563, %swap3A_564] {strides = array<i32>} : memref<80x128xf32, #tpu.memory_space<vmem>>, vector<16xf32>,
          tpu.vector_store %swap3A_562[%swap3A_563, %swap3A_564], %max3A_558 {strides = array<i32>} : memref<80x128xf32, #tpu.memory_space<vmem>>, vector<16xf32>,
          %add3A_566 = arith.addf %get3A_546, %bitcast3A_554 : vector<16xf32>
          %max3A_567 = arith.constant 0.000000e+00 : f32
          %max3A_568 = vector.broadcast %max3A_567 : f32 to vector<16xf32>
          %max3A_569 = arith.maximumf %add3A_566, %max3A_568 : vector<16xf32>
          %swap3A_570 = arith.constant 0 : i32
          %swap3A_571 = arith.constant 0 : i32
          %swap3A_572 = tpu.memref_slice %arg11[%scan3A_353, %swap3A_570, %swap3A_571] : memref<2x80x128xf32, #tpu.memory_space<vmem>> -> memref<1x80x128xf32, #tpu.memory_space<vmem>>
          %swap3A_573 = tpu.memref_squeeze %swap3A_572 : memref<1x80x128xf32, #tpu.memory_space<vmem>> -> memref<80x128xf32, #tpu.memory_space<vmem>>
          %swap3A_574 = arith.index_cast %add3A_378 : i32 to index
          %swap3A_575 = arith.constant 112 : index
          %swap3A_576 = tpu.vector_load %swap3A_573[%swap3A_574, %swap3A_575] {strides = array<i32>} : memref<80x128xf32, #tpu.memory_space<vmem>>, vector<16xf32>,
          tpu.vector_store %swap3A_573[%swap3A_574, %swap3A_575], %max3A_569 {strides = array<i32>} : memref<80x128xf32, #tpu.memory_space<vmem>>, vector<16xf32>,
        }
        %scan3A_358 = arith.constant 80 : i32
        %run_scoped3A = arith.constant 0 : i32
        %run_scoped3A_359 = arith.constant 2 : i32
        "tpu.region"() ({
          %run_scoped3A_374 = tpu.sem_alloc : memref<!tpu.dma_semaphore, #tpu.memory_space<semaphore_mem>>
          %dma_start3A_375 = arith.constant 0 : i32
          %dma_start3A_376 = arith.constant 0 : i32
          %dma_start3A_377 = tpu.memref_slice %arg11[%run_scoped3A, %dma_start3A_375, %dma_start3A_376] : memref<2x80x128xf32, #tpu.memory_space<vmem>> -> memref<1x80x128xf32, #tpu.memory_space<vmem>>
          %dma_start3A_378 = tpu.memref_squeeze %dma_start3A_377 : memref<1x80x128xf32, #tpu.memory_space<vmem>> -> memref<80x128xf32, #tpu.memory_space<vmem>>
          %dma_start3A_379 = arith.constant 0 : i32
          %dma_start3A_380 = tpu.memref_slice %arg10[%run_scoped3A_359, %dma_start3A_379] : memref<4x80xi32, #tpu.memory_space<vmem>> -> memref<1x80xi32, #tpu.memory_space<vmem>>
          %dma_start3A_381 = tpu.memref_squeeze %dma_start3A_380 : memref<1x80xi32, #tpu.memory_space<vmem>> -> memref<80xi32, #tpu.memory_space<vmem>>
          %dma_start3A_382 = arith.constant 0 : i32
          %dma_start3A_383 = arith.constant 0 : i32
          %dma_start3A_384 = tpu.memref_slice %arg8[%dma_start3A_382, %dma_start3A_383] : memref<10240x128xf32, #tpu.memory_space<vmem_shared>> -> memref<10240x128xf32, #tpu.memory_space<vmem_shared>>
          tpu.enqueue_indirect_dma source(%dma_start3A_378 : memref<80x128xf32, #tpu.memory_space<vmem>>) target(%dma_start3A_384 : memref<10240x128xf32, #tpu.memory_space<vmem_shared>>) offsets(%dma_start3A_381 : memref<80xi32, #tpu.memory_space<vmem>>) semaphore(%run_scoped3A_374 : memref<!tpu.dma_semaphore, #tpu.memory_space<semaphore_mem>>) {add = true}
          %dma_wait3A_385 = arith.constant 0 : i32
          %dma_wait3A_386 = arith.constant 0 : i32
          %dma_wait3A_387 = tpu.memref_slice %arg11[%run_scoped3A, %dma_wait3A_385, %dma_wait3A_386] : memref<2x80x128xf32, #tpu.memory_space<vmem>> -> memref<1x80x128xf32, #tpu.memory_space<vmem>>
          %dma_wait3A_388 = tpu.memref_squeeze %dma_wait3A_387 : memref<1x80x128xf32, #tpu.memory_space<vmem>> -> memref<80x128xf32, #tpu.memory_space<vmem>>
          %dma_wait3A_389 = arith.constant 0 : i32
          %dma_wait3A_390 = tpu.memref_slice %arg10[%run_scoped3A_359, %dma_wait3A_389] : memref<4x80xi32, #tpu.memory_space<vmem>> -> memref<1x80xi32, #tpu.memory_space<vmem>>
          %dma_wait3A_391 = tpu.memref_squeeze %dma_wait3A_390 : memref<1x80xi32, #tpu.memory_space<vmem>> -> memref<80xi32, #tpu.memory_space<vmem>>
          %dma_wait3A_392 = arith.constant 0 : i32
          %dma_wait3A_393 = arith.constant 0 : i32
          %dma_wait3A_394 = tpu.memref_slice %arg8[%dma_wait3A_392, %dma_wait3A_393] : memref<10240x128xf32, #tpu.memory_space<vmem_shared>> -> memref<10240x128xf32, #tpu.memory_space<vmem_shared>>
          tpu.wait_indirect_dma semaphore(%run_scoped3A_374 : memref<!tpu.dma_semaphore, #tpu.memory_space<semaphore_mem>>) src(%dma_wait3A_388 : memref<80x128xf32, #tpu.memory_space<vmem>>) dst(%dma_wait3A_394 : memref<10240x128xf32, #tpu.memory_space<vmem_shared>>)
          tpu.yield
        }) : () -> ()
        %add3A_360 = arith.constant 4 : i32
        %add3A_361 = arith.addi %add3A_303, %add3A_360 : i32
        %lt3A_362 = arith.constant 125 : i32
        %lt3A_363 = arith.cmpi slt, %add3A_361, %lt3A_362 : i32
        %convert_element_type3A_364 = arith.extui %lt3A_363 : i1 to i32
        %cond3A_365 = arith.constant 0 : i32
        %cond3A_366 = arith.cmpi ne, %convert_element_type3A_364, %cond3A_365 : i32
        scf.if %cond3A_366 {
          %add3A_374 = arith.constant 4 : i32
          %add3A_375 = arith.addi %add3A_303, %add3A_374 : i32
          %dma_start3A_376 = arith.constant 2 : i32
          %dma_start3A_377 = arith.constant 2 : i32
          %dma_start3A_378 = arith.constant 0 : i32
          %dma_start3A_379 = tpu.memref_slice %arg9[%dma_start3A_376, %dma_start3A_378] : memref<4x80xi32, #tpu.memory_space<vmem>> -> memref<1x80xi32, #tpu.memory_space<vmem>>
          %dma_start3A_380 = tpu.memref_squeeze %dma_start3A_379 : memref<1x80xi32, #tpu.memory_space<vmem>> -> memref<80xi32, #tpu.memory_space<vmem>>
          %dma_start3A_381 = arith.constant 0 : i32
          %dma_start3A_382 = tpu.memref_slice %arg2[%add3A, %add3A_375, %dma_start3A_381] : memref<32x125x80xi32, #tpu.memory_space<hbm>> -> memref<1x1x80xi32, #tpu.memory_space<hbm>>
          %dma_start3A_383 = tpu.memref_squeeze %dma_start3A_382 : memref<1x1x80xi32, #tpu.memory_space<hbm>> -> memref<80xi32, #tpu.memory_space<hbm>>
          %dma_start3A_384 = tpu.memref_slice %arg15[%dma_start3A_377] : memref<4x!tpu.dma_semaphore, #tpu.memory_space<semaphore_mem>> -> memref<1x!tpu.dma_semaphore, #tpu.memory_space<semaphore_mem>>
          %dma_start3A_385 = tpu.memref_squeeze %dma_start3A_384 : memref<1x!tpu.dma_semaphore, #tpu.memory_space<semaphore_mem>> -> memref<!tpu.dma_semaphore, #tpu.memory_space<semaphore_mem>>
          %dma_start3A_386 = arith.constant 0 : i32
          %dma_start3A_387 = tpu.memref_slice %arg9[%dma_start3A_376, %dma_start3A_386] : memref<4x80xi32, #tpu.memory_space<vmem>> -> memref<1x80xi32, #tpu.memory_space<vmem>>
          %dma_start3A_388 = tpu.memref_squeeze %dma_start3A_387 : memref<1x80xi32, #tpu.memory_space<vmem>> -> memref<80xi32, #tpu.memory_space<vmem>>
          %dma_start3A_389 = arith.constant 0 : i32
          %dma_start3A_390 = tpu.memref_slice %arg2[%add3A, %add3A_375, %dma_start3A_389] : memref<32x125x80xi32, #tpu.memory_space<hbm>> -> memref<1x1x80xi32, #tpu.memory_space<hbm>>
          %dma_start3A_391 = tpu.memref_squeeze %dma_start3A_390 : memref<1x1x80xi32, #tpu.memory_space<hbm>> -> memref<80xi32, #tpu.memory_space<hbm>>
          tpu.enqueue_dma source(%dma_start3A_391 : memref<80xi32, #tpu.memory_space<hbm>>) target(%dma_start3A_388 : memref<80xi32, #tpu.memory_space<vmem>>) target_semaphore(%dma_start3A_385 : memref<!tpu.dma_semaphore, #tpu.memory_space<semaphore_mem>>)
          %dma_start3A_392 = arith.constant 2 : i32
          %dma_start3A_393 = arith.constant 2 : i32
          %dma_start3A_394 = arith.constant 0 : i32
          %dma_start3A_395 = tpu.memref_slice %arg10[%dma_start3A_392, %dma_start3A_394] : memref<4x80xi32, #tpu.memory_space<vmem>> -> memref<1x80xi32, #tpu.memory_space<vmem>>
          %dma_start3A_396 = tpu.memref_squeeze %dma_start3A_395 : memref<1x80xi32, #tpu.memory_space<vmem>> -> memref<80xi32, #tpu.memory_space<vmem>>
          %dma_start3A_397 = arith.constant 0 : i32
          %dma_start3A_398 = tpu.memref_slice %arg3[%add3A, %add3A_375, %dma_start3A_397] : memref<32x125x80xi32, #tpu.memory_space<hbm>> -> memref<1x1x80xi32, #tpu.memory_space<hbm>>
          %dma_start3A_399 = tpu.memref_squeeze %dma_start3A_398 : memref<1x1x80xi32, #tpu.memory_space<hbm>> -> memref<80xi32, #tpu.memory_space<hbm>>
          %dma_start3A_400 = tpu.memref_slice %arg16[%dma_start3A_393] : memref<4x!tpu.dma_semaphore, #tpu.memory_space<semaphore_mem>> -> memref<1x!tpu.dma_semaphore, #tpu.memory_space<semaphore_mem>>
          %dma_start3A_401 = tpu.memref_squeeze %dma_start3A_400 : memref<1x!tpu.dma_semaphore, #tpu.memory_space<semaphore_mem>> -> memref<!tpu.dma_semaphore, #tpu.memory_space<semaphore_mem>>
          %dma_start3A_402 = arith.constant 0 : i32
          %dma_start3A_403 = tpu.memref_slice %arg10[%dma_start3A_392, %dma_start3A_402] : memref<4x80xi32, #tpu.memory_space<vmem>> -> memref<1x80xi32, #tpu.memory_space<vmem>>
          %dma_start3A_404 = tpu.memref_squeeze %dma_start3A_403 : memref<1x80xi32, #tpu.memory_space<vmem>> -> memref<80xi32, #tpu.memory_space<vmem>>
          %dma_start3A_405 = arith.constant 0 : i32
          %dma_start3A_406 = tpu.memref_slice %arg3[%add3A, %add3A_375, %dma_start3A_405] : memref<32x125x80xi32, #tpu.memory_space<hbm>> -> memref<1x1x80xi32, #tpu.memory_space<hbm>>
          %dma_start3A_407 = tpu.memref_squeeze %dma_start3A_406 : memref<1x1x80xi32, #tpu.memory_space<hbm>> -> memref<80xi32, #tpu.memory_space<hbm>>
          tpu.enqueue_dma source(%dma_start3A_407 : memref<80xi32, #tpu.memory_space<hbm>>) target(%dma_start3A_404 : memref<80xi32, #tpu.memory_space<vmem>>) target_semaphore(%dma_start3A_401 : memref<!tpu.dma_semaphore, #tpu.memory_space<semaphore_mem>>)
        } else {
        }
        %add3A_367 = arith.constant 2 : i32
        %add3A_368 = arith.addi %add3A_303, %add3A_367 : i32
        %lt3A_369 = arith.constant 125 : i32
        %lt3A_370 = arith.cmpi slt, %add3A_368, %lt3A_369 : i32
        %convert_element_type3A_371 = arith.extui %lt3A_370 : i1 to i32
        %cond3A_372 = arith.constant 0 : i32
        %cond3A_373 = arith.cmpi ne, %convert_element_type3A_371, %cond3A_372 : i32
        scf.if %cond3A_373 {
          %dma_wait3A_374 = arith.constant 0 : i32
          %dma_wait3A_375 = arith.constant 0 : i32
          %dma_wait3A_376 = arith.constant 0 : i32
          %dma_wait3A_377 = arith.constant 0 : i32
          %dma_wait3A_378 = tpu.memref_slice %arg9[%dma_wait3A_375, %dma_wait3A_377] : memref<4x80xi32, #tpu.memory_space<vmem>> -> memref<1x80xi32, #tpu.memory_space<vmem>>
          %dma_wait3A_379 = tpu.memref_squeeze %dma_wait3A_378 : memref<1x80xi32, #tpu.memory_space<vmem>> -> memref<80xi32, #tpu.memory_space<vmem>>
          %dma_wait3A_380 = arith.constant 0 : i32
          %dma_wait3A_381 = tpu.memref_slice %arg2[%add3A, %dma_wait3A_374, %dma_wait3A_380] : memref<32x125x80xi32, #tpu.memory_space<hbm>> -> memref<1x1x80xi32, #tpu.memory_space<hbm>>
          %dma_wait3A_382 = tpu.memref_squeeze %dma_wait3A_381 : memref<1x1x80xi32, #tpu.memory_space<hbm>> -> memref<80xi32, #tpu.memory_space<hbm>>
          %dma_wait3A_383 = tpu.memref_slice %arg15[%dma_wait3A_376] : memref<4x!tpu.dma_semaphore, #tpu.memory_space<semaphore_mem>> -> memref<1x!tpu.dma_semaphore, #tpu.memory_space<semaphore_mem>>
          %dma_wait3A_384 = tpu.memref_squeeze %dma_wait3A_383 : memref<1x!tpu.dma_semaphore, #tpu.memory_space<semaphore_mem>> -> memref<!tpu.dma_semaphore, #tpu.memory_space<semaphore_mem>>
          %dma_wait3A_385 = arith.constant 0 : i32
          %dma_wait3A_386 = tpu.memref_slice %arg9[%dma_wait3A_375, %dma_wait3A_385] : memref<4x80xi32, #tpu.memory_space<vmem>> -> memref<1x80xi32, #tpu.memory_space<vmem>>
          %dma_wait3A_387 = tpu.memref_squeeze %dma_wait3A_386 : memref<1x80xi32, #tpu.memory_space<vmem>> -> memref<80xi32, #tpu.memory_space<vmem>>
          %dma_wait3A_388 = arith.constant 0 : i32
          %dma_wait3A_389 = tpu.memref_slice %arg2[%add3A, %dma_wait3A_374, %dma_wait3A_388] : memref<32x125x80xi32, #tpu.memory_space<hbm>> -> memref<1x1x80xi32, #tpu.memory_space<hbm>>
          %dma_wait3A_390 = tpu.memref_squeeze %dma_wait3A_389 : memref<1x1x80xi32, #tpu.memory_space<hbm>> -> memref<80xi32, #tpu.memory_space<hbm>>
          tpu.wait_dma2 semaphore(%dma_wait3A_384 : memref<!tpu.dma_semaphore, #tpu.memory_space<semaphore_mem>>) src(%dma_wait3A_390 : memref<80xi32, #tpu.memory_space<hbm>>) dst(%dma_wait3A_387 : memref<80xi32, #tpu.memory_space<vmem>>)
          %dma_wait3A_391 = arith.constant 0 : i32
          %dma_wait3A_392 = arith.constant 0 : i32
          %dma_wait3A_393 = arith.constant 0 : i32
          %dma_wait3A_394 = arith.constant 0 : i32
          %dma_wait3A_395 = tpu.memref_slice %arg10[%dma_wait3A_392, %dma_wait3A_394] : memref<4x80xi32, #tpu.memory_space<vmem>> -> memref<1x80xi32, #tpu.memory_space<vmem>>
          %dma_wait3A_396 = tpu.memref_squeeze %dma_wait3A_395 : memref<1x80xi32, #tpu.memory_space<vmem>> -> memref<80xi32, #tpu.memory_space<vmem>>
          %dma_wait3A_397 = arith.constant 0 : i32
          %dma_wait3A_398 = tpu.memref_slice %arg3[%add3A, %dma_wait3A_391, %dma_wait3A_397] : memref<32x125x80xi32, #tpu.memory_space<hbm>> -> memref<1x1x80xi32, #tpu.memory_space<hbm>>
          %dma_wait3A_399 = tpu.memref_squeeze %dma_wait3A_398 : memref<1x1x80xi32, #tpu.memory_space<hbm>> -> memref<80xi32, #tpu.memory_space<hbm>>
          %dma_wait3A_400 = tpu.memref_slice %arg16[%dma_wait3A_393] : memref<4x!tpu.dma_semaphore, #tpu.memory_space<semaphore_mem>> -> memref<1x!tpu.dma_semaphore, #tpu.memory_space<semaphore_mem>>
          %dma_wait3A_401 = tpu.memref_squeeze %dma_wait3A_400 : memref<1x!tpu.dma_semaphore, #tpu.memory_space<semaphore_mem>> -> memref<!tpu.dma_semaphore, #tpu.memory_space<semaphore_mem>>
          %dma_wait3A_402 = arith.constant 0 : i32
          %dma_wait3A_403 = tpu.memref_slice %arg10[%dma_wait3A_392, %dma_wait3A_402] : memref<4x80xi32, #tpu.memory_space<vmem>> -> memref<1x80xi32, #tpu.memory_space<vmem>>
          %dma_wait3A_404 = tpu.memref_squeeze %dma_wait3A_403 : memref<1x80xi32, #tpu.memory_space<vmem>> -> memref<80xi32, #tpu.memory_space<vmem>>
          %dma_wait3A_405 = arith.constant 0 : i32
          %dma_wait3A_406 = tpu.memref_slice %arg3[%add3A, %dma_wait3A_391, %dma_wait3A_405] : memref<32x125x80xi32, #tpu.memory_space<hbm>> -> memref<1x1x80xi32, #tpu.memory_space<hbm>>
          %dma_wait3A_407 = tpu.memref_squeeze %dma_wait3A_406 : memref<1x1x80xi32, #tpu.memory_space<hbm>> -> memref<80xi32, #tpu.memory_space<hbm>>
          tpu.wait_dma2 semaphore(%dma_wait3A_401 : memref<!tpu.dma_semaphore, #tpu.memory_space<semaphore_mem>>) src(%dma_wait3A_407 : memref<80xi32, #tpu.memory_space<hbm>>) dst(%dma_wait3A_404 : memref<80xi32, #tpu.memory_space<vmem>>)
          %add3A_408 = arith.constant 2 : i32
          %add3A_409 = arith.addi %add3A_303, %add3A_408 : i32
          %dma_start3A_410 = arith.constant 0 : i32
          %dma_start3A_411 = arith.constant 0 : i32
          %dma_start3A_412 = arith.constant 0 : i32
          %dma_start3A_413 = arith.constant 0 : i32
          %dma_start3A_414 = arith.constant 0 : i32
          %dma_start3A_415 = tpu.memref_slice %arg11[%dma_start3A_411, %dma_start3A_413, %dma_start3A_414] : memref<2x80x128xf32, #tpu.memory_space<vmem>> -> memref<1x80x128xf32, #tpu.memory_space<vmem>>
          %dma_start3A_416 = tpu.memref_squeeze %dma_start3A_415 : memref<1x80x128xf32, #tpu.memory_space<vmem>> -> memref<80x128xf32, #tpu.memory_space<vmem>>
          %dma_start3A_417 = arith.constant 0 : i32
          %dma_start3A_418 = tpu.memref_slice %arg9[%dma_start3A_410, %dma_start3A_417] : memref<4x80xi32, #tpu.memory_space<vmem>> -> memref<1x80xi32, #tpu.memory_space<vmem>>
          %dma_start3A_419 = tpu.memref_squeeze %dma_start3A_418 : memref<1x80xi32, #tpu.memory_space<vmem>> -> memref<80xi32, #tpu.memory_space<vmem>>
          %dma_start3A_420 = arith.constant 0 : i32
          %dma_start3A_421 = arith.constant 0 : i32
          %dma_start3A_422 = tpu.memref_slice %arg5[%dma_start3A_420, %dma_start3A_421] : memref<10000x128xf32, #tpu.memory_space<hbm>> -> memref<10000x128xf32, #tpu.memory_space<hbm>>
          %dma_start3A_423 = tpu.memref_slice %arg13[%dma_start3A_412] : memref<2x!tpu.dma_semaphore, #tpu.memory_space<semaphore_mem>> -> memref<1x!tpu.dma_semaphore, #tpu.memory_space<semaphore_mem>>
          %dma_start3A_424 = tpu.memref_squeeze %dma_start3A_423 : memref<1x!tpu.dma_semaphore, #tpu.memory_space<semaphore_mem>> -> memref<!tpu.dma_semaphore, #tpu.memory_space<semaphore_mem>>
          tpu.enqueue_indirect_dma source(%dma_start3A_422 : memref<10000x128xf32, #tpu.memory_space<hbm>>) target(%dma_start3A_416 : memref<80x128xf32, #tpu.memory_space<vmem>>) offsets(%dma_start3A_419 : memref<80xi32, #tpu.memory_space<vmem>>) semaphore(%dma_start3A_424 : memref<!tpu.dma_semaphore, #tpu.memory_space<semaphore_mem>>)
          %mul3A_425 = arith.constant 80 : i32
          %mul3A_426 = arith.muli %add3A_409, %mul3A_425 : i32
          %add3A_427 = arith.addi %mul3A_4, %mul3A_426 : i32
          %dma_start3A_428 = arith.constant 0 : i32
          %dma_start3A_429 = arith.constant 0 : i32
          %dma_start3A_430 = arith.constant 0 : i32
          %dma_start3A_431 = arith.constant 0 : i32
          %dma_start3A_432 = tpu.memref_slice %arg12[%dma_start3A_428, %dma_start3A_430, %dma_start3A_431] : memref<2x80x64xi32, #tpu.memory_space<vmem>> -> memref<1x80x64xi32, #tpu.memory_space<vmem>>
          %dma_start3A_433 = tpu.memref_squeeze %dma_start3A_432 : memref<1x80x64xi32, #tpu.memory_space<vmem>> -> memref<80x64xi32, #tpu.memory_space<vmem>>
          %dma_start3A_434 = arith.constant 0 : i32
          %dma_start3A_435 = tpu.memref_slice %arg4[%add3A_427, %dma_start3A_434] : memref<320000x64xi32, #tpu.memory_space<hbm>> -> memref<80x64xi32, #tpu.memory_space<hbm>>
          %dma_start3A_436 = tpu.memref_slice %arg14[%dma_start3A_429] : memref<2x!tpu.dma_semaphore, #tpu.memory_space<semaphore_mem>> -> memref<1x!tpu.dma_semaphore, #tpu.memory_space<semaphore_mem>>
          %dma_start3A_437 = tpu.memref_squeeze %dma_start3A_436 : memref<1x!tpu.dma_semaphore, #tpu.memory_space<semaphore_mem>> -> memref<!tpu.dma_semaphore, #tpu.memory_space<semaphore_mem>>
          %dma_start3A_438 = arith.constant 0 : i32
          %dma_start3A_439 = arith.constant 0 : i32
          %dma_start3A_440 = tpu.memref_slice %arg12[%dma_start3A_428, %dma_start3A_438, %dma_start3A_439] : memref<2x80x64xi32, #tpu.memory_space<vmem>> -> memref<1x80x64xi32, #tpu.memory_space<vmem>>
          %dma_start3A_441 = tpu.memref_squeeze %dma_start3A_440 : memref<1x80x64xi32, #tpu.memory_space<vmem>> -> memref<80x64xi32, #tpu.memory_space<vmem>>
          %dma_start3A_442 = arith.constant 0 : i32
          %dma_start3A_443 = tpu.memref_slice %arg4[%add3A_427, %dma_start3A_442] : memref<320000x64xi32, #tpu.memory_space<hbm>> -> memref<80x64xi32, #tpu.memory_space<hbm>>
          tpu.enqueue_dma source(%dma_start3A_443 : memref<80x64xi32, #tpu.memory_space<hbm>>) target(%dma_start3A_441 : memref<80x64xi32, #tpu.memory_space<vmem>>) target_semaphore(%dma_start3A_437 : memref<!tpu.dma_semaphore, #tpu.memory_space<semaphore_mem>>)
        } else {
        }
      } else {
      }
      %add3A_309 = arith.constant 3 : i32
      %add3A_310 = arith.addi %add3A_290, %add3A_309 : i32
      %lt3A_311 = arith.constant 125 : i32
      %lt3A_312 = arith.cmpi slt, %add3A_310, %lt3A_311 : i32
      %convert_element_type3A_313 = arith.extui %lt3A_312 : i1 to i32
      %cond3A_314 = arith.constant 0 : i32
      %cond3A_315 = arith.cmpi ne, %convert_element_type3A_313, %cond3A_314 : i32
      scf.if %cond3A_315 {
        %dma_wait3A_316 = arith.constant 1 : i32
        %dma_wait3A_317 = arith.constant 1 : i32
        %dma_wait3A_318 = arith.constant 0 : i32
        %dma_wait3A_319 = arith.constant 0 : i32
        %dma_wait3A_320 = tpu.memref_slice %arg11[%dma_wait3A_316, %dma_wait3A_318, %dma_wait3A_319] : memref<2x80x128xf32, #tpu.memory_space<vmem>> -> memref<1x80x128xf32, #tpu.memory_space<vmem>>
        %dma_wait3A_321 = tpu.memref_squeeze %dma_wait3A_320 : memref<1x80x128xf32, #tpu.memory_space<vmem>> -> memref<80x128xf32, #tpu.memory_space<vmem>>
        %dma_wait3A_322 = arith.constant 0 : i32
        %dma_wait3A_323 = arith.constant 0 : i32
        %dma_wait3A_324 = tpu.memref_slice %arg5[%dma_wait3A_322, %dma_wait3A_323] : memref<10000x128xf32, #tpu.memory_space<hbm>> -> memref<80x128xf32, #tpu.memory_space<hbm>>
        %dma_wait3A_325 = tpu.memref_slice %arg13[%dma_wait3A_317] : memref<2x!tpu.dma_semaphore, #tpu.memory_space<semaphore_mem>> -> memref<1x!tpu.dma_semaphore, #tpu.memory_space<semaphore_mem>>
        %dma_wait3A_326 = tpu.memref_squeeze %dma_wait3A_325 : memref<1x!tpu.dma_semaphore, #tpu.memory_space<semaphore_mem>> -> memref<!tpu.dma_semaphore, #tpu.memory_space<semaphore_mem>>
        %dma_wait3A_327 = arith.constant 0 : i32
        %dma_wait3A_328 = arith.constant 0 : i32
        %dma_wait3A_329 = tpu.memref_slice %arg11[%dma_wait3A_316, %dma_wait3A_327, %dma_wait3A_328] : memref<2x80x128xf32, #tpu.memory_space<vmem>> -> memref<1x80x128xf32, #tpu.memory_space<vmem>>
        %dma_wait3A_330 = tpu.memref_squeeze %dma_wait3A_329 : memref<1x80x128xf32, #tpu.memory_space<vmem>> -> memref<80x128xf32, #tpu.memory_space<vmem>>
        %dma_wait3A_331 = arith.constant 0 : i32
        %dma_wait3A_332 = arith.constant 0 : i32
        %dma_wait3A_333 = tpu.memref_slice %arg5[%dma_wait3A_331, %dma_wait3A_332] : memref<10000x128xf32, #tpu.memory_space<hbm>> -> memref<80x128xf32, #tpu.memory_space<hbm>>
        tpu.wait_dma2 semaphore(%dma_wait3A_326 : memref<!tpu.dma_semaphore, #tpu.memory_space<semaphore_mem>>) src(%dma_wait3A_333 : memref<80x128xf32, #tpu.memory_space<hbm>>) dst(%dma_wait3A_330 : memref<80x128xf32, #tpu.memory_space<vmem>>)
        %dma_wait3A_334 = arith.constant 1 : i32
        %dma_wait3A_335 = arith.constant 1 : i32
        %dma_wait3A_336 = arith.constant 0 : i32
        %dma_wait3A_337 = arith.constant 0 : i32
        %dma_wait3A_338 = tpu.memref_slice %arg12[%dma_wait3A_334, %dma_wait3A_336, %dma_wait3A_337] : memref<2x80x64xi32, #tpu.memory_space<vmem>> -> memref<1x80x64xi32, #tpu.memory_space<vmem>>
        %dma_wait3A_339 = tpu.memref_squeeze %dma_wait3A_338 : memref<1x80x64xi32, #tpu.memory_space<vmem>> -> memref<80x64xi32, #tpu.memory_space<vmem>>
        %dma_wait3A_340 = arith.constant 0 : i32
        %dma_wait3A_341 = arith.constant 0 : i32
        %dma_wait3A_342 = tpu.memref_slice %arg4[%dma_wait3A_340, %dma_wait3A_341] : memref<320000x64xi32, #tpu.memory_space<hbm>> -> memref<80x64xi32, #tpu.memory_space<hbm>>
        %dma_wait3A_343 = tpu.memref_slice %arg14[%dma_wait3A_335] : memref<2x!tpu.dma_semaphore, #tpu.memory_space<semaphore_mem>> -> memref<1x!tpu.dma_semaphore, #tpu.memory_space<semaphore_mem>>
        %dma_wait3A_344 = tpu.memref_squeeze %dma_wait3A_343 : memref<1x!tpu.dma_semaphore, #tpu.memory_space<semaphore_mem>> -> memref<!tpu.dma_semaphore, #tpu.memory_space<semaphore_mem>>
        %dma_wait3A_345 = arith.constant 0 : i32
        %dma_wait3A_346 = arith.constant 0 : i32
        %dma_wait3A_347 = tpu.memref_slice %arg12[%dma_wait3A_334, %dma_wait3A_345, %dma_wait3A_346] : memref<2x80x64xi32, #tpu.memory_space<vmem>> -> memref<1x80x64xi32, #tpu.memory_space<vmem>>
        %dma_wait3A_348 = tpu.memref_squeeze %dma_wait3A_347 : memref<1x80x64xi32, #tpu.memory_space<vmem>> -> memref<80x64xi32, #tpu.memory_space<vmem>>
        %dma_wait3A_349 = arith.constant 0 : i32
        %dma_wait3A_350 = arith.constant 0 : i32
        %dma_wait3A_351 = tpu.memref_slice %arg4[%dma_wait3A_349, %dma_wait3A_350] : memref<320000x64xi32, #tpu.memory_space<hbm>> -> memref<80x64xi32, #tpu.memory_space<hbm>>
        tpu.wait_dma2 semaphore(%dma_wait3A_344 : memref<!tpu.dma_semaphore, #tpu.memory_space<semaphore_mem>>) src(%dma_wait3A_351 : memref<80x64xi32, #tpu.memory_space<hbm>>) dst(%dma_wait3A_348 : memref<80x64xi32, #tpu.memory_space<vmem>>)
        %scan3A_352 = arith.constant 1 : i32
        %scan3A_353 = arith.constant 1 : i32
        %scan3A_354 = arith.constant 0 : i32
        %scan3A_355 = arith.constant 80 : i32
        %scan3A_356 = arith.addi %scan3A_354, %scan3A_355 : i32
        %scan3A_357 = arith.constant 1 : i32
        scf.for %scan3A_374 = %scan3A_354 to %scan3A_356 step %scan3A_357  : i32 {
          %mul3A_375 = arith.constant 1 : i32
          %mul3A_376 = arith.muli %scan3A_374, %mul3A_375 : i32
          %add3A_377 = arith.constant 0 : i32
          %add3A_378 = arith.addi %add3A_377, %mul3A_376 : i32
          %get3A = arith.constant 0 : i32
          %get3A_379 = arith.constant 0 : i32
          %get3A_380 = tpu.memref_slice %arg12[%scan3A_352, %get3A, %get3A_379] : memref<2x80x64xi32, #tpu.memory_space<vmem>> -> memref<1x80x64xi32, #tpu.memory_space<vmem>>
          %get3A_381 = tpu.memref_squeeze %get3A_380 : memref<1x80x64xi32, #tpu.memory_space<vmem>> -> memref<80x64xi32, #tpu.memory_space<vmem>>
          %get3A_382 = arith.index_cast %add3A_378 : i32 to index
          %get3A_383 = arith.constant 0 : index
          %get3A_384 = tpu.vector_load %get3A_381[%get3A_382, %get3A_383] {strides = array<i32>} : memref<80x64xi32, #tpu.memory_space<vmem>>, vector<16xi32>,
          %get3A_385 = arith.constant 0 : i32
          %get3A_386 = arith.constant 0 : i32
          %get3A_387 = tpu.memref_slice %arg11[%scan3A_353, %get3A_385, %get3A_386] : memref<2x80x128xf32, #tpu.memory_space<vmem>> -> memref<1x80x128xf32, #tpu.memory_space<vmem>>
          %get3A_388 = tpu.memref_squeeze %get3A_387 : memref<1x80x128xf32, #tpu.memory_space<vmem>> -> memref<80x128xf32, #tpu.memory_space<vmem>>
          %get3A_389 = arith.index_cast %add3A_378 : i32 to index
          %get3A_390 = arith.constant 0 : index
          %get3A_391 = tpu.vector_load %get3A_388[%get3A_389, %get3A_390] {strides = array<i32>} : memref<80x128xf32, #tpu.memory_space<vmem>>, vector<16xf32>,
          %get3A_392 = arith.constant 0 : i32
          %get3A_393 = arith.constant 0 : i32
          %get3A_394 = tpu.memref_slice %arg11[%scan3A_353, %get3A_392, %get3A_393] : memref<2x80x128xf32, #tpu.memory_space<vmem>> -> memref<1x80x128xf32, #tpu.memory_space<vmem>>
          %get3A_395 = tpu.memref_squeeze %get3A_394 : memref<1x80x128xf32, #tpu.memory_space<vmem>> -> memref<80x128xf32, #tpu.memory_space<vmem>>
          %get3A_396 = arith.index_cast %add3A_378 : i32 to index
          %get3A_397 = arith.constant 16 : index
          %get3A_398 = tpu.vector_load %get3A_395[%get3A_396, %get3A_397] {strides = array<i32>} : memref<80x128xf32, #tpu.memory_space<vmem>>, vector<16xf32>,
          %shift_left3A = arith.constant 16 : i32
          %shift_left3A_399 = vector.broadcast %shift_left3A : i32 to vector<16xi32>
          %shift_left3A_400 = arith.shli %get3A_384, %shift_left3A_399 : vector<16xi32>
          %bitcast3A = vector.bitcast %shift_left3A_400 : vector<16xi32> to vector<16xf32>
          %and3A = arith.constant -65536 : i32
          %and3A_401 = vector.broadcast %and3A : i32 to vector<16xi32>
          %and3A_402 = arith.andi %get3A_384, %and3A_401 : vector<16xi32>
          %bitcast3A_403 = vector.bitcast %and3A_402 : vector<16xi32> to vector<16xf32>
          %add3A_404 = arith.addf %get3A_391, %bitcast3A : vector<16xf32>
          %max3A = arith.constant 0.000000e+00 : f32
          %max3A_405 = vector.broadcast %max3A : f32 to vector<16xf32>
          %max3A_406 = arith.maximumf %add3A_404, %max3A_405 : vector<16xf32>
          %swap3A = arith.constant 0 : i32
          %swap3A_407 = arith.constant 0 : i32
          %swap3A_408 = tpu.memref_slice %arg11[%scan3A_353, %swap3A, %swap3A_407] : memref<2x80x128xf32, #tpu.memory_space<vmem>> -> memref<1x80x128xf32, #tpu.memory_space<vmem>>
          %swap3A_409 = tpu.memref_squeeze %swap3A_408 : memref<1x80x128xf32, #tpu.memory_space<vmem>> -> memref<80x128xf32, #tpu.memory_space<vmem>>
          %swap3A_410 = arith.index_cast %add3A_378 : i32 to index
          %swap3A_411 = arith.constant 0 : index
          %swap3A_412 = tpu.vector_load %swap3A_409[%swap3A_410, %swap3A_411] {strides = array<i32>} : memref<80x128xf32, #tpu.memory_space<vmem>>, vector<16xf32>,
          tpu.vector_store %swap3A_409[%swap3A_410, %swap3A_411], %max3A_406 {strides = array<i32>} : memref<80x128xf32, #tpu.memory_space<vmem>>, vector<16xf32>,
          %add3A_413 = arith.addf %get3A_398, %bitcast3A_403 : vector<16xf32>
          %max3A_414 = arith.constant 0.000000e+00 : f32
          %max3A_415 = vector.broadcast %max3A_414 : f32 to vector<16xf32>
          %max3A_416 = arith.maximumf %add3A_413, %max3A_415 : vector<16xf32>
          %swap3A_417 = arith.constant 0 : i32
          %swap3A_418 = arith.constant 0 : i32
          %swap3A_419 = tpu.memref_slice %arg11[%scan3A_353, %swap3A_417, %swap3A_418] : memref<2x80x128xf32, #tpu.memory_space<vmem>> -> memref<1x80x128xf32, #tpu.memory_space<vmem>>
          %swap3A_420 = tpu.memref_squeeze %swap3A_419 : memref<1x80x128xf32, #tpu.memory_space<vmem>> -> memref<80x128xf32, #tpu.memory_space<vmem>>
          %swap3A_421 = arith.index_cast %add3A_378 : i32 to index
          %swap3A_422 = arith.constant 16 : index
          %swap3A_423 = tpu.vector_load %swap3A_420[%swap3A_421, %swap3A_422] {strides = array<i32>} : memref<80x128xf32, #tpu.memory_space<vmem>>, vector<16xf32>,
          tpu.vector_store %swap3A_420[%swap3A_421, %swap3A_422], %max3A_416 {strides = array<i32>} : memref<80x128xf32, #tpu.memory_space<vmem>>, vector<16xf32>,
          %get3A_424 = arith.constant 0 : i32
          %get3A_425 = arith.constant 0 : i32
          %get3A_426 = tpu.memref_slice %arg12[%scan3A_352, %get3A_424, %get3A_425] : memref<2x80x64xi32, #tpu.memory_space<vmem>> -> memref<1x80x64xi32, #tpu.memory_space<vmem>>
          %get3A_427 = tpu.memref_squeeze %get3A_426 : memref<1x80x64xi32, #tpu.memory_space<vmem>> -> memref<80x64xi32, #tpu.memory_space<vmem>>
          %get3A_428 = arith.index_cast %add3A_378 : i32 to index
          %get3A_429 = arith.constant 16 : index
          %get3A_430 = tpu.vector_load %get3A_427[%get3A_428, %get3A_429] {strides = array<i32>} : memref<80x64xi32, #tpu.memory_space<vmem>>, vector<16xi32>,
          %get3A_431 = arith.constant 0 : i32
          %get3A_432 = arith.constant 0 : i32
          %get3A_433 = tpu.memref_slice %arg11[%scan3A_353, %get3A_431, %get3A_432] : memref<2x80x128xf32, #tpu.memory_space<vmem>> -> memref<1x80x128xf32, #tpu.memory_space<vmem>>
          %get3A_434 = tpu.memref_squeeze %get3A_433 : memref<1x80x128xf32, #tpu.memory_space<vmem>> -> memref<80x128xf32, #tpu.memory_space<vmem>>
          %get3A_435 = arith.index_cast %add3A_378 : i32 to index
          %get3A_436 = arith.constant 32 : index
          %get3A_437 = tpu.vector_load %get3A_434[%get3A_435, %get3A_436] {strides = array<i32>} : memref<80x128xf32, #tpu.memory_space<vmem>>, vector<16xf32>,
          %get3A_438 = arith.constant 0 : i32
          %get3A_439 = arith.constant 0 : i32
          %get3A_440 = tpu.memref_slice %arg11[%scan3A_353, %get3A_438, %get3A_439] : memref<2x80x128xf32, #tpu.memory_space<vmem>> -> memref<1x80x128xf32, #tpu.memory_space<vmem>>
          %get3A_441 = tpu.memref_squeeze %get3A_440 : memref<1x80x128xf32, #tpu.memory_space<vmem>> -> memref<80x128xf32, #tpu.memory_space<vmem>>
          %get3A_442 = arith.index_cast %add3A_378 : i32 to index
          %get3A_443 = arith.constant 48 : index
          %get3A_444 = tpu.vector_load %get3A_441[%get3A_442, %get3A_443] {strides = array<i32>} : memref<80x128xf32, #tpu.memory_space<vmem>>, vector<16xf32>,
          %shift_left3A_445 = arith.constant 16 : i32
          %shift_left3A_446 = vector.broadcast %shift_left3A_445 : i32 to vector<16xi32>
          %shift_left3A_447 = arith.shli %get3A_430, %shift_left3A_446 : vector<16xi32>
          %bitcast3A_448 = vector.bitcast %shift_left3A_447 : vector<16xi32> to vector<16xf32>
          %and3A_449 = arith.constant -65536 : i32
          %and3A_450 = vector.broadcast %and3A_449 : i32 to vector<16xi32>
          %and3A_451 = arith.andi %get3A_430, %and3A_450 : vector<16xi32>
          %bitcast3A_452 = vector.bitcast %and3A_451 : vector<16xi32> to vector<16xf32>
          %add3A_453 = arith.addf %get3A_437, %bitcast3A_448 : vector<16xf32>
          %max3A_454 = arith.constant 0.000000e+00 : f32
          %max3A_455 = vector.broadcast %max3A_454 : f32 to vector<16xf32>
          %max3A_456 = arith.maximumf %add3A_453, %max3A_455 : vector<16xf32>
          %swap3A_457 = arith.constant 0 : i32
          %swap3A_458 = arith.constant 0 : i32
          %swap3A_459 = tpu.memref_slice %arg11[%scan3A_353, %swap3A_457, %swap3A_458] : memref<2x80x128xf32, #tpu.memory_space<vmem>> -> memref<1x80x128xf32, #tpu.memory_space<vmem>>
          %swap3A_460 = tpu.memref_squeeze %swap3A_459 : memref<1x80x128xf32, #tpu.memory_space<vmem>> -> memref<80x128xf32, #tpu.memory_space<vmem>>
          %swap3A_461 = arith.index_cast %add3A_378 : i32 to index
          %swap3A_462 = arith.constant 32 : index
          %swap3A_463 = tpu.vector_load %swap3A_460[%swap3A_461, %swap3A_462] {strides = array<i32>} : memref<80x128xf32, #tpu.memory_space<vmem>>, vector<16xf32>,
          tpu.vector_store %swap3A_460[%swap3A_461, %swap3A_462], %max3A_456 {strides = array<i32>} : memref<80x128xf32, #tpu.memory_space<vmem>>, vector<16xf32>,
          %add3A_464 = arith.addf %get3A_444, %bitcast3A_452 : vector<16xf32>
          %max3A_465 = arith.constant 0.000000e+00 : f32
          %max3A_466 = vector.broadcast %max3A_465 : f32 to vector<16xf32>
          %max3A_467 = arith.maximumf %add3A_464, %max3A_466 : vector<16xf32>
          %swap3A_468 = arith.constant 0 : i32
          %swap3A_469 = arith.constant 0 : i32
          %swap3A_470 = tpu.memref_slice %arg11[%scan3A_353, %swap3A_468, %swap3A_469] : memref<2x80x128xf32, #tpu.memory_space<vmem>> -> memref<1x80x128xf32, #tpu.memory_space<vmem>>
          %swap3A_471 = tpu.memref_squeeze %swap3A_470 : memref<1x80x128xf32, #tpu.memory_space<vmem>> -> memref<80x128xf32, #tpu.memory_space<vmem>>
          %swap3A_472 = arith.index_cast %add3A_378 : i32 to index
          %swap3A_473 = arith.constant 48 : index
          %swap3A_474 = tpu.vector_load %swap3A_471[%swap3A_472, %swap3A_473] {strides = array<i32>} : memref<80x128xf32, #tpu.memory_space<vmem>>, vector<16xf32>,
          tpu.vector_store %swap3A_471[%swap3A_472, %swap3A_473], %max3A_467 {strides = array<i32>} : memref<80x128xf32, #tpu.memory_space<vmem>>, vector<16xf32>,
          %get3A_475 = arith.constant 0 : i32
          %get3A_476 = arith.constant 0 : i32
          %get3A_477 = tpu.memref_slice %arg12[%scan3A_352, %get3A_475, %get3A_476] : memref<2x80x64xi32, #tpu.memory_space<vmem>> -> memref<1x80x64xi32, #tpu.memory_space<vmem>>
          %get3A_478 = tpu.memref_squeeze %get3A_477 : memref<1x80x64xi32, #tpu.memory_space<vmem>> -> memref<80x64xi32, #tpu.memory_space<vmem>>
          %get3A_479 = arith.index_cast %add3A_378 : i32 to index
          %get3A_480 = arith.constant 32 : index
          %get3A_481 = tpu.vector_load %get3A_478[%get3A_479, %get3A_480] {strides = array<i32>} : memref<80x64xi32, #tpu.memory_space<vmem>>, vector<16xi32>,
          %get3A_482 = arith.constant 0 : i32
          %get3A_483 = arith.constant 0 : i32
          %get3A_484 = tpu.memref_slice %arg11[%scan3A_353, %get3A_482, %get3A_483] : memref<2x80x128xf32, #tpu.memory_space<vmem>> -> memref<1x80x128xf32, #tpu.memory_space<vmem>>
          %get3A_485 = tpu.memref_squeeze %get3A_484 : memref<1x80x128xf32, #tpu.memory_space<vmem>> -> memref<80x128xf32, #tpu.memory_space<vmem>>
          %get3A_486 = arith.index_cast %add3A_378 : i32 to index
          %get3A_487 = arith.constant 64 : index
          %get3A_488 = tpu.vector_load %get3A_485[%get3A_486, %get3A_487] {strides = array<i32>} : memref<80x128xf32, #tpu.memory_space<vmem>>, vector<16xf32>,
          %get3A_489 = arith.constant 0 : i32
          %get3A_490 = arith.constant 0 : i32
          %get3A_491 = tpu.memref_slice %arg11[%scan3A_353, %get3A_489, %get3A_490] : memref<2x80x128xf32, #tpu.memory_space<vmem>> -> memref<1x80x128xf32, #tpu.memory_space<vmem>>
          %get3A_492 = tpu.memref_squeeze %get3A_491 : memref<1x80x128xf32, #tpu.memory_space<vmem>> -> memref<80x128xf32, #tpu.memory_space<vmem>>
          %get3A_493 = arith.index_cast %add3A_378 : i32 to index
          %get3A_494 = arith.constant 80 : index
          %get3A_495 = tpu.vector_load %get3A_492[%get3A_493, %get3A_494] {strides = array<i32>} : memref<80x128xf32, #tpu.memory_space<vmem>>, vector<16xf32>,
          %shift_left3A_496 = arith.constant 16 : i32
          %shift_left3A_497 = vector.broadcast %shift_left3A_496 : i32 to vector<16xi32>
          %shift_left3A_498 = arith.shli %get3A_481, %shift_left3A_497 : vector<16xi32>
          %bitcast3A_499 = vector.bitcast %shift_left3A_498 : vector<16xi32> to vector<16xf32>
          %and3A_500 = arith.constant -65536 : i32
          %and3A_501 = vector.broadcast %and3A_500 : i32 to vector<16xi32>
          %and3A_502 = arith.andi %get3A_481, %and3A_501 : vector<16xi32>
          %bitcast3A_503 = vector.bitcast %and3A_502 : vector<16xi32> to vector<16xf32>
          %add3A_504 = arith.addf %get3A_488, %bitcast3A_499 : vector<16xf32>
          %max3A_505 = arith.constant 0.000000e+00 : f32
          %max3A_506 = vector.broadcast %max3A_505 : f32 to vector<16xf32>
          %max3A_507 = arith.maximumf %add3A_504, %max3A_506 : vector<16xf32>
          %swap3A_508 = arith.constant 0 : i32
          %swap3A_509 = arith.constant 0 : i32
          %swap3A_510 = tpu.memref_slice %arg11[%scan3A_353, %swap3A_508, %swap3A_509] : memref<2x80x128xf32, #tpu.memory_space<vmem>> -> memref<1x80x128xf32, #tpu.memory_space<vmem>>
          %swap3A_511 = tpu.memref_squeeze %swap3A_510 : memref<1x80x128xf32, #tpu.memory_space<vmem>> -> memref<80x128xf32, #tpu.memory_space<vmem>>
          %swap3A_512 = arith.index_cast %add3A_378 : i32 to index
          %swap3A_513 = arith.constant 64 : index
          %swap3A_514 = tpu.vector_load %swap3A_511[%swap3A_512, %swap3A_513] {strides = array<i32>} : memref<80x128xf32, #tpu.memory_space<vmem>>, vector<16xf32>,
          tpu.vector_store %swap3A_511[%swap3A_512, %swap3A_513], %max3A_507 {strides = array<i32>} : memref<80x128xf32, #tpu.memory_space<vmem>>, vector<16xf32>,
          %add3A_515 = arith.addf %get3A_495, %bitcast3A_503 : vector<16xf32>
          %max3A_516 = arith.constant 0.000000e+00 : f32
          %max3A_517 = vector.broadcast %max3A_516 : f32 to vector<16xf32>
          %max3A_518 = arith.maximumf %add3A_515, %max3A_517 : vector<16xf32>
          %swap3A_519 = arith.constant 0 : i32
          %swap3A_520 = arith.constant 0 : i32
          %swap3A_521 = tpu.memref_slice %arg11[%scan3A_353, %swap3A_519, %swap3A_520] : memref<2x80x128xf32, #tpu.memory_space<vmem>> -> memref<1x80x128xf32, #tpu.memory_space<vmem>>
          %swap3A_522 = tpu.memref_squeeze %swap3A_521 : memref<1x80x128xf32, #tpu.memory_space<vmem>> -> memref<80x128xf32, #tpu.memory_space<vmem>>
          %swap3A_523 = arith.index_cast %add3A_378 : i32 to index
          %swap3A_524 = arith.constant 80 : index
          %swap3A_525 = tpu.vector_load %swap3A_522[%swap3A_523, %swap3A_524] {strides = array<i32>} : memref<80x128xf32, #tpu.memory_space<vmem>>, vector<16xf32>,
          tpu.vector_store %swap3A_522[%swap3A_523, %swap3A_524], %max3A_518 {strides = array<i32>} : memref<80x128xf32, #tpu.memory_space<vmem>>, vector<16xf32>,
          %get3A_526 = arith.constant 0 : i32
          %get3A_527 = arith.constant 0 : i32
          %get3A_528 = tpu.memref_slice %arg12[%scan3A_352, %get3A_526, %get3A_527] : memref<2x80x64xi32, #tpu.memory_space<vmem>> -> memref<1x80x64xi32, #tpu.memory_space<vmem>>
          %get3A_529 = tpu.memref_squeeze %get3A_528 : memref<1x80x64xi32, #tpu.memory_space<vmem>> -> memref<80x64xi32, #tpu.memory_space<vmem>>
          %get3A_530 = arith.index_cast %add3A_378 : i32 to index
          %get3A_531 = arith.constant 48 : index
          %get3A_532 = tpu.vector_load %get3A_529[%get3A_530, %get3A_531] {strides = array<i32>} : memref<80x64xi32, #tpu.memory_space<vmem>>, vector<16xi32>,
          %get3A_533 = arith.constant 0 : i32
          %get3A_534 = arith.constant 0 : i32
          %get3A_535 = tpu.memref_slice %arg11[%scan3A_353, %get3A_533, %get3A_534] : memref<2x80x128xf32, #tpu.memory_space<vmem>> -> memref<1x80x128xf32, #tpu.memory_space<vmem>>
          %get3A_536 = tpu.memref_squeeze %get3A_535 : memref<1x80x128xf32, #tpu.memory_space<vmem>> -> memref<80x128xf32, #tpu.memory_space<vmem>>
          %get3A_537 = arith.index_cast %add3A_378 : i32 to index
          %get3A_538 = arith.constant 96 : index
          %get3A_539 = tpu.vector_load %get3A_536[%get3A_537, %get3A_538] {strides = array<i32>} : memref<80x128xf32, #tpu.memory_space<vmem>>, vector<16xf32>,
          %get3A_540 = arith.constant 0 : i32
          %get3A_541 = arith.constant 0 : i32
          %get3A_542 = tpu.memref_slice %arg11[%scan3A_353, %get3A_540, %get3A_541] : memref<2x80x128xf32, #tpu.memory_space<vmem>> -> memref<1x80x128xf32, #tpu.memory_space<vmem>>
          %get3A_543 = tpu.memref_squeeze %get3A_542 : memref<1x80x128xf32, #tpu.memory_space<vmem>> -> memref<80x128xf32, #tpu.memory_space<vmem>>
          %get3A_544 = arith.index_cast %add3A_378 : i32 to index
          %get3A_545 = arith.constant 112 : index
          %get3A_546 = tpu.vector_load %get3A_543[%get3A_544, %get3A_545] {strides = array<i32>} : memref<80x128xf32, #tpu.memory_space<vmem>>, vector<16xf32>,
          %shift_left3A_547 = arith.constant 16 : i32
          %shift_left3A_548 = vector.broadcast %shift_left3A_547 : i32 to vector<16xi32>
          %shift_left3A_549 = arith.shli %get3A_532, %shift_left3A_548 : vector<16xi32>
          %bitcast3A_550 = vector.bitcast %shift_left3A_549 : vector<16xi32> to vector<16xf32>
          %and3A_551 = arith.constant -65536 : i32
          %and3A_552 = vector.broadcast %and3A_551 : i32 to vector<16xi32>
          %and3A_553 = arith.andi %get3A_532, %and3A_552 : vector<16xi32>
          %bitcast3A_554 = vector.bitcast %and3A_553 : vector<16xi32> to vector<16xf32>
          %add3A_555 = arith.addf %get3A_539, %bitcast3A_550 : vector<16xf32>
          %max3A_556 = arith.constant 0.000000e+00 : f32
          %max3A_557 = vector.broadcast %max3A_556 : f32 to vector<16xf32>
          %max3A_558 = arith.maximumf %add3A_555, %max3A_557 : vector<16xf32>
          %swap3A_559 = arith.constant 0 : i32
          %swap3A_560 = arith.constant 0 : i32
          %swap3A_561 = tpu.memref_slice %arg11[%scan3A_353, %swap3A_559, %swap3A_560] : memref<2x80x128xf32, #tpu.memory_space<vmem>> -> memref<1x80x128xf32, #tpu.memory_space<vmem>>
          %swap3A_562 = tpu.memref_squeeze %swap3A_561 : memref<1x80x128xf32, #tpu.memory_space<vmem>> -> memref<80x128xf32, #tpu.memory_space<vmem>>
          %swap3A_563 = arith.index_cast %add3A_378 : i32 to index
          %swap3A_564 = arith.constant 96 : index
          %swap3A_565 = tpu.vector_load %swap3A_562[%swap3A_563, %swap3A_564] {strides = array<i32>} : memref<80x128xf32, #tpu.memory_space<vmem>>, vector<16xf32>,
          tpu.vector_store %swap3A_562[%swap3A_563, %swap3A_564], %max3A_558 {strides = array<i32>} : memref<80x128xf32, #tpu.memory_space<vmem>>, vector<16xf32>,
          %add3A_566 = arith.addf %get3A_546, %bitcast3A_554 : vector<16xf32>
          %max3A_567 = arith.constant 0.000000e+00 : f32
          %max3A_568 = vector.broadcast %max3A_567 : f32 to vector<16xf32>
          %max3A_569 = arith.maximumf %add3A_566, %max3A_568 : vector<16xf32>
          %swap3A_570 = arith.constant 0 : i32
          %swap3A_571 = arith.constant 0 : i32
          %swap3A_572 = tpu.memref_slice %arg11[%scan3A_353, %swap3A_570, %swap3A_571] : memref<2x80x128xf32, #tpu.memory_space<vmem>> -> memref<1x80x128xf32, #tpu.memory_space<vmem>>
          %swap3A_573 = tpu.memref_squeeze %swap3A_572 : memref<1x80x128xf32, #tpu.memory_space<vmem>> -> memref<80x128xf32, #tpu.memory_space<vmem>>
          %swap3A_574 = arith.index_cast %add3A_378 : i32 to index
          %swap3A_575 = arith.constant 112 : index
          %swap3A_576 = tpu.vector_load %swap3A_573[%swap3A_574, %swap3A_575] {strides = array<i32>} : memref<80x128xf32, #tpu.memory_space<vmem>>, vector<16xf32>,
          tpu.vector_store %swap3A_573[%swap3A_574, %swap3A_575], %max3A_569 {strides = array<i32>} : memref<80x128xf32, #tpu.memory_space<vmem>>, vector<16xf32>,
        }
        %scan3A_358 = arith.constant 80 : i32
        %run_scoped3A = arith.constant 1 : i32
        %run_scoped3A_359 = arith.constant 3 : i32
        "tpu.region"() ({
          %run_scoped3A_374 = tpu.sem_alloc : memref<!tpu.dma_semaphore, #tpu.memory_space<semaphore_mem>>
          %dma_start3A_375 = arith.constant 0 : i32
          %dma_start3A_376 = arith.constant 0 : i32
          %dma_start3A_377 = tpu.memref_slice %arg11[%run_scoped3A, %dma_start3A_375, %dma_start3A_376] : memref<2x80x128xf32, #tpu.memory_space<vmem>> -> memref<1x80x128xf32, #tpu.memory_space<vmem>>
          %dma_start3A_378 = tpu.memref_squeeze %dma_start3A_377 : memref<1x80x128xf32, #tpu.memory_space<vmem>> -> memref<80x128xf32, #tpu.memory_space<vmem>>
          %dma_start3A_379 = arith.constant 0 : i32
          %dma_start3A_380 = tpu.memref_slice %arg10[%run_scoped3A_359, %dma_start3A_379] : memref<4x80xi32, #tpu.memory_space<vmem>> -> memref<1x80xi32, #tpu.memory_space<vmem>>
          %dma_start3A_381 = tpu.memref_squeeze %dma_start3A_380 : memref<1x80xi32, #tpu.memory_space<vmem>> -> memref<80xi32, #tpu.memory_space<vmem>>
          %dma_start3A_382 = arith.constant 0 : i32
          %dma_start3A_383 = arith.constant 0 : i32
          %dma_start3A_384 = tpu.memref_slice %arg8[%dma_start3A_382, %dma_start3A_383] : memref<10240x128xf32, #tpu.memory_space<vmem_shared>> -> memref<10240x128xf32, #tpu.memory_space<vmem_shared>>
          tpu.enqueue_indirect_dma source(%dma_start3A_378 : memref<80x128xf32, #tpu.memory_space<vmem>>) target(%dma_start3A_384 : memref<10240x128xf32, #tpu.memory_space<vmem_shared>>) offsets(%dma_start3A_381 : memref<80xi32, #tpu.memory_space<vmem>>) semaphore(%run_scoped3A_374 : memref<!tpu.dma_semaphore, #tpu.memory_space<semaphore_mem>>) {add = true}
          %dma_wait3A_385 = arith.constant 0 : i32
          %dma_wait3A_386 = arith.constant 0 : i32
          %dma_wait3A_387 = tpu.memref_slice %arg11[%run_scoped3A, %dma_wait3A_385, %dma_wait3A_386] : memref<2x80x128xf32, #tpu.memory_space<vmem>> -> memref<1x80x128xf32, #tpu.memory_space<vmem>>
          %dma_wait3A_388 = tpu.memref_squeeze %dma_wait3A_387 : memref<1x80x128xf32, #tpu.memory_space<vmem>> -> memref<80x128xf32, #tpu.memory_space<vmem>>
          %dma_wait3A_389 = arith.constant 0 : i32
          %dma_wait3A_390 = tpu.memref_slice %arg10[%run_scoped3A_359, %dma_wait3A_389] : memref<4x80xi32, #tpu.memory_space<vmem>> -> memref<1x80xi32, #tpu.memory_space<vmem>>
          %dma_wait3A_391 = tpu.memref_squeeze %dma_wait3A_390 : memref<1x80xi32, #tpu.memory_space<vmem>> -> memref<80xi32, #tpu.memory_space<vmem>>
          %dma_wait3A_392 = arith.constant 0 : i32
          %dma_wait3A_393 = arith.constant 0 : i32
          %dma_wait3A_394 = tpu.memref_slice %arg8[%dma_wait3A_392, %dma_wait3A_393] : memref<10240x128xf32, #tpu.memory_space<vmem_shared>> -> memref<10240x128xf32, #tpu.memory_space<vmem_shared>>
          tpu.wait_indirect_dma semaphore(%run_scoped3A_374 : memref<!tpu.dma_semaphore, #tpu.memory_space<semaphore_mem>>) src(%dma_wait3A_388 : memref<80x128xf32, #tpu.memory_space<vmem>>) dst(%dma_wait3A_394 : memref<10240x128xf32, #tpu.memory_space<vmem_shared>>)
          tpu.yield
        }) : () -> ()
        %add3A_360 = arith.constant 4 : i32
        %add3A_361 = arith.addi %add3A_310, %add3A_360 : i32
        %lt3A_362 = arith.constant 125 : i32
        %lt3A_363 = arith.cmpi slt, %add3A_361, %lt3A_362 : i32
        %convert_element_type3A_364 = arith.extui %lt3A_363 : i1 to i32
        %cond3A_365 = arith.constant 0 : i32
        %cond3A_366 = arith.cmpi ne, %convert_element_type3A_364, %cond3A_365 : i32
        scf.if %cond3A_366 {
          %add3A_374 = arith.constant 4 : i32
          %add3A_375 = arith.addi %add3A_310, %add3A_374 : i32
          %dma_start3A_376 = arith.constant 3 : i32
          %dma_start3A_377 = arith.constant 3 : i32
          %dma_start3A_378 = arith.constant 0 : i32
          %dma_start3A_379 = tpu.memref_slice %arg9[%dma_start3A_376, %dma_start3A_378] : memref<4x80xi32, #tpu.memory_space<vmem>> -> memref<1x80xi32, #tpu.memory_space<vmem>>
          %dma_start3A_380 = tpu.memref_squeeze %dma_start3A_379 : memref<1x80xi32, #tpu.memory_space<vmem>> -> memref<80xi32, #tpu.memory_space<vmem>>
          %dma_start3A_381 = arith.constant 0 : i32
          %dma_start3A_382 = tpu.memref_slice %arg2[%add3A, %add3A_375, %dma_start3A_381] : memref<32x125x80xi32, #tpu.memory_space<hbm>> -> memref<1x1x80xi32, #tpu.memory_space<hbm>>
          %dma_start3A_383 = tpu.memref_squeeze %dma_start3A_382 : memref<1x1x80xi32, #tpu.memory_space<hbm>> -> memref<80xi32, #tpu.memory_space<hbm>>
          %dma_start3A_384 = tpu.memref_slice %arg15[%dma_start3A_377] : memref<4x!tpu.dma_semaphore, #tpu.memory_space<semaphore_mem>> -> memref<1x!tpu.dma_semaphore, #tpu.memory_space<semaphore_mem>>
          %dma_start3A_385 = tpu.memref_squeeze %dma_start3A_384 : memref<1x!tpu.dma_semaphore, #tpu.memory_space<semaphore_mem>> -> memref<!tpu.dma_semaphore, #tpu.memory_space<semaphore_mem>>
          %dma_start3A_386 = arith.constant 0 : i32
          %dma_start3A_387 = tpu.memref_slice %arg9[%dma_start3A_376, %dma_start3A_386] : memref<4x80xi32, #tpu.memory_space<vmem>> -> memref<1x80xi32, #tpu.memory_space<vmem>>
          %dma_start3A_388 = tpu.memref_squeeze %dma_start3A_387 : memref<1x80xi32, #tpu.memory_space<vmem>> -> memref<80xi32, #tpu.memory_space<vmem>>
          %dma_start3A_389 = arith.constant 0 : i32
          %dma_start3A_390 = tpu.memref_slice %arg2[%add3A, %add3A_375, %dma_start3A_389] : memref<32x125x80xi32, #tpu.memory_space<hbm>> -> memref<1x1x80xi32, #tpu.memory_space<hbm>>
          %dma_start3A_391 = tpu.memref_squeeze %dma_start3A_390 : memref<1x1x80xi32, #tpu.memory_space<hbm>> -> memref<80xi32, #tpu.memory_space<hbm>>
          tpu.enqueue_dma source(%dma_start3A_391 : memref<80xi32, #tpu.memory_space<hbm>>) target(%dma_start3A_388 : memref<80xi32, #tpu.memory_space<vmem>>) target_semaphore(%dma_start3A_385 : memref<!tpu.dma_semaphore, #tpu.memory_space<semaphore_mem>>)
          %dma_start3A_392 = arith.constant 3 : i32
          %dma_start3A_393 = arith.constant 3 : i32
          %dma_start3A_394 = arith.constant 0 : i32
          %dma_start3A_395 = tpu.memref_slice %arg10[%dma_start3A_392, %dma_start3A_394] : memref<4x80xi32, #tpu.memory_space<vmem>> -> memref<1x80xi32, #tpu.memory_space<vmem>>
          %dma_start3A_396 = tpu.memref_squeeze %dma_start3A_395 : memref<1x80xi32, #tpu.memory_space<vmem>> -> memref<80xi32, #tpu.memory_space<vmem>>
          %dma_start3A_397 = arith.constant 0 : i32
          %dma_start3A_398 = tpu.memref_slice %arg3[%add3A, %add3A_375, %dma_start3A_397] : memref<32x125x80xi32, #tpu.memory_space<hbm>> -> memref<1x1x80xi32, #tpu.memory_space<hbm>>
          %dma_start3A_399 = tpu.memref_squeeze %dma_start3A_398 : memref<1x1x80xi32, #tpu.memory_space<hbm>> -> memref<80xi32, #tpu.memory_space<hbm>>
          %dma_start3A_400 = tpu.memref_slice %arg16[%dma_start3A_393] : memref<4x!tpu.dma_semaphore, #tpu.memory_space<semaphore_mem>> -> memref<1x!tpu.dma_semaphore, #tpu.memory_space<semaphore_mem>>
          %dma_start3A_401 = tpu.memref_squeeze %dma_start3A_400 : memref<1x!tpu.dma_semaphore, #tpu.memory_space<semaphore_mem>> -> memref<!tpu.dma_semaphore, #tpu.memory_space<semaphore_mem>>
          %dma_start3A_402 = arith.constant 0 : i32
          %dma_start3A_403 = tpu.memref_slice %arg10[%dma_start3A_392, %dma_start3A_402] : memref<4x80xi32, #tpu.memory_space<vmem>> -> memref<1x80xi32, #tpu.memory_space<vmem>>
          %dma_start3A_404 = tpu.memref_squeeze %dma_start3A_403 : memref<1x80xi32, #tpu.memory_space<vmem>> -> memref<80xi32, #tpu.memory_space<vmem>>
          %dma_start3A_405 = arith.constant 0 : i32
          %dma_start3A_406 = tpu.memref_slice %arg3[%add3A, %add3A_375, %dma_start3A_405] : memref<32x125x80xi32, #tpu.memory_space<hbm>> -> memref<1x1x80xi32, #tpu.memory_space<hbm>>
          %dma_start3A_407 = tpu.memref_squeeze %dma_start3A_406 : memref<1x1x80xi32, #tpu.memory_space<hbm>> -> memref<80xi32, #tpu.memory_space<hbm>>
          tpu.enqueue_dma source(%dma_start3A_407 : memref<80xi32, #tpu.memory_space<hbm>>) target(%dma_start3A_404 : memref<80xi32, #tpu.memory_space<vmem>>) target_semaphore(%dma_start3A_401 : memref<!tpu.dma_semaphore, #tpu.memory_space<semaphore_mem>>)
        } else {
        }
        %add3A_367 = arith.constant 2 : i32
        %add3A_368 = arith.addi %add3A_310, %add3A_367 : i32
        %lt3A_369 = arith.constant 125 : i32
        %lt3A_370 = arith.cmpi slt, %add3A_368, %lt3A_369 : i32
        %convert_element_type3A_371 = arith.extui %lt3A_370 : i1 to i32
        %cond3A_372 = arith.constant 0 : i32
        %cond3A_373 = arith.cmpi ne, %convert_element_type3A_371, %cond3A_372 : i32
        scf.if %cond3A_373 {
          %dma_wait3A_374 = arith.constant 0 : i32
          %dma_wait3A_375 = arith.constant 1 : i32
          %dma_wait3A_376 = arith.constant 1 : i32
          %dma_wait3A_377 = arith.constant 0 : i32
          %dma_wait3A_378 = tpu.memref_slice %arg9[%dma_wait3A_375, %dma_wait3A_377] : memref<4x80xi32, #tpu.memory_space<vmem>> -> memref<1x80xi32, #tpu.memory_space<vmem>>
          %dma_wait3A_379 = tpu.memref_squeeze %dma_wait3A_378 : memref<1x80xi32, #tpu.memory_space<vmem>> -> memref<80xi32, #tpu.memory_space<vmem>>
          %dma_wait3A_380 = arith.constant 0 : i32
          %dma_wait3A_381 = tpu.memref_slice %arg2[%add3A, %dma_wait3A_374, %dma_wait3A_380] : memref<32x125x80xi32, #tpu.memory_space<hbm>> -> memref<1x1x80xi32, #tpu.memory_space<hbm>>
          %dma_wait3A_382 = tpu.memref_squeeze %dma_wait3A_381 : memref<1x1x80xi32, #tpu.memory_space<hbm>> -> memref<80xi32, #tpu.memory_space<hbm>>
          %dma_wait3A_383 = tpu.memref_slice %arg15[%dma_wait3A_376] : memref<4x!tpu.dma_semaphore, #tpu.memory_space<semaphore_mem>> -> memref<1x!tpu.dma_semaphore, #tpu.memory_space<semaphore_mem>>
          %dma_wait3A_384 = tpu.memref_squeeze %dma_wait3A_383 : memref<1x!tpu.dma_semaphore, #tpu.memory_space<semaphore_mem>> -> memref<!tpu.dma_semaphore, #tpu.memory_space<semaphore_mem>>
          %dma_wait3A_385 = arith.constant 0 : i32
          %dma_wait3A_386 = tpu.memref_slice %arg9[%dma_wait3A_375, %dma_wait3A_385] : memref<4x80xi32, #tpu.memory_space<vmem>> -> memref<1x80xi32, #tpu.memory_space<vmem>>
          %dma_wait3A_387 = tpu.memref_squeeze %dma_wait3A_386 : memref<1x80xi32, #tpu.memory_space<vmem>> -> memref<80xi32, #tpu.memory_space<vmem>>
          %dma_wait3A_388 = arith.constant 0 : i32
          %dma_wait3A_389 = tpu.memref_slice %arg2[%add3A, %dma_wait3A_374, %dma_wait3A_388] : memref<32x125x80xi32, #tpu.memory_space<hbm>> -> memref<1x1x80xi32, #tpu.memory_space<hbm>>
          %dma_wait3A_390 = tpu.memref_squeeze %dma_wait3A_389 : memref<1x1x80xi32, #tpu.memory_space<hbm>> -> memref<80xi32, #tpu.memory_space<hbm>>
          tpu.wait_dma2 semaphore(%dma_wait3A_384 : memref<!tpu.dma_semaphore, #tpu.memory_space<semaphore_mem>>) src(%dma_wait3A_390 : memref<80xi32, #tpu.memory_space<hbm>>) dst(%dma_wait3A_387 : memref<80xi32, #tpu.memory_space<vmem>>)
          %dma_wait3A_391 = arith.constant 0 : i32
          %dma_wait3A_392 = arith.constant 1 : i32
          %dma_wait3A_393 = arith.constant 1 : i32
          %dma_wait3A_394 = arith.constant 0 : i32
          %dma_wait3A_395 = tpu.memref_slice %arg10[%dma_wait3A_392, %dma_wait3A_394] : memref<4x80xi32, #tpu.memory_space<vmem>> -> memref<1x80xi32, #tpu.memory_space<vmem>>
          %dma_wait3A_396 = tpu.memref_squeeze %dma_wait3A_395 : memref<1x80xi32, #tpu.memory_space<vmem>> -> memref<80xi32, #tpu.memory_space<vmem>>
          %dma_wait3A_397 = arith.constant 0 : i32
          %dma_wait3A_398 = tpu.memref_slice %arg3[%add3A, %dma_wait3A_391, %dma_wait3A_397] : memref<32x125x80xi32, #tpu.memory_space<hbm>> -> memref<1x1x80xi32, #tpu.memory_space<hbm>>
          %dma_wait3A_399 = tpu.memref_squeeze %dma_wait3A_398 : memref<1x1x80xi32, #tpu.memory_space<hbm>> -> memref<80xi32, #tpu.memory_space<hbm>>
          %dma_wait3A_400 = tpu.memref_slice %arg16[%dma_wait3A_393] : memref<4x!tpu.dma_semaphore, #tpu.memory_space<semaphore_mem>> -> memref<1x!tpu.dma_semaphore, #tpu.memory_space<semaphore_mem>>
          %dma_wait3A_401 = tpu.memref_squeeze %dma_wait3A_400 : memref<1x!tpu.dma_semaphore, #tpu.memory_space<semaphore_mem>> -> memref<!tpu.dma_semaphore, #tpu.memory_space<semaphore_mem>>
          %dma_wait3A_402 = arith.constant 0 : i32
          %dma_wait3A_403 = tpu.memref_slice %arg10[%dma_wait3A_392, %dma_wait3A_402] : memref<4x80xi32, #tpu.memory_space<vmem>> -> memref<1x80xi32, #tpu.memory_space<vmem>>
          %dma_wait3A_404 = tpu.memref_squeeze %dma_wait3A_403 : memref<1x80xi32, #tpu.memory_space<vmem>> -> memref<80xi32, #tpu.memory_space<vmem>>
          %dma_wait3A_405 = arith.constant 0 : i32
          %dma_wait3A_406 = tpu.memref_slice %arg3[%add3A, %dma_wait3A_391, %dma_wait3A_405] : memref<32x125x80xi32, #tpu.memory_space<hbm>> -> memref<1x1x80xi32, #tpu.memory_space<hbm>>
          %dma_wait3A_407 = tpu.memref_squeeze %dma_wait3A_406 : memref<1x1x80xi32, #tpu.memory_space<hbm>> -> memref<80xi32, #tpu.memory_space<hbm>>
          tpu.wait_dma2 semaphore(%dma_wait3A_401 : memref<!tpu.dma_semaphore, #tpu.memory_space<semaphore_mem>>) src(%dma_wait3A_407 : memref<80xi32, #tpu.memory_space<hbm>>) dst(%dma_wait3A_404 : memref<80xi32, #tpu.memory_space<vmem>>)
          %add3A_408 = arith.constant 2 : i32
          %add3A_409 = arith.addi %add3A_310, %add3A_408 : i32
          %dma_start3A_410 = arith.constant 1 : i32
          %dma_start3A_411 = arith.constant 1 : i32
          %dma_start3A_412 = arith.constant 1 : i32
          %dma_start3A_413 = arith.constant 0 : i32
          %dma_start3A_414 = arith.constant 0 : i32
          %dma_start3A_415 = tpu.memref_slice %arg11[%dma_start3A_411, %dma_start3A_413, %dma_start3A_414] : memref<2x80x128xf32, #tpu.memory_space<vmem>> -> memref<1x80x128xf32, #tpu.memory_space<vmem>>
          %dma_start3A_416 = tpu.memref_squeeze %dma_start3A_415 : memref<1x80x128xf32, #tpu.memory_space<vmem>> -> memref<80x128xf32, #tpu.memory_space<vmem>>
          %dma_start3A_417 = arith.constant 0 : i32
          %dma_start3A_418 = tpu.memref_slice %arg9[%dma_start3A_410, %dma_start3A_417] : memref<4x80xi32, #tpu.memory_space<vmem>> -> memref<1x80xi32, #tpu.memory_space<vmem>>
          %dma_start3A_419 = tpu.memref_squeeze %dma_start3A_418 : memref<1x80xi32, #tpu.memory_space<vmem>> -> memref<80xi32, #tpu.memory_space<vmem>>
          %dma_start3A_420 = arith.constant 0 : i32
          %dma_start3A_421 = arith.constant 0 : i32
          %dma_start3A_422 = tpu.memref_slice %arg5[%dma_start3A_420, %dma_start3A_421] : memref<10000x128xf32, #tpu.memory_space<hbm>> -> memref<10000x128xf32, #tpu.memory_space<hbm>>
          %dma_start3A_423 = tpu.memref_slice %arg13[%dma_start3A_412] : memref<2x!tpu.dma_semaphore, #tpu.memory_space<semaphore_mem>> -> memref<1x!tpu.dma_semaphore, #tpu.memory_space<semaphore_mem>>
          %dma_start3A_424 = tpu.memref_squeeze %dma_start3A_423 : memref<1x!tpu.dma_semaphore, #tpu.memory_space<semaphore_mem>> -> memref<!tpu.dma_semaphore, #tpu.memory_space<semaphore_mem>>
          tpu.enqueue_indirect_dma source(%dma_start3A_422 : memref<10000x128xf32, #tpu.memory_space<hbm>>) target(%dma_start3A_416 : memref<80x128xf32, #tpu.memory_space<vmem>>) offsets(%dma_start3A_419 : memref<80xi32, #tpu.memory_space<vmem>>) semaphore(%dma_start3A_424 : memref<!tpu.dma_semaphore, #tpu.memory_space<semaphore_mem>>)
          %mul3A_425 = arith.constant 80 : i32
          %mul3A_426 = arith.muli %add3A_409, %mul3A_425 : i32
          %add3A_427 = arith.addi %mul3A_4, %mul3A_426 : i32
          %dma_start3A_428 = arith.constant 1 : i32
          %dma_start3A_429 = arith.constant 1 : i32
          %dma_start3A_430 = arith.constant 0 : i32
          %dma_start3A_431 = arith.constant 0 : i32
          %dma_start3A_432 = tpu.memref_slice %arg12[%dma_start3A_428, %dma_start3A_430, %dma_start3A_431] : memref<2x80x64xi32, #tpu.memory_space<vmem>> -> memref<1x80x64xi32, #tpu.memory_space<vmem>>
          %dma_start3A_433 = tpu.memref_squeeze %dma_start3A_432 : memref<1x80x64xi32, #tpu.memory_space<vmem>> -> memref<80x64xi32, #tpu.memory_space<vmem>>
          %dma_start3A_434 = arith.constant 0 : i32
          %dma_start3A_435 = tpu.memref_slice %arg4[%add3A_427, %dma_start3A_434] : memref<320000x64xi32, #tpu.memory_space<hbm>> -> memref<80x64xi32, #tpu.memory_space<hbm>>
          %dma_start3A_436 = tpu.memref_slice %arg14[%dma_start3A_429] : memref<2x!tpu.dma_semaphore, #tpu.memory_space<semaphore_mem>> -> memref<1x!tpu.dma_semaphore, #tpu.memory_space<semaphore_mem>>
          %dma_start3A_437 = tpu.memref_squeeze %dma_start3A_436 : memref<1x!tpu.dma_semaphore, #tpu.memory_space<semaphore_mem>> -> memref<!tpu.dma_semaphore, #tpu.memory_space<semaphore_mem>>
          %dma_start3A_438 = arith.constant 0 : i32
          %dma_start3A_439 = arith.constant 0 : i32
          %dma_start3A_440 = tpu.memref_slice %arg12[%dma_start3A_428, %dma_start3A_438, %dma_start3A_439] : memref<2x80x64xi32, #tpu.memory_space<vmem>> -> memref<1x80x64xi32, #tpu.memory_space<vmem>>
          %dma_start3A_441 = tpu.memref_squeeze %dma_start3A_440 : memref<1x80x64xi32, #tpu.memory_space<vmem>> -> memref<80x64xi32, #tpu.memory_space<vmem>>
          %dma_start3A_442 = arith.constant 0 : i32
          %dma_start3A_443 = tpu.memref_slice %arg4[%add3A_427, %dma_start3A_442] : memref<320000x64xi32, #tpu.memory_space<hbm>> -> memref<80x64xi32, #tpu.memory_space<hbm>>
          tpu.enqueue_dma source(%dma_start3A_443 : memref<80x64xi32, #tpu.memory_space<hbm>>) target(%dma_start3A_441 : memref<80x64xi32, #tpu.memory_space<vmem>>) target_semaphore(%dma_start3A_437 : memref<!tpu.dma_semaphore, #tpu.memory_space<semaphore_mem>>)
        } else {
        }
      } else {
      }
    }
    %scan3A_284 = arith.constant 32 : i32
    %barrier3A_285 = arith.constant 0 : index
    tpu.barrier barrier_id(%barrier3A_285)
    "tpu.region"() ({
      %run_scoped3A = tpu.sem_alloc : memref<!tpu.dma_semaphore, #tpu.memory_space<semaphore_mem>>
      %dma_start3A_286 = arith.constant 0 : i32
      %dma_start3A_287 = tpu.memref_slice %arg7[%arg0, %mul3A_2, %dma_start3A_286] : memref<2x10240x128xf32, #tpu.memory_space<hbm>> -> memref<1x640x128xf32, #tpu.memory_space<hbm>>
      %dma_start3A_288 = tpu.memref_squeeze %dma_start3A_287 : memref<1x640x128xf32, #tpu.memory_space<hbm>> -> memref<640x128xf32, #tpu.memory_space<hbm>>
      %dma_start3A_289 = arith.constant 0 : i32
      %dma_start3A_290 = tpu.memref_slice %arg8[%mul3A_2, %dma_start3A_289] : memref<10240x128xf32, #tpu.memory_space<vmem_shared>> -> memref<640x128xf32, #tpu.memory_space<vmem_shared>>
      tpu.enqueue_dma source(%dma_start3A_290 : memref<640x128xf32, #tpu.memory_space<vmem_shared>>) target(%dma_start3A_288 : memref<640x128xf32, #tpu.memory_space<hbm>>) target_semaphore(%run_scoped3A : memref<!tpu.dma_semaphore, #tpu.memory_space<semaphore_mem>>)
      %dma_wait3A_291 = arith.constant 0 : i32
      %dma_wait3A_292 = tpu.memref_slice %arg7[%arg0, %mul3A_2, %dma_wait3A_291] : memref<2x10240x128xf32, #tpu.memory_space<hbm>> -> memref<1x640x128xf32, #tpu.memory_space<hbm>>
      %dma_wait3A_293 = tpu.memref_squeeze %dma_wait3A_292 : memref<1x640x128xf32, #tpu.memory_space<hbm>> -> memref<640x128xf32, #tpu.memory_space<hbm>>
      %dma_wait3A_294 = arith.constant 0 : i32
      %dma_wait3A_295 = tpu.memref_slice %arg8[%mul3A_2, %dma_wait3A_294] : memref<10240x128xf32, #tpu.memory_space<vmem_shared>> -> memref<640x128xf32, #tpu.memory_space<vmem_shared>>
      tpu.wait_dma2 semaphore(%run_scoped3A : memref<!tpu.dma_semaphore, #tpu.memory_space<semaphore_mem>>) src(%dma_wait3A_295 : memref<640x128xf32, #tpu.memory_space<vmem_shared>>) dst(%dma_wait3A_293 : memref<640x128xf32, #tpu.memory_space<hbm>>)
      tpu.yield
    }) : () -> ()
    return
  }
}

#map = affine_map<(d0, d1) -> (0, 0, 0)>
#map1 = affine_map<(d0, d1) -> (0, 0)>
module attributes {stable_mosaic.version = 14 : i64} {
  func.func @_sc_scatter_body(%arg0: i32, %arg1: i32, %arg2: memref<32x125x80xi32, #tpu.memory_space<hbm>>, %arg3: memref<32x125x80xi32, #tpu.memory_space<hbm>>, %arg4: memref<320000x64xi32, #tpu.memory_space<hbm>>, %arg5: memref<10000x128xf32, #tpu.memory_space<hbm>>, %arg6: memref<10240x128xf32, #tpu.memory_space<hbm>>, %arg7: memref<2x10240x128xf32, #tpu.memory_space<hbm>>, %arg8: memref<10240x128xf32, #tpu.memory_space<vmem_shared>>, %arg9: memref<4x80xi32, #tpu.memory_space<vmem>>, %arg10: memref<4x80xi32, #tpu.memory_space<vmem>>, %arg11: memref<2x80x128xf32, #tpu.memory_space<vmem>>, %arg12: memref<2x80x64xi32, #tpu.memory_space<vmem>>, %arg13: memref<2x!tpu.dma_semaphore, #tpu.memory_space<semaphore_mem>>, %arg14: memref<2x!tpu.dma_semaphore, #tpu.memory_space<semaphore_mem>>, %arg15: memref<4x!tpu.dma_semaphore, #tpu.memory_space<semaphore_mem>>, %arg16: memref<4x!tpu.dma_semaphore, #tpu.memory_space<semaphore_mem>>, %arg17: memref<!tpu.dma_semaphore, #tpu.memory_space<semaphore_mem>>) attributes {dimension_semantics = [#tpu.dimension_semantics<core_parallel>, #tpu.dimension_semantics<subcore_parallel>], iteration_bounds = array<i64: 2, 16>, scalar_prefetch = 0 : i64, scratch_operands = 10 : i64, tpu.core_type = #tpu.core_type<sc_vector_subcore>, window_params = [{transform_indices = #map}, {transform_indices = #map}, {transform_indices = #map1}, {transform_indices = #map1}, {transform_indices = #map1}, {transform_indices = #map}]} {
    %mul3A = arith.constant 16 : i32
    %mul3A_0 = arith.muli %arg0, %mul3A : i32
    %add3A = arith.addi %mul3A_0, %arg1 : i32
    %mul3A_1 = arith.constant 640 : i32
    %mul3A_2 = arith.muli %arg1, %mul3A_1 : i32
    %mul3A_3 = arith.constant 10000 : i32
    %mul3A_4 = arith.muli %add3A, %mul3A_3 : i32
    %dma_start3A = arith.constant 0 : i32
    %dma_start3A_5 = tpu.memref_slice %arg8[%mul3A_2, %dma_start3A] : memref<10240x128xf32, #tpu.memory_space<vmem_shared>> -> memref<640x128xf32, #tpu.memory_space<vmem_shared>>
    %dma_start3A_6 = arith.constant 0 : i32
    %dma_start3A_7 = tpu.memref_slice %arg6[%mul3A_2, %dma_start3A_6] : memref<10240x128xf32, #tpu.memory_space<hbm>> -> memref<640x128xf32, #tpu.memory_space<hbm>>
    tpu.enqueue_dma source(%dma_start3A_7 : memref<640x128xf32, #tpu.memory_space<hbm>>) target(%dma_start3A_5 : memref<640x128xf32, #tpu.memory_space<vmem_shared>>) target_semaphore(%arg17 : memref<!tpu.dma_semaphore, #tpu.memory_space<semaphore_mem>>)
    %dma_start3A_8 = arith.constant 0 : i32
    %dma_start3A_9 = arith.constant 0 : i32
    %dma_start3A_10 = arith.constant 0 : i32
    %dma_start3A_11 = arith.constant 0 : i32
    %dma_start3A_12 = tpu.memref_slice %arg9[%dma_start3A_9, %dma_start3A_11] : memref<4x80xi32, #tpu.memory_space<vmem>> -> memref<1x80xi32, #tpu.memory_space<vmem>>
    %dma_start3A_13 = tpu.memref_squeeze %dma_start3A_12 : memref<1x80xi32, #tpu.memory_space<vmem>> -> memref<80xi32, #tpu.memory_space<vmem>>
    %dma_start3A_14 = arith.constant 0 : i32
    %dma_start3A_15 = tpu.memref_slice %arg2[%add3A, %dma_start3A_8, %dma_start3A_14] : memref<32x125x80xi32, #tpu.memory_space<hbm>> -> memref<1x1x80xi32, #tpu.memory_space<hbm>>
    %dma_start3A_16 = tpu.memref_squeeze %dma_start3A_15 : memref<1x1x80xi32, #tpu.memory_space<hbm>> -> memref<80xi32, #tpu.memory_space<hbm>>
    %dma_start3A_17 = tpu.memref_slice %arg15[%dma_start3A_10] : memref<4x!tpu.dma_semaphore, #tpu.memory_space<semaphore_mem>> -> memref<1x!tpu.dma_semaphore, #tpu.memory_space<semaphore_mem>>
    %dma_start3A_18 = tpu.memref_squeeze %dma_start3A_17 : memref<1x!tpu.dma_semaphore, #tpu.memory_space<semaphore_mem>> -> memref<!tpu.dma_semaphore, #tpu.memory_space<semaphore_mem>>
    %dma_start3A_19 = arith.constant 0 : i32
    %dma_start3A_20 = tpu.memref_slice %arg9[%dma_start3A_9, %dma_start3A_19] : memref<4x80xi32, #tpu.memory_space<vmem>> -> memref<1x80xi32, #tpu.memory_space<vmem>>
    %dma_start3A_21 = tpu.memref_squeeze %dma_start3A_20 : memref<1x80xi32, #tpu.memory_space<vmem>> -> memref<80xi32, #tpu.memory_space<vmem>>
    %dma_start3A_22 = arith.constant 0 : i32
    %dma_start3A_23 = tpu.memref_slice %arg2[%add3A, %dma_start3A_8, %dma_start3A_22] : memref<32x125x80xi32, #tpu.memory_space<hbm>> -> memref<1x1x80xi32, #tpu.memory_space<hbm>>
    %dma_start3A_24 = tpu.memref_squeeze %dma_start3A_23 : memref<1x1x80xi32, #tpu.memory_space<hbm>> -> memref<80xi32, #tpu.memory_space<hbm>>
    tpu.enqueue_dma source(%dma_start3A_24 : memref<80xi32, #tpu.memory_space<hbm>>) target(%dma_start3A_21 : memref<80xi32, #tpu.memory_space<vmem>>) target_semaphore(%dma_start3A_18 : memref<!tpu.dma_semaphore, #tpu.memory_space<semaphore_mem>>)
    %dma_start3A_25 = arith.constant 0 : i32
    %dma_start3A_26 = arith.constant 0 : i32
    %dma_start3A_27 = arith.constant 0 : i32
    %dma_start3A_28 = arith.constant 0 : i32
    %dma_start3A_29 = tpu.memref_slice %arg10[%dma_start3A_26, %dma_start3A_28] : memref<4x80xi32, #tpu.memory_space<vmem>> -> memref<1x80xi32, #tpu.memory_space<vmem>>
    %dma_start3A_30 = tpu.memref_squeeze %dma_start3A_29 : memref<1x80xi32, #tpu.memory_space<vmem>> -> memref<80xi32, #tpu.memory_space<vmem>>
    %dma_start3A_31 = arith.constant 0 : i32
    %dma_start3A_32 = tpu.memref_slice %arg3[%add3A, %dma_start3A_25, %dma_start3A_31] : memref<32x125x80xi32, #tpu.memory_space<hbm>> -> memref<1x1x80xi32, #tpu.memory_space<hbm>>
    %dma_start3A_33 = tpu.memref_squeeze %dma_start3A_32 : memref<1x1x80xi32, #tpu.memory_space<hbm>> -> memref<80xi32, #tpu.memory_space<hbm>>
    %dma_start3A_34 = tpu.memref_slice %arg16[%dma_start3A_27] : memref<4x!tpu.dma_semaphore, #tpu.memory_space<semaphore_mem>> -> memref<1x!tpu.dma_semaphore, #tpu.memory_space<semaphore_mem>>
    %dma_start3A_35 = tpu.memref_squeeze %dma_start3A_34 : memref<1x!tpu.dma_semaphore, #tpu.memory_space<semaphore_mem>> -> memref<!tpu.dma_semaphore, #tpu.memory_space<semaphore_mem>>
    %dma_start3A_36 = arith.constant 0 : i32
    %dma_start3A_37 = tpu.memref_slice %arg10[%dma_start3A_26, %dma_start3A_36] : memref<4x80xi32, #tpu.memory_space<vmem>> -> memref<1x80xi32, #tpu.memory_space<vmem>>
    %dma_start3A_38 = tpu.memref_squeeze %dma_start3A_37 : memref<1x80xi32, #tpu.memory_space<vmem>> -> memref<80xi32, #tpu.memory_space<vmem>>
    %dma_start3A_39 = arith.constant 0 : i32
    %dma_start3A_40 = tpu.memref_slice %arg3[%add3A, %dma_start3A_25, %dma_start3A_39] : memref<32x125x80xi32, #tpu.memory_space<hbm>> -> memref<1x1x80xi32, #tpu.memory_space<hbm>>
    %dma_start3A_41 = tpu.memref_squeeze %dma_start3A_40 : memref<1x1x80xi32, #tpu.memory_space<hbm>> -> memref<80xi32, #tpu.memory_space<hbm>>
    tpu.enqueue_dma source(%dma_start3A_41 : memref<80xi32, #tpu.memory_space<hbm>>) target(%dma_start3A_38 : memref<80xi32, #tpu.memory_space<vmem>>) target_semaphore(%dma_start3A_35 : memref<!tpu.dma_semaphore, #tpu.memory_space<semaphore_mem>>)
    %dma_start3A_42 = arith.constant 1 : i32
    %dma_start3A_43 = arith.constant 1 : i32
    %dma_start3A_44 = arith.constant 1 : i32
    %dma_start3A_45 = arith.constant 0 : i32
    %dma_start3A_46 = tpu.memref_slice %arg9[%dma_start3A_43, %dma_start3A_45] : memref<4x80xi32, #tpu.memory_space<vmem>> -> memref<1x80xi32, #tpu.memory_space<vmem>>
    %dma_start3A_47 = tpu.memref_squeeze %dma_start3A_46 : memref<1x80xi32, #tpu.memory_space<vmem>> -> memref<80xi32, #tpu.memory_space<vmem>>
    %dma_start3A_48 = arith.constant 0 : i32
    %dma_start3A_49 = tpu.memref_slice %arg2[%add3A, %dma_start3A_42, %dma_start3A_48] : memref<32x125x80xi32, #tpu.memory_space<hbm>> -> memref<1x1x80xi32, #tpu.memory_space<hbm>>
    %dma_start3A_50 = tpu.memref_squeeze %dma_start3A_49 : memref<1x1x80xi32, #tpu.memory_space<hbm>> -> memref<80xi32, #tpu.memory_space<hbm>>
    %dma_start3A_51 = tpu.memref_slice %arg15[%dma_start3A_44] : memref<4x!tpu.dma_semaphore, #tpu.memory_space<semaphore_mem>> -> memref<1x!tpu.dma_semaphore, #tpu.memory_space<semaphore_mem>>
    %dma_start3A_52 = tpu.memref_squeeze %dma_start3A_51 : memref<1x!tpu.dma_semaphore, #tpu.memory_space<semaphore_mem>> -> memref<!tpu.dma_semaphore, #tpu.memory_space<semaphore_mem>>
    %dma_start3A_53 = arith.constant 0 : i32
    %dma_start3A_54 = tpu.memref_slice %arg9[%dma_start3A_43, %dma_start3A_53] : memref<4x80xi32, #tpu.memory_space<vmem>> -> memref<1x80xi32, #tpu.memory_space<vmem>>
    %dma_start3A_55 = tpu.memref_squeeze %dma_start3A_54 : memref<1x80xi32, #tpu.memory_space<vmem>> -> memref<80xi32, #tpu.memory_space<vmem>>
    %dma_start3A_56 = arith.constant 0 : i32
    %dma_start3A_57 = tpu.memref_slice %arg2[%add3A, %dma_start3A_42, %dma_start3A_56] : memref<32x125x80xi32, #tpu.memory_space<hbm>> -> memref<1x1x80xi32, #tpu.memory_space<hbm>>
    %dma_start3A_58 = tpu.memref_squeeze %dma_start3A_57 : memref<1x1x80xi32, #tpu.memory_space<hbm>> -> memref<80xi32, #tpu.memory_space<hbm>>
    tpu.enqueue_dma source(%dma_start3A_58 : memref<80xi32, #tpu.memory_space<hbm>>) target(%dma_start3A_55 : memref<80xi32, #tpu.memory_space<vmem>>) target_semaphore(%dma_start3A_52 : memref<!tpu.dma_semaphore, #tpu.memory_space<semaphore_mem>>)
    %dma_start3A_59 = arith.constant 1 : i32
    %dma_start3A_60 = arith.constant 1 : i32
    %dma_start3A_61 = arith.constant 1 : i32
    %dma_start3A_62 = arith.constant 0 : i32
    %dma_start3A_63 = tpu.memref_slice %arg10[%dma_start3A_60, %dma_start3A_62] : memref<4x80xi32, #tpu.memory_space<vmem>> -> memref<1x80xi32, #tpu.memory_space<vmem>>
    %dma_start3A_64 = tpu.memref_squeeze %dma_start3A_63 : memref<1x80xi32, #tpu.memory_space<vmem>> -> memref<80xi32, #tpu.memory_space<vmem>>
    %dma_start3A_65 = arith.constant 0 : i32
    %dma_start3A_66 = tpu.memref_slice %arg3[%add3A, %dma_start3A_59, %dma_start3A_65] : memref<32x125x80xi32, #tpu.memory_space<hbm>> -> memref<1x1x80xi32, #tpu.memory_space<hbm>>
    %dma_start3A_67 = tpu.memref_squeeze %dma_start3A_66 : memref<1x1x80xi32, #tpu.memory_space<hbm>> -> memref<80xi32, #tpu.memory_space<hbm>>
    %dma_start3A_68 = tpu.memref_slice %arg16[%dma_start3A_61] : memref<4x!tpu.dma_semaphore, #tpu.memory_space<semaphore_mem>> -> memref<1x!tpu.dma_semaphore, #tpu.memory_space<semaphore_mem>>
    %dma_start3A_69 = tpu.memref_squeeze %dma_start3A_68 : memref<1x!tpu.dma_semaphore, #tpu.memory_space<semaphore_mem>> -> memref<!tpu.dma_semaphore, #tpu.memory_space<semaphore_mem>>
    %dma_start3A_70 = arith.constant 0 : i32
    %dma_start3A_71 = tpu.memref_slice %arg10[%dma_start3A_60, %dma_start3A_70] : memref<4x80xi32, #tpu.memory_space<vmem>> -> memref<1x80xi32, #tpu.memory_space<vmem>>
    %dma_start3A_72 = tpu.memref_squeeze %dma_start3A_71 : memref<1x80xi32, #tpu.memory_space<vmem>> -> memref<80xi32, #tpu.memory_space<vmem>>
    %dma_start3A_73 = arith.constant 0 : i32
    %dma_start3A_74 = tpu.memref_slice %arg3[%add3A, %dma_start3A_59, %dma_start3A_73] : memref<32x125x80xi32, #tpu.memory_space<hbm>> -> memref<1x1x80xi32, #tpu.memory_space<hbm>>
    %dma_start3A_75 = tpu.memref_squeeze %dma_start3A_74 : memref<1x1x80xi32, #tpu.memory_space<hbm>> -> memref<80xi32, #tpu.memory_space<hbm>>
    tpu.enqueue_dma source(%dma_start3A_75 : memref<80xi32, #tpu.memory_space<hbm>>) target(%dma_start3A_72 : memref<80xi32, #tpu.memory_space<vmem>>) target_semaphore(%dma_start3A_69 : memref<!tpu.dma_semaphore, #tpu.memory_space<semaphore_mem>>)
    %dma_start3A_76 = arith.constant 2 : i32
    %dma_start3A_77 = arith.constant 2 : i32
    %dma_start3A_78 = arith.constant 2 : i32
    %dma_start3A_79 = arith.constant 0 : i32
    %dma_start3A_80 = tpu.memref_slice %arg9[%dma_start3A_77, %dma_start3A_79] : memref<4x80xi32, #tpu.memory_space<vmem>> -> memref<1x80xi32, #tpu.memory_space<vmem>>
    %dma_start3A_81 = tpu.memref_squeeze %dma_start3A_80 : memref<1x80xi32, #tpu.memory_space<vmem>> -> memref<80xi32, #tpu.memory_space<vmem>>
    %dma_start3A_82 = arith.constant 0 : i32
    %dma_start3A_83 = tpu.memref_slice %arg2[%add3A, %dma_start3A_76, %dma_start3A_82] : memref<32x125x80xi32, #tpu.memory_space<hbm>> -> memref<1x1x80xi32, #tpu.memory_space<hbm>>
    %dma_start3A_84 = tpu.memref_squeeze %dma_start3A_83 : memref<1x1x80xi32, #tpu.memory_space<hbm>> -> memref<80xi32, #tpu.memory_space<hbm>>
    %dma_start3A_85 = tpu.memref_slice %arg15[%dma_start3A_78] : memref<4x!tpu.dma_semaphore, #tpu.memory_space<semaphore_mem>> -> memref<1x!tpu.dma_semaphore, #tpu.memory_space<semaphore_mem>>
    %dma_start3A_86 = tpu.memref_squeeze %dma_start3A_85 : memref<1x!tpu.dma_semaphore, #tpu.memory_space<semaphore_mem>> -> memref<!tpu.dma_semaphore, #tpu.memory_space<semaphore_mem>>
    %dma_start3A_87 = arith.constant 0 : i32
    %dma_start3A_88 = tpu.memref_slice %arg9[%dma_start3A_77, %dma_start3A_87] : memref<4x80xi32, #tpu.memory_space<vmem>> -> memref<1x80xi32, #tpu.memory_space<vmem>>
    %dma_start3A_89 = tpu.memref_squeeze %dma_start3A_88 : memref<1x80xi32, #tpu.memory_space<vmem>> -> memref<80xi32, #tpu.memory_space<vmem>>
    %dma_start3A_90 = arith.constant 0 : i32
    %dma_start3A_91 = tpu.memref_slice %arg2[%add3A, %dma_start3A_76, %dma_start3A_90] : memref<32x125x80xi32, #tpu.memory_space<hbm>> -> memref<1x1x80xi32, #tpu.memory_space<hbm>>
    %dma_start3A_92 = tpu.memref_squeeze %dma_start3A_91 : memref<1x1x80xi32, #tpu.memory_space<hbm>> -> memref<80xi32, #tpu.memory_space<hbm>>
    tpu.enqueue_dma source(%dma_start3A_92 : memref<80xi32, #tpu.memory_space<hbm>>) target(%dma_start3A_89 : memref<80xi32, #tpu.memory_space<vmem>>) target_semaphore(%dma_start3A_86 : memref<!tpu.dma_semaphore, #tpu.memory_space<semaphore_mem>>)
    %dma_start3A_93 = arith.constant 2 : i32
    %dma_start3A_94 = arith.constant 2 : i32
    %dma_start3A_95 = arith.constant 2 : i32
    %dma_start3A_96 = arith.constant 0 : i32
    %dma_start3A_97 = tpu.memref_slice %arg10[%dma_start3A_94, %dma_start3A_96] : memref<4x80xi32, #tpu.memory_space<vmem>> -> memref<1x80xi32, #tpu.memory_space<vmem>>
    %dma_start3A_98 = tpu.memref_squeeze %dma_start3A_97 : memref<1x80xi32, #tpu.memory_space<vmem>> -> memref<80xi32, #tpu.memory_space<vmem>>
    %dma_start3A_99 = arith.constant 0 : i32
    %dma_start3A_100 = tpu.memref_slice %arg3[%add3A, %dma_start3A_93, %dma_start3A_99] : memref<32x125x80xi32, #tpu.memory_space<hbm>> -> memref<1x1x80xi32, #tpu.memory_space<hbm>>
    %dma_start3A_101 = tpu.memref_squeeze %dma_start3A_100 : memref<1x1x80xi32, #tpu.memory_space<hbm>> -> memref<80xi32, #tpu.memory_space<hbm>>
    %dma_start3A_102 = tpu.memref_slice %arg16[%dma_start3A_95] : memref<4x!tpu.dma_semaphore, #tpu.memory_space<semaphore_mem>> -> memref<1x!tpu.dma_semaphore, #tpu.memory_space<semaphore_mem>>
    %dma_start3A_103 = tpu.memref_squeeze %dma_start3A_102 : memref<1x!tpu.dma_semaphore, #tpu.memory_space<semaphore_mem>> -> memref<!tpu.dma_semaphore, #tpu.memory_space<semaphore_mem>>
    %dma_start3A_104 = arith.constant 0 : i32
    %dma_start3A_105 = tpu.memref_slice %arg10[%dma_start3A_94, %dma_start3A_104] : memref<4x80xi32, #tpu.memory_space<vmem>> -> memref<1x80xi32, #tpu.memory_space<vmem>>
    %dma_start3A_106 = tpu.memref_squeeze %dma_start3A_105 : memref<1x80xi32, #tpu.memory_space<vmem>> -> memref<80xi32, #tpu.memory_space<vmem>>
    %dma_start3A_107 = arith.constant 0 : i32
    %dma_start3A_108 = tpu.memref_slice %arg3[%add3A, %dma_start3A_93, %dma_start3A_107] : memref<32x125x80xi32, #tpu.memory_space<hbm>> -> memref<1x1x80xi32, #tpu.memory_space<hbm>>
    %dma_start3A_109 = tpu.memref_squeeze %dma_start3A_108 : memref<1x1x80xi32, #tpu.memory_space<hbm>> -> memref<80xi32, #tpu.memory_space<hbm>>
    tpu.enqueue_dma source(%dma_start3A_109 : memref<80xi32, #tpu.memory_space<hbm>>) target(%dma_start3A_106 : memref<80xi32, #tpu.memory_space<vmem>>) target_semaphore(%dma_start3A_103 : memref<!tpu.dma_semaphore, #tpu.memory_space<semaphore_mem>>)
    %dma_start3A_110 = arith.constant 3 : i32
    %dma_start3A_111 = arith.constant 3 : i32
    %dma_start3A_112 = arith.constant 3 : i32
    %dma_start3A_113 = arith.constant 0 : i32
    %dma_start3A_114 = tpu.memref_slice %arg9[%dma_start3A_111, %dma_start3A_113] : memref<4x80xi32, #tpu.memory_space<vmem>> -> memref<1x80xi32, #tpu.memory_space<vmem>>
    %dma_start3A_115 = tpu.memref_squeeze %dma_start3A_114 : memref<1x80xi32, #tpu.memory_space<vmem>> -> memref<80xi32, #tpu.memory_space<vmem>>
    %dma_start3A_116 = arith.constant 0 : i32
    %dma_start3A_117 = tpu.memref_slice %arg2[%add3A, %dma_start3A_110, %dma_start3A_116] : memref<32x125x80xi32, #tpu.memory_space<hbm>> -> memref<1x1x80xi32, #tpu.memory_space<hbm>>
    %dma_start3A_118 = tpu.memref_squeeze %dma_start3A_117 : memref<1x1x80xi32, #tpu.memory_space<hbm>> -> memref<80xi32, #tpu.memory_space<hbm>>
    %dma_start3A_119 = tpu.memref_slice %arg15[%dma_start3A_112] : memref<4x!tpu.dma_semaphore, #tpu.memory_space<semaphore_mem>> -> memref<1x!tpu.dma_semaphore, #tpu.memory_space<semaphore_mem>>
    %dma_start3A_120 = tpu.memref_squeeze %dma_start3A_119 : memref<1x!tpu.dma_semaphore, #tpu.memory_space<semaphore_mem>> -> memref<!tpu.dma_semaphore, #tpu.memory_space<semaphore_mem>>
    %dma_start3A_121 = arith.constant 0 : i32
    %dma_start3A_122 = tpu.memref_slice %arg9[%dma_start3A_111, %dma_start3A_121] : memref<4x80xi32, #tpu.memory_space<vmem>> -> memref<1x80xi32, #tpu.memory_space<vmem>>
    %dma_start3A_123 = tpu.memref_squeeze %dma_start3A_122 : memref<1x80xi32, #tpu.memory_space<vmem>> -> memref<80xi32, #tpu.memory_space<vmem>>
    %dma_start3A_124 = arith.constant 0 : i32
    %dma_start3A_125 = tpu.memref_slice %arg2[%add3A, %dma_start3A_110, %dma_start3A_124] : memref<32x125x80xi32, #tpu.memory_space<hbm>> -> memref<1x1x80xi32, #tpu.memory_space<hbm>>
    %dma_start3A_126 = tpu.memref_squeeze %dma_start3A_125 : memref<1x1x80xi32, #tpu.memory_space<hbm>> -> memref<80xi32, #tpu.memory_space<hbm>>
    tpu.enqueue_dma source(%dma_start3A_126 : memref<80xi32, #tpu.memory_space<hbm>>) target(%dma_start3A_123 : memref<80xi32, #tpu.memory_space<vmem>>) target_semaphore(%dma_start3A_120 : memref<!tpu.dma_semaphore, #tpu.memory_space<semaphore_mem>>)
    %dma_start3A_127 = arith.constant 3 : i32
    %dma_start3A_128 = arith.constant 3 : i32
    %dma_start3A_129 = arith.constant 3 : i32
    %dma_start3A_130 = arith.constant 0 : i32
    %dma_start3A_131 = tpu.memref_slice %arg10[%dma_start3A_128, %dma_start3A_130] : memref<4x80xi32, #tpu.memory_space<vmem>> -> memref<1x80xi32, #tpu.memory_space<vmem>>
    %dma_start3A_132 = tpu.memref_squeeze %dma_start3A_131 : memref<1x80xi32, #tpu.memory_space<vmem>> -> memref<80xi32, #tpu.memory_space<vmem>>
    %dma_start3A_133 = arith.constant 0 : i32
    %dma_start3A_134 = tpu.memref_slice %arg3[%add3A, %dma_start3A_127, %dma_start3A_133] : memref<32x125x80xi32, #tpu.memory_space<hbm>> -> memref<1x1x80xi32, #tpu.memory_space<hbm>>
    %dma_start3A_135 = tpu.memref_squeeze %dma_start3A_134 : memref<1x1x80xi32, #tpu.memory_space<hbm>> -> memref<80xi32, #tpu.memory_space<hbm>>
    %dma_start3A_136 = tpu.memref_slice %arg16[%dma_start3A_129] : memref<4x!tpu.dma_semaphore, #tpu.memory_space<semaphore_mem>> -> memref<1x!tpu.dma_semaphore, #tpu.memory_space<semaphore_mem>>
    %dma_start3A_137 = tpu.memref_squeeze %dma_start3A_136 : memref<1x!tpu.dma_semaphore, #tpu.memory_space<semaphore_mem>> -> memref<!tpu.dma_semaphore, #tpu.memory_space<semaphore_mem>>
    %dma_start3A_138 = arith.constant 0 : i32
    %dma_start3A_139 = tpu.memref_slice %arg10[%dma_start3A_128, %dma_start3A_138] : memref<4x80xi32, #tpu.memory_space<vmem>> -> memref<1x80xi32, #tpu.memory_space<vmem>>
    %dma_start3A_140 = tpu.memref_squeeze %dma_start3A_139 : memref<1x80xi32, #tpu.memory_space<vmem>> -> memref<80xi32, #tpu.memory_space<vmem>>
    %dma_start3A_141 = arith.constant 0 : i32
    %dma_start3A_142 = tpu.memref_slice %arg3[%add3A, %dma_start3A_127, %dma_start3A_141] : memref<32x125x80xi32, #tpu.memory_space<hbm>> -> memref<1x1x80xi32, #tpu.memory_space<hbm>>
    %dma_start3A_143 = tpu.memref_squeeze %dma_start3A_142 : memref<1x1x80xi32, #tpu.memory_space<hbm>> -> memref<80xi32, #tpu.memory_space<hbm>>
    tpu.enqueue_dma source(%dma_start3A_143 : memref<80xi32, #tpu.memory_space<hbm>>) target(%dma_start3A_140 : memref<80xi32, #tpu.memory_space<vmem>>) target_semaphore(%dma_start3A_137 : memref<!tpu.dma_semaphore, #tpu.memory_space<semaphore_mem>>)
    %dma_wait3A = arith.constant 0 : i32
    %dma_wait3A_144 = arith.constant 0 : i32
    %dma_wait3A_145 = arith.constant 0 : i32
    %dma_wait3A_146 = arith.constant 0 : i32
    %dma_wait3A_147 = tpu.memref_slice %arg9[%dma_wait3A_144, %dma_wait3A_146] : memref<4x80xi32, #tpu.memory_space<vmem>> -> memref<1x80xi32, #tpu.memory_space<vmem>>
    %dma_wait3A_148 = tpu.memref_squeeze %dma_wait3A_147 : memref<1x80xi32, #tpu.memory_space<vmem>> -> memref<80xi32, #tpu.memory_space<vmem>>
    %dma_wait3A_149 = arith.constant 0 : i32
    %dma_wait3A_150 = tpu.memref_slice %arg2[%add3A, %dma_wait3A, %dma_wait3A_149] : memref<32x125x80xi32, #tpu.memory_space<hbm>> -> memref<1x1x80xi32, #tpu.memory_space<hbm>>
    %dma_wait3A_151 = tpu.memref_squeeze %dma_wait3A_150 : memref<1x1x80xi32, #tpu.memory_space<hbm>> -> memref<80xi32, #tpu.memory_space<hbm>>
    %dma_wait3A_152 = tpu.memref_slice %arg15[%dma_wait3A_145] : memref<4x!tpu.dma_semaphore, #tpu.memory_space<semaphore_mem>> -> memref<1x!tpu.dma_semaphore, #tpu.memory_space<semaphore_mem>>
    %dma_wait3A_153 = tpu.memref_squeeze %dma_wait3A_152 : memref<1x!tpu.dma_semaphore, #tpu.memory_space<semaphore_mem>> -> memref<!tpu.dma_semaphore, #tpu.memory_space<semaphore_mem>>
    %dma_wait3A_154 = arith.constant 0 : i32
    %dma_wait3A_155 = tpu.memref_slice %arg9[%dma_wait3A_144, %dma_wait3A_154] : memref<4x80xi32, #tpu.memory_space<vmem>> -> memref<1x80xi32, #tpu.memory_space<vmem>>
    %dma_wait3A_156 = tpu.memref_squeeze %dma_wait3A_155 : memref<1x80xi32, #tpu.memory_space<vmem>> -> memref<80xi32, #tpu.memory_space<vmem>>
    %dma_wait3A_157 = arith.constant 0 : i32
    %dma_wait3A_158 = tpu.memref_slice %arg2[%add3A, %dma_wait3A, %dma_wait3A_157] : memref<32x125x80xi32, #tpu.memory_space<hbm>> -> memref<1x1x80xi32, #tpu.memory_space<hbm>>
    %dma_wait3A_159 = tpu.memref_squeeze %dma_wait3A_158 : memref<1x1x80xi32, #tpu.memory_space<hbm>> -> memref<80xi32, #tpu.memory_space<hbm>>
    tpu.wait_dma2 semaphore(%dma_wait3A_153 : memref<!tpu.dma_semaphore, #tpu.memory_space<semaphore_mem>>) src(%dma_wait3A_159 : memref<80xi32, #tpu.memory_space<hbm>>) dst(%dma_wait3A_156 : memref<80xi32, #tpu.memory_space<vmem>>)
    %dma_wait3A_160 = arith.constant 0 : i32
    %dma_wait3A_161 = arith.constant 0 : i32
    %dma_wait3A_162 = arith.constant 0 : i32
    %dma_wait3A_163 = arith.constant 0 : i32
    %dma_wait3A_164 = tpu.memref_slice %arg10[%dma_wait3A_161, %dma_wait3A_163] : memref<4x80xi32, #tpu.memory_space<vmem>> -> memref<1x80xi32, #tpu.memory_space<vmem>>
    %dma_wait3A_165 = tpu.memref_squeeze %dma_wait3A_164 : memref<1x80xi32, #tpu.memory_space<vmem>> -> memref<80xi32, #tpu.memory_space<vmem>>
    %dma_wait3A_166 = arith.constant 0 : i32
    %dma_wait3A_167 = tpu.memref_slice %arg3[%add3A, %dma_wait3A_160, %dma_wait3A_166] : memref<32x125x80xi32, #tpu.memory_space<hbm>> -> memref<1x1x80xi32, #tpu.memory_space<hbm>>
    %dma_wait3A_168 = tpu.memref_squeeze %dma_wait3A_167 : memref<1x1x80xi32, #tpu.memory_space<hbm>> -> memref<80xi32, #tpu.memory_space<hbm>>
    %dma_wait3A_169 = tpu.memref_slice %arg16[%dma_wait3A_162] : memref<4x!tpu.dma_semaphore, #tpu.memory_space<semaphore_mem>> -> memref<1x!tpu.dma_semaphore, #tpu.memory_space<semaphore_mem>>
    %dma_wait3A_170 = tpu.memref_squeeze %dma_wait3A_169 : memref<1x!tpu.dma_semaphore, #tpu.memory_space<semaphore_mem>> -> memref<!tpu.dma_semaphore, #tpu.memory_space<semaphore_mem>>
    %dma_wait3A_171 = arith.constant 0 : i32
    %dma_wait3A_172 = tpu.memref_slice %arg10[%dma_wait3A_161, %dma_wait3A_171] : memref<4x80xi32, #tpu.memory_space<vmem>> -> memref<1x80xi32, #tpu.memory_space<vmem>>
    %dma_wait3A_173 = tpu.memref_squeeze %dma_wait3A_172 : memref<1x80xi32, #tpu.memory_space<vmem>> -> memref<80xi32, #tpu.memory_space<vmem>>
    %dma_wait3A_174 = arith.constant 0 : i32
    %dma_wait3A_175 = tpu.memref_slice %arg3[%add3A, %dma_wait3A_160, %dma_wait3A_174] : memref<32x125x80xi32, #tpu.memory_space<hbm>> -> memref<1x1x80xi32, #tpu.memory_space<hbm>>
    %dma_wait3A_176 = tpu.memref_squeeze %dma_wait3A_175 : memref<1x1x80xi32, #tpu.memory_space<hbm>> -> memref<80xi32, #tpu.memory_space<hbm>>
    tpu.wait_dma2 semaphore(%dma_wait3A_170 : memref<!tpu.dma_semaphore, #tpu.memory_space<semaphore_mem>>) src(%dma_wait3A_176 : memref<80xi32, #tpu.memory_space<hbm>>) dst(%dma_wait3A_173 : memref<80xi32, #tpu.memory_space<vmem>>)
    %dma_start3A_177 = arith.constant 0 : i32
    %dma_start3A_178 = arith.constant 0 : i32
    %dma_start3A_179 = arith.constant 0 : i32
    %dma_start3A_180 = arith.constant 0 : i32
    %dma_start3A_181 = arith.constant 0 : i32
    %dma_start3A_182 = tpu.memref_slice %arg11[%dma_start3A_178, %dma_start3A_180, %dma_start3A_181] : memref<2x80x128xf32, #tpu.memory_space<vmem>> -> memref<1x80x128xf32, #tpu.memory_space<vmem>>
    %dma_start3A_183 = tpu.memref_squeeze %dma_start3A_182 : memref<1x80x128xf32, #tpu.memory_space<vmem>> -> memref<80x128xf32, #tpu.memory_space<vmem>>
    %dma_start3A_184 = arith.constant 0 : i32
    %dma_start3A_185 = tpu.memref_slice %arg9[%dma_start3A_177, %dma_start3A_184] : memref<4x80xi32, #tpu.memory_space<vmem>> -> memref<1x80xi32, #tpu.memory_space<vmem>>
    %dma_start3A_186 = tpu.memref_squeeze %dma_start3A_185 : memref<1x80xi32, #tpu.memory_space<vmem>> -> memref<80xi32, #tpu.memory_space<vmem>>
    %dma_start3A_187 = arith.constant 0 : i32
    %dma_start3A_188 = arith.constant 0 : i32
    %dma_start3A_189 = tpu.memref_slice %arg5[%dma_start3A_187, %dma_start3A_188] : memref<10000x128xf32, #tpu.memory_space<hbm>> -> memref<10000x128xf32, #tpu.memory_space<hbm>>
    %dma_start3A_190 = tpu.memref_slice %arg13[%dma_start3A_179] : memref<2x!tpu.dma_semaphore, #tpu.memory_space<semaphore_mem>> -> memref<1x!tpu.dma_semaphore, #tpu.memory_space<semaphore_mem>>
    %dma_start3A_191 = tpu.memref_squeeze %dma_start3A_190 : memref<1x!tpu.dma_semaphore, #tpu.memory_space<semaphore_mem>> -> memref<!tpu.dma_semaphore, #tpu.memory_space<semaphore_mem>>
    tpu.enqueue_indirect_dma source(%dma_start3A_189 : memref<10000x128xf32, #tpu.memory_space<hbm>>) target(%dma_start3A_183 : memref<80x128xf32, #tpu.memory_space<vmem>>) offsets(%dma_start3A_186 : memref<80xi32, #tpu.memory_space<vmem>>) semaphore(%dma_start3A_191 : memref<!tpu.dma_semaphore, #tpu.memory_space<semaphore_mem>>)
    %add3A_192 = arith.constant 0 : i32
    %add3A_193 = arith.addi %mul3A_4, %add3A_192 : i32
    %dma_start3A_194 = arith.constant 0 : i32
    %dma_start3A_195 = arith.constant 0 : i32
    %dma_start3A_196 = arith.constant 0 : i32
    %dma_start3A_197 = arith.constant 0 : i32
    %dma_start3A_198 = tpu.memref_slice %arg12[%dma_start3A_194, %dma_start3A_196, %dma_start3A_197] : memref<2x80x64xi32, #tpu.memory_space<vmem>> -> memref<1x80x64xi32, #tpu.memory_space<vmem>>
    %dma_start3A_199 = tpu.memref_squeeze %dma_start3A_198 : memref<1x80x64xi32, #tpu.memory_space<vmem>> -> memref<80x64xi32, #tpu.memory_space<vmem>>
    %dma_start3A_200 = arith.constant 0 : i32
    %dma_start3A_201 = tpu.memref_slice %arg4[%add3A_193, %dma_start3A_200] : memref<320000x64xi32, #tpu.memory_space<hbm>> -> memref<80x64xi32, #tpu.memory_space<hbm>>
    %dma_start3A_202 = tpu.memref_slice %arg14[%dma_start3A_195] : memref<2x!tpu.dma_semaphore, #tpu.memory_space<semaphore_mem>> -> memref<1x!tpu.dma_semaphore, #tpu.memory_space<semaphore_mem>>
    %dma_start3A_203 = tpu.memref_squeeze %dma_start3A_202 : memref<1x!tpu.dma_semaphore, #tpu.memory_space<semaphore_mem>> -> memref<!tpu.dma_semaphore, #tpu.memory_space<semaphore_mem>>
    %dma_start3A_204 = arith.constant 0 : i32
    %dma_start3A_205 = arith.constant 0 : i32
    %dma_start3A_206 = tpu.memref_slice %arg12[%dma_start3A_194, %dma_start3A_204, %dma_start3A_205] : memref<2x80x64xi32, #tpu.memory_space<vmem>> -> memref<1x80x64xi32, #tpu.memory_space<vmem>>
    %dma_start3A_207 = tpu.memref_squeeze %dma_start3A_206 : memref<1x80x64xi32, #tpu.memory_space<vmem>> -> memref<80x64xi32, #tpu.memory_space<vmem>>
    %dma_start3A_208 = arith.constant 0 : i32
    %dma_start3A_209 = tpu.memref_slice %arg4[%add3A_193, %dma_start3A_208] : memref<320000x64xi32, #tpu.memory_space<hbm>> -> memref<80x64xi32, #tpu.memory_space<hbm>>
    tpu.enqueue_dma source(%dma_start3A_209 : memref<80x64xi32, #tpu.memory_space<hbm>>) target(%dma_start3A_207 : memref<80x64xi32, #tpu.memory_space<vmem>>) target_semaphore(%dma_start3A_203 : memref<!tpu.dma_semaphore, #tpu.memory_space<semaphore_mem>>)
    %dma_wait3A_210 = arith.constant 0 : i32
    %dma_wait3A_211 = arith.constant 1 : i32
    %dma_wait3A_212 = arith.constant 1 : i32
    %dma_wait3A_213 = arith.constant 0 : i32
    %dma_wait3A_214 = tpu.memref_slice %arg9[%dma_wait3A_211, %dma_wait3A_213] : memref<4x80xi32, #tpu.memory_space<vmem>> -> memref<1x80xi32, #tpu.memory_space<vmem>>
    %dma_wait3A_215 = tpu.memref_squeeze %dma_wait3A_214 : memref<1x80xi32, #tpu.memory_space<vmem>> -> memref<80xi32, #tpu.memory_space<vmem>>
    %dma_wait3A_216 = arith.constant 0 : i32
    %dma_wait3A_217 = tpu.memref_slice %arg2[%add3A, %dma_wait3A_210, %dma_wait3A_216] : memref<32x125x80xi32, #tpu.memory_space<hbm>> -> memref<1x1x80xi32, #tpu.memory_space<hbm>>
    %dma_wait3A_218 = tpu.memref_squeeze %dma_wait3A_217 : memref<1x1x80xi32, #tpu.memory_space<hbm>> -> memref<80xi32, #tpu.memory_space<hbm>>
    %dma_wait3A_219 = tpu.memref_slice %arg15[%dma_wait3A_212] : memref<4x!tpu.dma_semaphore, #tpu.memory_space<semaphore_mem>> -> memref<1x!tpu.dma_semaphore, #tpu.memory_space<semaphore_mem>>
    %dma_wait3A_220 = tpu.memref_squeeze %dma_wait3A_219 : memref<1x!tpu.dma_semaphore, #tpu.memory_space<semaphore_mem>> -> memref<!tpu.dma_semaphore, #tpu.memory_space<semaphore_mem>>
    %dma_wait3A_221 = arith.constant 0 : i32
    %dma_wait3A_222 = tpu.memref_slice %arg9[%dma_wait3A_211, %dma_wait3A_221] : memref<4x80xi32, #tpu.memory_space<vmem>> -> memref<1x80xi32, #tpu.memory_space<vmem>>
    %dma_wait3A_223 = tpu.memref_squeeze %dma_wait3A_222 : memref<1x80xi32, #tpu.memory_space<vmem>> -> memref<80xi32, #tpu.memory_space<vmem>>
    %dma_wait3A_224 = arith.constant 0 : i32
    %dma_wait3A_225 = tpu.memref_slice %arg2[%add3A, %dma_wait3A_210, %dma_wait3A_224] : memref<32x125x80xi32, #tpu.memory_space<hbm>> -> memref<1x1x80xi32, #tpu.memory_space<hbm>>
    %dma_wait3A_226 = tpu.memref_squeeze %dma_wait3A_225 : memref<1x1x80xi32, #tpu.memory_space<hbm>> -> memref<80xi32, #tpu.memory_space<hbm>>
    tpu.wait_dma2 semaphore(%dma_wait3A_220 : memref<!tpu.dma_semaphore, #tpu.memory_space<semaphore_mem>>) src(%dma_wait3A_226 : memref<80xi32, #tpu.memory_space<hbm>>) dst(%dma_wait3A_223 : memref<80xi32, #tpu.memory_space<vmem>>)
    %dma_wait3A_227 = arith.constant 0 : i32
    %dma_wait3A_228 = arith.constant 1 : i32
    %dma_wait3A_229 = arith.constant 1 : i32
    %dma_wait3A_230 = arith.constant 0 : i32
    %dma_wait3A_231 = tpu.memref_slice %arg10[%dma_wait3A_228, %dma_wait3A_230] : memref<4x80xi32, #tpu.memory_space<vmem>> -> memref<1x80xi32, #tpu.memory_space<vmem>>
    %dma_wait3A_232 = tpu.memref_squeeze %dma_wait3A_231 : memref<1x80xi32, #tpu.memory_space<vmem>> -> memref<80xi32, #tpu.memory_space<vmem>>
    %dma_wait3A_233 = arith.constant 0 : i32
    %dma_wait3A_234 = tpu.memref_slice %arg3[%add3A, %dma_wait3A_227, %dma_wait3A_233] : memref<32x125x80xi32, #tpu.memory_space<hbm>> -> memref<1x1x80xi32, #tpu.memory_space<hbm>>
    %dma_wait3A_235 = tpu.memref_squeeze %dma_wait3A_234 : memref<1x1x80xi32, #tpu.memory_space<hbm>> -> memref<80xi32, #tpu.memory_space<hbm>>
    %dma_wait3A_236 = tpu.memref_slice %arg16[%dma_wait3A_229] : memref<4x!tpu.dma_semaphore, #tpu.memory_space<semaphore_mem>> -> memref<1x!tpu.dma_semaphore, #tpu.memory_space<semaphore_mem>>
    %dma_wait3A_237 = tpu.memref_squeeze %dma_wait3A_236 : memref<1x!tpu.dma_semaphore, #tpu.memory_space<semaphore_mem>> -> memref<!tpu.dma_semaphore, #tpu.memory_space<semaphore_mem>>
    %dma_wait3A_238 = arith.constant 0 : i32
    %dma_wait3A_239 = tpu.memref_slice %arg10[%dma_wait3A_228, %dma_wait3A_238] : memref<4x80xi32, #tpu.memory_space<vmem>> -> memref<1x80xi32, #tpu.memory_space<vmem>>
    %dma_wait3A_240 = tpu.memref_squeeze %dma_wait3A_239 : memref<1x80xi32, #tpu.memory_space<vmem>> -> memref<80xi32, #tpu.memory_space<vmem>>
    %dma_wait3A_241 = arith.constant 0 : i32
    %dma_wait3A_242 = tpu.memref_slice %arg3[%add3A, %dma_wait3A_227, %dma_wait3A_241] : memref<32x125x80xi32, #tpu.memory_space<hbm>> -> memref<1x1x80xi32, #tpu.memory_space<hbm>>
    %dma_wait3A_243 = tpu.memref_squeeze %dma_wait3A_242 : memref<1x1x80xi32, #tpu.memory_space<hbm>> -> memref<80xi32, #tpu.memory_space<hbm>>
    tpu.wait_dma2 semaphore(%dma_wait3A_237 : memref<!tpu.dma_semaphore, #tpu.memory_space<semaphore_mem>>) src(%dma_wait3A_243 : memref<80xi32, #tpu.memory_space<hbm>>) dst(%dma_wait3A_240 : memref<80xi32, #tpu.memory_space<vmem>>)
    %dma_start3A_244 = arith.constant 1 : i32
    %dma_start3A_245 = arith.constant 1 : i32
    %dma_start3A_246 = arith.constant 1 : i32
    %dma_start3A_247 = arith.constant 0 : i32
    %dma_start3A_248 = arith.constant 0 : i32
    %dma_start3A_249 = tpu.memref_slice %arg11[%dma_start3A_245, %dma_start3A_247, %dma_start3A_248] : memref<2x80x128xf32, #tpu.memory_space<vmem>> -> memref<1x80x128xf32, #tpu.memory_space<vmem>>
    %dma_start3A_250 = tpu.memref_squeeze %dma_start3A_249 : memref<1x80x128xf32, #tpu.memory_space<vmem>> -> memref<80x128xf32, #tpu.memory_space<vmem>>
    %dma_start3A_251 = arith.constant 0 : i32
    %dma_start3A_252 = tpu.memref_slice %arg9[%dma_start3A_244, %dma_start3A_251] : memref<4x80xi32, #tpu.memory_space<vmem>> -> memref<1x80xi32, #tpu.memory_space<vmem>>
    %dma_start3A_253 = tpu.memref_squeeze %dma_start3A_252 : memref<1x80xi32, #tpu.memory_space<vmem>> -> memref<80xi32, #tpu.memory_space<vmem>>
    %dma_start3A_254 = arith.constant 0 : i32
    %dma_start3A_255 = arith.constant 0 : i32
    %dma_start3A_256 = tpu.memref_slice %arg5[%dma_start3A_254, %dma_start3A_255] : memref<10000x128xf32, #tpu.memory_space<hbm>> -> memref<10000x128xf32, #tpu.memory_space<hbm>>
    %dma_start3A_257 = tpu.memref_slice %arg13[%dma_start3A_246] : memref<2x!tpu.dma_semaphore, #tpu.memory_space<semaphore_mem>> -> memref<1x!tpu.dma_semaphore, #tpu.memory_space<semaphore_mem>>
    %dma_start3A_258 = tpu.memref_squeeze %dma_start3A_257 : memref<1x!tpu.dma_semaphore, #tpu.memory_space<semaphore_mem>> -> memref<!tpu.dma_semaphore, #tpu.memory_space<semaphore_mem>>
    tpu.enqueue_indirect_dma source(%dma_start3A_256 : memref<10000x128xf32, #tpu.memory_space<hbm>>) target(%dma_start3A_250 : memref<80x128xf32, #tpu.memory_space<vmem>>) offsets(%dma_start3A_253 : memref<80xi32, #tpu.memory_space<vmem>>) semaphore(%dma_start3A_258 : memref<!tpu.dma_semaphore, #tpu.memory_space<semaphore_mem>>)
    %add3A_259 = arith.constant 80 : i32
    %add3A_260 = arith.addi %mul3A_4, %add3A_259 : i32
    %dma_start3A_261 = arith.constant 1 : i32
    %dma_start3A_262 = arith.constant 1 : i32
    %dma_start3A_263 = arith.constant 0 : i32
    %dma_start3A_264 = arith.constant 0 : i32
    %dma_start3A_265 = tpu.memref_slice %arg12[%dma_start3A_261, %dma_start3A_263, %dma_start3A_264] : memref<2x80x64xi32, #tpu.memory_space<vmem>> -> memref<1x80x64xi32, #tpu.memory_space<vmem>>
    %dma_start3A_266 = tpu.memref_squeeze %dma_start3A_265 : memref<1x80x64xi32, #tpu.memory_space<vmem>> -> memref<80x64xi32, #tpu.memory_space<vmem>>
    %dma_start3A_267 = arith.constant 0 : i32
    %dma_start3A_268 = tpu.memref_slice %arg4[%add3A_260, %dma_start3A_267] : memref<320000x64xi32, #tpu.memory_space<hbm>> -> memref<80x64xi32, #tpu.memory_space<hbm>>
    %dma_start3A_269 = tpu.memref_slice %arg14[%dma_start3A_262] : memref<2x!tpu.dma_semaphore, #tpu.memory_space<semaphore_mem>> -> memref<1x!tpu.dma_semaphore, #tpu.memory_space<semaphore_mem>>
    %dma_start3A_270 = tpu.memref_squeeze %dma_start3A_269 : memref<1x!tpu.dma_semaphore, #tpu.memory_space<semaphore_mem>> -> memref<!tpu.dma_semaphore, #tpu.memory_space<semaphore_mem>>
    %dma_start3A_271 = arith.constant 0 : i32
    %dma_start3A_272 = arith.constant 0 : i32
    %dma_start3A_273 = tpu.memref_slice %arg12[%dma_start3A_261, %dma_start3A_271, %dma_start3A_272] : memref<2x80x64xi32, #tpu.memory_space<vmem>> -> memref<1x80x64xi32, #tpu.memory_space<vmem>>
    %dma_start3A_274 = tpu.memref_squeeze %dma_start3A_273 : memref<1x80x64xi32, #tpu.memory_space<vmem>> -> memref<80x64xi32, #tpu.memory_space<vmem>>
    %dma_start3A_275 = arith.constant 0 : i32
    %dma_start3A_276 = tpu.memref_slice %arg4[%add3A_260, %dma_start3A_275] : memref<320000x64xi32, #tpu.memory_space<hbm>> -> memref<80x64xi32, #tpu.memory_space<hbm>>
    tpu.enqueue_dma source(%dma_start3A_276 : memref<80x64xi32, #tpu.memory_space<hbm>>) target(%dma_start3A_274 : memref<80x64xi32, #tpu.memory_space<vmem>>) target_semaphore(%dma_start3A_270 : memref<!tpu.dma_semaphore, #tpu.memory_space<semaphore_mem>>)
    %dma_wait3A_277 = arith.constant 0 : i32
    %dma_wait3A_278 = tpu.memref_slice %arg8[%mul3A_2, %dma_wait3A_277] : memref<10240x128xf32, #tpu.memory_space<vmem_shared>> -> memref<640x128xf32, #tpu.memory_space<vmem_shared>>
    %dma_wait3A_279 = arith.constant 0 : i32
    %dma_wait3A_280 = tpu.memref_slice %arg6[%mul3A_2, %dma_wait3A_279] : memref<10240x128xf32, #tpu.memory_space<hbm>> -> memref<640x128xf32, #tpu.memory_space<hbm>>
    tpu.wait_dma2 semaphore(%arg17 : memref<!tpu.dma_semaphore, #tpu.memory_space<semaphore_mem>>) src(%dma_wait3A_280 : memref<640x128xf32, #tpu.memory_space<hbm>>) dst(%dma_wait3A_278 : memref<640x128xf32, #tpu.memory_space<vmem_shared>>)
    %barrier3A = arith.constant 0 : index
    tpu.barrier barrier_id(%barrier3A)
    %scan3A = arith.constant 0 : i32
    %scan3A_281 = arith.constant 32 : i32
    %scan3A_282 = arith.addi %scan3A, %scan3A_281 : i32
    %scan3A_283 = arith.constant 1 : i32
    scf.for %scan3A_286 = %scan3A to %scan3A_282 step %scan3A_283  : i32 {
      %mul3A_287 = arith.constant 4 : i32
      %mul3A_288 = arith.muli %scan3A_286, %mul3A_287 : i32
      %add3A_289 = arith.constant 0 : i32
      %add3A_290 = arith.addi %add3A_289, %mul3A_288 : i32
      %add3A_291 = arith.constant 0 : i32
      %add3A_292 = arith.addi %add3A_290, %add3A_291 : i32
      %lt3A = arith.constant 125 : i32
      %lt3A_293 = arith.cmpi slt, %add3A_292, %lt3A : i32
      %convert_element_type3A = arith.extui %lt3A_293 : i1 to i32
      %cond3A = arith.constant 0 : i32
      %cond3A_294 = arith.cmpi ne, %convert_element_type3A, %cond3A : i32
      scf.if %cond3A_294 {
        %dma_wait3A_316 = arith.constant 0 : i32
        %dma_wait3A_317 = arith.constant 0 : i32
        %dma_wait3A_318 = arith.constant 0 : i32
        %dma_wait3A_319 = arith.constant 0 : i32
        %dma_wait3A_320 = tpu.memref_slice %arg11[%dma_wait3A_316, %dma_wait3A_318, %dma_wait3A_319] : memref<2x80x128xf32, #tpu.memory_space<vmem>> -> memref<1x80x128xf32, #tpu.memory_space<vmem>>
        %dma_wait3A_321 = tpu.memref_squeeze %dma_wait3A_320 : memref<1x80x128xf32, #tpu.memory_space<vmem>> -> memref<80x128xf32, #tpu.memory_space<vmem>>
        %dma_wait3A_322 = arith.constant 0 : i32
        %dma_wait3A_323 = arith.constant 0 : i32
        %dma_wait3A_324 = tpu.memref_slice %arg5[%dma_wait3A_322, %dma_wait3A_323] : memref<10000x128xf32, #tpu.memory_space<hbm>> -> memref<80x128xf32, #tpu.memory_space<hbm>>
        %dma_wait3A_325 = tpu.memref_slice %arg13[%dma_wait3A_317] : memref<2x!tpu.dma_semaphore, #tpu.memory_space<semaphore_mem>> -> memref<1x!tpu.dma_semaphore, #tpu.memory_space<semaphore_mem>>
        %dma_wait3A_326 = tpu.memref_squeeze %dma_wait3A_325 : memref<1x!tpu.dma_semaphore, #tpu.memory_space<semaphore_mem>> -> memref<!tpu.dma_semaphore, #tpu.memory_space<semaphore_mem>>
        %dma_wait3A_327 = arith.constant 0 : i32
        %dma_wait3A_328 = arith.constant 0 : i32
        %dma_wait3A_329 = tpu.memref_slice %arg11[%dma_wait3A_316, %dma_wait3A_327, %dma_wait3A_328] : memref<2x80x128xf32, #tpu.memory_space<vmem>> -> memref<1x80x128xf32, #tpu.memory_space<vmem>>
        %dma_wait3A_330 = tpu.memref_squeeze %dma_wait3A_329 : memref<1x80x128xf32, #tpu.memory_space<vmem>> -> memref<80x128xf32, #tpu.memory_space<vmem>>
        %dma_wait3A_331 = arith.constant 0 : i32
        %dma_wait3A_332 = arith.constant 0 : i32
        %dma_wait3A_333 = tpu.memref_slice %arg5[%dma_wait3A_331, %dma_wait3A_332] : memref<10000x128xf32, #tpu.memory_space<hbm>> -> memref<80x128xf32, #tpu.memory_space<hbm>>
        tpu.wait_dma2 semaphore(%dma_wait3A_326 : memref<!tpu.dma_semaphore, #tpu.memory_space<semaphore_mem>>) src(%dma_wait3A_333 : memref<80x128xf32, #tpu.memory_space<hbm>>) dst(%dma_wait3A_330 : memref<80x128xf32, #tpu.memory_space<vmem>>)
        %dma_wait3A_334 = arith.constant 0 : i32
        %dma_wait3A_335 = arith.constant 0 : i32
        %dma_wait3A_336 = arith.constant 0 : i32
        %dma_wait3A_337 = arith.constant 0 : i32
        %dma_wait3A_338 = tpu.memref_slice %arg12[%dma_wait3A_334, %dma_wait3A_336, %dma_wait3A_337] : memref<2x80x64xi32, #tpu.memory_space<vmem>> -> memref<1x80x64xi32, #tpu.memory_space<vmem>>
        %dma_wait3A_339 = tpu.memref_squeeze %dma_wait3A_338 : memref<1x80x64xi32, #tpu.memory_space<vmem>> -> memref<80x64xi32, #tpu.memory_space<vmem>>
        %dma_wait3A_340 = arith.constant 0 : i32
        %dma_wait3A_341 = arith.constant 0 : i32
        %dma_wait3A_342 = tpu.memref_slice %arg4[%dma_wait3A_340, %dma_wait3A_341] : memref<320000x64xi32, #tpu.memory_space<hbm>> -> memref<80x64xi32, #tpu.memory_space<hbm>>
        %dma_wait3A_343 = tpu.memref_slice %arg14[%dma_wait3A_335] : memref<2x!tpu.dma_semaphore, #tpu.memory_space<semaphore_mem>> -> memref<1x!tpu.dma_semaphore, #tpu.memory_space<semaphore_mem>>
        %dma_wait3A_344 = tpu.memref_squeeze %dma_wait3A_343 : memref<1x!tpu.dma_semaphore, #tpu.memory_space<semaphore_mem>> -> memref<!tpu.dma_semaphore, #tpu.memory_space<semaphore_mem>>
        %dma_wait3A_345 = arith.constant 0 : i32
        %dma_wait3A_346 = arith.constant 0 : i32
        %dma_wait3A_347 = tpu.memref_slice %arg12[%dma_wait3A_334, %dma_wait3A_345, %dma_wait3A_346] : memref<2x80x64xi32, #tpu.memory_space<vmem>> -> memref<1x80x64xi32, #tpu.memory_space<vmem>>
        %dma_wait3A_348 = tpu.memref_squeeze %dma_wait3A_347 : memref<1x80x64xi32, #tpu.memory_space<vmem>> -> memref<80x64xi32, #tpu.memory_space<vmem>>
        %dma_wait3A_349 = arith.constant 0 : i32
        %dma_wait3A_350 = arith.constant 0 : i32
        %dma_wait3A_351 = tpu.memref_slice %arg4[%dma_wait3A_349, %dma_wait3A_350] : memref<320000x64xi32, #tpu.memory_space<hbm>> -> memref<80x64xi32, #tpu.memory_space<hbm>>
        tpu.wait_dma2 semaphore(%dma_wait3A_344 : memref<!tpu.dma_semaphore, #tpu.memory_space<semaphore_mem>>) src(%dma_wait3A_351 : memref<80x64xi32, #tpu.memory_space<hbm>>) dst(%dma_wait3A_348 : memref<80x64xi32, #tpu.memory_space<vmem>>)
        %scan3A_352 = arith.constant 0 : i32
        %scan3A_353 = arith.constant 0 : i32
        %scan3A_354 = arith.constant 0 : i32
        %scan3A_355 = arith.constant 80 : i32
        %scan3A_356 = arith.addi %scan3A_354, %scan3A_355 : i32
        %scan3A_357 = arith.constant 1 : i32
        scf.for %scan3A_374 = %scan3A_354 to %scan3A_356 step %scan3A_357  : i32 {
          %mul3A_375 = arith.constant 1 : i32
          %mul3A_376 = arith.muli %scan3A_374, %mul3A_375 : i32
          %add3A_377 = arith.constant 0 : i32
          %add3A_378 = arith.addi %add3A_377, %mul3A_376 : i32
          %get3A = arith.constant 0 : i32
          %get3A_379 = arith.constant 0 : i32
          %get3A_380 = tpu.memref_slice %arg12[%scan3A_352, %get3A, %get3A_379] : memref<2x80x64xi32, #tpu.memory_space<vmem>> -> memref<1x80x64xi32, #tpu.memory_space<vmem>>
          %get3A_381 = tpu.memref_squeeze %get3A_380 : memref<1x80x64xi32, #tpu.memory_space<vmem>> -> memref<80x64xi32, #tpu.memory_space<vmem>>
          %get3A_382 = arith.index_cast %add3A_378 : i32 to index
          %get3A_383 = arith.constant 0 : index
          %get3A_384 = tpu.vector_load %get3A_381[%get3A_382, %get3A_383] {strides = array<i32>} : memref<80x64xi32, #tpu.memory_space<vmem>>, vector<16xi32>,
          %get3A_385 = arith.constant 0 : i32
          %get3A_386 = arith.constant 0 : i32
          %get3A_387 = tpu.memref_slice %arg11[%scan3A_353, %get3A_385, %get3A_386] : memref<2x80x128xf32, #tpu.memory_space<vmem>> -> memref<1x80x128xf32, #tpu.memory_space<vmem>>
          %get3A_388 = tpu.memref_squeeze %get3A_387 : memref<1x80x128xf32, #tpu.memory_space<vmem>> -> memref<80x128xf32, #tpu.memory_space<vmem>>
          %get3A_389 = arith.index_cast %add3A_378 : i32 to index
          %get3A_390 = arith.constant 0 : index
          %get3A_391 = tpu.vector_load %get3A_388[%get3A_389, %get3A_390] {strides = array<i32>} : memref<80x128xf32, #tpu.memory_space<vmem>>, vector<16xf32>,
          %get3A_392 = arith.constant 0 : i32
          %get3A_393 = arith.constant 0 : i32
          %get3A_394 = tpu.memref_slice %arg11[%scan3A_353, %get3A_392, %get3A_393] : memref<2x80x128xf32, #tpu.memory_space<vmem>> -> memref<1x80x128xf32, #tpu.memory_space<vmem>>
          %get3A_395 = tpu.memref_squeeze %get3A_394 : memref<1x80x128xf32, #tpu.memory_space<vmem>> -> memref<80x128xf32, #tpu.memory_space<vmem>>
          %get3A_396 = arith.index_cast %add3A_378 : i32 to index
          %get3A_397 = arith.constant 16 : index
          %get3A_398 = tpu.vector_load %get3A_395[%get3A_396, %get3A_397] {strides = array<i32>} : memref<80x128xf32, #tpu.memory_space<vmem>>, vector<16xf32>,
          %shift_left3A = arith.constant 16 : i32
          %shift_left3A_399 = vector.broadcast %shift_left3A : i32 to vector<16xi32>
          %shift_left3A_400 = arith.shli %get3A_384, %shift_left3A_399 : vector<16xi32>
          %bitcast3A = vector.bitcast %shift_left3A_400 : vector<16xi32> to vector<16xf32>
          %and3A = arith.constant -65536 : i32
          %and3A_401 = vector.broadcast %and3A : i32 to vector<16xi32>
          %and3A_402 = arith.andi %get3A_384, %and3A_401 : vector<16xi32>
          %bitcast3A_403 = vector.bitcast %and3A_402 : vector<16xi32> to vector<16xf32>
          %add3A_404 = arith.addf %get3A_391, %bitcast3A : vector<16xf32>
          %max3A = arith.constant 0.000000e+00 : f32
          %max3A_405 = vector.broadcast %max3A : f32 to vector<16xf32>
          %max3A_406 = arith.maximumf %add3A_404, %max3A_405 : vector<16xf32>
          %swap3A = arith.constant 0 : i32
          %swap3A_407 = arith.constant 0 : i32
          %swap3A_408 = tpu.memref_slice %arg11[%scan3A_353, %swap3A, %swap3A_407] : memref<2x80x128xf32, #tpu.memory_space<vmem>> -> memref<1x80x128xf32, #tpu.memory_space<vmem>>
          %swap3A_409 = tpu.memref_squeeze %swap3A_408 : memref<1x80x128xf32, #tpu.memory_space<vmem>> -> memref<80x128xf32, #tpu.memory_space<vmem>>
          %swap3A_410 = arith.index_cast %add3A_378 : i32 to index
          %swap3A_411 = arith.constant 0 : index
          %swap3A_412 = tpu.vector_load %swap3A_409[%swap3A_410, %swap3A_411] {strides = array<i32>} : memref<80x128xf32, #tpu.memory_space<vmem>>, vector<16xf32>,
          tpu.vector_store %swap3A_409[%swap3A_410, %swap3A_411], %max3A_406 {strides = array<i32>} : memref<80x128xf32, #tpu.memory_space<vmem>>, vector<16xf32>,
          %add3A_413 = arith.addf %get3A_398, %bitcast3A_403 : vector<16xf32>
          %max3A_414 = arith.constant 0.000000e+00 : f32
          %max3A_415 = vector.broadcast %max3A_414 : f32 to vector<16xf32>
          %max3A_416 = arith.maximumf %add3A_413, %max3A_415 : vector<16xf32>
          %swap3A_417 = arith.constant 0 : i32
          %swap3A_418 = arith.constant 0 : i32
          %swap3A_419 = tpu.memref_slice %arg11[%scan3A_353, %swap3A_417, %swap3A_418] : memref<2x80x128xf32, #tpu.memory_space<vmem>> -> memref<1x80x128xf32, #tpu.memory_space<vmem>>
          %swap3A_420 = tpu.memref_squeeze %swap3A_419 : memref<1x80x128xf32, #tpu.memory_space<vmem>> -> memref<80x128xf32, #tpu.memory_space<vmem>>
          %swap3A_421 = arith.index_cast %add3A_378 : i32 to index
          %swap3A_422 = arith.constant 16 : index
          %swap3A_423 = tpu.vector_load %swap3A_420[%swap3A_421, %swap3A_422] {strides = array<i32>} : memref<80x128xf32, #tpu.memory_space<vmem>>, vector<16xf32>,
          tpu.vector_store %swap3A_420[%swap3A_421, %swap3A_422], %max3A_416 {strides = array<i32>} : memref<80x128xf32, #tpu.memory_space<vmem>>, vector<16xf32>,
          %get3A_424 = arith.constant 0 : i32
          %get3A_425 = arith.constant 0 : i32
          %get3A_426 = tpu.memref_slice %arg12[%scan3A_352, %get3A_424, %get3A_425] : memref<2x80x64xi32, #tpu.memory_space<vmem>> -> memref<1x80x64xi32, #tpu.memory_space<vmem>>
          %get3A_427 = tpu.memref_squeeze %get3A_426 : memref<1x80x64xi32, #tpu.memory_space<vmem>> -> memref<80x64xi32, #tpu.memory_space<vmem>>
          %get3A_428 = arith.index_cast %add3A_378 : i32 to index
          %get3A_429 = arith.constant 16 : index
          %get3A_430 = tpu.vector_load %get3A_427[%get3A_428, %get3A_429] {strides = array<i32>} : memref<80x64xi32, #tpu.memory_space<vmem>>, vector<16xi32>,
          %get3A_431 = arith.constant 0 : i32
          %get3A_432 = arith.constant 0 : i32
          %get3A_433 = tpu.memref_slice %arg11[%scan3A_353, %get3A_431, %get3A_432] : memref<2x80x128xf32, #tpu.memory_space<vmem>> -> memref<1x80x128xf32, #tpu.memory_space<vmem>>
          %get3A_434 = tpu.memref_squeeze %get3A_433 : memref<1x80x128xf32, #tpu.memory_space<vmem>> -> memref<80x128xf32, #tpu.memory_space<vmem>>
          %get3A_435 = arith.index_cast %add3A_378 : i32 to index
          %get3A_436 = arith.constant 32 : index
          %get3A_437 = tpu.vector_load %get3A_434[%get3A_435, %get3A_436] {strides = array<i32>} : memref<80x128xf32, #tpu.memory_space<vmem>>, vector<16xf32>,
          %get3A_438 = arith.constant 0 : i32
          %get3A_439 = arith.constant 0 : i32
          %get3A_440 = tpu.memref_slice %arg11[%scan3A_353, %get3A_438, %get3A_439] : memref<2x80x128xf32, #tpu.memory_space<vmem>> -> memref<1x80x128xf32, #tpu.memory_space<vmem>>
          %get3A_441 = tpu.memref_squeeze %get3A_440 : memref<1x80x128xf32, #tpu.memory_space<vmem>> -> memref<80x128xf32, #tpu.memory_space<vmem>>
          %get3A_442 = arith.index_cast %add3A_378 : i32 to index
          %get3A_443 = arith.constant 48 : index
          %get3A_444 = tpu.vector_load %get3A_441[%get3A_442, %get3A_443] {strides = array<i32>} : memref<80x128xf32, #tpu.memory_space<vmem>>, vector<16xf32>,
          %shift_left3A_445 = arith.constant 16 : i32
          %shift_left3A_446 = vector.broadcast %shift_left3A_445 : i32 to vector<16xi32>
          %shift_left3A_447 = arith.shli %get3A_430, %shift_left3A_446 : vector<16xi32>
          %bitcast3A_448 = vector.bitcast %shift_left3A_447 : vector<16xi32> to vector<16xf32>
          %and3A_449 = arith.constant -65536 : i32
          %and3A_450 = vector.broadcast %and3A_449 : i32 to vector<16xi32>
          %and3A_451 = arith.andi %get3A_430, %and3A_450 : vector<16xi32>
          %bitcast3A_452 = vector.bitcast %and3A_451 : vector<16xi32> to vector<16xf32>
          %add3A_453 = arith.addf %get3A_437, %bitcast3A_448 : vector<16xf32>
          %max3A_454 = arith.constant 0.000000e+00 : f32
          %max3A_455 = vector.broadcast %max3A_454 : f32 to vector<16xf32>
          %max3A_456 = arith.maximumf %add3A_453, %max3A_455 : vector<16xf32>
          %swap3A_457 = arith.constant 0 : i32
          %swap3A_458 = arith.constant 0 : i32
          %swap3A_459 = tpu.memref_slice %arg11[%scan3A_353, %swap3A_457, %swap3A_458] : memref<2x80x128xf32, #tpu.memory_space<vmem>> -> memref<1x80x128xf32, #tpu.memory_space<vmem>>
          %swap3A_460 = tpu.memref_squeeze %swap3A_459 : memref<1x80x128xf32, #tpu.memory_space<vmem>> -> memref<80x128xf32, #tpu.memory_space<vmem>>
          %swap3A_461 = arith.index_cast %add3A_378 : i32 to index
          %swap3A_462 = arith.constant 32 : index
          %swap3A_463 = tpu.vector_load %swap3A_460[%swap3A_461, %swap3A_462] {strides = array<i32>} : memref<80x128xf32, #tpu.memory_space<vmem>>, vector<16xf32>,
          tpu.vector_store %swap3A_460[%swap3A_461, %swap3A_462], %max3A_456 {strides = array<i32>} : memref<80x128xf32, #tpu.memory_space<vmem>>, vector<16xf32>,
          %add3A_464 = arith.addf %get3A_444, %bitcast3A_452 : vector<16xf32>
          %max3A_465 = arith.constant 0.000000e+00 : f32
          %max3A_466 = vector.broadcast %max3A_465 : f32 to vector<16xf32>
          %max3A_467 = arith.maximumf %add3A_464, %max3A_466 : vector<16xf32>
          %swap3A_468 = arith.constant 0 : i32
          %swap3A_469 = arith.constant 0 : i32
          %swap3A_470 = tpu.memref_slice %arg11[%scan3A_353, %swap3A_468, %swap3A_469] : memref<2x80x128xf32, #tpu.memory_space<vmem>> -> memref<1x80x128xf32, #tpu.memory_space<vmem>>
          %swap3A_471 = tpu.memref_squeeze %swap3A_470 : memref<1x80x128xf32, #tpu.memory_space<vmem>> -> memref<80x128xf32, #tpu.memory_space<vmem>>
          %swap3A_472 = arith.index_cast %add3A_378 : i32 to index
          %swap3A_473 = arith.constant 48 : index
          %swap3A_474 = tpu.vector_load %swap3A_471[%swap3A_472, %swap3A_473] {strides = array<i32>} : memref<80x128xf32, #tpu.memory_space<vmem>>, vector<16xf32>,
          tpu.vector_store %swap3A_471[%swap3A_472, %swap3A_473], %max3A_467 {strides = array<i32>} : memref<80x128xf32, #tpu.memory_space<vmem>>, vector<16xf32>,
          %get3A_475 = arith.constant 0 : i32
          %get3A_476 = arith.constant 0 : i32
          %get3A_477 = tpu.memref_slice %arg12[%scan3A_352, %get3A_475, %get3A_476] : memref<2x80x64xi32, #tpu.memory_space<vmem>> -> memref<1x80x64xi32, #tpu.memory_space<vmem>>
          %get3A_478 = tpu.memref_squeeze %get3A_477 : memref<1x80x64xi32, #tpu.memory_space<vmem>> -> memref<80x64xi32, #tpu.memory_space<vmem>>
          %get3A_479 = arith.index_cast %add3A_378 : i32 to index
          %get3A_480 = arith.constant 32 : index
          %get3A_481 = tpu.vector_load %get3A_478[%get3A_479, %get3A_480] {strides = array<i32>} : memref<80x64xi32, #tpu.memory_space<vmem>>, vector<16xi32>,
          %get3A_482 = arith.constant 0 : i32
          %get3A_483 = arith.constant 0 : i32
          %get3A_484 = tpu.memref_slice %arg11[%scan3A_353, %get3A_482, %get3A_483] : memref<2x80x128xf32, #tpu.memory_space<vmem>> -> memref<1x80x128xf32, #tpu.memory_space<vmem>>
          %get3A_485 = tpu.memref_squeeze %get3A_484 : memref<1x80x128xf32, #tpu.memory_space<vmem>> -> memref<80x128xf32, #tpu.memory_space<vmem>>
          %get3A_486 = arith.index_cast %add3A_378 : i32 to index
          %get3A_487 = arith.constant 64 : index
          %get3A_488 = tpu.vector_load %get3A_485[%get3A_486, %get3A_487] {strides = array<i32>} : memref<80x128xf32, #tpu.memory_space<vmem>>, vector<16xf32>,
          %get3A_489 = arith.constant 0 : i32
          %get3A_490 = arith.constant 0 : i32
          %get3A_491 = tpu.memref_slice %arg11[%scan3A_353, %get3A_489, %get3A_490] : memref<2x80x128xf32, #tpu.memory_space<vmem>> -> memref<1x80x128xf32, #tpu.memory_space<vmem>>
          %get3A_492 = tpu.memref_squeeze %get3A_491 : memref<1x80x128xf32, #tpu.memory_space<vmem>> -> memref<80x128xf32, #tpu.memory_space<vmem>>
          %get3A_493 = arith.index_cast %add3A_378 : i32 to index
          %get3A_494 = arith.constant 80 : index
          %get3A_495 = tpu.vector_load %get3A_492[%get3A_493, %get3A_494] {strides = array<i32>} : memref<80x128xf32, #tpu.memory_space<vmem>>, vector<16xf32>,
          %shift_left3A_496 = arith.constant 16 : i32
          %shift_left3A_497 = vector.broadcast %shift_left3A_496 : i32 to vector<16xi32>
          %shift_left3A_498 = arith.shli %get3A_481, %shift_left3A_497 : vector<16xi32>
          %bitcast3A_499 = vector.bitcast %shift_left3A_498 : vector<16xi32> to vector<16xf32>
          %and3A_500 = arith.constant -65536 : i32
          %and3A_501 = vector.broadcast %and3A_500 : i32 to vector<16xi32>
          %and3A_502 = arith.andi %get3A_481, %and3A_501 : vector<16xi32>
          %bitcast3A_503 = vector.bitcast %and3A_502 : vector<16xi32> to vector<16xf32>
          %add3A_504 = arith.addf %get3A_488, %bitcast3A_499 : vector<16xf32>
          %max3A_505 = arith.constant 0.000000e+00 : f32
          %max3A_506 = vector.broadcast %max3A_505 : f32 to vector<16xf32>
          %max3A_507 = arith.maximumf %add3A_504, %max3A_506 : vector<16xf32>
          %swap3A_508 = arith.constant 0 : i32
          %swap3A_509 = arith.constant 0 : i32
          %swap3A_510 = tpu.memref_slice %arg11[%scan3A_353, %swap3A_508, %swap3A_509] : memref<2x80x128xf32, #tpu.memory_space<vmem>> -> memref<1x80x128xf32, #tpu.memory_space<vmem>>
          %swap3A_511 = tpu.memref_squeeze %swap3A_510 : memref<1x80x128xf32, #tpu.memory_space<vmem>> -> memref<80x128xf32, #tpu.memory_space<vmem>>
          %swap3A_512 = arith.index_cast %add3A_378 : i32 to index
          %swap3A_513 = arith.constant 64 : index
          %swap3A_514 = tpu.vector_load %swap3A_511[%swap3A_512, %swap3A_513] {strides = array<i32>} : memref<80x128xf32, #tpu.memory_space<vmem>>, vector<16xf32>,
          tpu.vector_store %swap3A_511[%swap3A_512, %swap3A_513], %max3A_507 {strides = array<i32>} : memref<80x128xf32, #tpu.memory_space<vmem>>, vector<16xf32>,
          %add3A_515 = arith.addf %get3A_495, %bitcast3A_503 : vector<16xf32>
          %max3A_516 = arith.constant 0.000000e+00 : f32
          %max3A_517 = vector.broadcast %max3A_516 : f32 to vector<16xf32>
          %max3A_518 = arith.maximumf %add3A_515, %max3A_517 : vector<16xf32>
          %swap3A_519 = arith.constant 0 : i32
          %swap3A_520 = arith.constant 0 : i32
          %swap3A_521 = tpu.memref_slice %arg11[%scan3A_353, %swap3A_519, %swap3A_520] : memref<2x80x128xf32, #tpu.memory_space<vmem>> -> memref<1x80x128xf32, #tpu.memory_space<vmem>>
          %swap3A_522 = tpu.memref_squeeze %swap3A_521 : memref<1x80x128xf32, #tpu.memory_space<vmem>> -> memref<80x128xf32, #tpu.memory_space<vmem>>
          %swap3A_523 = arith.index_cast %add3A_378 : i32 to index
          %swap3A_524 = arith.constant 80 : index
          %swap3A_525 = tpu.vector_load %swap3A_522[%swap3A_523, %swap3A_524] {strides = array<i32>} : memref<80x128xf32, #tpu.memory_space<vmem>>, vector<16xf32>,
          tpu.vector_store %swap3A_522[%swap3A_523, %swap3A_524], %max3A_518 {strides = array<i32>} : memref<80x128xf32, #tpu.memory_space<vmem>>, vector<16xf32>,
          %get3A_526 = arith.constant 0 : i32
          %get3A_527 = arith.constant 0 : i32
          %get3A_528 = tpu.memref_slice %arg12[%scan3A_352, %get3A_526, %get3A_527] : memref<2x80x64xi32, #tpu.memory_space<vmem>> -> memref<1x80x64xi32, #tpu.memory_space<vmem>>
          %get3A_529 = tpu.memref_squeeze %get3A_528 : memref<1x80x64xi32, #tpu.memory_space<vmem>> -> memref<80x64xi32, #tpu.memory_space<vmem>>
          %get3A_530 = arith.index_cast %add3A_378 : i32 to index
          %get3A_531 = arith.constant 48 : index
          %get3A_532 = tpu.vector_load %get3A_529[%get3A_530, %get3A_531] {strides = array<i32>} : memref<80x64xi32, #tpu.memory_space<vmem>>, vector<16xi32>,
          %get3A_533 = arith.constant 0 : i32
          %get3A_534 = arith.constant 0 : i32
          %get3A_535 = tpu.memref_slice %arg11[%scan3A_353, %get3A_533, %get3A_534] : memref<2x80x128xf32, #tpu.memory_space<vmem>> -> memref<1x80x128xf32, #tpu.memory_space<vmem>>
          %get3A_536 = tpu.memref_squeeze %get3A_535 : memref<1x80x128xf32, #tpu.memory_space<vmem>> -> memref<80x128xf32, #tpu.memory_space<vmem>>
          %get3A_537 = arith.index_cast %add3A_378 : i32 to index
          %get3A_538 = arith.constant 96 : index
          %get3A_539 = tpu.vector_load %get3A_536[%get3A_537, %get3A_538] {strides = array<i32>} : memref<80x128xf32, #tpu.memory_space<vmem>>, vector<16xf32>,
          %get3A_540 = arith.constant 0 : i32
          %get3A_541 = arith.constant 0 : i32
          %get3A_542 = tpu.memref_slice %arg11[%scan3A_353, %get3A_540, %get3A_541] : memref<2x80x128xf32, #tpu.memory_space<vmem>> -> memref<1x80x128xf32, #tpu.memory_space<vmem>>
          %get3A_543 = tpu.memref_squeeze %get3A_542 : memref<1x80x128xf32, #tpu.memory_space<vmem>> -> memref<80x128xf32, #tpu.memory_space<vmem>>
          %get3A_544 = arith.index_cast %add3A_378 : i32 to index
          %get3A_545 = arith.constant 112 : index
          %get3A_546 = tpu.vector_load %get3A_543[%get3A_544, %get3A_545] {strides = array<i32>} : memref<80x128xf32, #tpu.memory_space<vmem>>, vector<16xf32>,
          %shift_left3A_547 = arith.constant 16 : i32
          %shift_left3A_548 = vector.broadcast %shift_left3A_547 : i32 to vector<16xi32>
          %shift_left3A_549 = arith.shli %get3A_532, %shift_left3A_548 : vector<16xi32>
          %bitcast3A_550 = vector.bitcast %shift_left3A_549 : vector<16xi32> to vector<16xf32>
          %and3A_551 = arith.constant -65536 : i32
          %and3A_552 = vector.broadcast %and3A_551 : i32 to vector<16xi32>
          %and3A_553 = arith.andi %get3A_532, %and3A_552 : vector<16xi32>
          %bitcast3A_554 = vector.bitcast %and3A_553 : vector<16xi32> to vector<16xf32>
          %add3A_555 = arith.addf %get3A_539, %bitcast3A_550 : vector<16xf32>
          %max3A_556 = arith.constant 0.000000e+00 : f32
          %max3A_557 = vector.broadcast %max3A_556 : f32 to vector<16xf32>
          %max3A_558 = arith.maximumf %add3A_555, %max3A_557 : vector<16xf32>
          %swap3A_559 = arith.constant 0 : i32
          %swap3A_560 = arith.constant 0 : i32
          %swap3A_561 = tpu.memref_slice %arg11[%scan3A_353, %swap3A_559, %swap3A_560] : memref<2x80x128xf32, #tpu.memory_space<vmem>> -> memref<1x80x128xf32, #tpu.memory_space<vmem>>
          %swap3A_562 = tpu.memref_squeeze %swap3A_561 : memref<1x80x128xf32, #tpu.memory_space<vmem>> -> memref<80x128xf32, #tpu.memory_space<vmem>>
          %swap3A_563 = arith.index_cast %add3A_378 : i32 to index
          %swap3A_564 = arith.constant 96 : index
          %swap3A_565 = tpu.vector_load %swap3A_562[%swap3A_563, %swap3A_564] {strides = array<i32>} : memref<80x128xf32, #tpu.memory_space<vmem>>, vector<16xf32>,
          tpu.vector_store %swap3A_562[%swap3A_563, %swap3A_564], %max3A_558 {strides = array<i32>} : memref<80x128xf32, #tpu.memory_space<vmem>>, vector<16xf32>,
          %add3A_566 = arith.addf %get3A_546, %bitcast3A_554 : vector<16xf32>
          %max3A_567 = arith.constant 0.000000e+00 : f32
          %max3A_568 = vector.broadcast %max3A_567 : f32 to vector<16xf32>
          %max3A_569 = arith.maximumf %add3A_566, %max3A_568 : vector<16xf32>
          %swap3A_570 = arith.constant 0 : i32
          %swap3A_571 = arith.constant 0 : i32
          %swap3A_572 = tpu.memref_slice %arg11[%scan3A_353, %swap3A_570, %swap3A_571] : memref<2x80x128xf32, #tpu.memory_space<vmem>> -> memref<1x80x128xf32, #tpu.memory_space<vmem>>
          %swap3A_573 = tpu.memref_squeeze %swap3A_572 : memref<1x80x128xf32, #tpu.memory_space<vmem>> -> memref<80x128xf32, #tpu.memory_space<vmem>>
          %swap3A_574 = arith.index_cast %add3A_378 : i32 to index
          %swap3A_575 = arith.constant 112 : index
          %swap3A_576 = tpu.vector_load %swap3A_573[%swap3A_574, %swap3A_575] {strides = array<i32>} : memref<80x128xf32, #tpu.memory_space<vmem>>, vector<16xf32>,
          tpu.vector_store %swap3A_573[%swap3A_574, %swap3A_575], %max3A_569 {strides = array<i32>} : memref<80x128xf32, #tpu.memory_space<vmem>>, vector<16xf32>,
        }
        %scan3A_358 = arith.constant 80 : i32
        %run_scoped3A = arith.constant 0 : i32
        %run_scoped3A_359 = arith.constant 0 : i32
        "tpu.region"() ({
          %run_scoped3A_374 = tpu.sem_alloc : memref<!tpu.dma_semaphore, #tpu.memory_space<semaphore_mem>>
          %dma_start3A_375 = arith.constant 0 : i32
          %dma_start3A_376 = arith.constant 0 : i32
          %dma_start3A_377 = tpu.memref_slice %arg11[%run_scoped3A, %dma_start3A_375, %dma_start3A_376] : memref<2x80x128xf32, #tpu.memory_space<vmem>> -> memref<1x80x128xf32, #tpu.memory_space<vmem>>
          %dma_start3A_378 = tpu.memref_squeeze %dma_start3A_377 : memref<1x80x128xf32, #tpu.memory_space<vmem>> -> memref<80x128xf32, #tpu.memory_space<vmem>>
          %dma_start3A_379 = arith.constant 0 : i32
          %dma_start3A_380 = tpu.memref_slice %arg10[%run_scoped3A_359, %dma_start3A_379] : memref<4x80xi32, #tpu.memory_space<vmem>> -> memref<1x80xi32, #tpu.memory_space<vmem>>
          %dma_start3A_381 = tpu.memref_squeeze %dma_start3A_380 : memref<1x80xi32, #tpu.memory_space<vmem>> -> memref<80xi32, #tpu.memory_space<vmem>>
          %dma_start3A_382 = arith.constant 0 : i32
          %dma_start3A_383 = arith.constant 0 : i32
          %dma_start3A_384 = tpu.memref_slice %arg8[%dma_start3A_382, %dma_start3A_383] : memref<10240x128xf32, #tpu.memory_space<vmem_shared>> -> memref<10240x128xf32, #tpu.memory_space<vmem_shared>>
          tpu.enqueue_indirect_dma source(%dma_start3A_378 : memref<80x128xf32, #tpu.memory_space<vmem>>) target(%dma_start3A_384 : memref<10240x128xf32, #tpu.memory_space<vmem_shared>>) offsets(%dma_start3A_381 : memref<80xi32, #tpu.memory_space<vmem>>) semaphore(%run_scoped3A_374 : memref<!tpu.dma_semaphore, #tpu.memory_space<semaphore_mem>>) {add = true}
          %dma_wait3A_385 = arith.constant 0 : i32
          %dma_wait3A_386 = arith.constant 0 : i32
          %dma_wait3A_387 = tpu.memref_slice %arg11[%run_scoped3A, %dma_wait3A_385, %dma_wait3A_386] : memref<2x80x128xf32, #tpu.memory_space<vmem>> -> memref<1x80x128xf32, #tpu.memory_space<vmem>>
          %dma_wait3A_388 = tpu.memref_squeeze %dma_wait3A_387 : memref<1x80x128xf32, #tpu.memory_space<vmem>> -> memref<80x128xf32, #tpu.memory_space<vmem>>
          %dma_wait3A_389 = arith.constant 0 : i32
          %dma_wait3A_390 = tpu.memref_slice %arg10[%run_scoped3A_359, %dma_wait3A_389] : memref<4x80xi32, #tpu.memory_space<vmem>> -> memref<1x80xi32, #tpu.memory_space<vmem>>
          %dma_wait3A_391 = tpu.memref_squeeze %dma_wait3A_390 : memref<1x80xi32, #tpu.memory_space<vmem>> -> memref<80xi32, #tpu.memory_space<vmem>>
          %dma_wait3A_392 = arith.constant 0 : i32
          %dma_wait3A_393 = arith.constant 0 : i32
          %dma_wait3A_394 = tpu.memref_slice %arg8[%dma_wait3A_392, %dma_wait3A_393] : memref<10240x128xf32, #tpu.memory_space<vmem_shared>> -> memref<10240x128xf32, #tpu.memory_space<vmem_shared>>
          tpu.wait_indirect_dma semaphore(%run_scoped3A_374 : memref<!tpu.dma_semaphore, #tpu.memory_space<semaphore_mem>>) src(%dma_wait3A_388 : memref<80x128xf32, #tpu.memory_space<vmem>>) dst(%dma_wait3A_394 : memref<10240x128xf32, #tpu.memory_space<vmem_shared>>)
          tpu.yield
        }) : () -> ()
        %add3A_360 = arith.constant 4 : i32
        %add3A_361 = arith.addi %add3A_292, %add3A_360 : i32
        %lt3A_362 = arith.constant 125 : i32
        %lt3A_363 = arith.cmpi slt, %add3A_361, %lt3A_362 : i32
        %convert_element_type3A_364 = arith.extui %lt3A_363 : i1 to i32
        %cond3A_365 = arith.constant 0 : i32
        %cond3A_366 = arith.cmpi ne, %convert_element_type3A_364, %cond3A_365 : i32
        scf.if %cond3A_366 {
          %add3A_374 = arith.constant 4 : i32
          %add3A_375 = arith.addi %add3A_292, %add3A_374 : i32
          %dma_start3A_376 = arith.constant 0 : i32
          %dma_start3A_377 = arith.constant 0 : i32
          %dma_start3A_378 = arith.constant 0 : i32
          %dma_start3A_379 = tpu.memref_slice %arg9[%dma_start3A_376, %dma_start3A_378] : memref<4x80xi32, #tpu.memory_space<vmem>> -> memref<1x80xi32, #tpu.memory_space<vmem>>
          %dma_start3A_380 = tpu.memref_squeeze %dma_start3A_379 : memref<1x80xi32, #tpu.memory_space<vmem>> -> memref<80xi32, #tpu.memory_space<vmem>>
          %dma_start3A_381 = arith.constant 0 : i32
          %dma_start3A_382 = tpu.memref_slice %arg2[%add3A, %add3A_375, %dma_start3A_381] : memref<32x125x80xi32, #tpu.memory_space<hbm>> -> memref<1x1x80xi32, #tpu.memory_space<hbm>>
          %dma_start3A_383 = tpu.memref_squeeze %dma_start3A_382 : memref<1x1x80xi32, #tpu.memory_space<hbm>> -> memref<80xi32, #tpu.memory_space<hbm>>
          %dma_start3A_384 = tpu.memref_slice %arg15[%dma_start3A_377] : memref<4x!tpu.dma_semaphore, #tpu.memory_space<semaphore_mem>> -> memref<1x!tpu.dma_semaphore, #tpu.memory_space<semaphore_mem>>
          %dma_start3A_385 = tpu.memref_squeeze %dma_start3A_384 : memref<1x!tpu.dma_semaphore, #tpu.memory_space<semaphore_mem>> -> memref<!tpu.dma_semaphore, #tpu.memory_space<semaphore_mem>>
          %dma_start3A_386 = arith.constant 0 : i32
          %dma_start3A_387 = tpu.memref_slice %arg9[%dma_start3A_376, %dma_start3A_386] : memref<4x80xi32, #tpu.memory_space<vmem>> -> memref<1x80xi32, #tpu.memory_space<vmem>>
          %dma_start3A_388 = tpu.memref_squeeze %dma_start3A_387 : memref<1x80xi32, #tpu.memory_space<vmem>> -> memref<80xi32, #tpu.memory_space<vmem>>
          %dma_start3A_389 = arith.constant 0 : i32
          %dma_start3A_390 = tpu.memref_slice %arg2[%add3A, %add3A_375, %dma_start3A_389] : memref<32x125x80xi32, #tpu.memory_space<hbm>> -> memref<1x1x80xi32, #tpu.memory_space<hbm>>
          %dma_start3A_391 = tpu.memref_squeeze %dma_start3A_390 : memref<1x1x80xi32, #tpu.memory_space<hbm>> -> memref<80xi32, #tpu.memory_space<hbm>>
          tpu.enqueue_dma source(%dma_start3A_391 : memref<80xi32, #tpu.memory_space<hbm>>) target(%dma_start3A_388 : memref<80xi32, #tpu.memory_space<vmem>>) target_semaphore(%dma_start3A_385 : memref<!tpu.dma_semaphore, #tpu.memory_space<semaphore_mem>>)
          %dma_start3A_392 = arith.constant 0 : i32
          %dma_start3A_393 = arith.constant 0 : i32
          %dma_start3A_394 = arith.constant 0 : i32
          %dma_start3A_395 = tpu.memref_slice %arg10[%dma_start3A_392, %dma_start3A_394] : memref<4x80xi32, #tpu.memory_space<vmem>> -> memref<1x80xi32, #tpu.memory_space<vmem>>
          %dma_start3A_396 = tpu.memref_squeeze %dma_start3A_395 : memref<1x80xi32, #tpu.memory_space<vmem>> -> memref<80xi32, #tpu.memory_space<vmem>>
          %dma_start3A_397 = arith.constant 0 : i32
          %dma_start3A_398 = tpu.memref_slice %arg3[%add3A, %add3A_375, %dma_start3A_397] : memref<32x125x80xi32, #tpu.memory_space<hbm>> -> memref<1x1x80xi32, #tpu.memory_space<hbm>>
          %dma_start3A_399 = tpu.memref_squeeze %dma_start3A_398 : memref<1x1x80xi32, #tpu.memory_space<hbm>> -> memref<80xi32, #tpu.memory_space<hbm>>
          %dma_start3A_400 = tpu.memref_slice %arg16[%dma_start3A_393] : memref<4x!tpu.dma_semaphore, #tpu.memory_space<semaphore_mem>> -> memref<1x!tpu.dma_semaphore, #tpu.memory_space<semaphore_mem>>
          %dma_start3A_401 = tpu.memref_squeeze %dma_start3A_400 : memref<1x!tpu.dma_semaphore, #tpu.memory_space<semaphore_mem>> -> memref<!tpu.dma_semaphore, #tpu.memory_space<semaphore_mem>>
          %dma_start3A_402 = arith.constant 0 : i32
          %dma_start3A_403 = tpu.memref_slice %arg10[%dma_start3A_392, %dma_start3A_402] : memref<4x80xi32, #tpu.memory_space<vmem>> -> memref<1x80xi32, #tpu.memory_space<vmem>>
          %dma_start3A_404 = tpu.memref_squeeze %dma_start3A_403 : memref<1x80xi32, #tpu.memory_space<vmem>> -> memref<80xi32, #tpu.memory_space<vmem>>
          %dma_start3A_405 = arith.constant 0 : i32
          %dma_start3A_406 = tpu.memref_slice %arg3[%add3A, %add3A_375, %dma_start3A_405] : memref<32x125x80xi32, #tpu.memory_space<hbm>> -> memref<1x1x80xi32, #tpu.memory_space<hbm>>
          %dma_start3A_407 = tpu.memref_squeeze %dma_start3A_406 : memref<1x1x80xi32, #tpu.memory_space<hbm>> -> memref<80xi32, #tpu.memory_space<hbm>>
          tpu.enqueue_dma source(%dma_start3A_407 : memref<80xi32, #tpu.memory_space<hbm>>) target(%dma_start3A_404 : memref<80xi32, #tpu.memory_space<vmem>>) target_semaphore(%dma_start3A_401 : memref<!tpu.dma_semaphore, #tpu.memory_space<semaphore_mem>>)
        } else {
        }
        %add3A_367 = arith.constant 2 : i32
        %add3A_368 = arith.addi %add3A_292, %add3A_367 : i32
        %lt3A_369 = arith.constant 125 : i32
        %lt3A_370 = arith.cmpi slt, %add3A_368, %lt3A_369 : i32
        %convert_element_type3A_371 = arith.extui %lt3A_370 : i1 to i32
        %cond3A_372 = arith.constant 0 : i32
        %cond3A_373 = arith.cmpi ne, %convert_element_type3A_371, %cond3A_372 : i32
        scf.if %cond3A_373 {
          %dma_wait3A_374 = arith.constant 0 : i32
          %dma_wait3A_375 = arith.constant 2 : i32
          %dma_wait3A_376 = arith.constant 2 : i32
          %dma_wait3A_377 = arith.constant 0 : i32
          %dma_wait3A_378 = tpu.memref_slice %arg9[%dma_wait3A_375, %dma_wait3A_377] : memref<4x80xi32, #tpu.memory_space<vmem>> -> memref<1x80xi32, #tpu.memory_space<vmem>>
          %dma_wait3A_379 = tpu.memref_squeeze %dma_wait3A_378 : memref<1x80xi32, #tpu.memory_space<vmem>> -> memref<80xi32, #tpu.memory_space<vmem>>
          %dma_wait3A_380 = arith.constant 0 : i32
          %dma_wait3A_381 = tpu.memref_slice %arg2[%add3A, %dma_wait3A_374, %dma_wait3A_380] : memref<32x125x80xi32, #tpu.memory_space<hbm>> -> memref<1x1x80xi32, #tpu.memory_space<hbm>>
          %dma_wait3A_382 = tpu.memref_squeeze %dma_wait3A_381 : memref<1x1x80xi32, #tpu.memory_space<hbm>> -> memref<80xi32, #tpu.memory_space<hbm>>
          %dma_wait3A_383 = tpu.memref_slice %arg15[%dma_wait3A_376] : memref<4x!tpu.dma_semaphore, #tpu.memory_space<semaphore_mem>> -> memref<1x!tpu.dma_semaphore, #tpu.memory_space<semaphore_mem>>
          %dma_wait3A_384 = tpu.memref_squeeze %dma_wait3A_383 : memref<1x!tpu.dma_semaphore, #tpu.memory_space<semaphore_mem>> -> memref<!tpu.dma_semaphore, #tpu.memory_space<semaphore_mem>>
          %dma_wait3A_385 = arith.constant 0 : i32
          %dma_wait3A_386 = tpu.memref_slice %arg9[%dma_wait3A_375, %dma_wait3A_385] : memref<4x80xi32, #tpu.memory_space<vmem>> -> memref<1x80xi32, #tpu.memory_space<vmem>>
          %dma_wait3A_387 = tpu.memref_squeeze %dma_wait3A_386 : memref<1x80xi32, #tpu.memory_space<vmem>> -> memref<80xi32, #tpu.memory_space<vmem>>
          %dma_wait3A_388 = arith.constant 0 : i32
          %dma_wait3A_389 = tpu.memref_slice %arg2[%add3A, %dma_wait3A_374, %dma_wait3A_388] : memref<32x125x80xi32, #tpu.memory_space<hbm>> -> memref<1x1x80xi32, #tpu.memory_space<hbm>>
          %dma_wait3A_390 = tpu.memref_squeeze %dma_wait3A_389 : memref<1x1x80xi32, #tpu.memory_space<hbm>> -> memref<80xi32, #tpu.memory_space<hbm>>
          tpu.wait_dma2 semaphore(%dma_wait3A_384 : memref<!tpu.dma_semaphore, #tpu.memory_space<semaphore_mem>>) src(%dma_wait3A_390 : memref<80xi32, #tpu.memory_space<hbm>>) dst(%dma_wait3A_387 : memref<80xi32, #tpu.memory_space<vmem>>)
          %dma_wait3A_391 = arith.constant 0 : i32
          %dma_wait3A_392 = arith.constant 2 : i32
          %dma_wait3A_393 = arith.constant 2 : i32
          %dma_wait3A_394 = arith.constant 0 : i32
          %dma_wait3A_395 = tpu.memref_slice %arg10[%dma_wait3A_392, %dma_wait3A_394] : memref<4x80xi32, #tpu.memory_space<vmem>> -> memref<1x80xi32, #tpu.memory_space<vmem>>
          %dma_wait3A_396 = tpu.memref_squeeze %dma_wait3A_395 : memref<1x80xi32, #tpu.memory_space<vmem>> -> memref<80xi32, #tpu.memory_space<vmem>>
          %dma_wait3A_397 = arith.constant 0 : i32
          %dma_wait3A_398 = tpu.memref_slice %arg3[%add3A, %dma_wait3A_391, %dma_wait3A_397] : memref<32x125x80xi32, #tpu.memory_space<hbm>> -> memref<1x1x80xi32, #tpu.memory_space<hbm>>
          %dma_wait3A_399 = tpu.memref_squeeze %dma_wait3A_398 : memref<1x1x80xi32, #tpu.memory_space<hbm>> -> memref<80xi32, #tpu.memory_space<hbm>>
          %dma_wait3A_400 = tpu.memref_slice %arg16[%dma_wait3A_393] : memref<4x!tpu.dma_semaphore, #tpu.memory_space<semaphore_mem>> -> memref<1x!tpu.dma_semaphore, #tpu.memory_space<semaphore_mem>>
          %dma_wait3A_401 = tpu.memref_squeeze %dma_wait3A_400 : memref<1x!tpu.dma_semaphore, #tpu.memory_space<semaphore_mem>> -> memref<!tpu.dma_semaphore, #tpu.memory_space<semaphore_mem>>
          %dma_wait3A_402 = arith.constant 0 : i32
          %dma_wait3A_403 = tpu.memref_slice %arg10[%dma_wait3A_392, %dma_wait3A_402] : memref<4x80xi32, #tpu.memory_space<vmem>> -> memref<1x80xi32, #tpu.memory_space<vmem>>
          %dma_wait3A_404 = tpu.memref_squeeze %dma_wait3A_403 : memref<1x80xi32, #tpu.memory_space<vmem>> -> memref<80xi32, #tpu.memory_space<vmem>>
          %dma_wait3A_405 = arith.constant 0 : i32
          %dma_wait3A_406 = tpu.memref_slice %arg3[%add3A, %dma_wait3A_391, %dma_wait3A_405] : memref<32x125x80xi32, #tpu.memory_space<hbm>> -> memref<1x1x80xi32, #tpu.memory_space<hbm>>
          %dma_wait3A_407 = tpu.memref_squeeze %dma_wait3A_406 : memref<1x1x80xi32, #tpu.memory_space<hbm>> -> memref<80xi32, #tpu.memory_space<hbm>>
          tpu.wait_dma2 semaphore(%dma_wait3A_401 : memref<!tpu.dma_semaphore, #tpu.memory_space<semaphore_mem>>) src(%dma_wait3A_407 : memref<80xi32, #tpu.memory_space<hbm>>) dst(%dma_wait3A_404 : memref<80xi32, #tpu.memory_space<vmem>>)
          %add3A_408 = arith.constant 2 : i32
          %add3A_409 = arith.addi %add3A_292, %add3A_408 : i32
          %dma_start3A_410 = arith.constant 2 : i32
          %dma_start3A_411 = arith.constant 0 : i32
          %dma_start3A_412 = arith.constant 0 : i32
          %dma_start3A_413 = arith.constant 0 : i32
          %dma_start3A_414 = arith.constant 0 : i32
          %dma_start3A_415 = tpu.memref_slice %arg11[%dma_start3A_411, %dma_start3A_413, %dma_start3A_414] : memref<2x80x128xf32, #tpu.memory_space<vmem>> -> memref<1x80x128xf32, #tpu.memory_space<vmem>>
          %dma_start3A_416 = tpu.memref_squeeze %dma_start3A_415 : memref<1x80x128xf32, #tpu.memory_space<vmem>> -> memref<80x128xf32, #tpu.memory_space<vmem>>
          %dma_start3A_417 = arith.constant 0 : i32
          %dma_start3A_418 = tpu.memref_slice %arg9[%dma_start3A_410, %dma_start3A_417] : memref<4x80xi32, #tpu.memory_space<vmem>> -> memref<1x80xi32, #tpu.memory_space<vmem>>
          %dma_start3A_419 = tpu.memref_squeeze %dma_start3A_418 : memref<1x80xi32, #tpu.memory_space<vmem>> -> memref<80xi32, #tpu.memory_space<vmem>>
          %dma_start3A_420 = arith.constant 0 : i32
          %dma_start3A_421 = arith.constant 0 : i32
          %dma_start3A_422 = tpu.memref_slice %arg5[%dma_start3A_420, %dma_start3A_421] : memref<10000x128xf32, #tpu.memory_space<hbm>> -> memref<10000x128xf32, #tpu.memory_space<hbm>>
          %dma_start3A_423 = tpu.memref_slice %arg13[%dma_start3A_412] : memref<2x!tpu.dma_semaphore, #tpu.memory_space<semaphore_mem>> -> memref<1x!tpu.dma_semaphore, #tpu.memory_space<semaphore_mem>>
          %dma_start3A_424 = tpu.memref_squeeze %dma_start3A_423 : memref<1x!tpu.dma_semaphore, #tpu.memory_space<semaphore_mem>> -> memref<!tpu.dma_semaphore, #tpu.memory_space<semaphore_mem>>
          tpu.enqueue_indirect_dma source(%dma_start3A_422 : memref<10000x128xf32, #tpu.memory_space<hbm>>) target(%dma_start3A_416 : memref<80x128xf32, #tpu.memory_space<vmem>>) offsets(%dma_start3A_419 : memref<80xi32, #tpu.memory_space<vmem>>) semaphore(%dma_start3A_424 : memref<!tpu.dma_semaphore, #tpu.memory_space<semaphore_mem>>)
          %mul3A_425 = arith.constant 80 : i32
          %mul3A_426 = arith.muli %add3A_409, %mul3A_425 : i32
          %add3A_427 = arith.addi %mul3A_4, %mul3A_426 : i32
          %dma_start3A_428 = arith.constant 0 : i32
          %dma_start3A_429 = arith.constant 0 : i32
          %dma_start3A_430 = arith.constant 0 : i32
          %dma_start3A_431 = arith.constant 0 : i32
          %dma_start3A_432 = tpu.memref_slice %arg12[%dma_start3A_428, %dma_start3A_430, %dma_start3A_431] : memref<2x80x64xi32, #tpu.memory_space<vmem>> -> memref<1x80x64xi32, #tpu.memory_space<vmem>>
          %dma_start3A_433 = tpu.memref_squeeze %dma_start3A_432 : memref<1x80x64xi32, #tpu.memory_space<vmem>> -> memref<80x64xi32, #tpu.memory_space<vmem>>
          %dma_start3A_434 = arith.constant 0 : i32
          %dma_start3A_435 = tpu.memref_slice %arg4[%add3A_427, %dma_start3A_434] : memref<320000x64xi32, #tpu.memory_space<hbm>> -> memref<80x64xi32, #tpu.memory_space<hbm>>
          %dma_start3A_436 = tpu.memref_slice %arg14[%dma_start3A_429] : memref<2x!tpu.dma_semaphore, #tpu.memory_space<semaphore_mem>> -> memref<1x!tpu.dma_semaphore, #tpu.memory_space<semaphore_mem>>
          %dma_start3A_437 = tpu.memref_squeeze %dma_start3A_436 : memref<1x!tpu.dma_semaphore, #tpu.memory_space<semaphore_mem>> -> memref<!tpu.dma_semaphore, #tpu.memory_space<semaphore_mem>>
          %dma_start3A_438 = arith.constant 0 : i32
          %dma_start3A_439 = arith.constant 0 : i32
          %dma_start3A_440 = tpu.memref_slice %arg12[%dma_start3A_428, %dma_start3A_438, %dma_start3A_439] : memref<2x80x64xi32, #tpu.memory_space<vmem>> -> memref<1x80x64xi32, #tpu.memory_space<vmem>>
          %dma_start3A_441 = tpu.memref_squeeze %dma_start3A_440 : memref<1x80x64xi32, #tpu.memory_space<vmem>> -> memref<80x64xi32, #tpu.memory_space<vmem>>
          %dma_start3A_442 = arith.constant 0 : i32
          %dma_start3A_443 = tpu.memref_slice %arg4[%add3A_427, %dma_start3A_442] : memref<320000x64xi32, #tpu.memory_space<hbm>> -> memref<80x64xi32, #tpu.memory_space<hbm>>
          tpu.enqueue_dma source(%dma_start3A_443 : memref<80x64xi32, #tpu.memory_space<hbm>>) target(%dma_start3A_441 : memref<80x64xi32, #tpu.memory_space<vmem>>) target_semaphore(%dma_start3A_437 : memref<!tpu.dma_semaphore, #tpu.memory_space<semaphore_mem>>)
        } else {
        }
      } else {
      }
      %add3A_295 = arith.constant 1 : i32
      %add3A_296 = arith.addi %add3A_290, %add3A_295 : i32
      %lt3A_297 = arith.constant 125 : i32
      %lt3A_298 = arith.cmpi slt, %add3A_296, %lt3A_297 : i32
      %convert_element_type3A_299 = arith.extui %lt3A_298 : i1 to i32
      %cond3A_300 = arith.constant 0 : i32
      %cond3A_301 = arith.cmpi ne, %convert_element_type3A_299, %cond3A_300 : i32
      scf.if %cond3A_301 {
        %dma_wait3A_316 = arith.constant 1 : i32
        %dma_wait3A_317 = arith.constant 1 : i32
        %dma_wait3A_318 = arith.constant 0 : i32
        %dma_wait3A_319 = arith.constant 0 : i32
        %dma_wait3A_320 = tpu.memref_slice %arg11[%dma_wait3A_316, %dma_wait3A_318, %dma_wait3A_319] : memref<2x80x128xf32, #tpu.memory_space<vmem>> -> memref<1x80x128xf32, #tpu.memory_space<vmem>>
        %dma_wait3A_321 = tpu.memref_squeeze %dma_wait3A_320 : memref<1x80x128xf32, #tpu.memory_space<vmem>> -> memref<80x128xf32, #tpu.memory_space<vmem>>
        %dma_wait3A_322 = arith.constant 0 : i32
        %dma_wait3A_323 = arith.constant 0 : i32
        %dma_wait3A_324 = tpu.memref_slice %arg5[%dma_wait3A_322, %dma_wait3A_323] : memref<10000x128xf32, #tpu.memory_space<hbm>> -> memref<80x128xf32, #tpu.memory_space<hbm>>
        %dma_wait3A_325 = tpu.memref_slice %arg13[%dma_wait3A_317] : memref<2x!tpu.dma_semaphore, #tpu.memory_space<semaphore_mem>> -> memref<1x!tpu.dma_semaphore, #tpu.memory_space<semaphore_mem>>
        %dma_wait3A_326 = tpu.memref_squeeze %dma_wait3A_325 : memref<1x!tpu.dma_semaphore, #tpu.memory_space<semaphore_mem>> -> memref<!tpu.dma_semaphore, #tpu.memory_space<semaphore_mem>>
        %dma_wait3A_327 = arith.constant 0 : i32
        %dma_wait3A_328 = arith.constant 0 : i32
        %dma_wait3A_329 = tpu.memref_slice %arg11[%dma_wait3A_316, %dma_wait3A_327, %dma_wait3A_328] : memref<2x80x128xf32, #tpu.memory_space<vmem>> -> memref<1x80x128xf32, #tpu.memory_space<vmem>>
        %dma_wait3A_330 = tpu.memref_squeeze %dma_wait3A_329 : memref<1x80x128xf32, #tpu.memory_space<vmem>> -> memref<80x128xf32, #tpu.memory_space<vmem>>
        %dma_wait3A_331 = arith.constant 0 : i32
        %dma_wait3A_332 = arith.constant 0 : i32
        %dma_wait3A_333 = tpu.memref_slice %arg5[%dma_wait3A_331, %dma_wait3A_332] : memref<10000x128xf32, #tpu.memory_space<hbm>> -> memref<80x128xf32, #tpu.memory_space<hbm>>
        tpu.wait_dma2 semaphore(%dma_wait3A_326 : memref<!tpu.dma_semaphore, #tpu.memory_space<semaphore_mem>>) src(%dma_wait3A_333 : memref<80x128xf32, #tpu.memory_space<hbm>>) dst(%dma_wait3A_330 : memref<80x128xf32, #tpu.memory_space<vmem>>)
        %dma_wait3A_334 = arith.constant 1 : i32
        %dma_wait3A_335 = arith.constant 1 : i32
        %dma_wait3A_336 = arith.constant 0 : i32
        %dma_wait3A_337 = arith.constant 0 : i32
        %dma_wait3A_338 = tpu.memref_slice %arg12[%dma_wait3A_334, %dma_wait3A_336, %dma_wait3A_337] : memref<2x80x64xi32, #tpu.memory_space<vmem>> -> memref<1x80x64xi32, #tpu.memory_space<vmem>>
        %dma_wait3A_339 = tpu.memref_squeeze %dma_wait3A_338 : memref<1x80x64xi32, #tpu.memory_space<vmem>> -> memref<80x64xi32, #tpu.memory_space<vmem>>
        %dma_wait3A_340 = arith.constant 0 : i32
        %dma_wait3A_341 = arith.constant 0 : i32
        %dma_wait3A_342 = tpu.memref_slice %arg4[%dma_wait3A_340, %dma_wait3A_341] : memref<320000x64xi32, #tpu.memory_space<hbm>> -> memref<80x64xi32, #tpu.memory_space<hbm>>
        %dma_wait3A_343 = tpu.memref_slice %arg14[%dma_wait3A_335] : memref<2x!tpu.dma_semaphore, #tpu.memory_space<semaphore_mem>> -> memref<1x!tpu.dma_semaphore, #tpu.memory_space<semaphore_mem>>
        %dma_wait3A_344 = tpu.memref_squeeze %dma_wait3A_343 : memref<1x!tpu.dma_semaphore, #tpu.memory_space<semaphore_mem>> -> memref<!tpu.dma_semaphore, #tpu.memory_space<semaphore_mem>>
        %dma_wait3A_345 = arith.constant 0 : i32
        %dma_wait3A_346 = arith.constant 0 : i32
        %dma_wait3A_347 = tpu.memref_slice %arg12[%dma_wait3A_334, %dma_wait3A_345, %dma_wait3A_346] : memref<2x80x64xi32, #tpu.memory_space<vmem>> -> memref<1x80x64xi32, #tpu.memory_space<vmem>>
        %dma_wait3A_348 = tpu.memref_squeeze %dma_wait3A_347 : memref<1x80x64xi32, #tpu.memory_space<vmem>> -> memref<80x64xi32, #tpu.memory_space<vmem>>
        %dma_wait3A_349 = arith.constant 0 : i32
        %dma_wait3A_350 = arith.constant 0 : i32
        %dma_wait3A_351 = tpu.memref_slice %arg4[%dma_wait3A_349, %dma_wait3A_350] : memref<320000x64xi32, #tpu.memory_space<hbm>> -> memref<80x64xi32, #tpu.memory_space<hbm>>
        tpu.wait_dma2 semaphore(%dma_wait3A_344 : memref<!tpu.dma_semaphore, #tpu.memory_space<semaphore_mem>>) src(%dma_wait3A_351 : memref<80x64xi32, #tpu.memory_space<hbm>>) dst(%dma_wait3A_348 : memref<80x64xi32, #tpu.memory_space<vmem>>)
        %scan3A_352 = arith.constant 1 : i32
        %scan3A_353 = arith.constant 1 : i32
        %scan3A_354 = arith.constant 0 : i32
        %scan3A_355 = arith.constant 80 : i32
        %scan3A_356 = arith.addi %scan3A_354, %scan3A_355 : i32
        %scan3A_357 = arith.constant 1 : i32
        scf.for %scan3A_374 = %scan3A_354 to %scan3A_356 step %scan3A_357  : i32 {
          %mul3A_375 = arith.constant 1 : i32
          %mul3A_376 = arith.muli %scan3A_374, %mul3A_375 : i32
          %add3A_377 = arith.constant 0 : i32
          %add3A_378 = arith.addi %add3A_377, %mul3A_376 : i32
          %get3A = arith.constant 0 : i32
          %get3A_379 = arith.constant 0 : i32
          %get3A_380 = tpu.memref_slice %arg12[%scan3A_352, %get3A, %get3A_379] : memref<2x80x64xi32, #tpu.memory_space<vmem>> -> memref<1x80x64xi32, #tpu.memory_space<vmem>>
          %get3A_381 = tpu.memref_squeeze %get3A_380 : memref<1x80x64xi32, #tpu.memory_space<vmem>> -> memref<80x64xi32, #tpu.memory_space<vmem>>
          %get3A_382 = arith.index_cast %add3A_378 : i32 to index
          %get3A_383 = arith.constant 0 : index
          %get3A_384 = tpu.vector_load %get3A_381[%get3A_382, %get3A_383] {strides = array<i32>} : memref<80x64xi32, #tpu.memory_space<vmem>>, vector<16xi32>,
          %get3A_385 = arith.constant 0 : i32
          %get3A_386 = arith.constant 0 : i32
          %get3A_387 = tpu.memref_slice %arg11[%scan3A_353, %get3A_385, %get3A_386] : memref<2x80x128xf32, #tpu.memory_space<vmem>> -> memref<1x80x128xf32, #tpu.memory_space<vmem>>
          %get3A_388 = tpu.memref_squeeze %get3A_387 : memref<1x80x128xf32, #tpu.memory_space<vmem>> -> memref<80x128xf32, #tpu.memory_space<vmem>>
          %get3A_389 = arith.index_cast %add3A_378 : i32 to index
          %get3A_390 = arith.constant 0 : index
          %get3A_391 = tpu.vector_load %get3A_388[%get3A_389, %get3A_390] {strides = array<i32>} : memref<80x128xf32, #tpu.memory_space<vmem>>, vector<16xf32>,
          %get3A_392 = arith.constant 0 : i32
          %get3A_393 = arith.constant 0 : i32
          %get3A_394 = tpu.memref_slice %arg11[%scan3A_353, %get3A_392, %get3A_393] : memref<2x80x128xf32, #tpu.memory_space<vmem>> -> memref<1x80x128xf32, #tpu.memory_space<vmem>>
          %get3A_395 = tpu.memref_squeeze %get3A_394 : memref<1x80x128xf32, #tpu.memory_space<vmem>> -> memref<80x128xf32, #tpu.memory_space<vmem>>
          %get3A_396 = arith.index_cast %add3A_378 : i32 to index
          %get3A_397 = arith.constant 16 : index
          %get3A_398 = tpu.vector_load %get3A_395[%get3A_396, %get3A_397] {strides = array<i32>} : memref<80x128xf32, #tpu.memory_space<vmem>>, vector<16xf32>,
          %shift_left3A = arith.constant 16 : i32
          %shift_left3A_399 = vector.broadcast %shift_left3A : i32 to vector<16xi32>
          %shift_left3A_400 = arith.shli %get3A_384, %shift_left3A_399 : vector<16xi32>
          %bitcast3A = vector.bitcast %shift_left3A_400 : vector<16xi32> to vector<16xf32>
          %and3A = arith.constant -65536 : i32
          %and3A_401 = vector.broadcast %and3A : i32 to vector<16xi32>
          %and3A_402 = arith.andi %get3A_384, %and3A_401 : vector<16xi32>
          %bitcast3A_403 = vector.bitcast %and3A_402 : vector<16xi32> to vector<16xf32>
          %add3A_404 = arith.addf %get3A_391, %bitcast3A : vector<16xf32>
          %max3A = arith.constant 0.000000e+00 : f32
          %max3A_405 = vector.broadcast %max3A : f32 to vector<16xf32>
          %max3A_406 = arith.maximumf %add3A_404, %max3A_405 : vector<16xf32>
          %swap3A = arith.constant 0 : i32
          %swap3A_407 = arith.constant 0 : i32
          %swap3A_408 = tpu.memref_slice %arg11[%scan3A_353, %swap3A, %swap3A_407] : memref<2x80x128xf32, #tpu.memory_space<vmem>> -> memref<1x80x128xf32, #tpu.memory_space<vmem>>
          %swap3A_409 = tpu.memref_squeeze %swap3A_408 : memref<1x80x128xf32, #tpu.memory_space<vmem>> -> memref<80x128xf32, #tpu.memory_space<vmem>>
          %swap3A_410 = arith.index_cast %add3A_378 : i32 to index
          %swap3A_411 = arith.constant 0 : index
          %swap3A_412 = tpu.vector_load %swap3A_409[%swap3A_410, %swap3A_411] {strides = array<i32>} : memref<80x128xf32, #tpu.memory_space<vmem>>, vector<16xf32>,
          tpu.vector_store %swap3A_409[%swap3A_410, %swap3A_411], %max3A_406 {strides = array<i32>} : memref<80x128xf32, #tpu.memory_space<vmem>>, vector<16xf32>,
          %add3A_413 = arith.addf %get3A_398, %bitcast3A_403 : vector<16xf32>
          %max3A_414 = arith.constant 0.000000e+00 : f32
          %max3A_415 = vector.broadcast %max3A_414 : f32 to vector<16xf32>
          %max3A_416 = arith.maximumf %add3A_413, %max3A_415 : vector<16xf32>
          %swap3A_417 = arith.constant 0 : i32
          %swap3A_418 = arith.constant 0 : i32
          %swap3A_419 = tpu.memref_slice %arg11[%scan3A_353, %swap3A_417, %swap3A_418] : memref<2x80x128xf32, #tpu.memory_space<vmem>> -> memref<1x80x128xf32, #tpu.memory_space<vmem>>
          %swap3A_420 = tpu.memref_squeeze %swap3A_419 : memref<1x80x128xf32, #tpu.memory_space<vmem>> -> memref<80x128xf32, #tpu.memory_space<vmem>>
          %swap3A_421 = arith.index_cast %add3A_378 : i32 to index
          %swap3A_422 = arith.constant 16 : index
          %swap3A_423 = tpu.vector_load %swap3A_420[%swap3A_421, %swap3A_422] {strides = array<i32>} : memref<80x128xf32, #tpu.memory_space<vmem>>, vector<16xf32>,
          tpu.vector_store %swap3A_420[%swap3A_421, %swap3A_422], %max3A_416 {strides = array<i32>} : memref<80x128xf32, #tpu.memory_space<vmem>>, vector<16xf32>,
          %get3A_424 = arith.constant 0 : i32
          %get3A_425 = arith.constant 0 : i32
          %get3A_426 = tpu.memref_slice %arg12[%scan3A_352, %get3A_424, %get3A_425] : memref<2x80x64xi32, #tpu.memory_space<vmem>> -> memref<1x80x64xi32, #tpu.memory_space<vmem>>
          %get3A_427 = tpu.memref_squeeze %get3A_426 : memref<1x80x64xi32, #tpu.memory_space<vmem>> -> memref<80x64xi32, #tpu.memory_space<vmem>>
          %get3A_428 = arith.index_cast %add3A_378 : i32 to index
          %get3A_429 = arith.constant 16 : index
          %get3A_430 = tpu.vector_load %get3A_427[%get3A_428, %get3A_429] {strides = array<i32>} : memref<80x64xi32, #tpu.memory_space<vmem>>, vector<16xi32>,
          %get3A_431 = arith.constant 0 : i32
          %get3A_432 = arith.constant 0 : i32
          %get3A_433 = tpu.memref_slice %arg11[%scan3A_353, %get3A_431, %get3A_432] : memref<2x80x128xf32, #tpu.memory_space<vmem>> -> memref<1x80x128xf32, #tpu.memory_space<vmem>>
          %get3A_434 = tpu.memref_squeeze %get3A_433 : memref<1x80x128xf32, #tpu.memory_space<vmem>> -> memref<80x128xf32, #tpu.memory_space<vmem>>
          %get3A_435 = arith.index_cast %add3A_378 : i32 to index
          %get3A_436 = arith.constant 32 : index
          %get3A_437 = tpu.vector_load %get3A_434[%get3A_435, %get3A_436] {strides = array<i32>} : memref<80x128xf32, #tpu.memory_space<vmem>>, vector<16xf32>,
          %get3A_438 = arith.constant 0 : i32
          %get3A_439 = arith.constant 0 : i32
          %get3A_440 = tpu.memref_slice %arg11[%scan3A_353, %get3A_438, %get3A_439] : memref<2x80x128xf32, #tpu.memory_space<vmem>> -> memref<1x80x128xf32, #tpu.memory_space<vmem>>
          %get3A_441 = tpu.memref_squeeze %get3A_440 : memref<1x80x128xf32, #tpu.memory_space<vmem>> -> memref<80x128xf32, #tpu.memory_space<vmem>>
          %get3A_442 = arith.index_cast %add3A_378 : i32 to index
          %get3A_443 = arith.constant 48 : index
          %get3A_444 = tpu.vector_load %get3A_441[%get3A_442, %get3A_443] {strides = array<i32>} : memref<80x128xf32, #tpu.memory_space<vmem>>, vector<16xf32>,
          %shift_left3A_445 = arith.constant 16 : i32
          %shift_left3A_446 = vector.broadcast %shift_left3A_445 : i32 to vector<16xi32>
          %shift_left3A_447 = arith.shli %get3A_430, %shift_left3A_446 : vector<16xi32>
          %bitcast3A_448 = vector.bitcast %shift_left3A_447 : vector<16xi32> to vector<16xf32>
          %and3A_449 = arith.constant -65536 : i32
          %and3A_450 = vector.broadcast %and3A_449 : i32 to vector<16xi32>
          %and3A_451 = arith.andi %get3A_430, %and3A_450 : vector<16xi32>
          %bitcast3A_452 = vector.bitcast %and3A_451 : vector<16xi32> to vector<16xf32>
          %add3A_453 = arith.addf %get3A_437, %bitcast3A_448 : vector<16xf32>
          %max3A_454 = arith.constant 0.000000e+00 : f32
          %max3A_455 = vector.broadcast %max3A_454 : f32 to vector<16xf32>
          %max3A_456 = arith.maximumf %add3A_453, %max3A_455 : vector<16xf32>
          %swap3A_457 = arith.constant 0 : i32
          %swap3A_458 = arith.constant 0 : i32
          %swap3A_459 = tpu.memref_slice %arg11[%scan3A_353, %swap3A_457, %swap3A_458] : memref<2x80x128xf32, #tpu.memory_space<vmem>> -> memref<1x80x128xf32, #tpu.memory_space<vmem>>
          %swap3A_460 = tpu.memref_squeeze %swap3A_459 : memref<1x80x128xf32, #tpu.memory_space<vmem>> -> memref<80x128xf32, #tpu.memory_space<vmem>>
          %swap3A_461 = arith.index_cast %add3A_378 : i32 to index
          %swap3A_462 = arith.constant 32 : index
          %swap3A_463 = tpu.vector_load %swap3A_460[%swap3A_461, %swap3A_462] {strides = array<i32>} : memref<80x128xf32, #tpu.memory_space<vmem>>, vector<16xf32>,
          tpu.vector_store %swap3A_460[%swap3A_461, %swap3A_462], %max3A_456 {strides = array<i32>} : memref<80x128xf32, #tpu.memory_space<vmem>>, vector<16xf32>,
          %add3A_464 = arith.addf %get3A_444, %bitcast3A_452 : vector<16xf32>
          %max3A_465 = arith.constant 0.000000e+00 : f32
          %max3A_466 = vector.broadcast %max3A_465 : f32 to vector<16xf32>
          %max3A_467 = arith.maximumf %add3A_464, %max3A_466 : vector<16xf32>
          %swap3A_468 = arith.constant 0 : i32
          %swap3A_469 = arith.constant 0 : i32
          %swap3A_470 = tpu.memref_slice %arg11[%scan3A_353, %swap3A_468, %swap3A_469] : memref<2x80x128xf32, #tpu.memory_space<vmem>> -> memref<1x80x128xf32, #tpu.memory_space<vmem>>
          %swap3A_471 = tpu.memref_squeeze %swap3A_470 : memref<1x80x128xf32, #tpu.memory_space<vmem>> -> memref<80x128xf32, #tpu.memory_space<vmem>>
          %swap3A_472 = arith.index_cast %add3A_378 : i32 to index
          %swap3A_473 = arith.constant 48 : index
          %swap3A_474 = tpu.vector_load %swap3A_471[%swap3A_472, %swap3A_473] {strides = array<i32>} : memref<80x128xf32, #tpu.memory_space<vmem>>, vector<16xf32>,
          tpu.vector_store %swap3A_471[%swap3A_472, %swap3A_473], %max3A_467 {strides = array<i32>} : memref<80x128xf32, #tpu.memory_space<vmem>>, vector<16xf32>,
          %get3A_475 = arith.constant 0 : i32
          %get3A_476 = arith.constant 0 : i32
          %get3A_477 = tpu.memref_slice %arg12[%scan3A_352, %get3A_475, %get3A_476] : memref<2x80x64xi32, #tpu.memory_space<vmem>> -> memref<1x80x64xi32, #tpu.memory_space<vmem>>
          %get3A_478 = tpu.memref_squeeze %get3A_477 : memref<1x80x64xi32, #tpu.memory_space<vmem>> -> memref<80x64xi32, #tpu.memory_space<vmem>>
          %get3A_479 = arith.index_cast %add3A_378 : i32 to index
          %get3A_480 = arith.constant 32 : index
          %get3A_481 = tpu.vector_load %get3A_478[%get3A_479, %get3A_480] {strides = array<i32>} : memref<80x64xi32, #tpu.memory_space<vmem>>, vector<16xi32>,
          %get3A_482 = arith.constant 0 : i32
          %get3A_483 = arith.constant 0 : i32
          %get3A_484 = tpu.memref_slice %arg11[%scan3A_353, %get3A_482, %get3A_483] : memref<2x80x128xf32, #tpu.memory_space<vmem>> -> memref<1x80x128xf32, #tpu.memory_space<vmem>>
          %get3A_485 = tpu.memref_squeeze %get3A_484 : memref<1x80x128xf32, #tpu.memory_space<vmem>> -> memref<80x128xf32, #tpu.memory_space<vmem>>
          %get3A_486 = arith.index_cast %add3A_378 : i32 to index
          %get3A_487 = arith.constant 64 : index
          %get3A_488 = tpu.vector_load %get3A_485[%get3A_486, %get3A_487] {strides = array<i32>} : memref<80x128xf32, #tpu.memory_space<vmem>>, vector<16xf32>,
          %get3A_489 = arith.constant 0 : i32
          %get3A_490 = arith.constant 0 : i32
          %get3A_491 = tpu.memref_slice %arg11[%scan3A_353, %get3A_489, %get3A_490] : memref<2x80x128xf32, #tpu.memory_space<vmem>> -> memref<1x80x128xf32, #tpu.memory_space<vmem>>
          %get3A_492 = tpu.memref_squeeze %get3A_491 : memref<1x80x128xf32, #tpu.memory_space<vmem>> -> memref<80x128xf32, #tpu.memory_space<vmem>>
          %get3A_493 = arith.index_cast %add3A_378 : i32 to index
          %get3A_494 = arith.constant 80 : index
          %get3A_495 = tpu.vector_load %get3A_492[%get3A_493, %get3A_494] {strides = array<i32>} : memref<80x128xf32, #tpu.memory_space<vmem>>, vector<16xf32>,
          %shift_left3A_496 = arith.constant 16 : i32
          %shift_left3A_497 = vector.broadcast %shift_left3A_496 : i32 to vector<16xi32>
          %shift_left3A_498 = arith.shli %get3A_481, %shift_left3A_497 : vector<16xi32>
          %bitcast3A_499 = vector.bitcast %shift_left3A_498 : vector<16xi32> to vector<16xf32>
          %and3A_500 = arith.constant -65536 : i32
          %and3A_501 = vector.broadcast %and3A_500 : i32 to vector<16xi32>
          %and3A_502 = arith.andi %get3A_481, %and3A_501 : vector<16xi32>
          %bitcast3A_503 = vector.bitcast %and3A_502 : vector<16xi32> to vector<16xf32>
          %add3A_504 = arith.addf %get3A_488, %bitcast3A_499 : vector<16xf32>
          %max3A_505 = arith.constant 0.000000e+00 : f32
          %max3A_506 = vector.broadcast %max3A_505 : f32 to vector<16xf32>
          %max3A_507 = arith.maximumf %add3A_504, %max3A_506 : vector<16xf32>
          %swap3A_508 = arith.constant 0 : i32
          %swap3A_509 = arith.constant 0 : i32
          %swap3A_510 = tpu.memref_slice %arg11[%scan3A_353, %swap3A_508, %swap3A_509] : memref<2x80x128xf32, #tpu.memory_space<vmem>> -> memref<1x80x128xf32, #tpu.memory_space<vmem>>
          %swap3A_511 = tpu.memref_squeeze %swap3A_510 : memref<1x80x128xf32, #tpu.memory_space<vmem>> -> memref<80x128xf32, #tpu.memory_space<vmem>>
          %swap3A_512 = arith.index_cast %add3A_378 : i32 to index
          %swap3A_513 = arith.constant 64 : index
          %swap3A_514 = tpu.vector_load %swap3A_511[%swap3A_512, %swap3A_513] {strides = array<i32>} : memref<80x128xf32, #tpu.memory_space<vmem>>, vector<16xf32>,
          tpu.vector_store %swap3A_511[%swap3A_512, %swap3A_513], %max3A_507 {strides = array<i32>} : memref<80x128xf32, #tpu.memory_space<vmem>>, vector<16xf32>,
          %add3A_515 = arith.addf %get3A_495, %bitcast3A_503 : vector<16xf32>
          %max3A_516 = arith.constant 0.000000e+00 : f32
          %max3A_517 = vector.broadcast %max3A_516 : f32 to vector<16xf32>
          %max3A_518 = arith.maximumf %add3A_515, %max3A_517 : vector<16xf32>
          %swap3A_519 = arith.constant 0 : i32
          %swap3A_520 = arith.constant 0 : i32
          %swap3A_521 = tpu.memref_slice %arg11[%scan3A_353, %swap3A_519, %swap3A_520] : memref<2x80x128xf32, #tpu.memory_space<vmem>> -> memref<1x80x128xf32, #tpu.memory_space<vmem>>
          %swap3A_522 = tpu.memref_squeeze %swap3A_521 : memref<1x80x128xf32, #tpu.memory_space<vmem>> -> memref<80x128xf32, #tpu.memory_space<vmem>>
          %swap3A_523 = arith.index_cast %add3A_378 : i32 to index
          %swap3A_524 = arith.constant 80 : index
          %swap3A_525 = tpu.vector_load %swap3A_522[%swap3A_523, %swap3A_524] {strides = array<i32>} : memref<80x128xf32, #tpu.memory_space<vmem>>, vector<16xf32>,
          tpu.vector_store %swap3A_522[%swap3A_523, %swap3A_524], %max3A_518 {strides = array<i32>} : memref<80x128xf32, #tpu.memory_space<vmem>>, vector<16xf32>,
          %get3A_526 = arith.constant 0 : i32
          %get3A_527 = arith.constant 0 : i32
          %get3A_528 = tpu.memref_slice %arg12[%scan3A_352, %get3A_526, %get3A_527] : memref<2x80x64xi32, #tpu.memory_space<vmem>> -> memref<1x80x64xi32, #tpu.memory_space<vmem>>
          %get3A_529 = tpu.memref_squeeze %get3A_528 : memref<1x80x64xi32, #tpu.memory_space<vmem>> -> memref<80x64xi32, #tpu.memory_space<vmem>>
          %get3A_530 = arith.index_cast %add3A_378 : i32 to index
          %get3A_531 = arith.constant 48 : index
          %get3A_532 = tpu.vector_load %get3A_529[%get3A_530, %get3A_531] {strides = array<i32>} : memref<80x64xi32, #tpu.memory_space<vmem>>, vector<16xi32>,
          %get3A_533 = arith.constant 0 : i32
          %get3A_534 = arith.constant 0 : i32
          %get3A_535 = tpu.memref_slice %arg11[%scan3A_353, %get3A_533, %get3A_534] : memref<2x80x128xf32, #tpu.memory_space<vmem>> -> memref<1x80x128xf32, #tpu.memory_space<vmem>>
          %get3A_536 = tpu.memref_squeeze %get3A_535 : memref<1x80x128xf32, #tpu.memory_space<vmem>> -> memref<80x128xf32, #tpu.memory_space<vmem>>
          %get3A_537 = arith.index_cast %add3A_378 : i32 to index
          %get3A_538 = arith.constant 96 : index
          %get3A_539 = tpu.vector_load %get3A_536[%get3A_537, %get3A_538] {strides = array<i32>} : memref<80x128xf32, #tpu.memory_space<vmem>>, vector<16xf32>,
          %get3A_540 = arith.constant 0 : i32
          %get3A_541 = arith.constant 0 : i32
          %get3A_542 = tpu.memref_slice %arg11[%scan3A_353, %get3A_540, %get3A_541] : memref<2x80x128xf32, #tpu.memory_space<vmem>> -> memref<1x80x128xf32, #tpu.memory_space<vmem>>
          %get3A_543 = tpu.memref_squeeze %get3A_542 : memref<1x80x128xf32, #tpu.memory_space<vmem>> -> memref<80x128xf32, #tpu.memory_space<vmem>>
          %get3A_544 = arith.index_cast %add3A_378 : i32 to index
          %get3A_545 = arith.constant 112 : index
          %get3A_546 = tpu.vector_load %get3A_543[%get3A_544, %get3A_545] {strides = array<i32>} : memref<80x128xf32, #tpu.memory_space<vmem>>, vector<16xf32>,
          %shift_left3A_547 = arith.constant 16 : i32
          %shift_left3A_548 = vector.broadcast %shift_left3A_547 : i32 to vector<16xi32>
          %shift_left3A_549 = arith.shli %get3A_532, %shift_left3A_548 : vector<16xi32>
          %bitcast3A_550 = vector.bitcast %shift_left3A_549 : vector<16xi32> to vector<16xf32>
          %and3A_551 = arith.constant -65536 : i32
          %and3A_552 = vector.broadcast %and3A_551 : i32 to vector<16xi32>
          %and3A_553 = arith.andi %get3A_532, %and3A_552 : vector<16xi32>
          %bitcast3A_554 = vector.bitcast %and3A_553 : vector<16xi32> to vector<16xf32>
          %add3A_555 = arith.addf %get3A_539, %bitcast3A_550 : vector<16xf32>
          %max3A_556 = arith.constant 0.000000e+00 : f32
          %max3A_557 = vector.broadcast %max3A_556 : f32 to vector<16xf32>
          %max3A_558 = arith.maximumf %add3A_555, %max3A_557 : vector<16xf32>
          %swap3A_559 = arith.constant 0 : i32
          %swap3A_560 = arith.constant 0 : i32
          %swap3A_561 = tpu.memref_slice %arg11[%scan3A_353, %swap3A_559, %swap3A_560] : memref<2x80x128xf32, #tpu.memory_space<vmem>> -> memref<1x80x128xf32, #tpu.memory_space<vmem>>
          %swap3A_562 = tpu.memref_squeeze %swap3A_561 : memref<1x80x128xf32, #tpu.memory_space<vmem>> -> memref<80x128xf32, #tpu.memory_space<vmem>>
          %swap3A_563 = arith.index_cast %add3A_378 : i32 to index
          %swap3A_564 = arith.constant 96 : index
          %swap3A_565 = tpu.vector_load %swap3A_562[%swap3A_563, %swap3A_564] {strides = array<i32>} : memref<80x128xf32, #tpu.memory_space<vmem>>, vector<16xf32>,
          tpu.vector_store %swap3A_562[%swap3A_563, %swap3A_564], %max3A_558 {strides = array<i32>} : memref<80x128xf32, #tpu.memory_space<vmem>>, vector<16xf32>,
          %add3A_566 = arith.addf %get3A_546, %bitcast3A_554 : vector<16xf32>
          %max3A_567 = arith.constant 0.000000e+00 : f32
          %max3A_568 = vector.broadcast %max3A_567 : f32 to vector<16xf32>
          %max3A_569 = arith.maximumf %add3A_566, %max3A_568 : vector<16xf32>
          %swap3A_570 = arith.constant 0 : i32
          %swap3A_571 = arith.constant 0 : i32
          %swap3A_572 = tpu.memref_slice %arg11[%scan3A_353, %swap3A_570, %swap3A_571] : memref<2x80x128xf32, #tpu.memory_space<vmem>> -> memref<1x80x128xf32, #tpu.memory_space<vmem>>
          %swap3A_573 = tpu.memref_squeeze %swap3A_572 : memref<1x80x128xf32, #tpu.memory_space<vmem>> -> memref<80x128xf32, #tpu.memory_space<vmem>>
          %swap3A_574 = arith.index_cast %add3A_378 : i32 to index
          %swap3A_575 = arith.constant 112 : index
          %swap3A_576 = tpu.vector_load %swap3A_573[%swap3A_574, %swap3A_575] {strides = array<i32>} : memref<80x128xf32, #tpu.memory_space<vmem>>, vector<16xf32>,
          tpu.vector_store %swap3A_573[%swap3A_574, %swap3A_575], %max3A_569 {strides = array<i32>} : memref<80x128xf32, #tpu.memory_space<vmem>>, vector<16xf32>,
        }
        %scan3A_358 = arith.constant 80 : i32
        %run_scoped3A = arith.constant 1 : i32
        %run_scoped3A_359 = arith.constant 1 : i32
        "tpu.region"() ({
          %run_scoped3A_374 = tpu.sem_alloc : memref<!tpu.dma_semaphore, #tpu.memory_space<semaphore_mem>>
          %dma_start3A_375 = arith.constant 0 : i32
          %dma_start3A_376 = arith.constant 0 : i32
          %dma_start3A_377 = tpu.memref_slice %arg11[%run_scoped3A, %dma_start3A_375, %dma_start3A_376] : memref<2x80x128xf32, #tpu.memory_space<vmem>> -> memref<1x80x128xf32, #tpu.memory_space<vmem>>
          %dma_start3A_378 = tpu.memref_squeeze %dma_start3A_377 : memref<1x80x128xf32, #tpu.memory_space<vmem>> -> memref<80x128xf32, #tpu.memory_space<vmem>>
          %dma_start3A_379 = arith.constant 0 : i32
          %dma_start3A_380 = tpu.memref_slice %arg10[%run_scoped3A_359, %dma_start3A_379] : memref<4x80xi32, #tpu.memory_space<vmem>> -> memref<1x80xi32, #tpu.memory_space<vmem>>
          %dma_start3A_381 = tpu.memref_squeeze %dma_start3A_380 : memref<1x80xi32, #tpu.memory_space<vmem>> -> memref<80xi32, #tpu.memory_space<vmem>>
          %dma_start3A_382 = arith.constant 0 : i32
          %dma_start3A_383 = arith.constant 0 : i32
          %dma_start3A_384 = tpu.memref_slice %arg8[%dma_start3A_382, %dma_start3A_383] : memref<10240x128xf32, #tpu.memory_space<vmem_shared>> -> memref<10240x128xf32, #tpu.memory_space<vmem_shared>>
          tpu.enqueue_indirect_dma source(%dma_start3A_378 : memref<80x128xf32, #tpu.memory_space<vmem>>) target(%dma_start3A_384 : memref<10240x128xf32, #tpu.memory_space<vmem_shared>>) offsets(%dma_start3A_381 : memref<80xi32, #tpu.memory_space<vmem>>) semaphore(%run_scoped3A_374 : memref<!tpu.dma_semaphore, #tpu.memory_space<semaphore_mem>>) {add = true}
          %dma_wait3A_385 = arith.constant 0 : i32
          %dma_wait3A_386 = arith.constant 0 : i32
          %dma_wait3A_387 = tpu.memref_slice %arg11[%run_scoped3A, %dma_wait3A_385, %dma_wait3A_386] : memref<2x80x128xf32, #tpu.memory_space<vmem>> -> memref<1x80x128xf32, #tpu.memory_space<vmem>>
          %dma_wait3A_388 = tpu.memref_squeeze %dma_wait3A_387 : memref<1x80x128xf32, #tpu.memory_space<vmem>> -> memref<80x128xf32, #tpu.memory_space<vmem>>
          %dma_wait3A_389 = arith.constant 0 : i32
          %dma_wait3A_390 = tpu.memref_slice %arg10[%run_scoped3A_359, %dma_wait3A_389] : memref<4x80xi32, #tpu.memory_space<vmem>> -> memref<1x80xi32, #tpu.memory_space<vmem>>
          %dma_wait3A_391 = tpu.memref_squeeze %dma_wait3A_390 : memref<1x80xi32, #tpu.memory_space<vmem>> -> memref<80xi32, #tpu.memory_space<vmem>>
          %dma_wait3A_392 = arith.constant 0 : i32
          %dma_wait3A_393 = arith.constant 0 : i32
          %dma_wait3A_394 = tpu.memref_slice %arg8[%dma_wait3A_392, %dma_wait3A_393] : memref<10240x128xf32, #tpu.memory_space<vmem_shared>> -> memref<10240x128xf32, #tpu.memory_space<vmem_shared>>
          tpu.wait_indirect_dma semaphore(%run_scoped3A_374 : memref<!tpu.dma_semaphore, #tpu.memory_space<semaphore_mem>>) src(%dma_wait3A_388 : memref<80x128xf32, #tpu.memory_space<vmem>>) dst(%dma_wait3A_394 : memref<10240x128xf32, #tpu.memory_space<vmem_shared>>)
          tpu.yield
        }) : () -> ()
        %add3A_360 = arith.constant 4 : i32
        %add3A_361 = arith.addi %add3A_296, %add3A_360 : i32
        %lt3A_362 = arith.constant 125 : i32
        %lt3A_363 = arith.cmpi slt, %add3A_361, %lt3A_362 : i32
        %convert_element_type3A_364 = arith.extui %lt3A_363 : i1 to i32
        %cond3A_365 = arith.constant 0 : i32
        %cond3A_366 = arith.cmpi ne, %convert_element_type3A_364, %cond3A_365 : i32
        scf.if %cond3A_366 {
          %add3A_374 = arith.constant 4 : i32
          %add3A_375 = arith.addi %add3A_296, %add3A_374 : i32
          %dma_start3A_376 = arith.constant 1 : i32
          %dma_start3A_377 = arith.constant 1 : i32
          %dma_start3A_378 = arith.constant 0 : i32
          %dma_start3A_379 = tpu.memref_slice %arg9[%dma_start3A_376, %dma_start3A_378] : memref<4x80xi32, #tpu.memory_space<vmem>> -> memref<1x80xi32, #tpu.memory_space<vmem>>
          %dma_start3A_380 = tpu.memref_squeeze %dma_start3A_379 : memref<1x80xi32, #tpu.memory_space<vmem>> -> memref<80xi32, #tpu.memory_space<vmem>>
          %dma_start3A_381 = arith.constant 0 : i32
          %dma_start3A_382 = tpu.memref_slice %arg2[%add3A, %add3A_375, %dma_start3A_381] : memref<32x125x80xi32, #tpu.memory_space<hbm>> -> memref<1x1x80xi32, #tpu.memory_space<hbm>>
          %dma_start3A_383 = tpu.memref_squeeze %dma_start3A_382 : memref<1x1x80xi32, #tpu.memory_space<hbm>> -> memref<80xi32, #tpu.memory_space<hbm>>
          %dma_start3A_384 = tpu.memref_slice %arg15[%dma_start3A_377] : memref<4x!tpu.dma_semaphore, #tpu.memory_space<semaphore_mem>> -> memref<1x!tpu.dma_semaphore, #tpu.memory_space<semaphore_mem>>
          %dma_start3A_385 = tpu.memref_squeeze %dma_start3A_384 : memref<1x!tpu.dma_semaphore, #tpu.memory_space<semaphore_mem>> -> memref<!tpu.dma_semaphore, #tpu.memory_space<semaphore_mem>>
          %dma_start3A_386 = arith.constant 0 : i32
          %dma_start3A_387 = tpu.memref_slice %arg9[%dma_start3A_376, %dma_start3A_386] : memref<4x80xi32, #tpu.memory_space<vmem>> -> memref<1x80xi32, #tpu.memory_space<vmem>>
          %dma_start3A_388 = tpu.memref_squeeze %dma_start3A_387 : memref<1x80xi32, #tpu.memory_space<vmem>> -> memref<80xi32, #tpu.memory_space<vmem>>
          %dma_start3A_389 = arith.constant 0 : i32
          %dma_start3A_390 = tpu.memref_slice %arg2[%add3A, %add3A_375, %dma_start3A_389] : memref<32x125x80xi32, #tpu.memory_space<hbm>> -> memref<1x1x80xi32, #tpu.memory_space<hbm>>
          %dma_start3A_391 = tpu.memref_squeeze %dma_start3A_390 : memref<1x1x80xi32, #tpu.memory_space<hbm>> -> memref<80xi32, #tpu.memory_space<hbm>>
          tpu.enqueue_dma source(%dma_start3A_391 : memref<80xi32, #tpu.memory_space<hbm>>) target(%dma_start3A_388 : memref<80xi32, #tpu.memory_space<vmem>>) target_semaphore(%dma_start3A_385 : memref<!tpu.dma_semaphore, #tpu.memory_space<semaphore_mem>>)
          %dma_start3A_392 = arith.constant 1 : i32
          %dma_start3A_393 = arith.constant 1 : i32
          %dma_start3A_394 = arith.constant 0 : i32
          %dma_start3A_395 = tpu.memref_slice %arg10[%dma_start3A_392, %dma_start3A_394] : memref<4x80xi32, #tpu.memory_space<vmem>> -> memref<1x80xi32, #tpu.memory_space<vmem>>
          %dma_start3A_396 = tpu.memref_squeeze %dma_start3A_395 : memref<1x80xi32, #tpu.memory_space<vmem>> -> memref<80xi32, #tpu.memory_space<vmem>>
          %dma_start3A_397 = arith.constant 0 : i32
          %dma_start3A_398 = tpu.memref_slice %arg3[%add3A, %add3A_375, %dma_start3A_397] : memref<32x125x80xi32, #tpu.memory_space<hbm>> -> memref<1x1x80xi32, #tpu.memory_space<hbm>>
          %dma_start3A_399 = tpu.memref_squeeze %dma_start3A_398 : memref<1x1x80xi32, #tpu.memory_space<hbm>> -> memref<80xi32, #tpu.memory_space<hbm>>
          %dma_start3A_400 = tpu.memref_slice %arg16[%dma_start3A_393] : memref<4x!tpu.dma_semaphore, #tpu.memory_space<semaphore_mem>> -> memref<1x!tpu.dma_semaphore, #tpu.memory_space<semaphore_mem>>
          %dma_start3A_401 = tpu.memref_squeeze %dma_start3A_400 : memref<1x!tpu.dma_semaphore, #tpu.memory_space<semaphore_mem>> -> memref<!tpu.dma_semaphore, #tpu.memory_space<semaphore_mem>>
          %dma_start3A_402 = arith.constant 0 : i32
          %dma_start3A_403 = tpu.memref_slice %arg10[%dma_start3A_392, %dma_start3A_402] : memref<4x80xi32, #tpu.memory_space<vmem>> -> memref<1x80xi32, #tpu.memory_space<vmem>>
          %dma_start3A_404 = tpu.memref_squeeze %dma_start3A_403 : memref<1x80xi32, #tpu.memory_space<vmem>> -> memref<80xi32, #tpu.memory_space<vmem>>
          %dma_start3A_405 = arith.constant 0 : i32
          %dma_start3A_406 = tpu.memref_slice %arg3[%add3A, %add3A_375, %dma_start3A_405] : memref<32x125x80xi32, #tpu.memory_space<hbm>> -> memref<1x1x80xi32, #tpu.memory_space<hbm>>
          %dma_start3A_407 = tpu.memref_squeeze %dma_start3A_406 : memref<1x1x80xi32, #tpu.memory_space<hbm>> -> memref<80xi32, #tpu.memory_space<hbm>>
          tpu.enqueue_dma source(%dma_start3A_407 : memref<80xi32, #tpu.memory_space<hbm>>) target(%dma_start3A_404 : memref<80xi32, #tpu.memory_space<vmem>>) target_semaphore(%dma_start3A_401 : memref<!tpu.dma_semaphore, #tpu.memory_space<semaphore_mem>>)
        } else {
        }
        %add3A_367 = arith.constant 2 : i32
        %add3A_368 = arith.addi %add3A_296, %add3A_367 : i32
        %lt3A_369 = arith.constant 125 : i32
        %lt3A_370 = arith.cmpi slt, %add3A_368, %lt3A_369 : i32
        %convert_element_type3A_371 = arith.extui %lt3A_370 : i1 to i32
        %cond3A_372 = arith.constant 0 : i32
        %cond3A_373 = arith.cmpi ne, %convert_element_type3A_371, %cond3A_372 : i32
        scf.if %cond3A_373 {
          %dma_wait3A_374 = arith.constant 0 : i32
          %dma_wait3A_375 = arith.constant 3 : i32
          %dma_wait3A_376 = arith.constant 3 : i32
          %dma_wait3A_377 = arith.constant 0 : i32
          %dma_wait3A_378 = tpu.memref_slice %arg9[%dma_wait3A_375, %dma_wait3A_377] : memref<4x80xi32, #tpu.memory_space<vmem>> -> memref<1x80xi32, #tpu.memory_space<vmem>>
          %dma_wait3A_379 = tpu.memref_squeeze %dma_wait3A_378 : memref<1x80xi32, #tpu.memory_space<vmem>> -> memref<80xi32, #tpu.memory_space<vmem>>
          %dma_wait3A_380 = arith.constant 0 : i32
          %dma_wait3A_381 = tpu.memref_slice %arg2[%add3A, %dma_wait3A_374, %dma_wait3A_380] : memref<32x125x80xi32, #tpu.memory_space<hbm>> -> memref<1x1x80xi32, #tpu.memory_space<hbm>>
          %dma_wait3A_382 = tpu.memref_squeeze %dma_wait3A_381 : memref<1x1x80xi32, #tpu.memory_space<hbm>> -> memref<80xi32, #tpu.memory_space<hbm>>
          %dma_wait3A_383 = tpu.memref_slice %arg15[%dma_wait3A_376] : memref<4x!tpu.dma_semaphore, #tpu.memory_space<semaphore_mem>> -> memref<1x!tpu.dma_semaphore, #tpu.memory_space<semaphore_mem>>
          %dma_wait3A_384 = tpu.memref_squeeze %dma_wait3A_383 : memref<1x!tpu.dma_semaphore, #tpu.memory_space<semaphore_mem>> -> memref<!tpu.dma_semaphore, #tpu.memory_space<semaphore_mem>>
          %dma_wait3A_385 = arith.constant 0 : i32
          %dma_wait3A_386 = tpu.memref_slice %arg9[%dma_wait3A_375, %dma_wait3A_385] : memref<4x80xi32, #tpu.memory_space<vmem>> -> memref<1x80xi32, #tpu.memory_space<vmem>>
          %dma_wait3A_387 = tpu.memref_squeeze %dma_wait3A_386 : memref<1x80xi32, #tpu.memory_space<vmem>> -> memref<80xi32, #tpu.memory_space<vmem>>
          %dma_wait3A_388 = arith.constant 0 : i32
          %dma_wait3A_389 = tpu.memref_slice %arg2[%add3A, %dma_wait3A_374, %dma_wait3A_388] : memref<32x125x80xi32, #tpu.memory_space<hbm>> -> memref<1x1x80xi32, #tpu.memory_space<hbm>>
          %dma_wait3A_390 = tpu.memref_squeeze %dma_wait3A_389 : memref<1x1x80xi32, #tpu.memory_space<hbm>> -> memref<80xi32, #tpu.memory_space<hbm>>
          tpu.wait_dma2 semaphore(%dma_wait3A_384 : memref<!tpu.dma_semaphore, #tpu.memory_space<semaphore_mem>>) src(%dma_wait3A_390 : memref<80xi32, #tpu.memory_space<hbm>>) dst(%dma_wait3A_387 : memref<80xi32, #tpu.memory_space<vmem>>)
          %dma_wait3A_391 = arith.constant 0 : i32
          %dma_wait3A_392 = arith.constant 3 : i32
          %dma_wait3A_393 = arith.constant 3 : i32
          %dma_wait3A_394 = arith.constant 0 : i32
          %dma_wait3A_395 = tpu.memref_slice %arg10[%dma_wait3A_392, %dma_wait3A_394] : memref<4x80xi32, #tpu.memory_space<vmem>> -> memref<1x80xi32, #tpu.memory_space<vmem>>
          %dma_wait3A_396 = tpu.memref_squeeze %dma_wait3A_395 : memref<1x80xi32, #tpu.memory_space<vmem>> -> memref<80xi32, #tpu.memory_space<vmem>>
          %dma_wait3A_397 = arith.constant 0 : i32
          %dma_wait3A_398 = tpu.memref_slice %arg3[%add3A, %dma_wait3A_391, %dma_wait3A_397] : memref<32x125x80xi32, #tpu.memory_space<hbm>> -> memref<1x1x80xi32, #tpu.memory_space<hbm>>
          %dma_wait3A_399 = tpu.memref_squeeze %dma_wait3A_398 : memref<1x1x80xi32, #tpu.memory_space<hbm>> -> memref<80xi32, #tpu.memory_space<hbm>>
          %dma_wait3A_400 = tpu.memref_slice %arg16[%dma_wait3A_393] : memref<4x!tpu.dma_semaphore, #tpu.memory_space<semaphore_mem>> -> memref<1x!tpu.dma_semaphore, #tpu.memory_space<semaphore_mem>>
          %dma_wait3A_401 = tpu.memref_squeeze %dma_wait3A_400 : memref<1x!tpu.dma_semaphore, #tpu.memory_space<semaphore_mem>> -> memref<!tpu.dma_semaphore, #tpu.memory_space<semaphore_mem>>
          %dma_wait3A_402 = arith.constant 0 : i32
          %dma_wait3A_403 = tpu.memref_slice %arg10[%dma_wait3A_392, %dma_wait3A_402] : memref<4x80xi32, #tpu.memory_space<vmem>> -> memref<1x80xi32, #tpu.memory_space<vmem>>
          %dma_wait3A_404 = tpu.memref_squeeze %dma_wait3A_403 : memref<1x80xi32, #tpu.memory_space<vmem>> -> memref<80xi32, #tpu.memory_space<vmem>>
          %dma_wait3A_405 = arith.constant 0 : i32
          %dma_wait3A_406 = tpu.memref_slice %arg3[%add3A, %dma_wait3A_391, %dma_wait3A_405] : memref<32x125x80xi32, #tpu.memory_space<hbm>> -> memref<1x1x80xi32, #tpu.memory_space<hbm>>
          %dma_wait3A_407 = tpu.memref_squeeze %dma_wait3A_406 : memref<1x1x80xi32, #tpu.memory_space<hbm>> -> memref<80xi32, #tpu.memory_space<hbm>>
          tpu.wait_dma2 semaphore(%dma_wait3A_401 : memref<!tpu.dma_semaphore, #tpu.memory_space<semaphore_mem>>) src(%dma_wait3A_407 : memref<80xi32, #tpu.memory_space<hbm>>) dst(%dma_wait3A_404 : memref<80xi32, #tpu.memory_space<vmem>>)
          %add3A_408 = arith.constant 2 : i32
          %add3A_409 = arith.addi %add3A_296, %add3A_408 : i32
          %dma_start3A_410 = arith.constant 3 : i32
          %dma_start3A_411 = arith.constant 1 : i32
          %dma_start3A_412 = arith.constant 1 : i32
          %dma_start3A_413 = arith.constant 0 : i32
          %dma_start3A_414 = arith.constant 0 : i32
          %dma_start3A_415 = tpu.memref_slice %arg11[%dma_start3A_411, %dma_start3A_413, %dma_start3A_414] : memref<2x80x128xf32, #tpu.memory_space<vmem>> -> memref<1x80x128xf32, #tpu.memory_space<vmem>>
          %dma_start3A_416 = tpu.memref_squeeze %dma_start3A_415 : memref<1x80x128xf32, #tpu.memory_space<vmem>> -> memref<80x128xf32, #tpu.memory_space<vmem>>
          %dma_start3A_417 = arith.constant 0 : i32
          %dma_start3A_418 = tpu.memref_slice %arg9[%dma_start3A_410, %dma_start3A_417] : memref<4x80xi32, #tpu.memory_space<vmem>> -> memref<1x80xi32, #tpu.memory_space<vmem>>
          %dma_start3A_419 = tpu.memref_squeeze %dma_start3A_418 : memref<1x80xi32, #tpu.memory_space<vmem>> -> memref<80xi32, #tpu.memory_space<vmem>>
          %dma_start3A_420 = arith.constant 0 : i32
          %dma_start3A_421 = arith.constant 0 : i32
          %dma_start3A_422 = tpu.memref_slice %arg5[%dma_start3A_420, %dma_start3A_421] : memref<10000x128xf32, #tpu.memory_space<hbm>> -> memref<10000x128xf32, #tpu.memory_space<hbm>>
          %dma_start3A_423 = tpu.memref_slice %arg13[%dma_start3A_412] : memref<2x!tpu.dma_semaphore, #tpu.memory_space<semaphore_mem>> -> memref<1x!tpu.dma_semaphore, #tpu.memory_space<semaphore_mem>>
          %dma_start3A_424 = tpu.memref_squeeze %dma_start3A_423 : memref<1x!tpu.dma_semaphore, #tpu.memory_space<semaphore_mem>> -> memref<!tpu.dma_semaphore, #tpu.memory_space<semaphore_mem>>
          tpu.enqueue_indirect_dma source(%dma_start3A_422 : memref<10000x128xf32, #tpu.memory_space<hbm>>) target(%dma_start3A_416 : memref<80x128xf32, #tpu.memory_space<vmem>>) offsets(%dma_start3A_419 : memref<80xi32, #tpu.memory_space<vmem>>) semaphore(%dma_start3A_424 : memref<!tpu.dma_semaphore, #tpu.memory_space<semaphore_mem>>)
          %mul3A_425 = arith.constant 80 : i32
          %mul3A_426 = arith.muli %add3A_409, %mul3A_425 : i32
          %add3A_427 = arith.addi %mul3A_4, %mul3A_426 : i32
          %dma_start3A_428 = arith.constant 1 : i32
          %dma_start3A_429 = arith.constant 1 : i32
          %dma_start3A_430 = arith.constant 0 : i32
          %dma_start3A_431 = arith.constant 0 : i32
          %dma_start3A_432 = tpu.memref_slice %arg12[%dma_start3A_428, %dma_start3A_430, %dma_start3A_431] : memref<2x80x64xi32, #tpu.memory_space<vmem>> -> memref<1x80x64xi32, #tpu.memory_space<vmem>>
          %dma_start3A_433 = tpu.memref_squeeze %dma_start3A_432 : memref<1x80x64xi32, #tpu.memory_space<vmem>> -> memref<80x64xi32, #tpu.memory_space<vmem>>
          %dma_start3A_434 = arith.constant 0 : i32
          %dma_start3A_435 = tpu.memref_slice %arg4[%add3A_427, %dma_start3A_434] : memref<320000x64xi32, #tpu.memory_space<hbm>> -> memref<80x64xi32, #tpu.memory_space<hbm>>
          %dma_start3A_436 = tpu.memref_slice %arg14[%dma_start3A_429] : memref<2x!tpu.dma_semaphore, #tpu.memory_space<semaphore_mem>> -> memref<1x!tpu.dma_semaphore, #tpu.memory_space<semaphore_mem>>
          %dma_start3A_437 = tpu.memref_squeeze %dma_start3A_436 : memref<1x!tpu.dma_semaphore, #tpu.memory_space<semaphore_mem>> -> memref<!tpu.dma_semaphore, #tpu.memory_space<semaphore_mem>>
          %dma_start3A_438 = arith.constant 0 : i32
          %dma_start3A_439 = arith.constant 0 : i32
          %dma_start3A_440 = tpu.memref_slice %arg12[%dma_start3A_428, %dma_start3A_438, %dma_start3A_439] : memref<2x80x64xi32, #tpu.memory_space<vmem>> -> memref<1x80x64xi32, #tpu.memory_space<vmem>>
          %dma_start3A_441 = tpu.memref_squeeze %dma_start3A_440 : memref<1x80x64xi32, #tpu.memory_space<vmem>> -> memref<80x64xi32, #tpu.memory_space<vmem>>
          %dma_start3A_442 = arith.constant 0 : i32
          %dma_start3A_443 = tpu.memref_slice %arg4[%add3A_427, %dma_start3A_442] : memref<320000x64xi32, #tpu.memory_space<hbm>> -> memref<80x64xi32, #tpu.memory_space<hbm>>
          tpu.enqueue_dma source(%dma_start3A_443 : memref<80x64xi32, #tpu.memory_space<hbm>>) target(%dma_start3A_441 : memref<80x64xi32, #tpu.memory_space<vmem>>) target_semaphore(%dma_start3A_437 : memref<!tpu.dma_semaphore, #tpu.memory_space<semaphore_mem>>)
        } else {
        }
      } else {
      }
      %add3A_302 = arith.constant 2 : i32
      %add3A_303 = arith.addi %add3A_290, %add3A_302 : i32
      %lt3A_304 = arith.constant 125 : i32
      %lt3A_305 = arith.cmpi slt, %add3A_303, %lt3A_304 : i32
      %convert_element_type3A_306 = arith.extui %lt3A_305 : i1 to i32
      %cond3A_307 = arith.constant 0 : i32
      %cond3A_308 = arith.cmpi ne, %convert_element_type3A_306, %cond3A_307 : i32
      scf.if %cond3A_308 {
        %dma_wait3A_316 = arith.constant 0 : i32
        %dma_wait3A_317 = arith.constant 0 : i32
        %dma_wait3A_318 = arith.constant 0 : i32
        %dma_wait3A_319 = arith.constant 0 : i32
        %dma_wait3A_320 = tpu.memref_slice %arg11[%dma_wait3A_316, %dma_wait3A_318, %dma_wait3A_319] : memref<2x80x128xf32, #tpu.memory_space<vmem>> -> memref<1x80x128xf32, #tpu.memory_space<vmem>>
        %dma_wait3A_321 = tpu.memref_squeeze %dma_wait3A_320 : memref<1x80x128xf32, #tpu.memory_space<vmem>> -> memref<80x128xf32, #tpu.memory_space<vmem>>
        %dma_wait3A_322 = arith.constant 0 : i32
        %dma_wait3A_323 = arith.constant 0 : i32
        %dma_wait3A_324 = tpu.memref_slice %arg5[%dma_wait3A_322, %dma_wait3A_323] : memref<10000x128xf32, #tpu.memory_space<hbm>> -> memref<80x128xf32, #tpu.memory_space<hbm>>
        %dma_wait3A_325 = tpu.memref_slice %arg13[%dma_wait3A_317] : memref<2x!tpu.dma_semaphore, #tpu.memory_space<semaphore_mem>> -> memref<1x!tpu.dma_semaphore, #tpu.memory_space<semaphore_mem>>
        %dma_wait3A_326 = tpu.memref_squeeze %dma_wait3A_325 : memref<1x!tpu.dma_semaphore, #tpu.memory_space<semaphore_mem>> -> memref<!tpu.dma_semaphore, #tpu.memory_space<semaphore_mem>>
        %dma_wait3A_327 = arith.constant 0 : i32
        %dma_wait3A_328 = arith.constant 0 : i32
        %dma_wait3A_329 = tpu.memref_slice %arg11[%dma_wait3A_316, %dma_wait3A_327, %dma_wait3A_328] : memref<2x80x128xf32, #tpu.memory_space<vmem>> -> memref<1x80x128xf32, #tpu.memory_space<vmem>>
        %dma_wait3A_330 = tpu.memref_squeeze %dma_wait3A_329 : memref<1x80x128xf32, #tpu.memory_space<vmem>> -> memref<80x128xf32, #tpu.memory_space<vmem>>
        %dma_wait3A_331 = arith.constant 0 : i32
        %dma_wait3A_332 = arith.constant 0 : i32
        %dma_wait3A_333 = tpu.memref_slice %arg5[%dma_wait3A_331, %dma_wait3A_332] : memref<10000x128xf32, #tpu.memory_space<hbm>> -> memref<80x128xf32, #tpu.memory_space<hbm>>
        tpu.wait_dma2 semaphore(%dma_wait3A_326 : memref<!tpu.dma_semaphore, #tpu.memory_space<semaphore_mem>>) src(%dma_wait3A_333 : memref<80x128xf32, #tpu.memory_space<hbm>>) dst(%dma_wait3A_330 : memref<80x128xf32, #tpu.memory_space<vmem>>)
        %dma_wait3A_334 = arith.constant 0 : i32
        %dma_wait3A_335 = arith.constant 0 : i32
        %dma_wait3A_336 = arith.constant 0 : i32
        %dma_wait3A_337 = arith.constant 0 : i32
        %dma_wait3A_338 = tpu.memref_slice %arg12[%dma_wait3A_334, %dma_wait3A_336, %dma_wait3A_337] : memref<2x80x64xi32, #tpu.memory_space<vmem>> -> memref<1x80x64xi32, #tpu.memory_space<vmem>>
        %dma_wait3A_339 = tpu.memref_squeeze %dma_wait3A_338 : memref<1x80x64xi32, #tpu.memory_space<vmem>> -> memref<80x64xi32, #tpu.memory_space<vmem>>
        %dma_wait3A_340 = arith.constant 0 : i32
        %dma_wait3A_341 = arith.constant 0 : i32
        %dma_wait3A_342 = tpu.memref_slice %arg4[%dma_wait3A_340, %dma_wait3A_341] : memref<320000x64xi32, #tpu.memory_space<hbm>> -> memref<80x64xi32, #tpu.memory_space<hbm>>
        %dma_wait3A_343 = tpu.memref_slice %arg14[%dma_wait3A_335] : memref<2x!tpu.dma_semaphore, #tpu.memory_space<semaphore_mem>> -> memref<1x!tpu.dma_semaphore, #tpu.memory_space<semaphore_mem>>
        %dma_wait3A_344 = tpu.memref_squeeze %dma_wait3A_343 : memref<1x!tpu.dma_semaphore, #tpu.memory_space<semaphore_mem>> -> memref<!tpu.dma_semaphore, #tpu.memory_space<semaphore_mem>>
        %dma_wait3A_345 = arith.constant 0 : i32
        %dma_wait3A_346 = arith.constant 0 : i32
        %dma_wait3A_347 = tpu.memref_slice %arg12[%dma_wait3A_334, %dma_wait3A_345, %dma_wait3A_346] : memref<2x80x64xi32, #tpu.memory_space<vmem>> -> memref<1x80x64xi32, #tpu.memory_space<vmem>>
        %dma_wait3A_348 = tpu.memref_squeeze %dma_wait3A_347 : memref<1x80x64xi32, #tpu.memory_space<vmem>> -> memref<80x64xi32, #tpu.memory_space<vmem>>
        %dma_wait3A_349 = arith.constant 0 : i32
        %dma_wait3A_350 = arith.constant 0 : i32
        %dma_wait3A_351 = tpu.memref_slice %arg4[%dma_wait3A_349, %dma_wait3A_350] : memref<320000x64xi32, #tpu.memory_space<hbm>> -> memref<80x64xi32, #tpu.memory_space<hbm>>
        tpu.wait_dma2 semaphore(%dma_wait3A_344 : memref<!tpu.dma_semaphore, #tpu.memory_space<semaphore_mem>>) src(%dma_wait3A_351 : memref<80x64xi32, #tpu.memory_space<hbm>>) dst(%dma_wait3A_348 : memref<80x64xi32, #tpu.memory_space<vmem>>)
        %scan3A_352 = arith.constant 0 : i32
        %scan3A_353 = arith.constant 0 : i32
        %scan3A_354 = arith.constant 0 : i32
        %scan3A_355 = arith.constant 80 : i32
        %scan3A_356 = arith.addi %scan3A_354, %scan3A_355 : i32
        %scan3A_357 = arith.constant 1 : i32
        scf.for %scan3A_374 = %scan3A_354 to %scan3A_356 step %scan3A_357  : i32 {
          %mul3A_375 = arith.constant 1 : i32
          %mul3A_376 = arith.muli %scan3A_374, %mul3A_375 : i32
          %add3A_377 = arith.constant 0 : i32
          %add3A_378 = arith.addi %add3A_377, %mul3A_376 : i32
          %get3A = arith.constant 0 : i32
          %get3A_379 = arith.constant 0 : i32
          %get3A_380 = tpu.memref_slice %arg12[%scan3A_352, %get3A, %get3A_379] : memref<2x80x64xi32, #tpu.memory_space<vmem>> -> memref<1x80x64xi32, #tpu.memory_space<vmem>>
          %get3A_381 = tpu.memref_squeeze %get3A_380 : memref<1x80x64xi32, #tpu.memory_space<vmem>> -> memref<80x64xi32, #tpu.memory_space<vmem>>
          %get3A_382 = arith.index_cast %add3A_378 : i32 to index
          %get3A_383 = arith.constant 0 : index
          %get3A_384 = tpu.vector_load %get3A_381[%get3A_382, %get3A_383] {strides = array<i32>} : memref<80x64xi32, #tpu.memory_space<vmem>>, vector<16xi32>,
          %get3A_385 = arith.constant 0 : i32
          %get3A_386 = arith.constant 0 : i32
          %get3A_387 = tpu.memref_slice %arg11[%scan3A_353, %get3A_385, %get3A_386] : memref<2x80x128xf32, #tpu.memory_space<vmem>> -> memref<1x80x128xf32, #tpu.memory_space<vmem>>
          %get3A_388 = tpu.memref_squeeze %get3A_387 : memref<1x80x128xf32, #tpu.memory_space<vmem>> -> memref<80x128xf32, #tpu.memory_space<vmem>>
          %get3A_389 = arith.index_cast %add3A_378 : i32 to index
          %get3A_390 = arith.constant 0 : index
          %get3A_391 = tpu.vector_load %get3A_388[%get3A_389, %get3A_390] {strides = array<i32>} : memref<80x128xf32, #tpu.memory_space<vmem>>, vector<16xf32>,
          %get3A_392 = arith.constant 0 : i32
          %get3A_393 = arith.constant 0 : i32
          %get3A_394 = tpu.memref_slice %arg11[%scan3A_353, %get3A_392, %get3A_393] : memref<2x80x128xf32, #tpu.memory_space<vmem>> -> memref<1x80x128xf32, #tpu.memory_space<vmem>>
          %get3A_395 = tpu.memref_squeeze %get3A_394 : memref<1x80x128xf32, #tpu.memory_space<vmem>> -> memref<80x128xf32, #tpu.memory_space<vmem>>
          %get3A_396 = arith.index_cast %add3A_378 : i32 to index
          %get3A_397 = arith.constant 16 : index
          %get3A_398 = tpu.vector_load %get3A_395[%get3A_396, %get3A_397] {strides = array<i32>} : memref<80x128xf32, #tpu.memory_space<vmem>>, vector<16xf32>,
          %shift_left3A = arith.constant 16 : i32
          %shift_left3A_399 = vector.broadcast %shift_left3A : i32 to vector<16xi32>
          %shift_left3A_400 = arith.shli %get3A_384, %shift_left3A_399 : vector<16xi32>
          %bitcast3A = vector.bitcast %shift_left3A_400 : vector<16xi32> to vector<16xf32>
          %and3A = arith.constant -65536 : i32
          %and3A_401 = vector.broadcast %and3A : i32 to vector<16xi32>
          %and3A_402 = arith.andi %get3A_384, %and3A_401 : vector<16xi32>
          %bitcast3A_403 = vector.bitcast %and3A_402 : vector<16xi32> to vector<16xf32>
          %add3A_404 = arith.addf %get3A_391, %bitcast3A : vector<16xf32>
          %max3A = arith.constant 0.000000e+00 : f32
          %max3A_405 = vector.broadcast %max3A : f32 to vector<16xf32>
          %max3A_406 = arith.maximumf %add3A_404, %max3A_405 : vector<16xf32>
          %swap3A = arith.constant 0 : i32
          %swap3A_407 = arith.constant 0 : i32
          %swap3A_408 = tpu.memref_slice %arg11[%scan3A_353, %swap3A, %swap3A_407] : memref<2x80x128xf32, #tpu.memory_space<vmem>> -> memref<1x80x128xf32, #tpu.memory_space<vmem>>
          %swap3A_409 = tpu.memref_squeeze %swap3A_408 : memref<1x80x128xf32, #tpu.memory_space<vmem>> -> memref<80x128xf32, #tpu.memory_space<vmem>>
          %swap3A_410 = arith.index_cast %add3A_378 : i32 to index
          %swap3A_411 = arith.constant 0 : index
          %swap3A_412 = tpu.vector_load %swap3A_409[%swap3A_410, %swap3A_411] {strides = array<i32>} : memref<80x128xf32, #tpu.memory_space<vmem>>, vector<16xf32>,
          tpu.vector_store %swap3A_409[%swap3A_410, %swap3A_411], %max3A_406 {strides = array<i32>} : memref<80x128xf32, #tpu.memory_space<vmem>>, vector<16xf32>,
          %add3A_413 = arith.addf %get3A_398, %bitcast3A_403 : vector<16xf32>
          %max3A_414 = arith.constant 0.000000e+00 : f32
          %max3A_415 = vector.broadcast %max3A_414 : f32 to vector<16xf32>
          %max3A_416 = arith.maximumf %add3A_413, %max3A_415 : vector<16xf32>
          %swap3A_417 = arith.constant 0 : i32
          %swap3A_418 = arith.constant 0 : i32
          %swap3A_419 = tpu.memref_slice %arg11[%scan3A_353, %swap3A_417, %swap3A_418] : memref<2x80x128xf32, #tpu.memory_space<vmem>> -> memref<1x80x128xf32, #tpu.memory_space<vmem>>
          %swap3A_420 = tpu.memref_squeeze %swap3A_419 : memref<1x80x128xf32, #tpu.memory_space<vmem>> -> memref<80x128xf32, #tpu.memory_space<vmem>>
          %swap3A_421 = arith.index_cast %add3A_378 : i32 to index
          %swap3A_422 = arith.constant 16 : index
          %swap3A_423 = tpu.vector_load %swap3A_420[%swap3A_421, %swap3A_422] {strides = array<i32>} : memref<80x128xf32, #tpu.memory_space<vmem>>, vector<16xf32>,
          tpu.vector_store %swap3A_420[%swap3A_421, %swap3A_422], %max3A_416 {strides = array<i32>} : memref<80x128xf32, #tpu.memory_space<vmem>>, vector<16xf32>,
          %get3A_424 = arith.constant 0 : i32
          %get3A_425 = arith.constant 0 : i32
          %get3A_426 = tpu.memref_slice %arg12[%scan3A_352, %get3A_424, %get3A_425] : memref<2x80x64xi32, #tpu.memory_space<vmem>> -> memref<1x80x64xi32, #tpu.memory_space<vmem>>
          %get3A_427 = tpu.memref_squeeze %get3A_426 : memref<1x80x64xi32, #tpu.memory_space<vmem>> -> memref<80x64xi32, #tpu.memory_space<vmem>>
          %get3A_428 = arith.index_cast %add3A_378 : i32 to index
          %get3A_429 = arith.constant 16 : index
          %get3A_430 = tpu.vector_load %get3A_427[%get3A_428, %get3A_429] {strides = array<i32>} : memref<80x64xi32, #tpu.memory_space<vmem>>, vector<16xi32>,
          %get3A_431 = arith.constant 0 : i32
          %get3A_432 = arith.constant 0 : i32
          %get3A_433 = tpu.memref_slice %arg11[%scan3A_353, %get3A_431, %get3A_432] : memref<2x80x128xf32, #tpu.memory_space<vmem>> -> memref<1x80x128xf32, #tpu.memory_space<vmem>>
          %get3A_434 = tpu.memref_squeeze %get3A_433 : memref<1x80x128xf32, #tpu.memory_space<vmem>> -> memref<80x128xf32, #tpu.memory_space<vmem>>
          %get3A_435 = arith.index_cast %add3A_378 : i32 to index
          %get3A_436 = arith.constant 32 : index
          %get3A_437 = tpu.vector_load %get3A_434[%get3A_435, %get3A_436] {strides = array<i32>} : memref<80x128xf32, #tpu.memory_space<vmem>>, vector<16xf32>,
          %get3A_438 = arith.constant 0 : i32
          %get3A_439 = arith.constant 0 : i32
          %get3A_440 = tpu.memref_slice %arg11[%scan3A_353, %get3A_438, %get3A_439] : memref<2x80x128xf32, #tpu.memory_space<vmem>> -> memref<1x80x128xf32, #tpu.memory_space<vmem>>
          %get3A_441 = tpu.memref_squeeze %get3A_440 : memref<1x80x128xf32, #tpu.memory_space<vmem>> -> memref<80x128xf32, #tpu.memory_space<vmem>>
          %get3A_442 = arith.index_cast %add3A_378 : i32 to index
          %get3A_443 = arith.constant 48 : index
          %get3A_444 = tpu.vector_load %get3A_441[%get3A_442, %get3A_443] {strides = array<i32>} : memref<80x128xf32, #tpu.memory_space<vmem>>, vector<16xf32>,
          %shift_left3A_445 = arith.constant 16 : i32
          %shift_left3A_446 = vector.broadcast %shift_left3A_445 : i32 to vector<16xi32>
          %shift_left3A_447 = arith.shli %get3A_430, %shift_left3A_446 : vector<16xi32>
          %bitcast3A_448 = vector.bitcast %shift_left3A_447 : vector<16xi32> to vector<16xf32>
          %and3A_449 = arith.constant -65536 : i32
          %and3A_450 = vector.broadcast %and3A_449 : i32 to vector<16xi32>
          %and3A_451 = arith.andi %get3A_430, %and3A_450 : vector<16xi32>
          %bitcast3A_452 = vector.bitcast %and3A_451 : vector<16xi32> to vector<16xf32>
          %add3A_453 = arith.addf %get3A_437, %bitcast3A_448 : vector<16xf32>
          %max3A_454 = arith.constant 0.000000e+00 : f32
          %max3A_455 = vector.broadcast %max3A_454 : f32 to vector<16xf32>
          %max3A_456 = arith.maximumf %add3A_453, %max3A_455 : vector<16xf32>
          %swap3A_457 = arith.constant 0 : i32
          %swap3A_458 = arith.constant 0 : i32
          %swap3A_459 = tpu.memref_slice %arg11[%scan3A_353, %swap3A_457, %swap3A_458] : memref<2x80x128xf32, #tpu.memory_space<vmem>> -> memref<1x80x128xf32, #tpu.memory_space<vmem>>
          %swap3A_460 = tpu.memref_squeeze %swap3A_459 : memref<1x80x128xf32, #tpu.memory_space<vmem>> -> memref<80x128xf32, #tpu.memory_space<vmem>>
          %swap3A_461 = arith.index_cast %add3A_378 : i32 to index
          %swap3A_462 = arith.constant 32 : index
          %swap3A_463 = tpu.vector_load %swap3A_460[%swap3A_461, %swap3A_462] {strides = array<i32>} : memref<80x128xf32, #tpu.memory_space<vmem>>, vector<16xf32>,
          tpu.vector_store %swap3A_460[%swap3A_461, %swap3A_462], %max3A_456 {strides = array<i32>} : memref<80x128xf32, #tpu.memory_space<vmem>>, vector<16xf32>,
          %add3A_464 = arith.addf %get3A_444, %bitcast3A_452 : vector<16xf32>
          %max3A_465 = arith.constant 0.000000e+00 : f32
          %max3A_466 = vector.broadcast %max3A_465 : f32 to vector<16xf32>
          %max3A_467 = arith.maximumf %add3A_464, %max3A_466 : vector<16xf32>
          %swap3A_468 = arith.constant 0 : i32
          %swap3A_469 = arith.constant 0 : i32
          %swap3A_470 = tpu.memref_slice %arg11[%scan3A_353, %swap3A_468, %swap3A_469] : memref<2x80x128xf32, #tpu.memory_space<vmem>> -> memref<1x80x128xf32, #tpu.memory_space<vmem>>
          %swap3A_471 = tpu.memref_squeeze %swap3A_470 : memref<1x80x128xf32, #tpu.memory_space<vmem>> -> memref<80x128xf32, #tpu.memory_space<vmem>>
          %swap3A_472 = arith.index_cast %add3A_378 : i32 to index
          %swap3A_473 = arith.constant 48 : index
          %swap3A_474 = tpu.vector_load %swap3A_471[%swap3A_472, %swap3A_473] {strides = array<i32>} : memref<80x128xf32, #tpu.memory_space<vmem>>, vector<16xf32>,
          tpu.vector_store %swap3A_471[%swap3A_472, %swap3A_473], %max3A_467 {strides = array<i32>} : memref<80x128xf32, #tpu.memory_space<vmem>>, vector<16xf32>,
          %get3A_475 = arith.constant 0 : i32
          %get3A_476 = arith.constant 0 : i32
          %get3A_477 = tpu.memref_slice %arg12[%scan3A_352, %get3A_475, %get3A_476] : memref<2x80x64xi32, #tpu.memory_space<vmem>> -> memref<1x80x64xi32, #tpu.memory_space<vmem>>
          %get3A_478 = tpu.memref_squeeze %get3A_477 : memref<1x80x64xi32, #tpu.memory_space<vmem>> -> memref<80x64xi32, #tpu.memory_space<vmem>>
          %get3A_479 = arith.index_cast %add3A_378 : i32 to index
          %get3A_480 = arith.constant 32 : index
          %get3A_481 = tpu.vector_load %get3A_478[%get3A_479, %get3A_480] {strides = array<i32>} : memref<80x64xi32, #tpu.memory_space<vmem>>, vector<16xi32>,
          %get3A_482 = arith.constant 0 : i32
          %get3A_483 = arith.constant 0 : i32
          %get3A_484 = tpu.memref_slice %arg11[%scan3A_353, %get3A_482, %get3A_483] : memref<2x80x128xf32, #tpu.memory_space<vmem>> -> memref<1x80x128xf32, #tpu.memory_space<vmem>>
          %get3A_485 = tpu.memref_squeeze %get3A_484 : memref<1x80x128xf32, #tpu.memory_space<vmem>> -> memref<80x128xf32, #tpu.memory_space<vmem>>
          %get3A_486 = arith.index_cast %add3A_378 : i32 to index
          %get3A_487 = arith.constant 64 : index
          %get3A_488 = tpu.vector_load %get3A_485[%get3A_486, %get3A_487] {strides = array<i32>} : memref<80x128xf32, #tpu.memory_space<vmem>>, vector<16xf32>,
          %get3A_489 = arith.constant 0 : i32
          %get3A_490 = arith.constant 0 : i32
          %get3A_491 = tpu.memref_slice %arg11[%scan3A_353, %get3A_489, %get3A_490] : memref<2x80x128xf32, #tpu.memory_space<vmem>> -> memref<1x80x128xf32, #tpu.memory_space<vmem>>
          %get3A_492 = tpu.memref_squeeze %get3A_491 : memref<1x80x128xf32, #tpu.memory_space<vmem>> -> memref<80x128xf32, #tpu.memory_space<vmem>>
          %get3A_493 = arith.index_cast %add3A_378 : i32 to index
          %get3A_494 = arith.constant 80 : index
          %get3A_495 = tpu.vector_load %get3A_492[%get3A_493, %get3A_494] {strides = array<i32>} : memref<80x128xf32, #tpu.memory_space<vmem>>, vector<16xf32>,
          %shift_left3A_496 = arith.constant 16 : i32
          %shift_left3A_497 = vector.broadcast %shift_left3A_496 : i32 to vector<16xi32>
          %shift_left3A_498 = arith.shli %get3A_481, %shift_left3A_497 : vector<16xi32>
          %bitcast3A_499 = vector.bitcast %shift_left3A_498 : vector<16xi32> to vector<16xf32>
          %and3A_500 = arith.constant -65536 : i32
          %and3A_501 = vector.broadcast %and3A_500 : i32 to vector<16xi32>
          %and3A_502 = arith.andi %get3A_481, %and3A_501 : vector<16xi32>
          %bitcast3A_503 = vector.bitcast %and3A_502 : vector<16xi32> to vector<16xf32>
          %add3A_504 = arith.addf %get3A_488, %bitcast3A_499 : vector<16xf32>
          %max3A_505 = arith.constant 0.000000e+00 : f32
          %max3A_506 = vector.broadcast %max3A_505 : f32 to vector<16xf32>
          %max3A_507 = arith.maximumf %add3A_504, %max3A_506 : vector<16xf32>
          %swap3A_508 = arith.constant 0 : i32
          %swap3A_509 = arith.constant 0 : i32
          %swap3A_510 = tpu.memref_slice %arg11[%scan3A_353, %swap3A_508, %swap3A_509] : memref<2x80x128xf32, #tpu.memory_space<vmem>> -> memref<1x80x128xf32, #tpu.memory_space<vmem>>
          %swap3A_511 = tpu.memref_squeeze %swap3A_510 : memref<1x80x128xf32, #tpu.memory_space<vmem>> -> memref<80x128xf32, #tpu.memory_space<vmem>>
          %swap3A_512 = arith.index_cast %add3A_378 : i32 to index
          %swap3A_513 = arith.constant 64 : index
          %swap3A_514 = tpu.vector_load %swap3A_511[%swap3A_512, %swap3A_513] {strides = array<i32>} : memref<80x128xf32, #tpu.memory_space<vmem>>, vector<16xf32>,
          tpu.vector_store %swap3A_511[%swap3A_512, %swap3A_513], %max3A_507 {strides = array<i32>} : memref<80x128xf32, #tpu.memory_space<vmem>>, vector<16xf32>,
          %add3A_515 = arith.addf %get3A_495, %bitcast3A_503 : vector<16xf32>
          %max3A_516 = arith.constant 0.000000e+00 : f32
          %max3A_517 = vector.broadcast %max3A_516 : f32 to vector<16xf32>
          %max3A_518 = arith.maximumf %add3A_515, %max3A_517 : vector<16xf32>
          %swap3A_519 = arith.constant 0 : i32
          %swap3A_520 = arith.constant 0 : i32
          %swap3A_521 = tpu.memref_slice %arg11[%scan3A_353, %swap3A_519, %swap3A_520] : memref<2x80x128xf32, #tpu.memory_space<vmem>> -> memref<1x80x128xf32, #tpu.memory_space<vmem>>
          %swap3A_522 = tpu.memref_squeeze %swap3A_521 : memref<1x80x128xf32, #tpu.memory_space<vmem>> -> memref<80x128xf32, #tpu.memory_space<vmem>>
          %swap3A_523 = arith.index_cast %add3A_378 : i32 to index
          %swap3A_524 = arith.constant 80 : index
          %swap3A_525 = tpu.vector_load %swap3A_522[%swap3A_523, %swap3A_524] {strides = array<i32>} : memref<80x128xf32, #tpu.memory_space<vmem>>, vector<16xf32>,
          tpu.vector_store %swap3A_522[%swap3A_523, %swap3A_524], %max3A_518 {strides = array<i32>} : memref<80x128xf32, #tpu.memory_space<vmem>>, vector<16xf32>,
          %get3A_526 = arith.constant 0 : i32
          %get3A_527 = arith.constant 0 : i32
          %get3A_528 = tpu.memref_slice %arg12[%scan3A_352, %get3A_526, %get3A_527] : memref<2x80x64xi32, #tpu.memory_space<vmem>> -> memref<1x80x64xi32, #tpu.memory_space<vmem>>
          %get3A_529 = tpu.memref_squeeze %get3A_528 : memref<1x80x64xi32, #tpu.memory_space<vmem>> -> memref<80x64xi32, #tpu.memory_space<vmem>>
          %get3A_530 = arith.index_cast %add3A_378 : i32 to index
          %get3A_531 = arith.constant 48 : index
          %get3A_532 = tpu.vector_load %get3A_529[%get3A_530, %get3A_531] {strides = array<i32>} : memref<80x64xi32, #tpu.memory_space<vmem>>, vector<16xi32>,
          %get3A_533 = arith.constant 0 : i32
          %get3A_534 = arith.constant 0 : i32
          %get3A_535 = tpu.memref_slice %arg11[%scan3A_353, %get3A_533, %get3A_534] : memref<2x80x128xf32, #tpu.memory_space<vmem>> -> memref<1x80x128xf32, #tpu.memory_space<vmem>>
          %get3A_536 = tpu.memref_squeeze %get3A_535 : memref<1x80x128xf32, #tpu.memory_space<vmem>> -> memref<80x128xf32, #tpu.memory_space<vmem>>
          %get3A_537 = arith.index_cast %add3A_378 : i32 to index
          %get3A_538 = arith.constant 96 : index
          %get3A_539 = tpu.vector_load %get3A_536[%get3A_537, %get3A_538] {strides = array<i32>} : memref<80x128xf32, #tpu.memory_space<vmem>>, vector<16xf32>,
          %get3A_540 = arith.constant 0 : i32
          %get3A_541 = arith.constant 0 : i32
          %get3A_542 = tpu.memref_slice %arg11[%scan3A_353, %get3A_540, %get3A_541] : memref<2x80x128xf32, #tpu.memory_space<vmem>> -> memref<1x80x128xf32, #tpu.memory_space<vmem>>
          %get3A_543 = tpu.memref_squeeze %get3A_542 : memref<1x80x128xf32, #tpu.memory_space<vmem>> -> memref<80x128xf32, #tpu.memory_space<vmem>>
          %get3A_544 = arith.index_cast %add3A_378 : i32 to index
          %get3A_545 = arith.constant 112 : index
          %get3A_546 = tpu.vector_load %get3A_543[%get3A_544, %get3A_545] {strides = array<i32>} : memref<80x128xf32, #tpu.memory_space<vmem>>, vector<16xf32>,
          %shift_left3A_547 = arith.constant 16 : i32
          %shift_left3A_548 = vector.broadcast %shift_left3A_547 : i32 to vector<16xi32>
          %shift_left3A_549 = arith.shli %get3A_532, %shift_left3A_548 : vector<16xi32>
          %bitcast3A_550 = vector.bitcast %shift_left3A_549 : vector<16xi32> to vector<16xf32>
          %and3A_551 = arith.constant -65536 : i32
          %and3A_552 = vector.broadcast %and3A_551 : i32 to vector<16xi32>
          %and3A_553 = arith.andi %get3A_532, %and3A_552 : vector<16xi32>
          %bitcast3A_554 = vector.bitcast %and3A_553 : vector<16xi32> to vector<16xf32>
          %add3A_555 = arith.addf %get3A_539, %bitcast3A_550 : vector<16xf32>
          %max3A_556 = arith.constant 0.000000e+00 : f32
          %max3A_557 = vector.broadcast %max3A_556 : f32 to vector<16xf32>
          %max3A_558 = arith.maximumf %add3A_555, %max3A_557 : vector<16xf32>
          %swap3A_559 = arith.constant 0 : i32
          %swap3A_560 = arith.constant 0 : i32
          %swap3A_561 = tpu.memref_slice %arg11[%scan3A_353, %swap3A_559, %swap3A_560] : memref<2x80x128xf32, #tpu.memory_space<vmem>> -> memref<1x80x128xf32, #tpu.memory_space<vmem>>
          %swap3A_562 = tpu.memref_squeeze %swap3A_561 : memref<1x80x128xf32, #tpu.memory_space<vmem>> -> memref<80x128xf32, #tpu.memory_space<vmem>>
          %swap3A_563 = arith.index_cast %add3A_378 : i32 to index
          %swap3A_564 = arith.constant 96 : index
          %swap3A_565 = tpu.vector_load %swap3A_562[%swap3A_563, %swap3A_564] {strides = array<i32>} : memref<80x128xf32, #tpu.memory_space<vmem>>, vector<16xf32>,
          tpu.vector_store %swap3A_562[%swap3A_563, %swap3A_564], %max3A_558 {strides = array<i32>} : memref<80x128xf32, #tpu.memory_space<vmem>>, vector<16xf32>,
          %add3A_566 = arith.addf %get3A_546, %bitcast3A_554 : vector<16xf32>
          %max3A_567 = arith.constant 0.000000e+00 : f32
          %max3A_568 = vector.broadcast %max3A_567 : f32 to vector<16xf32>
          %max3A_569 = arith.maximumf %add3A_566, %max3A_568 : vector<16xf32>
          %swap3A_570 = arith.constant 0 : i32
          %swap3A_571 = arith.constant 0 : i32
          %swap3A_572 = tpu.memref_slice %arg11[%scan3A_353, %swap3A_570, %swap3A_571] : memref<2x80x128xf32, #tpu.memory_space<vmem>> -> memref<1x80x128xf32, #tpu.memory_space<vmem>>
          %swap3A_573 = tpu.memref_squeeze %swap3A_572 : memref<1x80x128xf32, #tpu.memory_space<vmem>> -> memref<80x128xf32, #tpu.memory_space<vmem>>
          %swap3A_574 = arith.index_cast %add3A_378 : i32 to index
          %swap3A_575 = arith.constant 112 : index
          %swap3A_576 = tpu.vector_load %swap3A_573[%swap3A_574, %swap3A_575] {strides = array<i32>} : memref<80x128xf32, #tpu.memory_space<vmem>>, vector<16xf32>,
          tpu.vector_store %swap3A_573[%swap3A_574, %swap3A_575], %max3A_569 {strides = array<i32>} : memref<80x128xf32, #tpu.memory_space<vmem>>, vector<16xf32>,
        }
        %scan3A_358 = arith.constant 80 : i32
        %run_scoped3A = arith.constant 0 : i32
        %run_scoped3A_359 = arith.constant 2 : i32
        "tpu.region"() ({
          %run_scoped3A_374 = tpu.sem_alloc : memref<!tpu.dma_semaphore, #tpu.memory_space<semaphore_mem>>
          %dma_start3A_375 = arith.constant 0 : i32
          %dma_start3A_376 = arith.constant 0 : i32
          %dma_start3A_377 = tpu.memref_slice %arg11[%run_scoped3A, %dma_start3A_375, %dma_start3A_376] : memref<2x80x128xf32, #tpu.memory_space<vmem>> -> memref<1x80x128xf32, #tpu.memory_space<vmem>>
          %dma_start3A_378 = tpu.memref_squeeze %dma_start3A_377 : memref<1x80x128xf32, #tpu.memory_space<vmem>> -> memref<80x128xf32, #tpu.memory_space<vmem>>
          %dma_start3A_379 = arith.constant 0 : i32
          %dma_start3A_380 = tpu.memref_slice %arg10[%run_scoped3A_359, %dma_start3A_379] : memref<4x80xi32, #tpu.memory_space<vmem>> -> memref<1x80xi32, #tpu.memory_space<vmem>>
          %dma_start3A_381 = tpu.memref_squeeze %dma_start3A_380 : memref<1x80xi32, #tpu.memory_space<vmem>> -> memref<80xi32, #tpu.memory_space<vmem>>
          %dma_start3A_382 = arith.constant 0 : i32
          %dma_start3A_383 = arith.constant 0 : i32
          %dma_start3A_384 = tpu.memref_slice %arg8[%dma_start3A_382, %dma_start3A_383] : memref<10240x128xf32, #tpu.memory_space<vmem_shared>> -> memref<10240x128xf32, #tpu.memory_space<vmem_shared>>
          tpu.enqueue_indirect_dma source(%dma_start3A_378 : memref<80x128xf32, #tpu.memory_space<vmem>>) target(%dma_start3A_384 : memref<10240x128xf32, #tpu.memory_space<vmem_shared>>) offsets(%dma_start3A_381 : memref<80xi32, #tpu.memory_space<vmem>>) semaphore(%run_scoped3A_374 : memref<!tpu.dma_semaphore, #tpu.memory_space<semaphore_mem>>) {add = true}
          %dma_wait3A_385 = arith.constant 0 : i32
          %dma_wait3A_386 = arith.constant 0 : i32
          %dma_wait3A_387 = tpu.memref_slice %arg11[%run_scoped3A, %dma_wait3A_385, %dma_wait3A_386] : memref<2x80x128xf32, #tpu.memory_space<vmem>> -> memref<1x80x128xf32, #tpu.memory_space<vmem>>
          %dma_wait3A_388 = tpu.memref_squeeze %dma_wait3A_387 : memref<1x80x128xf32, #tpu.memory_space<vmem>> -> memref<80x128xf32, #tpu.memory_space<vmem>>
          %dma_wait3A_389 = arith.constant 0 : i32
          %dma_wait3A_390 = tpu.memref_slice %arg10[%run_scoped3A_359, %dma_wait3A_389] : memref<4x80xi32, #tpu.memory_space<vmem>> -> memref<1x80xi32, #tpu.memory_space<vmem>>
          %dma_wait3A_391 = tpu.memref_squeeze %dma_wait3A_390 : memref<1x80xi32, #tpu.memory_space<vmem>> -> memref<80xi32, #tpu.memory_space<vmem>>
          %dma_wait3A_392 = arith.constant 0 : i32
          %dma_wait3A_393 = arith.constant 0 : i32
          %dma_wait3A_394 = tpu.memref_slice %arg8[%dma_wait3A_392, %dma_wait3A_393] : memref<10240x128xf32, #tpu.memory_space<vmem_shared>> -> memref<10240x128xf32, #tpu.memory_space<vmem_shared>>
          tpu.wait_indirect_dma semaphore(%run_scoped3A_374 : memref<!tpu.dma_semaphore, #tpu.memory_space<semaphore_mem>>) src(%dma_wait3A_388 : memref<80x128xf32, #tpu.memory_space<vmem>>) dst(%dma_wait3A_394 : memref<10240x128xf32, #tpu.memory_space<vmem_shared>>)
          tpu.yield
        }) : () -> ()
        %add3A_360 = arith.constant 4 : i32
        %add3A_361 = arith.addi %add3A_303, %add3A_360 : i32
        %lt3A_362 = arith.constant 125 : i32
        %lt3A_363 = arith.cmpi slt, %add3A_361, %lt3A_362 : i32
        %convert_element_type3A_364 = arith.extui %lt3A_363 : i1 to i32
        %cond3A_365 = arith.constant 0 : i32
        %cond3A_366 = arith.cmpi ne, %convert_element_type3A_364, %cond3A_365 : i32
        scf.if %cond3A_366 {
          %add3A_374 = arith.constant 4 : i32
          %add3A_375 = arith.addi %add3A_303, %add3A_374 : i32
          %dma_start3A_376 = arith.constant 2 : i32
          %dma_start3A_377 = arith.constant 2 : i32
          %dma_start3A_378 = arith.constant 0 : i32
          %dma_start3A_379 = tpu.memref_slice %arg9[%dma_start3A_376, %dma_start3A_378] : memref<4x80xi32, #tpu.memory_space<vmem>> -> memref<1x80xi32, #tpu.memory_space<vmem>>
          %dma_start3A_380 = tpu.memref_squeeze %dma_start3A_379 : memref<1x80xi32, #tpu.memory_space<vmem>> -> memref<80xi32, #tpu.memory_space<vmem>>
          %dma_start3A_381 = arith.constant 0 : i32
          %dma_start3A_382 = tpu.memref_slice %arg2[%add3A, %add3A_375, %dma_start3A_381] : memref<32x125x80xi32, #tpu.memory_space<hbm>> -> memref<1x1x80xi32, #tpu.memory_space<hbm>>
          %dma_start3A_383 = tpu.memref_squeeze %dma_start3A_382 : memref<1x1x80xi32, #tpu.memory_space<hbm>> -> memref<80xi32, #tpu.memory_space<hbm>>
          %dma_start3A_384 = tpu.memref_slice %arg15[%dma_start3A_377] : memref<4x!tpu.dma_semaphore, #tpu.memory_space<semaphore_mem>> -> memref<1x!tpu.dma_semaphore, #tpu.memory_space<semaphore_mem>>
          %dma_start3A_385 = tpu.memref_squeeze %dma_start3A_384 : memref<1x!tpu.dma_semaphore, #tpu.memory_space<semaphore_mem>> -> memref<!tpu.dma_semaphore, #tpu.memory_space<semaphore_mem>>
          %dma_start3A_386 = arith.constant 0 : i32
          %dma_start3A_387 = tpu.memref_slice %arg9[%dma_start3A_376, %dma_start3A_386] : memref<4x80xi32, #tpu.memory_space<vmem>> -> memref<1x80xi32, #tpu.memory_space<vmem>>
          %dma_start3A_388 = tpu.memref_squeeze %dma_start3A_387 : memref<1x80xi32, #tpu.memory_space<vmem>> -> memref<80xi32, #tpu.memory_space<vmem>>
          %dma_start3A_389 = arith.constant 0 : i32
          %dma_start3A_390 = tpu.memref_slice %arg2[%add3A, %add3A_375, %dma_start3A_389] : memref<32x125x80xi32, #tpu.memory_space<hbm>> -> memref<1x1x80xi32, #tpu.memory_space<hbm>>
          %dma_start3A_391 = tpu.memref_squeeze %dma_start3A_390 : memref<1x1x80xi32, #tpu.memory_space<hbm>> -> memref<80xi32, #tpu.memory_space<hbm>>
          tpu.enqueue_dma source(%dma_start3A_391 : memref<80xi32, #tpu.memory_space<hbm>>) target(%dma_start3A_388 : memref<80xi32, #tpu.memory_space<vmem>>) target_semaphore(%dma_start3A_385 : memref<!tpu.dma_semaphore, #tpu.memory_space<semaphore_mem>>)
          %dma_start3A_392 = arith.constant 2 : i32
          %dma_start3A_393 = arith.constant 2 : i32
          %dma_start3A_394 = arith.constant 0 : i32
          %dma_start3A_395 = tpu.memref_slice %arg10[%dma_start3A_392, %dma_start3A_394] : memref<4x80xi32, #tpu.memory_space<vmem>> -> memref<1x80xi32, #tpu.memory_space<vmem>>
          %dma_start3A_396 = tpu.memref_squeeze %dma_start3A_395 : memref<1x80xi32, #tpu.memory_space<vmem>> -> memref<80xi32, #tpu.memory_space<vmem>>
          %dma_start3A_397 = arith.constant 0 : i32
          %dma_start3A_398 = tpu.memref_slice %arg3[%add3A, %add3A_375, %dma_start3A_397] : memref<32x125x80xi32, #tpu.memory_space<hbm>> -> memref<1x1x80xi32, #tpu.memory_space<hbm>>
          %dma_start3A_399 = tpu.memref_squeeze %dma_start3A_398 : memref<1x1x80xi32, #tpu.memory_space<hbm>> -> memref<80xi32, #tpu.memory_space<hbm>>
          %dma_start3A_400 = tpu.memref_slice %arg16[%dma_start3A_393] : memref<4x!tpu.dma_semaphore, #tpu.memory_space<semaphore_mem>> -> memref<1x!tpu.dma_semaphore, #tpu.memory_space<semaphore_mem>>
          %dma_start3A_401 = tpu.memref_squeeze %dma_start3A_400 : memref<1x!tpu.dma_semaphore, #tpu.memory_space<semaphore_mem>> -> memref<!tpu.dma_semaphore, #tpu.memory_space<semaphore_mem>>
          %dma_start3A_402 = arith.constant 0 : i32
          %dma_start3A_403 = tpu.memref_slice %arg10[%dma_start3A_392, %dma_start3A_402] : memref<4x80xi32, #tpu.memory_space<vmem>> -> memref<1x80xi32, #tpu.memory_space<vmem>>
          %dma_start3A_404 = tpu.memref_squeeze %dma_start3A_403 : memref<1x80xi32, #tpu.memory_space<vmem>> -> memref<80xi32, #tpu.memory_space<vmem>>
          %dma_start3A_405 = arith.constant 0 : i32
          %dma_start3A_406 = tpu.memref_slice %arg3[%add3A, %add3A_375, %dma_start3A_405] : memref<32x125x80xi32, #tpu.memory_space<hbm>> -> memref<1x1x80xi32, #tpu.memory_space<hbm>>
          %dma_start3A_407 = tpu.memref_squeeze %dma_start3A_406 : memref<1x1x80xi32, #tpu.memory_space<hbm>> -> memref<80xi32, #tpu.memory_space<hbm>>
          tpu.enqueue_dma source(%dma_start3A_407 : memref<80xi32, #tpu.memory_space<hbm>>) target(%dma_start3A_404 : memref<80xi32, #tpu.memory_space<vmem>>) target_semaphore(%dma_start3A_401 : memref<!tpu.dma_semaphore, #tpu.memory_space<semaphore_mem>>)
        } else {
        }
        %add3A_367 = arith.constant 2 : i32
        %add3A_368 = arith.addi %add3A_303, %add3A_367 : i32
        %lt3A_369 = arith.constant 125 : i32
        %lt3A_370 = arith.cmpi slt, %add3A_368, %lt3A_369 : i32
        %convert_element_type3A_371 = arith.extui %lt3A_370 : i1 to i32
        %cond3A_372 = arith.constant 0 : i32
        %cond3A_373 = arith.cmpi ne, %convert_element_type3A_371, %cond3A_372 : i32
        scf.if %cond3A_373 {
          %dma_wait3A_374 = arith.constant 0 : i32
          %dma_wait3A_375 = arith.constant 0 : i32
          %dma_wait3A_376 = arith.constant 0 : i32
          %dma_wait3A_377 = arith.constant 0 : i32
          %dma_wait3A_378 = tpu.memref_slice %arg9[%dma_wait3A_375, %dma_wait3A_377] : memref<4x80xi32, #tpu.memory_space<vmem>> -> memref<1x80xi32, #tpu.memory_space<vmem>>
          %dma_wait3A_379 = tpu.memref_squeeze %dma_wait3A_378 : memref<1x80xi32, #tpu.memory_space<vmem>> -> memref<80xi32, #tpu.memory_space<vmem>>
          %dma_wait3A_380 = arith.constant 0 : i32
          %dma_wait3A_381 = tpu.memref_slice %arg2[%add3A, %dma_wait3A_374, %dma_wait3A_380] : memref<32x125x80xi32, #tpu.memory_space<hbm>> -> memref<1x1x80xi32, #tpu.memory_space<hbm>>
          %dma_wait3A_382 = tpu.memref_squeeze %dma_wait3A_381 : memref<1x1x80xi32, #tpu.memory_space<hbm>> -> memref<80xi32, #tpu.memory_space<hbm>>
          %dma_wait3A_383 = tpu.memref_slice %arg15[%dma_wait3A_376] : memref<4x!tpu.dma_semaphore, #tpu.memory_space<semaphore_mem>> -> memref<1x!tpu.dma_semaphore, #tpu.memory_space<semaphore_mem>>
          %dma_wait3A_384 = tpu.memref_squeeze %dma_wait3A_383 : memref<1x!tpu.dma_semaphore, #tpu.memory_space<semaphore_mem>> -> memref<!tpu.dma_semaphore, #tpu.memory_space<semaphore_mem>>
          %dma_wait3A_385 = arith.constant 0 : i32
          %dma_wait3A_386 = tpu.memref_slice %arg9[%dma_wait3A_375, %dma_wait3A_385] : memref<4x80xi32, #tpu.memory_space<vmem>> -> memref<1x80xi32, #tpu.memory_space<vmem>>
          %dma_wait3A_387 = tpu.memref_squeeze %dma_wait3A_386 : memref<1x80xi32, #tpu.memory_space<vmem>> -> memref<80xi32, #tpu.memory_space<vmem>>
          %dma_wait3A_388 = arith.constant 0 : i32
          %dma_wait3A_389 = tpu.memref_slice %arg2[%add3A, %dma_wait3A_374, %dma_wait3A_388] : memref<32x125x80xi32, #tpu.memory_space<hbm>> -> memref<1x1x80xi32, #tpu.memory_space<hbm>>
          %dma_wait3A_390 = tpu.memref_squeeze %dma_wait3A_389 : memref<1x1x80xi32, #tpu.memory_space<hbm>> -> memref<80xi32, #tpu.memory_space<hbm>>
          tpu.wait_dma2 semaphore(%dma_wait3A_384 : memref<!tpu.dma_semaphore, #tpu.memory_space<semaphore_mem>>) src(%dma_wait3A_390 : memref<80xi32, #tpu.memory_space<hbm>>) dst(%dma_wait3A_387 : memref<80xi32, #tpu.memory_space<vmem>>)
          %dma_wait3A_391 = arith.constant 0 : i32
          %dma_wait3A_392 = arith.constant 0 : i32
          %dma_wait3A_393 = arith.constant 0 : i32
          %dma_wait3A_394 = arith.constant 0 : i32
          %dma_wait3A_395 = tpu.memref_slice %arg10[%dma_wait3A_392, %dma_wait3A_394] : memref<4x80xi32, #tpu.memory_space<vmem>> -> memref<1x80xi32, #tpu.memory_space<vmem>>
          %dma_wait3A_396 = tpu.memref_squeeze %dma_wait3A_395 : memref<1x80xi32, #tpu.memory_space<vmem>> -> memref<80xi32, #tpu.memory_space<vmem>>
          %dma_wait3A_397 = arith.constant 0 : i32
          %dma_wait3A_398 = tpu.memref_slice %arg3[%add3A, %dma_wait3A_391, %dma_wait3A_397] : memref<32x125x80xi32, #tpu.memory_space<hbm>> -> memref<1x1x80xi32, #tpu.memory_space<hbm>>
          %dma_wait3A_399 = tpu.memref_squeeze %dma_wait3A_398 : memref<1x1x80xi32, #tpu.memory_space<hbm>> -> memref<80xi32, #tpu.memory_space<hbm>>
          %dma_wait3A_400 = tpu.memref_slice %arg16[%dma_wait3A_393] : memref<4x!tpu.dma_semaphore, #tpu.memory_space<semaphore_mem>> -> memref<1x!tpu.dma_semaphore, #tpu.memory_space<semaphore_mem>>
          %dma_wait3A_401 = tpu.memref_squeeze %dma_wait3A_400 : memref<1x!tpu.dma_semaphore, #tpu.memory_space<semaphore_mem>> -> memref<!tpu.dma_semaphore, #tpu.memory_space<semaphore_mem>>
          %dma_wait3A_402 = arith.constant 0 : i32
          %dma_wait3A_403 = tpu.memref_slice %arg10[%dma_wait3A_392, %dma_wait3A_402] : memref<4x80xi32, #tpu.memory_space<vmem>> -> memref<1x80xi32, #tpu.memory_space<vmem>>
          %dma_wait3A_404 = tpu.memref_squeeze %dma_wait3A_403 : memref<1x80xi32, #tpu.memory_space<vmem>> -> memref<80xi32, #tpu.memory_space<vmem>>
          %dma_wait3A_405 = arith.constant 0 : i32
          %dma_wait3A_406 = tpu.memref_slice %arg3[%add3A, %dma_wait3A_391, %dma_wait3A_405] : memref<32x125x80xi32, #tpu.memory_space<hbm>> -> memref<1x1x80xi32, #tpu.memory_space<hbm>>
          %dma_wait3A_407 = tpu.memref_squeeze %dma_wait3A_406 : memref<1x1x80xi32, #tpu.memory_space<hbm>> -> memref<80xi32, #tpu.memory_space<hbm>>
          tpu.wait_dma2 semaphore(%dma_wait3A_401 : memref<!tpu.dma_semaphore, #tpu.memory_space<semaphore_mem>>) src(%dma_wait3A_407 : memref<80xi32, #tpu.memory_space<hbm>>) dst(%dma_wait3A_404 : memref<80xi32, #tpu.memory_space<vmem>>)
          %add3A_408 = arith.constant 2 : i32
          %add3A_409 = arith.addi %add3A_303, %add3A_408 : i32
          %dma_start3A_410 = arith.constant 0 : i32
          %dma_start3A_411 = arith.constant 0 : i32
          %dma_start3A_412 = arith.constant 0 : i32
          %dma_start3A_413 = arith.constant 0 : i32
          %dma_start3A_414 = arith.constant 0 : i32
          %dma_start3A_415 = tpu.memref_slice %arg11[%dma_start3A_411, %dma_start3A_413, %dma_start3A_414] : memref<2x80x128xf32, #tpu.memory_space<vmem>> -> memref<1x80x128xf32, #tpu.memory_space<vmem>>
          %dma_start3A_416 = tpu.memref_squeeze %dma_start3A_415 : memref<1x80x128xf32, #tpu.memory_space<vmem>> -> memref<80x128xf32, #tpu.memory_space<vmem>>
          %dma_start3A_417 = arith.constant 0 : i32
          %dma_start3A_418 = tpu.memref_slice %arg9[%dma_start3A_410, %dma_start3A_417] : memref<4x80xi32, #tpu.memory_space<vmem>> -> memref<1x80xi32, #tpu.memory_space<vmem>>
          %dma_start3A_419 = tpu.memref_squeeze %dma_start3A_418 : memref<1x80xi32, #tpu.memory_space<vmem>> -> memref<80xi32, #tpu.memory_space<vmem>>
          %dma_start3A_420 = arith.constant 0 : i32
          %dma_start3A_421 = arith.constant 0 : i32
          %dma_start3A_422 = tpu.memref_slice %arg5[%dma_start3A_420, %dma_start3A_421] : memref<10000x128xf32, #tpu.memory_space<hbm>> -> memref<10000x128xf32, #tpu.memory_space<hbm>>
          %dma_start3A_423 = tpu.memref_slice %arg13[%dma_start3A_412] : memref<2x!tpu.dma_semaphore, #tpu.memory_space<semaphore_mem>> -> memref<1x!tpu.dma_semaphore, #tpu.memory_space<semaphore_mem>>
          %dma_start3A_424 = tpu.memref_squeeze %dma_start3A_423 : memref<1x!tpu.dma_semaphore, #tpu.memory_space<semaphore_mem>> -> memref<!tpu.dma_semaphore, #tpu.memory_space<semaphore_mem>>
          tpu.enqueue_indirect_dma source(%dma_start3A_422 : memref<10000x128xf32, #tpu.memory_space<hbm>>) target(%dma_start3A_416 : memref<80x128xf32, #tpu.memory_space<vmem>>) offsets(%dma_start3A_419 : memref<80xi32, #tpu.memory_space<vmem>>) semaphore(%dma_start3A_424 : memref<!tpu.dma_semaphore, #tpu.memory_space<semaphore_mem>>)
          %mul3A_425 = arith.constant 80 : i32
          %mul3A_426 = arith.muli %add3A_409, %mul3A_425 : i32
          %add3A_427 = arith.addi %mul3A_4, %mul3A_426 : i32
          %dma_start3A_428 = arith.constant 0 : i32
          %dma_start3A_429 = arith.constant 0 : i32
          %dma_start3A_430 = arith.constant 0 : i32
          %dma_start3A_431 = arith.constant 0 : i32
          %dma_start3A_432 = tpu.memref_slice %arg12[%dma_start3A_428, %dma_start3A_430, %dma_start3A_431] : memref<2x80x64xi32, #tpu.memory_space<vmem>> -> memref<1x80x64xi32, #tpu.memory_space<vmem>>
          %dma_start3A_433 = tpu.memref_squeeze %dma_start3A_432 : memref<1x80x64xi32, #tpu.memory_space<vmem>> -> memref<80x64xi32, #tpu.memory_space<vmem>>
          %dma_start3A_434 = arith.constant 0 : i32
          %dma_start3A_435 = tpu.memref_slice %arg4[%add3A_427, %dma_start3A_434] : memref<320000x64xi32, #tpu.memory_space<hbm>> -> memref<80x64xi32, #tpu.memory_space<hbm>>
          %dma_start3A_436 = tpu.memref_slice %arg14[%dma_start3A_429] : memref<2x!tpu.dma_semaphore, #tpu.memory_space<semaphore_mem>> -> memref<1x!tpu.dma_semaphore, #tpu.memory_space<semaphore_mem>>
          %dma_start3A_437 = tpu.memref_squeeze %dma_start3A_436 : memref<1x!tpu.dma_semaphore, #tpu.memory_space<semaphore_mem>> -> memref<!tpu.dma_semaphore, #tpu.memory_space<semaphore_mem>>
          %dma_start3A_438 = arith.constant 0 : i32
          %dma_start3A_439 = arith.constant 0 : i32
          %dma_start3A_440 = tpu.memref_slice %arg12[%dma_start3A_428, %dma_start3A_438, %dma_start3A_439] : memref<2x80x64xi32, #tpu.memory_space<vmem>> -> memref<1x80x64xi32, #tpu.memory_space<vmem>>
          %dma_start3A_441 = tpu.memref_squeeze %dma_start3A_440 : memref<1x80x64xi32, #tpu.memory_space<vmem>> -> memref<80x64xi32, #tpu.memory_space<vmem>>
          %dma_start3A_442 = arith.constant 0 : i32
          %dma_start3A_443 = tpu.memref_slice %arg4[%add3A_427, %dma_start3A_442] : memref<320000x64xi32, #tpu.memory_space<hbm>> -> memref<80x64xi32, #tpu.memory_space<hbm>>
          tpu.enqueue_dma source(%dma_start3A_443 : memref<80x64xi32, #tpu.memory_space<hbm>>) target(%dma_start3A_441 : memref<80x64xi32, #tpu.memory_space<vmem>>) target_semaphore(%dma_start3A_437 : memref<!tpu.dma_semaphore, #tpu.memory_space<semaphore_mem>>)
        } else {
        }
      } else {
      }
      %add3A_309 = arith.constant 3 : i32
      %add3A_310 = arith.addi %add3A_290, %add3A_309 : i32
      %lt3A_311 = arith.constant 125 : i32
      %lt3A_312 = arith.cmpi slt, %add3A_310, %lt3A_311 : i32
      %convert_element_type3A_313 = arith.extui %lt3A_312 : i1 to i32
      %cond3A_314 = arith.constant 0 : i32
      %cond3A_315 = arith.cmpi ne, %convert_element_type3A_313, %cond3A_314 : i32
      scf.if %cond3A_315 {
        %dma_wait3A_316 = arith.constant 1 : i32
        %dma_wait3A_317 = arith.constant 1 : i32
        %dma_wait3A_318 = arith.constant 0 : i32
        %dma_wait3A_319 = arith.constant 0 : i32
        %dma_wait3A_320 = tpu.memref_slice %arg11[%dma_wait3A_316, %dma_wait3A_318, %dma_wait3A_319] : memref<2x80x128xf32, #tpu.memory_space<vmem>> -> memref<1x80x128xf32, #tpu.memory_space<vmem>>
        %dma_wait3A_321 = tpu.memref_squeeze %dma_wait3A_320 : memref<1x80x128xf32, #tpu.memory_space<vmem>> -> memref<80x128xf32, #tpu.memory_space<vmem>>
        %dma_wait3A_322 = arith.constant 0 : i32
        %dma_wait3A_323 = arith.constant 0 : i32
        %dma_wait3A_324 = tpu.memref_slice %arg5[%dma_wait3A_322, %dma_wait3A_323] : memref<10000x128xf32, #tpu.memory_space<hbm>> -> memref<80x128xf32, #tpu.memory_space<hbm>>
        %dma_wait3A_325 = tpu.memref_slice %arg13[%dma_wait3A_317] : memref<2x!tpu.dma_semaphore, #tpu.memory_space<semaphore_mem>> -> memref<1x!tpu.dma_semaphore, #tpu.memory_space<semaphore_mem>>
        %dma_wait3A_326 = tpu.memref_squeeze %dma_wait3A_325 : memref<1x!tpu.dma_semaphore, #tpu.memory_space<semaphore_mem>> -> memref<!tpu.dma_semaphore, #tpu.memory_space<semaphore_mem>>
        %dma_wait3A_327 = arith.constant 0 : i32
        %dma_wait3A_328 = arith.constant 0 : i32
        %dma_wait3A_329 = tpu.memref_slice %arg11[%dma_wait3A_316, %dma_wait3A_327, %dma_wait3A_328] : memref<2x80x128xf32, #tpu.memory_space<vmem>> -> memref<1x80x128xf32, #tpu.memory_space<vmem>>
        %dma_wait3A_330 = tpu.memref_squeeze %dma_wait3A_329 : memref<1x80x128xf32, #tpu.memory_space<vmem>> -> memref<80x128xf32, #tpu.memory_space<vmem>>
        %dma_wait3A_331 = arith.constant 0 : i32
        %dma_wait3A_332 = arith.constant 0 : i32
        %dma_wait3A_333 = tpu.memref_slice %arg5[%dma_wait3A_331, %dma_wait3A_332] : memref<10000x128xf32, #tpu.memory_space<hbm>> -> memref<80x128xf32, #tpu.memory_space<hbm>>
        tpu.wait_dma2 semaphore(%dma_wait3A_326 : memref<!tpu.dma_semaphore, #tpu.memory_space<semaphore_mem>>) src(%dma_wait3A_333 : memref<80x128xf32, #tpu.memory_space<hbm>>) dst(%dma_wait3A_330 : memref<80x128xf32, #tpu.memory_space<vmem>>)
        %dma_wait3A_334 = arith.constant 1 : i32
        %dma_wait3A_335 = arith.constant 1 : i32
        %dma_wait3A_336 = arith.constant 0 : i32
        %dma_wait3A_337 = arith.constant 0 : i32
        %dma_wait3A_338 = tpu.memref_slice %arg12[%dma_wait3A_334, %dma_wait3A_336, %dma_wait3A_337] : memref<2x80x64xi32, #tpu.memory_space<vmem>> -> memref<1x80x64xi32, #tpu.memory_space<vmem>>
        %dma_wait3A_339 = tpu.memref_squeeze %dma_wait3A_338 : memref<1x80x64xi32, #tpu.memory_space<vmem>> -> memref<80x64xi32, #tpu.memory_space<vmem>>
        %dma_wait3A_340 = arith.constant 0 : i32
        %dma_wait3A_341 = arith.constant 0 : i32
        %dma_wait3A_342 = tpu.memref_slice %arg4[%dma_wait3A_340, %dma_wait3A_341] : memref<320000x64xi32, #tpu.memory_space<hbm>> -> memref<80x64xi32, #tpu.memory_space<hbm>>
        %dma_wait3A_343 = tpu.memref_slice %arg14[%dma_wait3A_335] : memref<2x!tpu.dma_semaphore, #tpu.memory_space<semaphore_mem>> -> memref<1x!tpu.dma_semaphore, #tpu.memory_space<semaphore_mem>>
        %dma_wait3A_344 = tpu.memref_squeeze %dma_wait3A_343 : memref<1x!tpu.dma_semaphore, #tpu.memory_space<semaphore_mem>> -> memref<!tpu.dma_semaphore, #tpu.memory_space<semaphore_mem>>
        %dma_wait3A_345 = arith.constant 0 : i32
        %dma_wait3A_346 = arith.constant 0 : i32
        %dma_wait3A_347 = tpu.memref_slice %arg12[%dma_wait3A_334, %dma_wait3A_345, %dma_wait3A_346] : memref<2x80x64xi32, #tpu.memory_space<vmem>> -> memref<1x80x64xi32, #tpu.memory_space<vmem>>
        %dma_wait3A_348 = tpu.memref_squeeze %dma_wait3A_347 : memref<1x80x64xi32, #tpu.memory_space<vmem>> -> memref<80x64xi32, #tpu.memory_space<vmem>>
        %dma_wait3A_349 = arith.constant 0 : i32
        %dma_wait3A_350 = arith.constant 0 : i32
        %dma_wait3A_351 = tpu.memref_slice %arg4[%dma_wait3A_349, %dma_wait3A_350] : memref<320000x64xi32, #tpu.memory_space<hbm>> -> memref<80x64xi32, #tpu.memory_space<hbm>>
        tpu.wait_dma2 semaphore(%dma_wait3A_344 : memref<!tpu.dma_semaphore, #tpu.memory_space<semaphore_mem>>) src(%dma_wait3A_351 : memref<80x64xi32, #tpu.memory_space<hbm>>) dst(%dma_wait3A_348 : memref<80x64xi32, #tpu.memory_space<vmem>>)
        %scan3A_352 = arith.constant 1 : i32
        %scan3A_353 = arith.constant 1 : i32
        %scan3A_354 = arith.constant 0 : i32
        %scan3A_355 = arith.constant 80 : i32
        %scan3A_356 = arith.addi %scan3A_354, %scan3A_355 : i32
        %scan3A_357 = arith.constant 1 : i32
        scf.for %scan3A_374 = %scan3A_354 to %scan3A_356 step %scan3A_357  : i32 {
          %mul3A_375 = arith.constant 1 : i32
          %mul3A_376 = arith.muli %scan3A_374, %mul3A_375 : i32
          %add3A_377 = arith.constant 0 : i32
          %add3A_378 = arith.addi %add3A_377, %mul3A_376 : i32
          %get3A = arith.constant 0 : i32
          %get3A_379 = arith.constant 0 : i32
          %get3A_380 = tpu.memref_slice %arg12[%scan3A_352, %get3A, %get3A_379] : memref<2x80x64xi32, #tpu.memory_space<vmem>> -> memref<1x80x64xi32, #tpu.memory_space<vmem>>
          %get3A_381 = tpu.memref_squeeze %get3A_380 : memref<1x80x64xi32, #tpu.memory_space<vmem>> -> memref<80x64xi32, #tpu.memory_space<vmem>>
          %get3A_382 = arith.index_cast %add3A_378 : i32 to index
          %get3A_383 = arith.constant 0 : index
          %get3A_384 = tpu.vector_load %get3A_381[%get3A_382, %get3A_383] {strides = array<i32>} : memref<80x64xi32, #tpu.memory_space<vmem>>, vector<16xi32>,
          %get3A_385 = arith.constant 0 : i32
          %get3A_386 = arith.constant 0 : i32
          %get3A_387 = tpu.memref_slice %arg11[%scan3A_353, %get3A_385, %get3A_386] : memref<2x80x128xf32, #tpu.memory_space<vmem>> -> memref<1x80x128xf32, #tpu.memory_space<vmem>>
          %get3A_388 = tpu.memref_squeeze %get3A_387 : memref<1x80x128xf32, #tpu.memory_space<vmem>> -> memref<80x128xf32, #tpu.memory_space<vmem>>
          %get3A_389 = arith.index_cast %add3A_378 : i32 to index
          %get3A_390 = arith.constant 0 : index
          %get3A_391 = tpu.vector_load %get3A_388[%get3A_389, %get3A_390] {strides = array<i32>} : memref<80x128xf32, #tpu.memory_space<vmem>>, vector<16xf32>,
          %get3A_392 = arith.constant 0 : i32
          %get3A_393 = arith.constant 0 : i32
          %get3A_394 = tpu.memref_slice %arg11[%scan3A_353, %get3A_392, %get3A_393] : memref<2x80x128xf32, #tpu.memory_space<vmem>> -> memref<1x80x128xf32, #tpu.memory_space<vmem>>
          %get3A_395 = tpu.memref_squeeze %get3A_394 : memref<1x80x128xf32, #tpu.memory_space<vmem>> -> memref<80x128xf32, #tpu.memory_space<vmem>>
          %get3A_396 = arith.index_cast %add3A_378 : i32 to index
          %get3A_397 = arith.constant 16 : index
          %get3A_398 = tpu.vector_load %get3A_395[%get3A_396, %get3A_397] {strides = array<i32>} : memref<80x128xf32, #tpu.memory_space<vmem>>, vector<16xf32>,
          %shift_left3A = arith.constant 16 : i32
          %shift_left3A_399 = vector.broadcast %shift_left3A : i32 to vector<16xi32>
          %shift_left3A_400 = arith.shli %get3A_384, %shift_left3A_399 : vector<16xi32>
          %bitcast3A = vector.bitcast %shift_left3A_400 : vector<16xi32> to vector<16xf32>
          %and3A = arith.constant -65536 : i32
          %and3A_401 = vector.broadcast %and3A : i32 to vector<16xi32>
          %and3A_402 = arith.andi %get3A_384, %and3A_401 : vector<16xi32>
          %bitcast3A_403 = vector.bitcast %and3A_402 : vector<16xi32> to vector<16xf32>
          %add3A_404 = arith.addf %get3A_391, %bitcast3A : vector<16xf32>
          %max3A = arith.constant 0.000000e+00 : f32
          %max3A_405 = vector.broadcast %max3A : f32 to vector<16xf32>
          %max3A_406 = arith.maximumf %add3A_404, %max3A_405 : vector<16xf32>
          %swap3A = arith.constant 0 : i32
          %swap3A_407 = arith.constant 0 : i32
          %swap3A_408 = tpu.memref_slice %arg11[%scan3A_353, %swap3A, %swap3A_407] : memref<2x80x128xf32, #tpu.memory_space<vmem>> -> memref<1x80x128xf32, #tpu.memory_space<vmem>>
          %swap3A_409 = tpu.memref_squeeze %swap3A_408 : memref<1x80x128xf32, #tpu.memory_space<vmem>> -> memref<80x128xf32, #tpu.memory_space<vmem>>
          %swap3A_410 = arith.index_cast %add3A_378 : i32 to index
          %swap3A_411 = arith.constant 0 : index
          %swap3A_412 = tpu.vector_load %swap3A_409[%swap3A_410, %swap3A_411] {strides = array<i32>} : memref<80x128xf32, #tpu.memory_space<vmem>>, vector<16xf32>,
          tpu.vector_store %swap3A_409[%swap3A_410, %swap3A_411], %max3A_406 {strides = array<i32>} : memref<80x128xf32, #tpu.memory_space<vmem>>, vector<16xf32>,
          %add3A_413 = arith.addf %get3A_398, %bitcast3A_403 : vector<16xf32>
          %max3A_414 = arith.constant 0.000000e+00 : f32
          %max3A_415 = vector.broadcast %max3A_414 : f32 to vector<16xf32>
          %max3A_416 = arith.maximumf %add3A_413, %max3A_415 : vector<16xf32>
          %swap3A_417 = arith.constant 0 : i32
          %swap3A_418 = arith.constant 0 : i32
          %swap3A_419 = tpu.memref_slice %arg11[%scan3A_353, %swap3A_417, %swap3A_418] : memref<2x80x128xf32, #tpu.memory_space<vmem>> -> memref<1x80x128xf32, #tpu.memory_space<vmem>>
          %swap3A_420 = tpu.memref_squeeze %swap3A_419 : memref<1x80x128xf32, #tpu.memory_space<vmem>> -> memref<80x128xf32, #tpu.memory_space<vmem>>
          %swap3A_421 = arith.index_cast %add3A_378 : i32 to index
          %swap3A_422 = arith.constant 16 : index
          %swap3A_423 = tpu.vector_load %swap3A_420[%swap3A_421, %swap3A_422] {strides = array<i32>} : memref<80x128xf32, #tpu.memory_space<vmem>>, vector<16xf32>,
          tpu.vector_store %swap3A_420[%swap3A_421, %swap3A_422], %max3A_416 {strides = array<i32>} : memref<80x128xf32, #tpu.memory_space<vmem>>, vector<16xf32>,
          %get3A_424 = arith.constant 0 : i32
          %get3A_425 = arith.constant 0 : i32
          %get3A_426 = tpu.memref_slice %arg12[%scan3A_352, %get3A_424, %get3A_425] : memref<2x80x64xi32, #tpu.memory_space<vmem>> -> memref<1x80x64xi32, #tpu.memory_space<vmem>>
          %get3A_427 = tpu.memref_squeeze %get3A_426 : memref<1x80x64xi32, #tpu.memory_space<vmem>> -> memref<80x64xi32, #tpu.memory_space<vmem>>
          %get3A_428 = arith.index_cast %add3A_378 : i32 to index
          %get3A_429 = arith.constant 16 : index
          %get3A_430 = tpu.vector_load %get3A_427[%get3A_428, %get3A_429] {strides = array<i32>} : memref<80x64xi32, #tpu.memory_space<vmem>>, vector<16xi32>,
          %get3A_431 = arith.constant 0 : i32
          %get3A_432 = arith.constant 0 : i32
          %get3A_433 = tpu.memref_slice %arg11[%scan3A_353, %get3A_431, %get3A_432] : memref<2x80x128xf32, #tpu.memory_space<vmem>> -> memref<1x80x128xf32, #tpu.memory_space<vmem>>
          %get3A_434 = tpu.memref_squeeze %get3A_433 : memref<1x80x128xf32, #tpu.memory_space<vmem>> -> memref<80x128xf32, #tpu.memory_space<vmem>>
          %get3A_435 = arith.index_cast %add3A_378 : i32 to index
          %get3A_436 = arith.constant 32 : index
          %get3A_437 = tpu.vector_load %get3A_434[%get3A_435, %get3A_436] {strides = array<i32>} : memref<80x128xf32, #tpu.memory_space<vmem>>, vector<16xf32>,
          %get3A_438 = arith.constant 0 : i32
          %get3A_439 = arith.constant 0 : i32
          %get3A_440 = tpu.memref_slice %arg11[%scan3A_353, %get3A_438, %get3A_439] : memref<2x80x128xf32, #tpu.memory_space<vmem>> -> memref<1x80x128xf32, #tpu.memory_space<vmem>>
          %get3A_441 = tpu.memref_squeeze %get3A_440 : memref<1x80x128xf32, #tpu.memory_space<vmem>> -> memref<80x128xf32, #tpu.memory_space<vmem>>
          %get3A_442 = arith.index_cast %add3A_378 : i32 to index
          %get3A_443 = arith.constant 48 : index
          %get3A_444 = tpu.vector_load %get3A_441[%get3A_442, %get3A_443] {strides = array<i32>} : memref<80x128xf32, #tpu.memory_space<vmem>>, vector<16xf32>,
          %shift_left3A_445 = arith.constant 16 : i32
          %shift_left3A_446 = vector.broadcast %shift_left3A_445 : i32 to vector<16xi32>
          %shift_left3A_447 = arith.shli %get3A_430, %shift_left3A_446 : vector<16xi32>
          %bitcast3A_448 = vector.bitcast %shift_left3A_447 : vector<16xi32> to vector<16xf32>
          %and3A_449 = arith.constant -65536 : i32
          %and3A_450 = vector.broadcast %and3A_449 : i32 to vector<16xi32>
          %and3A_451 = arith.andi %get3A_430, %and3A_450 : vector<16xi32>
          %bitcast3A_452 = vector.bitcast %and3A_451 : vector<16xi32> to vector<16xf32>
          %add3A_453 = arith.addf %get3A_437, %bitcast3A_448 : vector<16xf32>
          %max3A_454 = arith.constant 0.000000e+00 : f32
          %max3A_455 = vector.broadcast %max3A_454 : f32 to vector<16xf32>
          %max3A_456 = arith.maximumf %add3A_453, %max3A_455 : vector<16xf32>
          %swap3A_457 = arith.constant 0 : i32
          %swap3A_458 = arith.constant 0 : i32
          %swap3A_459 = tpu.memref_slice %arg11[%scan3A_353, %swap3A_457, %swap3A_458] : memref<2x80x128xf32, #tpu.memory_space<vmem>> -> memref<1x80x128xf32, #tpu.memory_space<vmem>>
          %swap3A_460 = tpu.memref_squeeze %swap3A_459 : memref<1x80x128xf32, #tpu.memory_space<vmem>> -> memref<80x128xf32, #tpu.memory_space<vmem>>
          %swap3A_461 = arith.index_cast %add3A_378 : i32 to index
          %swap3A_462 = arith.constant 32 : index
          %swap3A_463 = tpu.vector_load %swap3A_460[%swap3A_461, %swap3A_462] {strides = array<i32>} : memref<80x128xf32, #tpu.memory_space<vmem>>, vector<16xf32>,
          tpu.vector_store %swap3A_460[%swap3A_461, %swap3A_462], %max3A_456 {strides = array<i32>} : memref<80x128xf32, #tpu.memory_space<vmem>>, vector<16xf32>,
          %add3A_464 = arith.addf %get3A_444, %bitcast3A_452 : vector<16xf32>
          %max3A_465 = arith.constant 0.000000e+00 : f32
          %max3A_466 = vector.broadcast %max3A_465 : f32 to vector<16xf32>
          %max3A_467 = arith.maximumf %add3A_464, %max3A_466 : vector<16xf32>
          %swap3A_468 = arith.constant 0 : i32
          %swap3A_469 = arith.constant 0 : i32
          %swap3A_470 = tpu.memref_slice %arg11[%scan3A_353, %swap3A_468, %swap3A_469] : memref<2x80x128xf32, #tpu.memory_space<vmem>> -> memref<1x80x128xf32, #tpu.memory_space<vmem>>
          %swap3A_471 = tpu.memref_squeeze %swap3A_470 : memref<1x80x128xf32, #tpu.memory_space<vmem>> -> memref<80x128xf32, #tpu.memory_space<vmem>>
          %swap3A_472 = arith.index_cast %add3A_378 : i32 to index
          %swap3A_473 = arith.constant 48 : index
          %swap3A_474 = tpu.vector_load %swap3A_471[%swap3A_472, %swap3A_473] {strides = array<i32>} : memref<80x128xf32, #tpu.memory_space<vmem>>, vector<16xf32>,
          tpu.vector_store %swap3A_471[%swap3A_472, %swap3A_473], %max3A_467 {strides = array<i32>} : memref<80x128xf32, #tpu.memory_space<vmem>>, vector<16xf32>,
          %get3A_475 = arith.constant 0 : i32
          %get3A_476 = arith.constant 0 : i32
          %get3A_477 = tpu.memref_slice %arg12[%scan3A_352, %get3A_475, %get3A_476] : memref<2x80x64xi32, #tpu.memory_space<vmem>> -> memref<1x80x64xi32, #tpu.memory_space<vmem>>
          %get3A_478 = tpu.memref_squeeze %get3A_477 : memref<1x80x64xi32, #tpu.memory_space<vmem>> -> memref<80x64xi32, #tpu.memory_space<vmem>>
          %get3A_479 = arith.index_cast %add3A_378 : i32 to index
          %get3A_480 = arith.constant 32 : index
          %get3A_481 = tpu.vector_load %get3A_478[%get3A_479, %get3A_480] {strides = array<i32>} : memref<80x64xi32, #tpu.memory_space<vmem>>, vector<16xi32>,
          %get3A_482 = arith.constant 0 : i32
          %get3A_483 = arith.constant 0 : i32
          %get3A_484 = tpu.memref_slice %arg11[%scan3A_353, %get3A_482, %get3A_483] : memref<2x80x128xf32, #tpu.memory_space<vmem>> -> memref<1x80x128xf32, #tpu.memory_space<vmem>>
          %get3A_485 = tpu.memref_squeeze %get3A_484 : memref<1x80x128xf32, #tpu.memory_space<vmem>> -> memref<80x128xf32, #tpu.memory_space<vmem>>
          %get3A_486 = arith.index_cast %add3A_378 : i32 to index
          %get3A_487 = arith.constant 64 : index
          %get3A_488 = tpu.vector_load %get3A_485[%get3A_486, %get3A_487] {strides = array<i32>} : memref<80x128xf32, #tpu.memory_space<vmem>>, vector<16xf32>,
          %get3A_489 = arith.constant 0 : i32
          %get3A_490 = arith.constant 0 : i32
          %get3A_491 = tpu.memref_slice %arg11[%scan3A_353, %get3A_489, %get3A_490] : memref<2x80x128xf32, #tpu.memory_space<vmem>> -> memref<1x80x128xf32, #tpu.memory_space<vmem>>
          %get3A_492 = tpu.memref_squeeze %get3A_491 : memref<1x80x128xf32, #tpu.memory_space<vmem>> -> memref<80x128xf32, #tpu.memory_space<vmem>>
          %get3A_493 = arith.index_cast %add3A_378 : i32 to index
          %get3A_494 = arith.constant 80 : index
          %get3A_495 = tpu.vector_load %get3A_492[%get3A_493, %get3A_494] {strides = array<i32>} : memref<80x128xf32, #tpu.memory_space<vmem>>, vector<16xf32>,
          %shift_left3A_496 = arith.constant 16 : i32
          %shift_left3A_497 = vector.broadcast %shift_left3A_496 : i32 to vector<16xi32>
          %shift_left3A_498 = arith.shli %get3A_481, %shift_left3A_497 : vector<16xi32>
          %bitcast3A_499 = vector.bitcast %shift_left3A_498 : vector<16xi32> to vector<16xf32>
          %and3A_500 = arith.constant -65536 : i32
          %and3A_501 = vector.broadcast %and3A_500 : i32 to vector<16xi32>
          %and3A_502 = arith.andi %get3A_481, %and3A_501 : vector<16xi32>
          %bitcast3A_503 = vector.bitcast %and3A_502 : vector<16xi32> to vector<16xf32>
          %add3A_504 = arith.addf %get3A_488, %bitcast3A_499 : vector<16xf32>
          %max3A_505 = arith.constant 0.000000e+00 : f32
          %max3A_506 = vector.broadcast %max3A_505 : f32 to vector<16xf32>
          %max3A_507 = arith.maximumf %add3A_504, %max3A_506 : vector<16xf32>
          %swap3A_508 = arith.constant 0 : i32
          %swap3A_509 = arith.constant 0 : i32
          %swap3A_510 = tpu.memref_slice %arg11[%scan3A_353, %swap3A_508, %swap3A_509] : memref<2x80x128xf32, #tpu.memory_space<vmem>> -> memref<1x80x128xf32, #tpu.memory_space<vmem>>
          %swap3A_511 = tpu.memref_squeeze %swap3A_510 : memref<1x80x128xf32, #tpu.memory_space<vmem>> -> memref<80x128xf32, #tpu.memory_space<vmem>>
          %swap3A_512 = arith.index_cast %add3A_378 : i32 to index
          %swap3A_513 = arith.constant 64 : index
          %swap3A_514 = tpu.vector_load %swap3A_511[%swap3A_512, %swap3A_513] {strides = array<i32>} : memref<80x128xf32, #tpu.memory_space<vmem>>, vector<16xf32>,
          tpu.vector_store %swap3A_511[%swap3A_512, %swap3A_513], %max3A_507 {strides = array<i32>} : memref<80x128xf32, #tpu.memory_space<vmem>>, vector<16xf32>,
          %add3A_515 = arith.addf %get3A_495, %bitcast3A_503 : vector<16xf32>
          %max3A_516 = arith.constant 0.000000e+00 : f32
          %max3A_517 = vector.broadcast %max3A_516 : f32 to vector<16xf32>
          %max3A_518 = arith.maximumf %add3A_515, %max3A_517 : vector<16xf32>
          %swap3A_519 = arith.constant 0 : i32
          %swap3A_520 = arith.constant 0 : i32
          %swap3A_521 = tpu.memref_slice %arg11[%scan3A_353, %swap3A_519, %swap3A_520] : memref<2x80x128xf32, #tpu.memory_space<vmem>> -> memref<1x80x128xf32, #tpu.memory_space<vmem>>
          %swap3A_522 = tpu.memref_squeeze %swap3A_521 : memref<1x80x128xf32, #tpu.memory_space<vmem>> -> memref<80x128xf32, #tpu.memory_space<vmem>>
          %swap3A_523 = arith.index_cast %add3A_378 : i32 to index
          %swap3A_524 = arith.constant 80 : index
          %swap3A_525 = tpu.vector_load %swap3A_522[%swap3A_523, %swap3A_524] {strides = array<i32>} : memref<80x128xf32, #tpu.memory_space<vmem>>, vector<16xf32>,
          tpu.vector_store %swap3A_522[%swap3A_523, %swap3A_524], %max3A_518 {strides = array<i32>} : memref<80x128xf32, #tpu.memory_space<vmem>>, vector<16xf32>,
          %get3A_526 = arith.constant 0 : i32
          %get3A_527 = arith.constant 0 : i32
          %get3A_528 = tpu.memref_slice %arg12[%scan3A_352, %get3A_526, %get3A_527] : memref<2x80x64xi32, #tpu.memory_space<vmem>> -> memref<1x80x64xi32, #tpu.memory_space<vmem>>
          %get3A_529 = tpu.memref_squeeze %get3A_528 : memref<1x80x64xi32, #tpu.memory_space<vmem>> -> memref<80x64xi32, #tpu.memory_space<vmem>>
          %get3A_530 = arith.index_cast %add3A_378 : i32 to index
          %get3A_531 = arith.constant 48 : index
          %get3A_532 = tpu.vector_load %get3A_529[%get3A_530, %get3A_531] {strides = array<i32>} : memref<80x64xi32, #tpu.memory_space<vmem>>, vector<16xi32>,
          %get3A_533 = arith.constant 0 : i32
          %get3A_534 = arith.constant 0 : i32
          %get3A_535 = tpu.memref_slice %arg11[%scan3A_353, %get3A_533, %get3A_534] : memref<2x80x128xf32, #tpu.memory_space<vmem>> -> memref<1x80x128xf32, #tpu.memory_space<vmem>>
          %get3A_536 = tpu.memref_squeeze %get3A_535 : memref<1x80x128xf32, #tpu.memory_space<vmem>> -> memref<80x128xf32, #tpu.memory_space<vmem>>
          %get3A_537 = arith.index_cast %add3A_378 : i32 to index
          %get3A_538 = arith.constant 96 : index
          %get3A_539 = tpu.vector_load %get3A_536[%get3A_537, %get3A_538] {strides = array<i32>} : memref<80x128xf32, #tpu.memory_space<vmem>>, vector<16xf32>,
          %get3A_540 = arith.constant 0 : i32
          %get3A_541 = arith.constant 0 : i32
          %get3A_542 = tpu.memref_slice %arg11[%scan3A_353, %get3A_540, %get3A_541] : memref<2x80x128xf32, #tpu.memory_space<vmem>> -> memref<1x80x128xf32, #tpu.memory_space<vmem>>
          %get3A_543 = tpu.memref_squeeze %get3A_542 : memref<1x80x128xf32, #tpu.memory_space<vmem>> -> memref<80x128xf32, #tpu.memory_space<vmem>>
          %get3A_544 = arith.index_cast %add3A_378 : i32 to index
          %get3A_545 = arith.constant 112 : index
          %get3A_546 = tpu.vector_load %get3A_543[%get3A_544, %get3A_545] {strides = array<i32>} : memref<80x128xf32, #tpu.memory_space<vmem>>, vector<16xf32>,
          %shift_left3A_547 = arith.constant 16 : i32
          %shift_left3A_548 = vector.broadcast %shift_left3A_547 : i32 to vector<16xi32>
          %shift_left3A_549 = arith.shli %get3A_532, %shift_left3A_548 : vector<16xi32>
          %bitcast3A_550 = vector.bitcast %shift_left3A_549 : vector<16xi32> to vector<16xf32>
          %and3A_551 = arith.constant -65536 : i32
          %and3A_552 = vector.broadcast %and3A_551 : i32 to vector<16xi32>
          %and3A_553 = arith.andi %get3A_532, %and3A_552 : vector<16xi32>
          %bitcast3A_554 = vector.bitcast %and3A_553 : vector<16xi32> to vector<16xf32>
          %add3A_555 = arith.addf %get3A_539, %bitcast3A_550 : vector<16xf32>
          %max3A_556 = arith.constant 0.000000e+00 : f32
          %max3A_557 = vector.broadcast %max3A_556 : f32 to vector<16xf32>
          %max3A_558 = arith.maximumf %add3A_555, %max3A_557 : vector<16xf32>
          %swap3A_559 = arith.constant 0 : i32
          %swap3A_560 = arith.constant 0 : i32
          %swap3A_561 = tpu.memref_slice %arg11[%scan3A_353, %swap3A_559, %swap3A_560] : memref<2x80x128xf32, #tpu.memory_space<vmem>> -> memref<1x80x128xf32, #tpu.memory_space<vmem>>
          %swap3A_562 = tpu.memref_squeeze %swap3A_561 : memref<1x80x128xf32, #tpu.memory_space<vmem>> -> memref<80x128xf32, #tpu.memory_space<vmem>>
          %swap3A_563 = arith.index_cast %add3A_378 : i32 to index
          %swap3A_564 = arith.constant 96 : index
          %swap3A_565 = tpu.vector_load %swap3A_562[%swap3A_563, %swap3A_564] {strides = array<i32>} : memref<80x128xf32, #tpu.memory_space<vmem>>, vector<16xf32>,
          tpu.vector_store %swap3A_562[%swap3A_563, %swap3A_564], %max3A_558 {strides = array<i32>} : memref<80x128xf32, #tpu.memory_space<vmem>>, vector<16xf32>,
          %add3A_566 = arith.addf %get3A_546, %bitcast3A_554 : vector<16xf32>
          %max3A_567 = arith.constant 0.000000e+00 : f32
          %max3A_568 = vector.broadcast %max3A_567 : f32 to vector<16xf32>
          %max3A_569 = arith.maximumf %add3A_566, %max3A_568 : vector<16xf32>
          %swap3A_570 = arith.constant 0 : i32
          %swap3A_571 = arith.constant 0 : i32
          %swap3A_572 = tpu.memref_slice %arg11[%scan3A_353, %swap3A_570, %swap3A_571] : memref<2x80x128xf32, #tpu.memory_space<vmem>> -> memref<1x80x128xf32, #tpu.memory_space<vmem>>
          %swap3A_573 = tpu.memref_squeeze %swap3A_572 : memref<1x80x128xf32, #tpu.memory_space<vmem>> -> memref<80x128xf32, #tpu.memory_space<vmem>>
          %swap3A_574 = arith.index_cast %add3A_378 : i32 to index
          %swap3A_575 = arith.constant 112 : index
          %swap3A_576 = tpu.vector_load %swap3A_573[%swap3A_574, %swap3A_575] {strides = array<i32>} : memref<80x128xf32, #tpu.memory_space<vmem>>, vector<16xf32>,
          tpu.vector_store %swap3A_573[%swap3A_574, %swap3A_575], %max3A_569 {strides = array<i32>} : memref<80x128xf32, #tpu.memory_space<vmem>>, vector<16xf32>,
        }
        %scan3A_358 = arith.constant 80 : i32
        %run_scoped3A = arith.constant 1 : i32
        %run_scoped3A_359 = arith.constant 3 : i32
        "tpu.region"() ({
          %run_scoped3A_374 = tpu.sem_alloc : memref<!tpu.dma_semaphore, #tpu.memory_space<semaphore_mem>>
          %dma_start3A_375 = arith.constant 0 : i32
          %dma_start3A_376 = arith.constant 0 : i32
          %dma_start3A_377 = tpu.memref_slice %arg11[%run_scoped3A, %dma_start3A_375, %dma_start3A_376] : memref<2x80x128xf32, #tpu.memory_space<vmem>> -> memref<1x80x128xf32, #tpu.memory_space<vmem>>
          %dma_start3A_378 = tpu.memref_squeeze %dma_start3A_377 : memref<1x80x128xf32, #tpu.memory_space<vmem>> -> memref<80x128xf32, #tpu.memory_space<vmem>>
          %dma_start3A_379 = arith.constant 0 : i32
          %dma_start3A_380 = tpu.memref_slice %arg10[%run_scoped3A_359, %dma_start3A_379] : memref<4x80xi32, #tpu.memory_space<vmem>> -> memref<1x80xi32, #tpu.memory_space<vmem>>
          %dma_start3A_381 = tpu.memref_squeeze %dma_start3A_380 : memref<1x80xi32, #tpu.memory_space<vmem>> -> memref<80xi32, #tpu.memory_space<vmem>>
          %dma_start3A_382 = arith.constant 0 : i32
          %dma_start3A_383 = arith.constant 0 : i32
          %dma_start3A_384 = tpu.memref_slice %arg8[%dma_start3A_382, %dma_start3A_383] : memref<10240x128xf32, #tpu.memory_space<vmem_shared>> -> memref<10240x128xf32, #tpu.memory_space<vmem_shared>>
          tpu.enqueue_indirect_dma source(%dma_start3A_378 : memref<80x128xf32, #tpu.memory_space<vmem>>) target(%dma_start3A_384 : memref<10240x128xf32, #tpu.memory_space<vmem_shared>>) offsets(%dma_start3A_381 : memref<80xi32, #tpu.memory_space<vmem>>) semaphore(%run_scoped3A_374 : memref<!tpu.dma_semaphore, #tpu.memory_space<semaphore_mem>>) {add = true}
          %dma_wait3A_385 = arith.constant 0 : i32
          %dma_wait3A_386 = arith.constant 0 : i32
          %dma_wait3A_387 = tpu.memref_slice %arg11[%run_scoped3A, %dma_wait3A_385, %dma_wait3A_386] : memref<2x80x128xf32, #tpu.memory_space<vmem>> -> memref<1x80x128xf32, #tpu.memory_space<vmem>>
          %dma_wait3A_388 = tpu.memref_squeeze %dma_wait3A_387 : memref<1x80x128xf32, #tpu.memory_space<vmem>> -> memref<80x128xf32, #tpu.memory_space<vmem>>
          %dma_wait3A_389 = arith.constant 0 : i32
          %dma_wait3A_390 = tpu.memref_slice %arg10[%run_scoped3A_359, %dma_wait3A_389] : memref<4x80xi32, #tpu.memory_space<vmem>> -> memref<1x80xi32, #tpu.memory_space<vmem>>
          %dma_wait3A_391 = tpu.memref_squeeze %dma_wait3A_390 : memref<1x80xi32, #tpu.memory_space<vmem>> -> memref<80xi32, #tpu.memory_space<vmem>>
          %dma_wait3A_392 = arith.constant 0 : i32
          %dma_wait3A_393 = arith.constant 0 : i32
          %dma_wait3A_394 = tpu.memref_slice %arg8[%dma_wait3A_392, %dma_wait3A_393] : memref<10240x128xf32, #tpu.memory_space<vmem_shared>> -> memref<10240x128xf32, #tpu.memory_space<vmem_shared>>
          tpu.wait_indirect_dma semaphore(%run_scoped3A_374 : memref<!tpu.dma_semaphore, #tpu.memory_space<semaphore_mem>>) src(%dma_wait3A_388 : memref<80x128xf32, #tpu.memory_space<vmem>>) dst(%dma_wait3A_394 : memref<10240x128xf32, #tpu.memory_space<vmem_shared>>)
          tpu.yield
        }) : () -> ()
        %add3A_360 = arith.constant 4 : i32
        %add3A_361 = arith.addi %add3A_310, %add3A_360 : i32
        %lt3A_362 = arith.constant 125 : i32
        %lt3A_363 = arith.cmpi slt, %add3A_361, %lt3A_362 : i32
        %convert_element_type3A_364 = arith.extui %lt3A_363 : i1 to i32
        %cond3A_365 = arith.constant 0 : i32
        %cond3A_366 = arith.cmpi ne, %convert_element_type3A_364, %cond3A_365 : i32
        scf.if %cond3A_366 {
          %add3A_374 = arith.constant 4 : i32
          %add3A_375 = arith.addi %add3A_310, %add3A_374 : i32
          %dma_start3A_376 = arith.constant 3 : i32
          %dma_start3A_377 = arith.constant 3 : i32
          %dma_start3A_378 = arith.constant 0 : i32
          %dma_start3A_379 = tpu.memref_slice %arg9[%dma_start3A_376, %dma_start3A_378] : memref<4x80xi32, #tpu.memory_space<vmem>> -> memref<1x80xi32, #tpu.memory_space<vmem>>
          %dma_start3A_380 = tpu.memref_squeeze %dma_start3A_379 : memref<1x80xi32, #tpu.memory_space<vmem>> -> memref<80xi32, #tpu.memory_space<vmem>>
          %dma_start3A_381 = arith.constant 0 : i32
          %dma_start3A_382 = tpu.memref_slice %arg2[%add3A, %add3A_375, %dma_start3A_381] : memref<32x125x80xi32, #tpu.memory_space<hbm>> -> memref<1x1x80xi32, #tpu.memory_space<hbm>>
          %dma_start3A_383 = tpu.memref_squeeze %dma_start3A_382 : memref<1x1x80xi32, #tpu.memory_space<hbm>> -> memref<80xi32, #tpu.memory_space<hbm>>
          %dma_start3A_384 = tpu.memref_slice %arg15[%dma_start3A_377] : memref<4x!tpu.dma_semaphore, #tpu.memory_space<semaphore_mem>> -> memref<1x!tpu.dma_semaphore, #tpu.memory_space<semaphore_mem>>
          %dma_start3A_385 = tpu.memref_squeeze %dma_start3A_384 : memref<1x!tpu.dma_semaphore, #tpu.memory_space<semaphore_mem>> -> memref<!tpu.dma_semaphore, #tpu.memory_space<semaphore_mem>>
          %dma_start3A_386 = arith.constant 0 : i32
          %dma_start3A_387 = tpu.memref_slice %arg9[%dma_start3A_376, %dma_start3A_386] : memref<4x80xi32, #tpu.memory_space<vmem>> -> memref<1x80xi32, #tpu.memory_space<vmem>>
          %dma_start3A_388 = tpu.memref_squeeze %dma_start3A_387 : memref<1x80xi32, #tpu.memory_space<vmem>> -> memref<80xi32, #tpu.memory_space<vmem>>
          %dma_start3A_389 = arith.constant 0 : i32
          %dma_start3A_390 = tpu.memref_slice %arg2[%add3A, %add3A_375, %dma_start3A_389] : memref<32x125x80xi32, #tpu.memory_space<hbm>> -> memref<1x1x80xi32, #tpu.memory_space<hbm>>
          %dma_start3A_391 = tpu.memref_squeeze %dma_start3A_390 : memref<1x1x80xi32, #tpu.memory_space<hbm>> -> memref<80xi32, #tpu.memory_space<hbm>>
          tpu.enqueue_dma source(%dma_start3A_391 : memref<80xi32, #tpu.memory_space<hbm>>) target(%dma_start3A_388 : memref<80xi32, #tpu.memory_space<vmem>>) target_semaphore(%dma_start3A_385 : memref<!tpu.dma_semaphore, #tpu.memory_space<semaphore_mem>>)
          %dma_start3A_392 = arith.constant 3 : i32
          %dma_start3A_393 = arith.constant 3 : i32
          %dma_start3A_394 = arith.constant 0 : i32
          %dma_start3A_395 = tpu.memref_slice %arg10[%dma_start3A_392, %dma_start3A_394] : memref<4x80xi32, #tpu.memory_space<vmem>> -> memref<1x80xi32, #tpu.memory_space<vmem>>
          %dma_start3A_396 = tpu.memref_squeeze %dma_start3A_395 : memref<1x80xi32, #tpu.memory_space<vmem>> -> memref<80xi32, #tpu.memory_space<vmem>>
          %dma_start3A_397 = arith.constant 0 : i32
          %dma_start3A_398 = tpu.memref_slice %arg3[%add3A, %add3A_375, %dma_start3A_397] : memref<32x125x80xi32, #tpu.memory_space<hbm>> -> memref<1x1x80xi32, #tpu.memory_space<hbm>>
          %dma_start3A_399 = tpu.memref_squeeze %dma_start3A_398 : memref<1x1x80xi32, #tpu.memory_space<hbm>> -> memref<80xi32, #tpu.memory_space<hbm>>
          %dma_start3A_400 = tpu.memref_slice %arg16[%dma_start3A_393] : memref<4x!tpu.dma_semaphore, #tpu.memory_space<semaphore_mem>> -> memref<1x!tpu.dma_semaphore, #tpu.memory_space<semaphore_mem>>
          %dma_start3A_401 = tpu.memref_squeeze %dma_start3A_400 : memref<1x!tpu.dma_semaphore, #tpu.memory_space<semaphore_mem>> -> memref<!tpu.dma_semaphore, #tpu.memory_space<semaphore_mem>>
          %dma_start3A_402 = arith.constant 0 : i32
          %dma_start3A_403 = tpu.memref_slice %arg10[%dma_start3A_392, %dma_start3A_402] : memref<4x80xi32, #tpu.memory_space<vmem>> -> memref<1x80xi32, #tpu.memory_space<vmem>>
          %dma_start3A_404 = tpu.memref_squeeze %dma_start3A_403 : memref<1x80xi32, #tpu.memory_space<vmem>> -> memref<80xi32, #tpu.memory_space<vmem>>
          %dma_start3A_405 = arith.constant 0 : i32
          %dma_start3A_406 = tpu.memref_slice %arg3[%add3A, %add3A_375, %dma_start3A_405] : memref<32x125x80xi32, #tpu.memory_space<hbm>> -> memref<1x1x80xi32, #tpu.memory_space<hbm>>
          %dma_start3A_407 = tpu.memref_squeeze %dma_start3A_406 : memref<1x1x80xi32, #tpu.memory_space<hbm>> -> memref<80xi32, #tpu.memory_space<hbm>>
          tpu.enqueue_dma source(%dma_start3A_407 : memref<80xi32, #tpu.memory_space<hbm>>) target(%dma_start3A_404 : memref<80xi32, #tpu.memory_space<vmem>>) target_semaphore(%dma_start3A_401 : memref<!tpu.dma_semaphore, #tpu.memory_space<semaphore_mem>>)
        } else {
        }
        %add3A_367 = arith.constant 2 : i32
        %add3A_368 = arith.addi %add3A_310, %add3A_367 : i32
        %lt3A_369 = arith.constant 125 : i32
        %lt3A_370 = arith.cmpi slt, %add3A_368, %lt3A_369 : i32
        %convert_element_type3A_371 = arith.extui %lt3A_370 : i1 to i32
        %cond3A_372 = arith.constant 0 : i32
        %cond3A_373 = arith.cmpi ne, %convert_element_type3A_371, %cond3A_372 : i32
        scf.if %cond3A_373 {
          %dma_wait3A_374 = arith.constant 0 : i32
          %dma_wait3A_375 = arith.constant 1 : i32
          %dma_wait3A_376 = arith.constant 1 : i32
          %dma_wait3A_377 = arith.constant 0 : i32
          %dma_wait3A_378 = tpu.memref_slice %arg9[%dma_wait3A_375, %dma_wait3A_377] : memref<4x80xi32, #tpu.memory_space<vmem>> -> memref<1x80xi32, #tpu.memory_space<vmem>>
          %dma_wait3A_379 = tpu.memref_squeeze %dma_wait3A_378 : memref<1x80xi32, #tpu.memory_space<vmem>> -> memref<80xi32, #tpu.memory_space<vmem>>
          %dma_wait3A_380 = arith.constant 0 : i32
          %dma_wait3A_381 = tpu.memref_slice %arg2[%add3A, %dma_wait3A_374, %dma_wait3A_380] : memref<32x125x80xi32, #tpu.memory_space<hbm>> -> memref<1x1x80xi32, #tpu.memory_space<hbm>>
          %dma_wait3A_382 = tpu.memref_squeeze %dma_wait3A_381 : memref<1x1x80xi32, #tpu.memory_space<hbm>> -> memref<80xi32, #tpu.memory_space<hbm>>
          %dma_wait3A_383 = tpu.memref_slice %arg15[%dma_wait3A_376] : memref<4x!tpu.dma_semaphore, #tpu.memory_space<semaphore_mem>> -> memref<1x!tpu.dma_semaphore, #tpu.memory_space<semaphore_mem>>
          %dma_wait3A_384 = tpu.memref_squeeze %dma_wait3A_383 : memref<1x!tpu.dma_semaphore, #tpu.memory_space<semaphore_mem>> -> memref<!tpu.dma_semaphore, #tpu.memory_space<semaphore_mem>>
          %dma_wait3A_385 = arith.constant 0 : i32
          %dma_wait3A_386 = tpu.memref_slice %arg9[%dma_wait3A_375, %dma_wait3A_385] : memref<4x80xi32, #tpu.memory_space<vmem>> -> memref<1x80xi32, #tpu.memory_space<vmem>>
          %dma_wait3A_387 = tpu.memref_squeeze %dma_wait3A_386 : memref<1x80xi32, #tpu.memory_space<vmem>> -> memref<80xi32, #tpu.memory_space<vmem>>
          %dma_wait3A_388 = arith.constant 0 : i32
          %dma_wait3A_389 = tpu.memref_slice %arg2[%add3A, %dma_wait3A_374, %dma_wait3A_388] : memref<32x125x80xi32, #tpu.memory_space<hbm>> -> memref<1x1x80xi32, #tpu.memory_space<hbm>>
          %dma_wait3A_390 = tpu.memref_squeeze %dma_wait3A_389 : memref<1x1x80xi32, #tpu.memory_space<hbm>> -> memref<80xi32, #tpu.memory_space<hbm>>
          tpu.wait_dma2 semaphore(%dma_wait3A_384 : memref<!tpu.dma_semaphore, #tpu.memory_space<semaphore_mem>>) src(%dma_wait3A_390 : memref<80xi32, #tpu.memory_space<hbm>>) dst(%dma_wait3A_387 : memref<80xi32, #tpu.memory_space<vmem>>)
          %dma_wait3A_391 = arith.constant 0 : i32
          %dma_wait3A_392 = arith.constant 1 : i32
          %dma_wait3A_393 = arith.constant 1 : i32
          %dma_wait3A_394 = arith.constant 0 : i32
          %dma_wait3A_395 = tpu.memref_slice %arg10[%dma_wait3A_392, %dma_wait3A_394] : memref<4x80xi32, #tpu.memory_space<vmem>> -> memref<1x80xi32, #tpu.memory_space<vmem>>
          %dma_wait3A_396 = tpu.memref_squeeze %dma_wait3A_395 : memref<1x80xi32, #tpu.memory_space<vmem>> -> memref<80xi32, #tpu.memory_space<vmem>>
          %dma_wait3A_397 = arith.constant 0 : i32
          %dma_wait3A_398 = tpu.memref_slice %arg3[%add3A, %dma_wait3A_391, %dma_wait3A_397] : memref<32x125x80xi32, #tpu.memory_space<hbm>> -> memref<1x1x80xi32, #tpu.memory_space<hbm>>
          %dma_wait3A_399 = tpu.memref_squeeze %dma_wait3A_398 : memref<1x1x80xi32, #tpu.memory_space<hbm>> -> memref<80xi32, #tpu.memory_space<hbm>>
          %dma_wait3A_400 = tpu.memref_slice %arg16[%dma_wait3A_393] : memref<4x!tpu.dma_semaphore, #tpu.memory_space<semaphore_mem>> -> memref<1x!tpu.dma_semaphore, #tpu.memory_space<semaphore_mem>>
          %dma_wait3A_401 = tpu.memref_squeeze %dma_wait3A_400 : memref<1x!tpu.dma_semaphore, #tpu.memory_space<semaphore_mem>> -> memref<!tpu.dma_semaphore, #tpu.memory_space<semaphore_mem>>
          %dma_wait3A_402 = arith.constant 0 : i32
          %dma_wait3A_403 = tpu.memref_slice %arg10[%dma_wait3A_392, %dma_wait3A_402] : memref<4x80xi32, #tpu.memory_space<vmem>> -> memref<1x80xi32, #tpu.memory_space<vmem>>
          %dma_wait3A_404 = tpu.memref_squeeze %dma_wait3A_403 : memref<1x80xi32, #tpu.memory_space<vmem>> -> memref<80xi32, #tpu.memory_space<vmem>>
          %dma_wait3A_405 = arith.constant 0 : i32
          %dma_wait3A_406 = tpu.memref_slice %arg3[%add3A, %dma_wait3A_391, %dma_wait3A_405] : memref<32x125x80xi32, #tpu.memory_space<hbm>> -> memref<1x1x80xi32, #tpu.memory_space<hbm>>
          %dma_wait3A_407 = tpu.memref_squeeze %dma_wait3A_406 : memref<1x1x80xi32, #tpu.memory_space<hbm>> -> memref<80xi32, #tpu.memory_space<hbm>>
          tpu.wait_dma2 semaphore(%dma_wait3A_401 : memref<!tpu.dma_semaphore, #tpu.memory_space<semaphore_mem>>) src(%dma_wait3A_407 : memref<80xi32, #tpu.memory_space<hbm>>) dst(%dma_wait3A_404 : memref<80xi32, #tpu.memory_space<vmem>>)
          %add3A_408 = arith.constant 2 : i32
          %add3A_409 = arith.addi %add3A_310, %add3A_408 : i32
          %dma_start3A_410 = arith.constant 1 : i32
          %dma_start3A_411 = arith.constant 1 : i32
          %dma_start3A_412 = arith.constant 1 : i32
          %dma_start3A_413 = arith.constant 0 : i32
          %dma_start3A_414 = arith.constant 0 : i32
          %dma_start3A_415 = tpu.memref_slice %arg11[%dma_start3A_411, %dma_start3A_413, %dma_start3A_414] : memref<2x80x128xf32, #tpu.memory_space<vmem>> -> memref<1x80x128xf32, #tpu.memory_space<vmem>>
          %dma_start3A_416 = tpu.memref_squeeze %dma_start3A_415 : memref<1x80x128xf32, #tpu.memory_space<vmem>> -> memref<80x128xf32, #tpu.memory_space<vmem>>
          %dma_start3A_417 = arith.constant 0 : i32
          %dma_start3A_418 = tpu.memref_slice %arg9[%dma_start3A_410, %dma_start3A_417] : memref<4x80xi32, #tpu.memory_space<vmem>> -> memref<1x80xi32, #tpu.memory_space<vmem>>
          %dma_start3A_419 = tpu.memref_squeeze %dma_start3A_418 : memref<1x80xi32, #tpu.memory_space<vmem>> -> memref<80xi32, #tpu.memory_space<vmem>>
          %dma_start3A_420 = arith.constant 0 : i32
          %dma_start3A_421 = arith.constant 0 : i32
          %dma_start3A_422 = tpu.memref_slice %arg5[%dma_start3A_420, %dma_start3A_421] : memref<10000x128xf32, #tpu.memory_space<hbm>> -> memref<10000x128xf32, #tpu.memory_space<hbm>>
          %dma_start3A_423 = tpu.memref_slice %arg13[%dma_start3A_412] : memref<2x!tpu.dma_semaphore, #tpu.memory_space<semaphore_mem>> -> memref<1x!tpu.dma_semaphore, #tpu.memory_space<semaphore_mem>>
          %dma_start3A_424 = tpu.memref_squeeze %dma_start3A_423 : memref<1x!tpu.dma_semaphore, #tpu.memory_space<semaphore_mem>> -> memref<!tpu.dma_semaphore, #tpu.memory_space<semaphore_mem>>
          tpu.enqueue_indirect_dma source(%dma_start3A_422 : memref<10000x128xf32, #tpu.memory_space<hbm>>) target(%dma_start3A_416 : memref<80x128xf32, #tpu.memory_space<vmem>>) offsets(%dma_start3A_419 : memref<80xi32, #tpu.memory_space<vmem>>) semaphore(%dma_start3A_424 : memref<!tpu.dma_semaphore, #tpu.memory_space<semaphore_mem>>)
          %mul3A_425 = arith.constant 80 : i32
          %mul3A_426 = arith.muli %add3A_409, %mul3A_425 : i32
          %add3A_427 = arith.addi %mul3A_4, %mul3A_426 : i32
          %dma_start3A_428 = arith.constant 1 : i32
          %dma_start3A_429 = arith.constant 1 : i32
          %dma_start3A_430 = arith.constant 0 : i32
          %dma_start3A_431 = arith.constant 0 : i32
          %dma_start3A_432 = tpu.memref_slice %arg12[%dma_start3A_428, %dma_start3A_430, %dma_start3A_431] : memref<2x80x64xi32, #tpu.memory_space<vmem>> -> memref<1x80x64xi32, #tpu.memory_space<vmem>>
          %dma_start3A_433 = tpu.memref_squeeze %dma_start3A_432 : memref<1x80x64xi32, #tpu.memory_space<vmem>> -> memref<80x64xi32, #tpu.memory_space<vmem>>
          %dma_start3A_434 = arith.constant 0 : i32
          %dma_start3A_435 = tpu.memref_slice %arg4[%add3A_427, %dma_start3A_434] : memref<320000x64xi32, #tpu.memory_space<hbm>> -> memref<80x64xi32, #tpu.memory_space<hbm>>
          %dma_start3A_436 = tpu.memref_slice %arg14[%dma_start3A_429] : memref<2x!tpu.dma_semaphore, #tpu.memory_space<semaphore_mem>> -> memref<1x!tpu.dma_semaphore, #tpu.memory_space<semaphore_mem>>
          %dma_start3A_437 = tpu.memref_squeeze %dma_start3A_436 : memref<1x!tpu.dma_semaphore, #tpu.memory_space<semaphore_mem>> -> memref<!tpu.dma_semaphore, #tpu.memory_space<semaphore_mem>>
          %dma_start3A_438 = arith.constant 0 : i32
          %dma_start3A_439 = arith.constant 0 : i32
          %dma_start3A_440 = tpu.memref_slice %arg12[%dma_start3A_428, %dma_start3A_438, %dma_start3A_439] : memref<2x80x64xi32, #tpu.memory_space<vmem>> -> memref<1x80x64xi32, #tpu.memory_space<vmem>>
          %dma_start3A_441 = tpu.memref_squeeze %dma_start3A_440 : memref<1x80x64xi32, #tpu.memory_space<vmem>> -> memref<80x64xi32, #tpu.memory_space<vmem>>
          %dma_start3A_442 = arith.constant 0 : i32
          %dma_start3A_443 = tpu.memref_slice %arg4[%add3A_427, %dma_start3A_442] : memref<320000x64xi32, #tpu.memory_space<hbm>> -> memref<80x64xi32, #tpu.memory_space<hbm>>
          tpu.enqueue_dma source(%dma_start3A_443 : memref<80x64xi32, #tpu.memory_space<hbm>>) target(%dma_start3A_441 : memref<80x64xi32, #tpu.memory_space<vmem>>) target_semaphore(%dma_start3A_437 : memref<!tpu.dma_semaphore, #tpu.memory_space<semaphore_mem>>)
        } else {
        }
      } else {
      }
    }
    %scan3A_284 = arith.constant 32 : i32
    %barrier3A_285 = arith.constant 0 : index
    tpu.barrier barrier_id(%barrier3A_285)
    "tpu.region"() ({
      %run_scoped3A = tpu.sem_alloc : memref<!tpu.dma_semaphore, #tpu.memory_space<semaphore_mem>>
      %dma_start3A_286 = arith.constant 0 : i32
      %dma_start3A_287 = tpu.memref_slice %arg7[%arg0, %mul3A_2, %dma_start3A_286] : memref<2x10240x128xf32, #tpu.memory_space<hbm>> -> memref<1x640x128xf32, #tpu.memory_space<hbm>>
      %dma_start3A_288 = tpu.memref_squeeze %dma_start3A_287 : memref<1x640x128xf32, #tpu.memory_space<hbm>> -> memref<640x128xf32, #tpu.memory_space<hbm>>
      %dma_start3A_289 = arith.constant 0 : i32
      %dma_start3A_290 = tpu.memref_slice %arg8[%mul3A_2, %dma_start3A_289] : memref<10240x128xf32, #tpu.memory_space<vmem_shared>> -> memref<640x128xf32, #tpu.memory_space<vmem_shared>>
      tpu.enqueue_dma source(%dma_start3A_290 : memref<640x128xf32, #tpu.memory_space<vmem_shared>>) target(%dma_start3A_288 : memref<640x128xf32, #tpu.memory_space<hbm>>) target_semaphore(%run_scoped3A : memref<!tpu.dma_semaphore, #tpu.memory_space<semaphore_mem>>)
      %dma_wait3A_291 = arith.constant 0 : i32
      %dma_wait3A_292 = tpu.memref_slice %arg7[%arg0, %mul3A_2, %dma_wait3A_291] : memref<2x10240x128xf32, #tpu.memory_space<hbm>> -> memref<1x640x128xf32, #tpu.memory_space<hbm>>
      %dma_wait3A_293 = tpu.memref_squeeze %dma_wait3A_292 : memref<1x640x128xf32, #tpu.memory_space<hbm>> -> memref<640x128xf32, #tpu.memory_space<hbm>>
      %dma_wait3A_294 = arith.constant 0 : i32
      %dma_wait3A_295 = tpu.memref_slice %arg8[%mul3A_2, %dma_wait3A_294] : memref<10240x128xf32, #tpu.memory_space<vmem_shared>> -> memref<640x128xf32, #tpu.memory_space<vmem_shared>>
      tpu.wait_dma2 semaphore(%run_scoped3A : memref<!tpu.dma_semaphore, #tpu.memory_space<semaphore_mem>>) src(%dma_wait3A_295 : memref<640x128xf32, #tpu.memory_space<vmem_shared>>) dst(%dma_wait3A_293 : memref<640x128xf32, #tpu.memory_space<hbm>>)
      tpu.yield
    }) : () -> ()
    return
  }
}

module attributes {stable_mosaic.version = 14 : i64} {
  func.func @_edge_mm_body(%arg0: i32, %arg1: memref<2560x128xf32, #tpu.memory_space<vmem>>, %arg2: memref<128x128xf32, #tpu.memory_space<vmem>>, %arg3: memref<1x128xf32, #tpu.memory_space<vmem>>, %arg4: memref<128x128xf32, #tpu.memory_space<vmem>>, %arg5: memref<1x128xf32, #tpu.memory_space<vmem>>, %arg6: memref<2560x64xi32, #tpu.memory_space<vmem>>, %arg7: memref<2560x64xi32, #tpu.memory_space<vmem>>) attributes {dimension_semantics = [#tpu.dimension_semantics<arbitrary>], iteration_bounds = array<i64: 125>, scalar_prefetch = 0 : i64, scratch_operands = 0 : i64, tpu.core_type = #tpu.core_type<tc>, window_params = [{transform_indices = @transform_0, window_bounds = array<i64: 2560, 128>}, {pipeline_mode = #tpu.pipeline_mode<synchronous>, transform_indices = @transform_1, window_bounds = array<i64: 128, 128>}, {pipeline_mode = #tpu.pipeline_mode<synchronous>, transform_indices = @transform_2, window_bounds = array<i64: 1, 128>}, {pipeline_mode = #tpu.pipeline_mode<synchronous>, transform_indices = @transform_3, window_bounds = array<i64: 128, 128>}, {pipeline_mode = #tpu.pipeline_mode<synchronous>, transform_indices = @transform_4, window_bounds = array<i64: 1, 128>}, {transform_indices = @transform_5, window_bounds = array<i64: 2560, 64>}, {transform_indices = @transform_6, window_bounds = array<i64: 2560, 64>}]} {
    %get3A = arith.constant 0 : index
    %get3A_0 = arith.constant 0 : index
    %get3A_1 = vector.load %arg1[%get3A, %get3A_0] : memref<2560x128xf32, #tpu.memory_space<vmem>>, vector<2560x128xf32>
    %get3A_2 = arith.constant 0 : index
    %get3A_3 = arith.constant 0 : index
    %get3A_4 = vector.load %arg2[%get3A_2, %get3A_3] : memref<128x128xf32, #tpu.memory_space<vmem>>, vector<128x128xf32>
    %dot_general3A = arith.constant dense<0.000000e+00> : vector<2560x128xf32>
    %dot_general3A_5 = tpu.matmul %get3A_1, %get3A_4, %dot_general3A {dimension_numbers = #tpu.dot_dimension_numbers<[1], [0], [0], [1], [0, 0, 1, 1], [], []>, transpose_lhs_hint = false} : vector<2560x128xf32>, vector<128x128xf32>, vector<2560x128xf32> -> vector<2560x128xf32>
    %get3A_6 = arith.constant 0 : index
    %get3A_7 = arith.constant 0 : index
    %get3A_8 = vector.load %arg3[%get3A_6, %get3A_7] : memref<1x128xf32, #tpu.memory_space<vmem>>, vector<1x128xf32>
    %add3A = vector.broadcast %get3A_8 : vector<1x128xf32> to vector<2560x128xf32>
    %add3A_9 = arith.addf %dot_general3A_5, %add3A : vector<2560x128xf32>
    %slice3A = vector.extract_strided_slice %add3A_9 {offsets = [0, 0], sizes = [2560, 64], strides = [1, 1]} : vector<2560x128xf32> to vector<2560x64xf32>
    %bitcast_convert_type3A = tpu.bitcast %slice3A : vector<2560x64xf32> -> vector<2560x64xi32>
    %slice3A_10 = vector.extract_strided_slice %add3A_9 {offsets = [0, 64], sizes = [2560, 64], strides = [1, 1]} : vector<2560x128xf32> to vector<2560x64xf32>
    %bitcast_convert_type3A_11 = tpu.bitcast %slice3A_10 : vector<2560x64xf32> -> vector<2560x64xi32>
    %add3A_12 = arith.constant 32767 : i32
    %add3A_13 = vector.broadcast %add3A_12 : i32 to vector<2560x64xi32>
    %add3A_14 = arith.addi %bitcast_convert_type3A, %add3A_13 : vector<2560x64xi32>
    %shift_right_arithmetic3A = arith.constant 16 : i32
    %shift_right_arithmetic3A_15 = vector.broadcast %shift_right_arithmetic3A : i32 to vector<2560x64xi32>
    %shift_right_arithmetic3A_16 = arith.shrsi %bitcast_convert_type3A, %shift_right_arithmetic3A_15 : vector<2560x64xi32>
    %and3A = arith.constant 1 : i32
    %and3A_17 = vector.broadcast %and3A : i32 to vector<2560x64xi32>
    %and3A_18 = arith.andi %shift_right_arithmetic3A_16, %and3A_17 : vector<2560x64xi32>
    %add3A_19 = arith.addi %add3A_14, %and3A_18 : vector<2560x64xi32>
    %add3A_20 = arith.constant 32767 : i32
    %add3A_21 = vector.broadcast %add3A_20 : i32 to vector<2560x64xi32>
    %add3A_22 = arith.addi %bitcast_convert_type3A_11, %add3A_21 : vector<2560x64xi32>
    %shift_right_arithmetic3A_23 = arith.constant 16 : i32
    %shift_right_arithmetic3A_24 = vector.broadcast %shift_right_arithmetic3A_23 : i32 to vector<2560x64xi32>
    %shift_right_arithmetic3A_25 = arith.shrsi %bitcast_convert_type3A_11, %shift_right_arithmetic3A_24 : vector<2560x64xi32>
    %and3A_26 = arith.constant 1 : i32
    %and3A_27 = vector.broadcast %and3A_26 : i32 to vector<2560x64xi32>
    %and3A_28 = arith.andi %shift_right_arithmetic3A_25, %and3A_27 : vector<2560x64xi32>
    %add3A_29 = arith.addi %add3A_22, %and3A_28 : vector<2560x64xi32>
    %shift_right_arithmetic3A_30 = arith.constant 16 : i32
    %shift_right_arithmetic3A_31 = vector.broadcast %shift_right_arithmetic3A_30 : i32 to vector<2560x64xi32>
    %shift_right_arithmetic3A_32 = arith.shrsi %add3A_19, %shift_right_arithmetic3A_31 : vector<2560x64xi32>
    %and3A_33 = arith.constant 65535 : i32
    %and3A_34 = vector.broadcast %and3A_33 : i32 to vector<2560x64xi32>
    %and3A_35 = arith.andi %shift_right_arithmetic3A_32, %and3A_34 : vector<2560x64xi32>
    %and3A_36 = arith.constant -65536 : i32
    %and3A_37 = vector.broadcast %and3A_36 : i32 to vector<2560x64xi32>
    %and3A_38 = arith.andi %add3A_29, %and3A_37 : vector<2560x64xi32>
    %or3A = arith.ori %and3A_35, %and3A_38 : vector<2560x64xi32>
    %swap3A = arith.constant 0 : index
    %swap3A_39 = arith.constant 0 : index
    %swap3A_40 = vector.load %arg6[%swap3A, %swap3A_39] : memref<2560x64xi32, #tpu.memory_space<vmem>>, vector<2560x64xi32>
    tpu.vector_store %arg6[%swap3A, %swap3A_39], %or3A {strides = array<i32>} : memref<2560x64xi32, #tpu.memory_space<vmem>>, vector<2560x64xi32>,
    %get3A_41 = arith.constant 0 : index
    %get3A_42 = arith.constant 0 : index
    %get3A_43 = vector.load %arg4[%get3A_41, %get3A_42] : memref<128x128xf32, #tpu.memory_space<vmem>>, vector<128x128xf32>
    %dot_general3A_44 = arith.constant dense<0.000000e+00> : vector<2560x128xf32>
    %dot_general3A_45 = tpu.matmul %get3A_1, %get3A_43, %dot_general3A_44 {dimension_numbers = #tpu.dot_dimension_numbers<[1], [0], [0], [1], [0, 0, 1, 1], [], []>, transpose_lhs_hint = false} : vector<2560x128xf32>, vector<128x128xf32>, vector<2560x128xf32> -> vector<2560x128xf32>
    %get3A_46 = arith.constant 0 : index
    %get3A_47 = arith.constant 0 : index
    %get3A_48 = vector.load %arg5[%get3A_46, %get3A_47] : memref<1x128xf32, #tpu.memory_space<vmem>>, vector<1x128xf32>
    %add3A_49 = vector.broadcast %get3A_48 : vector<1x128xf32> to vector<2560x128xf32>
    %add3A_50 = arith.addf %dot_general3A_45, %add3A_49 : vector<2560x128xf32>
    %slice3A_51 = vector.extract_strided_slice %add3A_50 {offsets = [0, 0], sizes = [2560, 64], strides = [1, 1]} : vector<2560x128xf32> to vector<2560x64xf32>
    %bitcast_convert_type3A_52 = tpu.bitcast %slice3A_51 : vector<2560x64xf32> -> vector<2560x64xi32>
    %slice3A_53 = vector.extract_strided_slice %add3A_50 {offsets = [0, 64], sizes = [2560, 64], strides = [1, 1]} : vector<2560x128xf32> to vector<2560x64xf32>
    %bitcast_convert_type3A_54 = tpu.bitcast %slice3A_53 : vector<2560x64xf32> -> vector<2560x64xi32>
    %add3A_55 = arith.constant 32767 : i32
    %add3A_56 = vector.broadcast %add3A_55 : i32 to vector<2560x64xi32>
    %add3A_57 = arith.addi %bitcast_convert_type3A_52, %add3A_56 : vector<2560x64xi32>
    %shift_right_arithmetic3A_58 = arith.constant 16 : i32
    %shift_right_arithmetic3A_59 = vector.broadcast %shift_right_arithmetic3A_58 : i32 to vector<2560x64xi32>
    %shift_right_arithmetic3A_60 = arith.shrsi %bitcast_convert_type3A_52, %shift_right_arithmetic3A_59 : vector<2560x64xi32>
    %and3A_61 = arith.constant 1 : i32
    %and3A_62 = vector.broadcast %and3A_61 : i32 to vector<2560x64xi32>
    %and3A_63 = arith.andi %shift_right_arithmetic3A_60, %and3A_62 : vector<2560x64xi32>
    %add3A_64 = arith.addi %add3A_57, %and3A_63 : vector<2560x64xi32>
    %add3A_65 = arith.constant 32767 : i32
    %add3A_66 = vector.broadcast %add3A_65 : i32 to vector<2560x64xi32>
    %add3A_67 = arith.addi %bitcast_convert_type3A_54, %add3A_66 : vector<2560x64xi32>
    %shift_right_arithmetic3A_68 = arith.constant 16 : i32
    %shift_right_arithmetic3A_69 = vector.broadcast %shift_right_arithmetic3A_68 : i32 to vector<2560x64xi32>
    %shift_right_arithmetic3A_70 = arith.shrsi %bitcast_convert_type3A_54, %shift_right_arithmetic3A_69 : vector<2560x64xi32>
    %and3A_71 = arith.constant 1 : i32
    %and3A_72 = vector.broadcast %and3A_71 : i32 to vector<2560x64xi32>
    %and3A_73 = arith.andi %shift_right_arithmetic3A_70, %and3A_72 : vector<2560x64xi32>
    %add3A_74 = arith.addi %add3A_67, %and3A_73 : vector<2560x64xi32>
    %shift_right_arithmetic3A_75 = arith.constant 16 : i32
    %shift_right_arithmetic3A_76 = vector.broadcast %shift_right_arithmetic3A_75 : i32 to vector<2560x64xi32>
    %shift_right_arithmetic3A_77 = arith.shrsi %add3A_64, %shift_right_arithmetic3A_76 : vector<2560x64xi32>
    %and3A_78 = arith.constant 65535 : i32
    %and3A_79 = vector.broadcast %and3A_78 : i32 to vector<2560x64xi32>
    %and3A_80 = arith.andi %shift_right_arithmetic3A_77, %and3A_79 : vector<2560x64xi32>
    %and3A_81 = arith.constant -65536 : i32
    %and3A_82 = vector.broadcast %and3A_81 : i32 to vector<2560x64xi32>
    %and3A_83 = arith.andi %add3A_74, %and3A_82 : vector<2560x64xi32>
    %or3A_84 = arith.ori %and3A_80, %and3A_83 : vector<2560x64xi32>
    %swap3A_85 = arith.constant 0 : index
    %swap3A_86 = arith.constant 0 : index
    %swap3A_87 = vector.load %arg7[%swap3A_85, %swap3A_86] : memref<2560x64xi32, #tpu.memory_space<vmem>>, vector<2560x64xi32>
    tpu.vector_store %arg7[%swap3A_85, %swap3A_86], %or3A_84 {strides = array<i32>} : memref<2560x64xi32, #tpu.memory_space<vmem>>, vector<2560x64xi32>,
    return
  }
  func.func @transform_0(%arg0: i32) -> (i32, i32) {
    %c0_i32 = arith.constant 0 : i32
    %c0_i32_0 = arith.constant 0 : i32
    return %arg0, %c0_i32 : i32, i32
  }
  func.func @transform_1(%arg0: i32) -> (i32, i32) {
    %c0_i32 = arith.constant 0 : i32
    %c0_i32_0 = arith.constant 0 : i32
    %c0_i32_1 = arith.constant 0 : i32
    return %c0_i32, %c0_i32_0 : i32, i32
  }
  func.func @transform_2(%arg0: i32) -> (i32, i32) {
    %c0_i32 = arith.constant 0 : i32
    %c0_i32_0 = arith.constant 0 : i32
    %c0_i32_1 = arith.constant 0 : i32
    return %c0_i32, %c0_i32_0 : i32, i32
  }
  func.func @transform_3(%arg0: i32) -> (i32, i32) {
    %c0_i32 = arith.constant 0 : i32
    %c0_i32_0 = arith.constant 0 : i32
    %c0_i32_1 = arith.constant 0 : i32
    return %c0_i32, %c0_i32_0 : i32, i32
  }
  func.func @transform_4(%arg0: i32) -> (i32, i32) {
    %c0_i32 = arith.constant 0 : i32
    %c0_i32_0 = arith.constant 0 : i32
    %c0_i32_1 = arith.constant 0 : i32
    return %c0_i32, %c0_i32_0 : i32, i32
  }
  func.func @transform_5(%arg0: i32) -> (i32, i32) {
    %c0_i32 = arith.constant 0 : i32
    %c0_i32_0 = arith.constant 0 : i32
    return %arg0, %c0_i32 : i32, i32
  }
  func.func @transform_6(%arg0: i32) -> (i32, i32) {
    %c0_i32 = arith.constant 0 : i32
    %c0_i32_0 = arith.constant 0 : i32
    return %arg0, %c0_i32 : i32, i32
  }
}

module attributes {stable_mosaic.version = 14 : i64} {
  func.func @_node_body(%arg0: i32, %arg1: memref<10000x128xf32, #tpu.memory_space<vmem>>, %arg2: memref<2x10000x128xf32, #tpu.memory_space<vmem>>, %arg3: memref<128x128xf32, #tpu.memory_space<vmem>>, %arg4: memref<1x128xf32, #tpu.memory_space<vmem>>, %arg5: memref<10000x128xf32, #tpu.memory_space<vmem>>) attributes {dimension_semantics = [#tpu.dimension_semantics<arbitrary>], iteration_bounds = array<i64: 1>, scalar_prefetch = 0 : i64, scratch_operands = 0 : i64, tpu.core_type = #tpu.core_type<tc>, window_params = [{pipeline_mode = #tpu.pipeline_mode<synchronous>, transform_indices = @transform_0, window_bounds = array<i64: 10000, 128>}, {transform_indices = @transform_1, window_bounds = array<i64: 2, 10000, 128>}, {pipeline_mode = #tpu.pipeline_mode<synchronous>, transform_indices = @transform_2, window_bounds = array<i64: 128, 128>}, {pipeline_mode = #tpu.pipeline_mode<synchronous>, transform_indices = @transform_3, window_bounds = array<i64: 1, 128>}, {pipeline_mode = #tpu.pipeline_mode<synchronous>, transform_indices = @transform_4, window_bounds = array<i64: 10000, 128>}]} {
    %get3A = arith.constant 0 : index
    %get3A_0 = arith.constant 0 : index
    %get3A_1 = vector.load %arg1[%get3A, %get3A_0] : memref<10000x128xf32, #tpu.memory_space<vmem>>, vector<10000x128xf32>
    %get3A_2 = arith.constant 0 : index
    %get3A_3 = arith.constant 0 : index
    %get3A_4 = arith.constant 0 : index
    %get3A_5 = vector.load %arg2[%get3A_2, %get3A_3, %get3A_4] : memref<2x10000x128xf32, #tpu.memory_space<vmem>>, vector<1x10000x128xf32>
    %get3A_6 = vector.shape_cast %get3A_5 : vector<1x10000x128xf32> to vector<10000x128xf32>
    %add3A = arith.addf %get3A_1, %get3A_6 : vector<10000x128xf32>
    %get3A_7 = arith.constant 1 : index
    %get3A_8 = arith.constant 0 : index
    %get3A_9 = arith.constant 0 : index
    %get3A_10 = vector.load %arg2[%get3A_7, %get3A_8, %get3A_9] : memref<2x10000x128xf32, #tpu.memory_space<vmem>>, vector<1x10000x128xf32>
    %get3A_11 = vector.shape_cast %get3A_10 : vector<1x10000x128xf32> to vector<10000x128xf32>
    %add3A_12 = arith.addf %add3A, %get3A_11 : vector<10000x128xf32>
    %get3A_13 = arith.constant 0 : index
    %get3A_14 = arith.constant 0 : index
    %get3A_15 = vector.load %arg3[%get3A_13, %get3A_14] : memref<128x128xf32, #tpu.memory_space<vmem>>, vector<128x128xf32>
    %dot_general3A = arith.constant dense<0.000000e+00> : vector<10000x128xf32>
    %dot_general3A_16 = tpu.matmul %add3A_12, %get3A_15, %dot_general3A {dimension_numbers = #tpu.dot_dimension_numbers<[1], [0], [0], [1], [0, 0, 1, 1], [], []>, transpose_lhs_hint = false} : vector<10000x128xf32>, vector<128x128xf32>, vector<10000x128xf32> -> vector<10000x128xf32>
    %get3A_17 = arith.constant 0 : index
    %get3A_18 = arith.constant 0 : index
    %get3A_19 = vector.load %arg4[%get3A_17, %get3A_18] : memref<1x128xf32, #tpu.memory_space<vmem>>, vector<1x128xf32>
    %add3A_20 = vector.broadcast %get3A_19 : vector<1x128xf32> to vector<10000x128xf32>
    %add3A_21 = arith.addf %dot_general3A_16, %add3A_20 : vector<10000x128xf32>
    %tanh3A = math.tanh %add3A_21 : vector<10000x128xf32>
    %swap3A = arith.constant 0 : index
    %swap3A_22 = arith.constant 0 : index
    %swap3A_23 = vector.load %arg5[%swap3A, %swap3A_22] : memref<10000x128xf32, #tpu.memory_space<vmem>>, vector<10000x128xf32>
    tpu.vector_store %arg5[%swap3A, %swap3A_22], %tanh3A {strides = array<i32>} : memref<10000x128xf32, #tpu.memory_space<vmem>>, vector<10000x128xf32>,
    return
  }
  func.func @transform_0(%arg0: i32) -> (i32, i32) {
    %c0_i32 = arith.constant 0 : i32
    %c0_i32_0 = arith.constant 0 : i32
    %c0_i32_1 = arith.constant 0 : i32
    return %c0_i32, %c0_i32_0 : i32, i32
  }
  func.func @transform_1(%arg0: i32) -> (i32, i32, i32) {
    %c0_i32 = arith.constant 0 : i32
    %c0_i32_0 = arith.constant 0 : i32
    %c0_i32_1 = arith.constant 0 : i32
    %c0_i32_2 = arith.constant 0 : i32
    return %c0_i32, %c0_i32_0, %c0_i32_1 : i32, i32, i32
  }
  func.func @transform_2(%arg0: i32) -> (i32, i32) {
    %c0_i32 = arith.constant 0 : i32
    %c0_i32_0 = arith.constant 0 : i32
    %c0_i32_1 = arith.constant 0 : i32
    return %c0_i32, %c0_i32_0 : i32, i32
  }
  func.func @transform_3(%arg0: i32) -> (i32, i32) {
    %c0_i32 = arith.constant 0 : i32
    %c0_i32_0 = arith.constant 0 : i32
    %c0_i32_1 = arith.constant 0 : i32
    return %c0_i32, %c0_i32_0 : i32, i32
  }
  func.func @transform_4(%arg0: i32) -> (i32, i32) {
    %c0_i32 = arith.constant 0 : i32
    %c0_i32_0 = arith.constant 0 : i32
    %c0_i32_1 = arith.constant 0 : i32
    return %c0_i32, %c0_i32_0 : i32, i32
  }
}

module attributes {stable_mosaic.version = 14 : i64} {
  func.func @_final_body(%arg0: i32, %arg1: memref<10000x128xf32, #tpu.memory_space<vmem>>, %arg2: memref<2x10000x128xf32, #tpu.memory_space<vmem>>, %arg3: memref<128x128xf32, #tpu.memory_space<vmem>>, %arg4: memref<1x128xf32, #tpu.memory_space<vmem>>, %arg5: memref<128x128xf32, #tpu.memory_space<vmem>>, %arg6: memref<10000x384xf32, #tpu.memory_space<vmem>>) attributes {dimension_semantics = [#tpu.dimension_semantics<arbitrary>], iteration_bounds = array<i64: 1>, scalar_prefetch = 0 : i64, scratch_operands = 0 : i64, tpu.core_type = #tpu.core_type<tc>, window_params = [{pipeline_mode = #tpu.pipeline_mode<synchronous>, transform_indices = @transform_0, window_bounds = array<i64: 10000, 128>}, {transform_indices = @transform_1, window_bounds = array<i64: 2, 10000, 128>}, {pipeline_mode = #tpu.pipeline_mode<synchronous>, transform_indices = @transform_2, window_bounds = array<i64: 128, 128>}, {pipeline_mode = #tpu.pipeline_mode<synchronous>, transform_indices = @transform_3, window_bounds = array<i64: 1, 128>}, {pipeline_mode = #tpu.pipeline_mode<synchronous>, transform_indices = @transform_4, window_bounds = array<i64: 128, 128>}, {pipeline_mode = #tpu.pipeline_mode<synchronous>, transform_indices = @transform_5, window_bounds = array<i64: 10000, 384>}]} {
    %get3A = arith.constant 0 : index
    %get3A_0 = arith.constant 0 : index
    %get3A_1 = vector.load %arg1[%get3A, %get3A_0] : memref<10000x128xf32, #tpu.memory_space<vmem>>, vector<10000x128xf32>
    %get3A_2 = arith.constant 0 : index
    %get3A_3 = arith.constant 0 : index
    %get3A_4 = arith.constant 0 : index
    %get3A_5 = vector.load %arg2[%get3A_2, %get3A_3, %get3A_4] : memref<2x10000x128xf32, #tpu.memory_space<vmem>>, vector<1x10000x128xf32>
    %get3A_6 = vector.shape_cast %get3A_5 : vector<1x10000x128xf32> to vector<10000x128xf32>
    %add3A = arith.addf %get3A_1, %get3A_6 : vector<10000x128xf32>
    %get3A_7 = arith.constant 1 : index
    %get3A_8 = arith.constant 0 : index
    %get3A_9 = arith.constant 0 : index
    %get3A_10 = vector.load %arg2[%get3A_7, %get3A_8, %get3A_9] : memref<2x10000x128xf32, #tpu.memory_space<vmem>>, vector<1x10000x128xf32>
    %get3A_11 = vector.shape_cast %get3A_10 : vector<1x10000x128xf32> to vector<10000x128xf32>
    %add3A_12 = arith.addf %add3A, %get3A_11 : vector<10000x128xf32>
    %get3A_13 = arith.constant 0 : index
    %get3A_14 = arith.constant 0 : index
    %get3A_15 = vector.load %arg3[%get3A_13, %get3A_14] : memref<128x128xf32, #tpu.memory_space<vmem>>, vector<128x128xf32>
    %dot_general3A = arith.constant dense<0.000000e+00> : vector<10000x128xf32>
    %dot_general3A_16 = tpu.matmul %add3A_12, %get3A_15, %dot_general3A {dimension_numbers = #tpu.dot_dimension_numbers<[1], [0], [0], [1], [0, 0, 1, 1], [], []>, transpose_lhs_hint = false} : vector<10000x128xf32>, vector<128x128xf32>, vector<10000x128xf32> -> vector<10000x128xf32>
    %get3A_17 = arith.constant 0 : index
    %get3A_18 = arith.constant 0 : index
    %get3A_19 = vector.load %arg4[%get3A_17, %get3A_18] : memref<1x128xf32, #tpu.memory_space<vmem>>, vector<1x128xf32>
    %add3A_20 = vector.broadcast %get3A_19 : vector<1x128xf32> to vector<10000x128xf32>
    %add3A_21 = arith.addf %dot_general3A_16, %add3A_20 : vector<10000x128xf32>
    %tanh3A = math.tanh %add3A_21 : vector<10000x128xf32>
    %get3A_22 = arith.constant 0 : index
    %get3A_23 = arith.constant 0 : index
    %get3A_24 = vector.load %arg5[%get3A_22, %get3A_23] : memref<128x128xf32, #tpu.memory_space<vmem>>, vector<128x128xf32>
    %dot_general3A_25 = arith.constant dense<0.000000e+00> : vector<10000x128xf32>
    %dot_general3A_26 = tpu.matmul %tanh3A, %get3A_24, %dot_general3A_25 {dimension_numbers = #tpu.dot_dimension_numbers<[1], [0], [0], [1], [0, 0, 1, 1], [], []>, transpose_lhs_hint = false} : vector<10000x128xf32>, vector<128x128xf32>, vector<10000x128xf32> -> vector<10000x128xf32>
    %tanh3A_27 = math.tanh %dot_general3A_26 : vector<10000x128xf32>
    %concatenate3A = tpu.concatenate %get3A_1, %tanh3A, %tanh3A_27 in 1 : vector<10000x128xf32>, vector<10000x128xf32>, vector<10000x128xf32> -> vector<10000x384xf32>
    %swap3A = arith.constant 0 : index
    %swap3A_28 = arith.constant 0 : index
    %swap3A_29 = vector.load %arg6[%swap3A, %swap3A_28] : memref<10000x384xf32, #tpu.memory_space<vmem>>, vector<10000x384xf32>
    tpu.vector_store %arg6[%swap3A, %swap3A_28], %concatenate3A {strides = array<i32>} : memref<10000x384xf32, #tpu.memory_space<vmem>>, vector<10000x384xf32>,
    return
  }
  func.func @transform_0(%arg0: i32) -> (i32, i32) {
    %c0_i32 = arith.constant 0 : i32
    %c0_i32_0 = arith.constant 0 : i32
    %c0_i32_1 = arith.constant 0 : i32
    return %c0_i32, %c0_i32_0 : i32, i32
  }
  func.func @transform_1(%arg0: i32) -> (i32, i32, i32) {
    %c0_i32 = arith.constant 0 : i32
    %c0_i32_0 = arith.constant 0 : i32
    %c0_i32_1 = arith.constant 0 : i32
    %c0_i32_2 = arith.constant 0 : i32
    return %c0_i32, %c0_i32_0, %c0_i32_1 : i32, i32, i32
  }
  func.func @transform_2(%arg0: i32) -> (i32, i32) {
    %c0_i32 = arith.constant 0 : i32
    %c0_i32_0 = arith.constant 0 : i32
    %c0_i32_1 = arith.constant 0 : i32
    return %c0_i32, %c0_i32_0 : i32, i32
  }
  func.func @transform_3(%arg0: i32) -> (i32, i32) {
    %c0_i32 = arith.constant 0 : i32
    %c0_i32_0 = arith.constant 0 : i32
    %c0_i32_1 = arith.constant 0 : i32
    return %c0_i32, %c0_i32_0 : i32, i32
  }
  func.func @transform_4(%arg0: i32) -> (i32, i32) {
    %c0_i32 = arith.constant 0 : i32
    %c0_i32_0 = arith.constant 0 : i32
    %c0_i32_1 = arith.constant 0 : i32
    return %c0_i32, %c0_i32_0 : i32, i32
  }
  func.func @transform_5(%arg0: i32) -> (i32, i32) {
    %c0_i32 = arith.constant 0 : i32
    %c0_i32_0 = arith.constant 0 : i32
    %c0_i32_1 = arith.constant 0 : i32
    return %c0_i32, %c0_i32_0 : i32, i32
  }
}

</mosaic_0001>

<sc_bundles>
// kernel: kernel.10.cloned.1.call-start
scs
__scs_entry_jumppad:
0x0: {  	(pc) =	sbr.rel $0x88, $3  }
0x1: {  	(tag) =	ssettag $0x0;
	lr =	simm.s32 $0x1  }
0x2: {  	[smem:$0x3F93] =	sst lr;
	_ =	strace $0xD0000000  }
0x3: {  	_ = 	snop  }
0x4: {  	_ = 	snop  }
0x5: {  	_ = 	snop  }
0x6: {  	_ = 	snop  }
0x7: {  	_ = 	snop  }
__scs_overlays_trampoline_lowered:
0x8: {  	[smem:$0x3FA2] =	sst s0  }
0x9: {  	[smem:$0x3FA3] =	sst s1  }
0xa: {  	[smem:$0x3FA4] =	sst s2  }
0xb: {  	[smem:$0x3FA5] =	sst s3  }
0xc: {  	[smem:$0x3FA6] =	sst s4  }
0xd: {  	[smem:$0x3FA7] =	sst s5  }
0xe: {  	[smem:$0x3FA8] =	sst s6  }
0xf: {  	[smem:$0x3FA9] =	sst s7  }
0x10: {  	[smem:$0x3FAA] =	sst s8  }
0x11: {  	[smem:$0x3FAB] =	sst s9;
	s0 =	simm.s32 @!p0 $0x0  }
0x12: {  	s1 =	sld [smem:$0x3F91];
	s0 =	simm.s32 @p0 $0x1  }
0x13: {  	[smem:$0x3FAC] =	sst s0;
	s0 =	simm.s32 @!p1 $0x0  }
0x14: {  	s2 =	sld [smem:$0x3F90];
	s0 =	simm.s32 @p1 $0x1  }
0x15: {  	[smem:$0x3FAD] =	sst s0;
	s0 =	simm.s32 @!p2 $0x0  }
0x16: {  	s3 =	sld [smem:$0x3FDB];
	s0 =	simm.s32 @p2 $0x1  }
0x17: {  	s4 =	simm.s32 $0x1BF5;
	[smem:$0x3FAF] =	sst s0  }
0x18: {  	s0 =	sld [smem:$0x3F92];
	_ =	swait.ge [sflag:s4], $0x0  }
0x19: {  	s7 =	sld [smem:$0x3F93]  }
0x1a: {  	s8 =	sadd.s32 $0xFFFFE003, lr  }
0x1b: {  	s9 =	sadd.s32 $0xFFFFFEF7, lr;
	s5 =	simm.s32 $0xFFFFFFFF;
	p2 =	slt.u32 s8, $0xFFFFF086  }
0x1c: {  	p1 =	slt.u32 s9, $0xF7A;
	s5 =	simm.s32 @!p2 $0x0  }
0x1d: {  	s5 =	simm.s32 @p1 $0x1;
	p0 =	seq.s32 s7, s2  }
0x1e: {  	s7 =	smul.u32 @!p0 $0xF7A, s2;
	p2 =	seq.s32 @!p0 s5, $0x0  }
0x1f: {  	s9 =	smul.u32 $0xF7A, s1;
	s8 =	simm.s32 @!p0 $0x1BF5;
	p2 =	por !p2, p0  }
0x20: {  	[sflag:s8] =	ssyncset.s32 @!p0 $0xFFFFF086;
	s6 =	sadd.s32 @!p0 s3, s7;
	s7 =	simm.s32 @!p0 $0x108  }
0x21: {  	s3 =	sadd.s32 s3, s9;
	s6 =	sadd.s32 @!p0 $0x88, s6;
	s7 =	simm.s32 @p2 $0x1082  }
0x22: {  	[simem:s7], [sflag:s8] =	dma.local @!p0 [hbm:s6], $0xF7A  }
0x23: {  	s9 =	sor.u32 $0xD0000000, s2;
	s6 =	simm.s32 $0x108;
	_ =	swait.ge @!p0 [sflag:s8], $0x0  }
0x24: {  	s3 =	sadd.s32 $0x88, s3;
	s6 =	simm.s32 @!p1 $0x1082;
	[sflag:s4] =	ssyncset.s32 $0xFFFFF086  }
0x25: {  	[simem:s6], [sflag:s4] =	dma.local [hbm:s3], $0xF7A  }
0x26: {  	[smem:$0x3F93] =	sst s1;
	(tag) =	ssettag s2;
	_ =	strace s9  }
0x27: {  	s1 =	sld [smem:$0x3FA3]  }
0x28: {  	s2 =	sld [smem:$0x3FA4]  }
0x29: {  	s4 =	sld [smem:$0x3FA6]  }
0x2a: {  	p0 =	seq.s32 s5, $0x0;
	s5 =	sld [smem:$0x3FA7]  }
0x2b: {  	s6 =	sld [smem:$0x3FA8]  }
0x2c: {  	s7 =	sld [smem:$0x3FA9]  }
0x2d: {  	s3 =	simm.s32 $0x108;
	s8 =	sld [smem:$0x3FAA]  }
0x2e: {  	s3 =	simm.s32 @!p0 $0x1082;
	s9 =	sld [smem:$0x3FAB]  }
0x2f: {  	lr =	sadd.s32 s0, s3;
	s0 =	sld [smem:$0x3FA2]  }
0x30: {  	s3 =	sld [smem:$0x3FA5]  }
0x31: {  	[smem:$0x3FAE] =	sst s10  }
0x32: {  	s10 =	sld [smem:$0x3FAC];
	_ =	sdelay $0x3  }
0x33: {  	p0 =	seq.s32 s10, $0x1;
	s10 =	sld [smem:$0x3FAE];
	_ =	sdelay $0x3  }
0x34: {  	[smem:$0x3FAE] =	sst s10  }
0x35: {  	s10 =	sld [smem:$0x3FAD];
	_ =	sdelay $0x3  }
0x36: {  	p1 =	seq.s32 s10, $0x1;
	s10 =	sld [smem:$0x3FAE];
	_ =	sdelay $0x3  }
0x37: {  	[smem:$0x3FAE] =	sst s10  }
0x38: {  	s10 =	sld [smem:$0x3FAF]  }
0x39: {  	_ = 	snop;
	(pc) =	sbr.ind lr, $3  }
0x3a: {  	_ = 	snop  }
0x3b: {  	_ = 	snop  }
0x3c: {  	p2 =	seq.s32 s10, $0x1;
	s10 =	sld [smem:$0x3FAE]  }
0x3d: {  	_ =	shalt  }
0x3e: {  	_ =	shalt  }
0x3f: {  	_ =	shalt  }
0x40: {  	_ =	shalt  }
0x41: {  	_ =	shalt  }
0x42: {  	_ =	shalt  }
0x43: {  	_ =	shalt  }
0x44: {  	_ =	shalt  }
0x45: {  	_ =	shalt  }
0x46: {  	_ =	shalt  }
0x47: {  	_ =	shalt  }
0x48: {  	_ =	shalt  }
0x49: {  	_ =	shalt  }
0x4a: {  	_ =	shalt  }
0x4b: {  	_ =	shalt  }
0x4c: {  	_ =	shalt  }
0x4d: {  	_ =	shalt  }
0x4e: {  	_ =	shalt  }
0x4f: {  	_ =	shalt  }
0x50: {  	_ =	shalt  }
0x51: {  	_ =	shalt  }
0x52: {  	_ =	shalt  }
0x53: {  	_ =	shalt  }
0x54: {  	_ =	shalt  }
0x55: {  	_ =	shalt  }
0x56: {  	_ =	shalt  }
0x57: {  	_ =	shalt  }
0x58: {  	_ =	shalt  }
0x59: {  	_ =	shalt  }
0x5a: {  	_ =	shalt  }
0x5b: {  	_ =	shalt  }
0x5c: {  	_ =	shalt  }
0x5d: {  	_ =	shalt  }
0x5e: {  	_ =	shalt  }
0x5f: {  	_ =	shalt  }
0x60: {  	_ =	shalt  }
0x61: {  	_ =	shalt  }
0x62: {  	_ =	shalt  }
0x63: {  	_ =	shalt  }
0x64: {  	_ =	shalt  }
0x65: {  	_ =	shalt  }
0x66: {  	_ =	shalt  }
0x67: {  	_ =	shalt  }
0x68: {  	_ =	shalt  }
0x69: {  	_ =	shalt  }
0x6a: {  	_ =	shalt  }
0x6b: {  	_ =	shalt  }
0x6c: {  	_ =	shalt  }
0x6d: {  	_ =	shalt  }
0x6e: {  	_ =	shalt  }
0x6f: {  	_ =	shalt  }
0x70: {  	_ =	shalt  }
0x71: {  	_ =	shalt  }
0x72: {  	_ =	shalt  }
0x73: {  	_ =	shalt  }
0x74: {  	_ =	shalt  }
0x75: {  	_ =	shalt  }
0x76: {  	_ =	shalt  }
0x77: {  	_ =	shalt  }
0x78: {  	_ =	shalt  }
0x79: {  	_ =	shalt  }
0x7a: {  	_ =	shalt  }
0x7b: {  	_ =	shalt  }
0x7c: {  	_ =	shalt  }
0x7d: {  	_ =	shalt  }
0x7e: {  	_ =	shalt  }
0x7f: {  	_ =	shalt  }
0x80: {  	_ =	shalt  }
0x81: {  	_ =	shalt  }
0x82: {  	_ =	shalt  }
0x83: {  	_ =	shalt  }
0x84: {  	_ =	shalt  }
0x85: {  	_ =	shalt  }
0x86: {  	_ =	shalt  }
0x87: {  	_ =	shalt  }
.Lfunc_end0:
.L_simem_size_0:
called_computation.1_lowered:
.L_overlay_start_0:
0x88: {  	s2 =	sld [smem:$0x3FD9]  }
0x89: {  	s3 =	sld [smem:$0x3FFE];
	_ =	sdelay $0x1  }
0x8a: {  	s1 =	srdreg.scid  }
0x8b: {  	s0 =	sand.u32 $0x1, s1  }
0x8c: {  	s17 =	sshll.u32 s0, $0xA;
	s2 =	sadd.s32 s3, s2  }
0x8d: {  	s2 =	sadd.s32 s2, s17  }
0x8e: {  	[smem:$0x3FBA] =	sst s2  }
0x8f: {  	_ = 	snop  }
0x90: {  	s2 =	sld [smem:$0x3FD0];
	(tm) =	ssettm $0x1  }
0x91: {  	s18 =	sld [smem:$0x3FFB];
	_ =	sdelay $0x3  }
0x92: {  	_ =	strace s18  }
0x93: {  	s3 =	sld [smem:$0x3FFC];
	_ =	sdelay $0x3  }
0x94: {  	_ =	strace s3  }
0x95: {  	s3 =	sld [smem:$0x3FFD];
	_ =	sdelay $0x3  }
0x96: {  	_ =	strace s3  }
0x97: {  	_ =	strace $0x8FFFFFFF  }
0x98: {  	s19 =	sld [smem:$0x3FDB];
	_ =	sdelay $0x1  }
0x99: {  	s4 =	simm.s32 $_scs_section_size  }
0x9a: {  	s5 =	simm.s32 $_size__tile_overlayer_lowered;
	s6 =	simm.s32 $_tile_overlayer_lowered  }
0x9b: {  	s22 =	simm.s32 $0x1BFF;
	s21 =	sshll.u32 s6, $0x1;
	s3 =	sadd.s32 s4, s19  }
0x9c: {  	s7 =	simm.s32 $0x0;
	s20 =	sshll.u32 s5, $0x1;
	s5 =	sadd.s32 s21, s3  }
0x9d: {  	[timem:s7], [sflag:s22] =	dma.local [hbm:s5], s20  }
0x9e: {  	_ =	swait.ge [sflag:s22], s20  }
0x9f: {  	s4 =	ssub.s32 $0x0, s20;
	[sflag:s22] =	ssyncset.done $0x0  }
0xa0: {  	[sflag:s22] =	ssyncadd.s32 s4;
	_ =	sdelay $0x1  }
0xa1: {  	s23 =	simm.s32 $0x1B8B  }
0xa2: {  	_ =	swait.ge [sflag:s23], $0x1  }
0xa3: {  	[sflag:s23] =	ssyncset.done $0x0  }
0xa4: {  	s25 =	simm.s32 $0x1B8E;
	s24 =	sld [smem:$0x3FFE];
	[sflag:s23] =	ssyncadd.s32 $0xFFFFFFFF  }
0xa5: {  	s26 =	simm.s32 $execute0_lowered;
	[smem:$0x3FD2] =	sst s25  }
0xa6: {  	s5 =	sshll.u32 s26, $0x1;
	_ =	strace $0x80000049;
	[dreg:$0x1] =	wrdreg $0xFFFFFFFF  }
0xa7: {  	s28 =	simm.s32 $_size_execute0_lowered;
	s3 =	sadd.s32 s3, s5;
	[dreg:$0x0] =	wrdreg $0x0  }
0xa8: {  	s5 =	sshll.u32 s28, $0x1;
	[dreg:$0x2] =	wrdreg s3  }
0xa9: {  	[dreg:$0x3] =	wrdreg s5  }
0xaa: {  	[dreg:$0x4] =	wrdreg $0xC0  }
0xab: {  	_ =	task [dreg:s7], $0x5FFFF  }
0xac: {  	[dreg:$0x1] =	wrdreg $0xFFFFFFFF  }
0xad: {  	[dreg:$0x0] =	wrdreg $0x60  }
0xae: {  	[dreg:$0x2] =	wrdreg s24  }
0xaf: {  	[dreg:$0x3] =	wrdreg s2  }
0xb0: {  	[dreg:$0x4] =	wrdreg $0x0  }
0xb1: {  	[dreg:$0x5] =	wrdreg $0x9  }
0xb2: {  	_ =	task.clear_ibuf [dreg:s7], $0x6FFFF;
	_ =	strace $0x90000049  }
0xb3: {  	s29 =	simm.s32 $0x9;
	_ =	strace $0x8000004B  }
0xb4: {  	_ =	swait.ge [sflag:s29], $0x1  }
0xb5: {  	[sflag:s29] =	ssyncadd.s32 $0xFFFFFFFF  }
0xb6: {  	_ =	strace $0x9000004B  }
0xb7: {  	_ =	sfence  }
0xb8: {  	s30 =	sld [smem:$0x0];
	_ =	sdelay $0x2  }
0xb9: {  	s31 =	sshll.u32 s1, $0xD;
	s1 =	sshrl.u32 s1, $0x2  }
0xba: {  	s3 =	sand.u32 $0x4000, s31;
	s1 =	sadd.s32 s1, s30  }
0xbb: {  	s0 =	sor.u32 s3, s0;
	s1 =	sshll.u32 s1, $0x11  }
0xbc: {  	s0 =	sor.u32 s1, s0  }
0xbd: {  	s0 =	sadd.s32 $0x8F2B, s0  }
0xbe: {  	[sflag:s0] =	ssyncadd.remote.s32 $0x1  }
0xbf: {  	_ =	sfence.sel $0xFFFF  }
0xc0: {  	[dreg:$0x0] =	wrdreg $0xFFFFFFFF;
	(pc) =	sbr.abs _section_cstart, $3  }
0xc1: {  	[dreg:$0x1] =	wrdreg $0xFFFFFFFF  }
0xc2: {  	_ =	task.clear_ibuf [dreg:s7], $0x2FFFF;
	_ =	strace $0x9FFFFFFF  }
0xc3: {  	(tm) =	ssettm $0x7FFFFFFF  }
tec
execute0_lowered:
.L_overlay_start_1:
0x0: {  	(tag) =	ssettag $0x1  }
0x1: {  	s0 =	rddreg [dreg:$0x0]  }
0x2: {  	s2 =	rddreg [dreg:$0x1]  }
0x3: {  	s1 =	rddreg [dreg:$0x2];
	s3 =	simm.s32 $0x0  }
0x4: {  	s15 =	stileid.u32;
	s8 =	srdreg.scid;
	s29 =	simm.s32 $0x14000  }
0x5: {  	s30 =	simm.s32 $0x14200;
	[smem:$0x7FF] =	sst s3;
	s4 =	sadd.s32 $0x1600, s0  }
0x6: {  	s5 =	sadd.s32 $0x11600, s0;
	s9 =	smul.u32 $0x14000, s15;
	s6 =	sadd.s32 $0x52A800, s0  }
0x7: {  	s7 =	sadd.s32 $0x21600, s0;
	s10 =	sand.u32 $0x1, s8;
	s12 =	smul.u32 $0x50000, s15  }
0x8: {  	s25 =	sshll.u32 s15, $0x6;
	_ =	strace $0x8000004A;
	s11 =	ssub.s32 $0x2, s10  }
0x9: {  	s13 =	sshll.u32 s10, $0x4;
	[dreg:$0x5] =	wrdreg s25;
	s26 =	sor.u32 $0x1C0D, s25  }
0xa: {  	s10 =	smul.u32 $0x140000, s10;
	s23 =	sshrl.u32 s9, $0x3;
	s24 =	sshrl.u32 s11, $0x1  }
0xb: {  	s14 =	sor.u32 s15, s13;
	s12 =	sshrl.u32 s12, $0x2;
	[dreg:$0x7] =	wrdreg s26  }
0xc: {  	s0 =	sadd.s32 s23, s0;
	s11 =	ssub.s32 s11, s24;
	s8 =	smul.u32 $0x2710, s14  }
0xd: {  	s12 =	sadd.s32 s12, s1;
	s31 =	sshll.u32 s14, $0xB;
	s21 =	smul.u32 $0x138800, s14  }
0xe: {  	s13 =	sshll.u32 s14, $0xE;
	s9 =	sadd.s32 s9, s10;
	s22 =	smul.u32 $0x27100, s14  }
0xf: {  	s14 =	simm.s32 $0x9;
	[dreg:$0x4] =	wrdreg s12;
	s0 =	sadd.s32 $0xA0C800, s0  }
0x10: {  	s10 =	simm.s32 $0x3;
	s15 =	sadd.s32 s4, s31;
	[dreg:$0x6] =	wrdreg s0  }
0x11: {  	s16 =	sadd.s32 s5, s31;
	s17 =	sor.u32 $0x10, s31;
	[dreg:$0x8] =	wrdreg s15  }
0x12: {  	s18 =	sor.u32 $0x20, s31;
	s9 =	sshrl.u32 s9, $0x3;
	[dreg:$0x9] =	wrdreg s16  }
0x13: {  	s16 =	sadd.s32 s4, s17;
	s12 =	sadd.s32 s5, s17;
	s19 =	sadd.s32 s4, s18  }
0x14: {  	s20 =	sadd.s32 s5, s18;
	s0 =	sor.u32 $0x30, s31;
	[dreg:$0xa] =	wrdreg s16  }
0x15: {  	s2 =	sadd.s32 s2, s9;
	s24 =	sshrl.u32 s21, $0x3;
	[dreg:$0xb] =	wrdreg s12  }
0x16: {  	s25 =	sadd.s32 s6, s22;
	s31 =	smax.u32 s11, $0x1;
	[dreg:$0xc] =	wrdreg s19  }
0x17: {  	s28 =	sadd.s32 $0x190, s8;
	s15 =	simm.s32 $0x50;
	[dreg:$0xd] =	wrdreg s20  }
0x18: {  	s22 =	simm.s32 $0x1;
	s21 =	simm.s32 $0x0;
	[dreg:$0xe] =	wrdreg s2  }
0x19: {  	s23 =	sadd.s32 s4, s0;
	s0 =	sadd.s32 s5, s0;
	[dreg:$0x11] =	wrdreg s25  }
.Ltmp0:
0x1a: {  	s26 =	sadd.s32 s6, s24;
	[dreg:$0x13] =	wrdreg s31;
	(pc) =	sbr.rel .LBB2_1-.Ltmp0, $4  }
0x1b: {  	s12 =	simm.s32 $0x5;
	s16 =	simm.s32 $0x14400;
	s20 =	simm.s32 $0x16C00  }
0x1c: {  	s24 =	simm.s32 $0x2;
	s25 =	simm.s32 $0x4;
	[dreg:$0xf] =	wrdreg s23  }
0x1d: {  	s19 =	simm.s32 $0xC;
	[dreg:$0x10] =	wrdreg s0;
	s0 =	sadd.s32 $0x500, s26  }
0x1e: {  	s26 =	sadd.s32 $0x140, s8;
	s23 =	simm.s32 $0xE;
	[dreg:$0x12] =	wrdreg s0  }
.LBB2_19:
0x1f: {  	[bflag:$0x0] =	sbarrier.arrive $0xFFFF  }
0x20: {  	s0 =	rddreg [dreg:$0x5]  }
0x21: {  	s2 =	rddreg [dreg:$0xe]  }
0x22: {  	s9 =	rddreg [dreg:$0x14];
	s0 =	sor.u32 $0x1C0E, s0  }
0x23: {  	[hbm:s2], [sflag:s0] =	dma.local [spmem:s9], $0x2800  }
0x24: {  	_ =	swait.ge [sflag:s23], $0x2800  }
0x25: {  	s21 =	sadd.s32 $0x1, s21;
	s31 =	rddreg [dreg:$0x13]  }
0x26: {  	p0 =	sne.s32 s21, s31  }
.Ltmp1:
0x27: {  	_ = 	snop;
	(pc) =	sbr.rel @!p0 .LBB2_20-.Ltmp1, $3  }
0x28: {  	_ =	sdelay $0x1  }
0x29: {  	[sflag:s23] =	ssyncset.done $0x0  }
0x2a: {  	[sflag:s23] =	ssyncadd.s32 $0xFFFFD800  }
.LBB2_1:
0x2b: {  	s0 =	rddreg [dreg:$0x4]  }
0x2c: {  	s18 =	rddreg [dreg:$0x6]  }
0x2d: {  	s2 =	rddreg [dreg:$0x7];
	s9 =	sshrl.u32 s0, $0x3  }
0x2e: {  	[dreg:$0x14] =	wrdreg s9  }
0x2f: {  	[spmem:s9], [sflag:s2] =	dma.local [hbm:s18], $0x2800  }
0x30: {  	s0 =	rddreg [dreg:$0x8]  }
0x31: {  	[tilespmem:s29], [sflag:$0x5] =	stream.linear.gather [hbm4b:s0+s3], $0x80, $0x38;
	[tilespmem:$0x1E400] =	vst v63  }
0x32: {  	s9 =	rddreg [dreg:$0x9]  }
0x33: {  	[tilespmem:s30], [sflag:$0x9] =	stream.linear.gather [hbm4b:s9+s3], $0x80, $0x38;
	[tilespmem:$0x1E400] =	vst v63  }
0x34: {  	s2 =	simm.s32 $0x14080;
	s11 =	rddreg [dreg:$0xa]  }
0x35: {  	[tilespmem:s2], [sflag:$0x6] =	stream.linear.gather [hbm4b:s11+s3], $0x80, $0x38;
	[tilespmem:$0x1E400] =	vst v63  }
0x36: {  	s18 =	simm.s32 $0x14280;
	s17 =	rddreg [dreg:$0xb]  }
0x37: {  	[tilespmem:s18], [sflag:$0xA] =	stream.linear.gather [hbm4b:s17+s3], $0x80, $0x38;
	[tilespmem:$0x1E400] =	vst v63  }
0x38: {  	s9 =	rddreg [dreg:$0xc];
	s11 =	simm.s32 $0x14100  }
0x39: {  	[tilespmem:s11], [sflag:$0x7] =	stream.linear.gather [hbm4b:s9+s3], $0x80, $0x38;
	[tilespmem:$0x1E400] =	vst v63  }
0x3a: {  	s17 =	rddreg [dreg:$0xd];
	s18 =	simm.s32 $0x14300  }
0x3b: {  	[tilespmem:s18], [sflag:$0xB] =	stream.linear.gather [hbm4b:s17+s3], $0x80, $0x38;
	[tilespmem:$0x1E400] =	vst v63  }
0x3c: {  	s9 =	rddreg [dreg:$0xf];
	s11 =	simm.s32 $0x14180  }
0x3d: {  	[tilespmem:s11], [sflag:$0x8] =	stream.linear.gather [hbm4b:s9+s3], $0x80, $0x38;
	[tilespmem:$0x1E400] =	vst v63  }
0x3e: {  	s17 =	rddreg [dreg:$0x10];
	s18 =	simm.s32 $0x14380  }
0x3f: {  	[tilespmem:s18], [sflag:$0xC] =	stream.linear.gather [hbm4b:s17+s3], $0x80, $0x38;
	[tilespmem:$0x1E400] =	vst v63  }
0x40: {  	_ =	swait.ge [sflag:s12], $0x80  }
0x41: {  	[sflag:s12] =	ssyncset.done $0x0  }
0x42: {  	[sflag:s12] =	ssyncadd.s32 $0xFFFFFF80  }
0x43: {  	_ =	swait.ge [sflag:s14], $0x80  }
0x44: {  	[sflag:s14] =	ssyncset.done $0x0  }
0x45: {  	[sflag:s14] =	ssyncadd.s32 $0xFFFFFF80  }
0x46: {  	[tilespmem:s16], [sflag:$0x1] =	stream.indirect.gather [hbm4b:s7+s15], $0x80, s29, s15, $0xb8;
	[tilespmem:$0x1E400] =	vst v63  }
0x47: {  	s17 =	simm.s32 $0x19400;
	s18 =	simm.s32 $0x6;
	s11 =	rddreg [dreg:$0x11]  }
0x48: {  	[tilespmem:s17], [sflag:$0x3] =	stream.linear.gather [hbm4b:s11+s3], $0x2800, $0x38;
	[tilespmem:$0x1E400] =	vst v63  }
0x49: {  	_ =	swait.ge [sflag:s18], $0x80  }
0x4a: {  	[sflag:s18] =	ssyncset.done $0x0  }
0x4b: {  	s9 =	simm.s32 $0xA;
	[sflag:s18] =	ssyncadd.s32 $0xFFFFFF80  }
0x4c: {  	_ =	swait.ge [sflag:s9], $0x80  }
0x4d: {  	[sflag:s9] =	ssyncset.done $0x0  }
0x4e: {  	[sflag:s9] =	ssyncadd.s32 $0xFFFFFF80  }
0x4f: {  	[tilespmem:s20], [sflag:$0x2] =	stream.indirect.gather [hbm4b:s7+s15], $0x80, s2, s15, $0xb8;
	[tilespmem:$0x1E400] =	vst v63  }
0x50: {  	s17 =	simm.s32 $0x1BC00;
	s18 =	simm.s32 $0xD;
	s11 =	rddreg [dreg:$0x12]  }
0x51: {  	[tilespmem:s17], [sflag:$0x4] =	stream.linear.gather [hbm4b:s11+s3], $0x2800, $0x38;
	[tilespmem:$0x1E400] =	vst v63  }
.Ltmp2:
0x52: {  	_ =	swait.ge [sflag:s18], $0x2800;
	(pc) =	sbr.rel .LBB2_2-.Ltmp2, $4  }
0x53: {  	[sflag:s18] =	ssyncset.done $0x0  }
0x54: {  	[sflag:s18] =	ssyncadd.s32 $0xFFFFD800  }
0x55: {  	[bflag:$0x0] =	sbarrier.arrive $0xFFFF  }
0x56: {  	s31 =	simm.s32 $0x0  }
.LBB2_18:
0x57: {  	s31 =	sadd.s32 $0x1, s31  }
0x58: {  	p0 =	sne.s32 s31, $0x20  }
.Ltmp3:
0x59: {  	_ = 	snop;
	(pc) =	sbr.rel @!p0 .LBB2_19-.Ltmp3, $1  }
0x5a: {  	_ =	sdelay $0x3  }
.LBB2_2:
0x5b: {  	_ =	swait.ge [sflag:s22], $0x2800  }
0x5c: {  	[sflag:s22] =	ssyncset.done $0x0  }
0x5d: {  	[sflag:s22] =	ssyncadd.s32 $0xFFFFD800  }
0x5e: {  	_ =	swait.ge [sflag:s10], $0x2800  }
0x5f: {  	[sflag:s10] =	ssyncset.done $0x0  }
0x60: {  	s0 =	simm.s32 $0x0;
	[sflag:s10] =	ssyncadd.s32 $0xFFFFD800  }
0x61: {  	v3 =	vld [tilespmem:s0+$0x19400]  }
0x62: {  	v2 =	vld [tilespmem:s0+$0x19410]  }
0x63: {  	v1 =	vld [tilespmem:s0+$0x19420]  }
0x64: {  	v0 =	vld [tilespmem:s0+$0x19430]  }
0x65: {  	v8 =	vld [tilespmem:s0+$0x14400]  }
0x66: {  	v7 =	vld [tilespmem:s0+$0x14410]  }
0x67: {  	v6 =	vld [tilespmem:s0+$0x14420]  }
0x68: {  	v5 =	vld [tilespmem:s0+$0x14430]  }
0x69: {  	v4 =	vld [tilespmem:s0+$0x14440];
	v10 =	vshll.u32 v3, $0x10  }
0x6a: {  	s9 =	simm.s32 $0x200;
	v9 =	vand.u32 $0xFFFF0000, v3;
	v3 =	vld [tilespmem:s0+$0x14450];
	v8 =	vadd.f32 v10, v8  }
.LBB2_3:
0x6b: {  	p0 =	sne.s32 s9, $0x9E00;
	v7 =	vadd.f32 v9, v7;
	v9 =	vshll.u32 v2, $0x10;
	v10 =	vld [tilespmem:s0+$0x14460]  }
0x6c: {  	s2 =	sshra.s32 s9, $0x2;
	v2 =	vand.u32 $0xFFFF0000, v2;
	v8 =	vmax.f32 v8, $0.0e+00;
	v6 =	vadd.f32 v9, v6;
	v9 =	vld [tilespmem:s0+$0x14470]  }
0x6d: {  	v11 =	vld [tilespmem:s2+$0x19400];
	[tilespmem:s0+$0x14400] =	vst v8;
	v7 =	vmax.f32 v7, $0.0e+00;
	v5 =	vadd.f32 v2, v5;
	v8 =	vshll.u32 v1, $0x10  }
0x6e: {  	v2 =	vld [tilespmem:s2+$0x19410];
	[tilespmem:s0+$0x14410] =	vst v7;
	v6 =	vmax.f32 v6, $0.0e+00;
	v7 =	vand.u32 $0xFFFF0000, v1;
	v4 =	vadd.f32 v8, v4  }
0x6f: {  	v1 =	vld [tilespmem:s2+$0x19420];
	[tilespmem:s0+$0x14420] =	vst v6;
	v5 =	vmax.f32 v5, $0.0e+00;
	v3 =	vadd.f32 v7, v3;
	v6 =	vshll.u32 v0, $0x10  }
0x70: {  	[tilespmem:s0+$0x14430] =	vst v5;
	v4 =	vmax.f32 v4, $0.0e+00;
	v5 =	vand.u32 $0xFFFF0000, v0;
	v0 =	vld [tilespmem:s2+$0x19430];
	v6 =	vadd.f32 v6, v10  }
0x71: {  	v8 =	vld [tilespmem:s2+$0x14400];
	[tilespmem:s0+$0x14440] =	vst v4;
	v3 =	vmax.f32 v3, $0.0e+00;
	v4 =	vadd.f32 v5, v9  }
.Ltmp4:
0x72: {  	v7 =	vld [tilespmem:s2+$0x14410];
	[tilespmem:s0+$0x14450] =	vst v3;
	v3 =	vmax.f32 v6, $0.0e+00;
	(pc) =	sbr.rel @p0 .LBB2_3-.Ltmp4, $4  }
0x73: {  	v6 =	vld [tilespmem:s2+$0x14420];
	[tilespmem:s0+$0x14460] =	vst v3;
	v3 =	vmax.f32 v4, $0.0e+00  }
0x74: {  	v5 =	vld [tilespmem:s2+$0x14430];
	[tilespmem:s0+$0x14470] =	vst v3;
	s0 =	smov.u32 s2  }
0x75: {  	v3 =	vshll.u32 v11, $0x10;
	v4 =	vld [tilespmem:s0+$0x14440]  }
0x76: {  	s9 =	sadd.s32 $0x200, s9;
	v9 =	vand.u32 $0xFFFF0000, v11;
	v8 =	vadd.f32 v3, v8;
	v3 =	vld [tilespmem:s0+$0x14450]  }
0x77: {  	v7 =	vadd.f32 v9, v7;
	v55 =	vshll.u32 v2, $0x10;
	v10 =	vld [tilespmem:s0+$0x14460]  }
0x78: {  	v56 =	vand.u32 $0xFFFF0000, v2;
	v57 =	vld [tilespmem:s0+$0x14470];
	v8 =	vmax.f32 v8, $0.0e+00;
	v6 =	vadd.f32 v55, v6  }
0x79: {  	v58 =	vshll.u32 v1, $0x10;
	[tilespmem:s0+$0x14400] =	vst v8;
	v7 =	vmax.f32 v7, $0.0e+00;
	v2 =	vadd.f32 v56, v5  }
0x7a: {  	v59 =	vand.u32 $0xFFFF0000, v1;
	[tilespmem:s0+$0x14410] =	vst v7;
	v6 =	vmax.f32 v6, $0.0e+00;
	v4 =	vadd.f32 v58, v4  }
0x7b: {  	v60 =	vshll.u32 v0, $0x10;
	[tilespmem:s0+$0x14420] =	vst v6;
	v2 =	vmax.f32 v2, $0.0e+00;
	v1 =	vadd.f32 v59, v3  }
0x7c: {  	v62 =	vand.u32 $0xFFFF0000, v0;
	[tilespmem:s0+$0x14430] =	vst v2;
	v61 =	vmax.f32 v4, $0.0e+00;
	v3 =	vadd.f32 v60, v10  }
0x7d: {  	v0 =	vadd.f32 v62, v57;
	[tilespmem:s0+$0x14440] =	vst v61;
	v1 =	vmax.f32 v1, $0.0e+00  }
0x7e: {  	[tilespmem:s0+$0x14450] =	vst v1;
	v63 =	vmax.f32 v3, $0.0e+00  }
0x7f: {  	p0 =	seq.s32 s31, $0x1F;
	v0 =	vmax.f32 v0, $0.0e+00;
	[tilespmem:s0+$0x14460] =	vst v63  }
.Ltmp5:
0x80: {  	[tilespmem:s0+$0x14470] =	vst v0;
	(pc) =	sbr.rel @p0 .LBB2_19-.Ltmp5, $4  }
0x81: {  	[spmem:s1] =	stream.indirect.scatter.add.f32 [tilespmem:s16], [sflag:$0xE], $0x80, s30, s15, $0xb8;
	[tilespmem:$0x1E400] =	vst v63  }
0x82: {  	_ =	swait.ge [sflag:s23], $0x2800  }
0x83: {  	[sflag:s23] =	ssyncset.done $0x0  }
0x84: {  	[sflag:s23] =	ssyncadd.s32 $0xFFFFD800  }
0x85: {  	s9 =	sshll.u32 s31, $0x9  }
0x86: {  	s0 =	sadd.s32 $0x200, s9  }
0x87: {  	s2 =	sand.u32 $0x7C00, s0  }
0x88: {  	s0 =	sand.u32 $0x200, s0;
	s2 =	sadd.s32 s13, s2  }
0x89: {  	s0 =	sor.u32 s0, s2  }
0x8a: {  	s2 =	sshrl.u32 s0, $0x3  }
0x8b: {  	s0 =	sadd.s32 s4, s2  }
0x8c: {  	[tilespmem:s29], [sflag:$0x5] =	stream.linear.gather [hbm4b:s0+s3], $0x80, $0x38;
	[tilespmem:$0x1E400] =	vst v63  }
0x8d: {  	s2 =	sadd.s32 s5, s2;
	s0 =	sshll.u32 s31, $0x2  }
0x8e: {  	[tilespmem:s30], [sflag:$0x9] =	stream.linear.gather [hbm4b:s2+s3], $0x80, $0x38;
	[tilespmem:$0x1E400] =	vst v63  }
0x8f: {  	s2 =	sor.u32 $0x2, s0  }
0x90: {  	p1 =	sgt.u32 s2, $0x7C  }
0x91: {  	s11 =	simm.s32 @!p1 $0x7  }
0x92: {  	_ =	swait.ge @!p1 [sflag:s11], $0x80  }
0x93: {  	p0 =	sgt.u32 s31, $0x1E;
	[sflag:s11] =	ssyncset.done @!p1 $0x0  }
0x94: {  	s2 =	smul.u32 @!p1 $0x50, s2;
	[sflag:s11] =	ssyncadd.s32 @!p1 $0xFFFFFF80;
	s11 =	simm.s32 @!p1 $0xB  }
0x95: {  	s17 =	simm.s32 @!p1 $0x14100;
	s18 =	simm.s32 @!p1 $0x14400;
	_ =	swait.ge @!p1 [sflag:s11], $0x80  }
.Ltmp6:
0x96: {  	s2 =	sadd.s32 @!p1 s8, s2;
	[sflag:s11] =	ssyncset.done @!p1 $0x0;
	(pc) =	sbr.rel @p0 .LBB2_10-.Ltmp6, $4  }
0x97: {  	s2 =	sshll.u32 @!p1 s2, $0x4;
	[sflag:s11] =	ssyncadd.s32 @!p1 $0xFFFFFF80;
	s11 =	simm.s32 @!p1 $0x50  }
0x98: {  	[tilespmem:s18], [sflag:$0x1] =	stream.indirect.gather @!p1 [hbm4b:s7+s11], $0x80, s17, s11, $0xb8;
	[tilespmem:$0x1E400] =	vst v63  }
0x99: {  	s2 =	sadd.s32 @!p1 s6, s2;
	s11 =	simm.s32 @!p1 $0x0;
	s17 =	simm.s32 @!p1 $0x19400  }
0x9a: {  	[tilespmem:s17], [sflag:$0x3] =	stream.linear.gather @!p1 [hbm4b:s2+s11], $0x2800, $0x38;
	[tilespmem:$0x1E400] =	vst v63  }
0x9b: {  	_ =	swait.ge [sflag:s24], $0x2800  }
0x9c: {  	[sflag:s24] =	ssyncset.done $0x0  }
0x9d: {  	[sflag:s24] =	ssyncadd.s32 $0xFFFFD800  }
0x9e: {  	_ =	swait.ge [sflag:s25], $0x2800  }
0x9f: {  	[sflag:s25] =	ssyncset.done $0x0  }
0xa0: {  	s11 =	simm.s32 $0x0;
	[sflag:s25] =	ssyncadd.s32 $0xFFFFD800  }
0xa1: {  	v3 =	vld [tilespmem:s11+$0x1BC00]  }
0xa2: {  	v2 =	vld [tilespmem:s11+$0x1BC10]  }
0xa3: {  	v1 =	vld [tilespmem:s11+$0x1BC20]  }
0xa4: {  	v0 =	vld [tilespmem:s11+$0x1BC30]  }
0xa5: {  	v8 =	vld [tilespmem:s11+$0x16C00]  }
0xa6: {  	v7 =	vld [tilespmem:s11+$0x16C10]  }
0xa7: {  	v6 =	vld [tilespmem:s11+$0x16C20]  }
0xa8: {  	v5 =	vld [tilespmem:s11+$0x16C30]  }
0xa9: {  	v4 =	vld [tilespmem:s11+$0x16C40];
	v10 =	vshll.u32 v3, $0x10  }
0xaa: {  	s2 =	simm.s32 $0x200;
	v9 =	vand.u32 $0xFFFF0000, v3;
	v3 =	vld [tilespmem:s11+$0x16C50];
	v8 =	vadd.f32 v10, v8  }
.LBB2_7:
0xab: {  	p2 =	sne.s32 s2, $0x9E00;
	v7 =	vadd.f32 v9, v7;
	v9 =	vshll.u32 v2, $0x10;
	v10 =	vld [tilespmem:s11+$0x16C60]  }
0xac: {  	s17 =	sshra.s32 s2, $0x2;
	v2 =	vand.u32 $0xFFFF0000, v2;
	v8 =	vmax.f32 v8, $0.0e+00;
	v6 =	vadd.f32 v9, v6;
	v9 =	vld [tilespmem:s11+$0x16C70]  }
0xad: {  	v11 =	vld [tilespmem:s17+$0x1BC00];
	[tilespmem:s11+$0x16C00] =	vst v8;
	v7 =	vmax.f32 v7, $0.0e+00;
	v5 =	vadd.f32 v2, v5;
	v8 =	vshll.u32 v1, $0x10  }
0xae: {  	v2 =	vld [tilespmem:s17+$0x1BC10];
	[tilespmem:s11+$0x16C10] =	vst v7;
	v6 =	vmax.f32 v6, $0.0e+00;
	v7 =	vand.u32 $0xFFFF0000, v1;
	v4 =	vadd.f32 v8, v4  }
0xaf: {  	v1 =	vld [tilespmem:s17+$0x1BC20];
	[tilespmem:s11+$0x16C20] =	vst v6;
	v5 =	vmax.f32 v5, $0.0e+00;
	v3 =	vadd.f32 v7, v3;
	v6 =	vshll.u32 v0, $0x10  }
0xb0: {  	[tilespmem:s11+$0x16C30] =	vst v5;
	v4 =	vmax.f32 v4, $0.0e+00;
	v5 =	vand.u32 $0xFFFF0000, v0;
	v0 =	vld [tilespmem:s17+$0x1BC30];
	v6 =	vadd.f32 v6, v10  }
0xb1: {  	v8 =	vld [tilespmem:s17+$0x16C00];
	[tilespmem:s11+$0x16C40] =	vst v4;
	v3 =	vmax.f32 v3, $0.0e+00;
	v4 =	vadd.f32 v5, v9  }
.Ltmp7:
0xb2: {  	v7 =	vld [tilespmem:s17+$0x16C10];
	[tilespmem:s11+$0x16C50] =	vst v3;
	v3 =	vmax.f32 v6, $0.0e+00;
	(pc) =	sbr.rel @p2 .LBB2_7-.Ltmp7, $4  }
0xb3: {  	v6 =	vld [tilespmem:s17+$0x16C20];
	[tilespmem:s11+$0x16C60] =	vst v3;
	v3 =	vmax.f32 v4, $0.0e+00  }
0xb4: {  	v5 =	vld [tilespmem:s17+$0x16C30];
	[tilespmem:s11+$0x16C70] =	vst v3;
	s11 =	smov.u32 s17  }
0xb5: {  	v3 =	vshll.u32 v11, $0x10;
	v4 =	vld [tilespmem:s11+$0x16C40]  }
0xb6: {  	s2 =	sadd.s32 $0x200, s2;
	v9 =	vand.u32 $0xFFFF0000, v11;
	v8 =	vadd.f32 v3, v8;
	v3 =	vld [tilespmem:s11+$0x16C50]  }
0xb7: {  	v7 =	vadd.f32 v9, v7;
	v55 =	vshll.u32 v2, $0x10;
	v10 =	vld [tilespmem:s11+$0x16C60]  }
0xb8: {  	v56 =	vand.u32 $0xFFFF0000, v2;
	v57 =	vld [tilespmem:s11+$0x16C70];
	v8 =	vmax.f32 v8, $0.0e+00;
	v6 =	vadd.f32 v55, v6  }
0xb9: {  	v58 =	vshll.u32 v1, $0x10;
	[tilespmem:s11+$0x16C00] =	vst v8;
	v7 =	vmax.f32 v7, $0.0e+00;
	v2 =	vadd.f32 v56, v5  }
0xba: {  	v59 =	vand.u32 $0xFFFF0000, v1;
	[tilespmem:s11+$0x16C10] =	vst v7;
	v6 =	vmax.f32 v6, $0.0e+00;
	v4 =	vadd.f32 v58, v4  }
0xbb: {  	v60 =	vshll.u32 v0, $0x10;
	[tilespmem:s11+$0x16C20] =	vst v6;
	v2 =	vmax.f32 v2, $0.0e+00;
	v1 =	vadd.f32 v59, v3  }
0xbc: {  	v62 =	vand.u32 $0xFFFF0000, v0;
	[tilespmem:s11+$0x16C30] =	vst v2;
	v61 =	vmax.f32 v4, $0.0e+00;
	v3 =	vadd.f32 v60, v10  }
0xbd: {  	v0 =	vadd.f32 v62, v57;
	[tilespmem:s11+$0x16C40] =	vst v61;
	v1 =	vmax.f32 v1, $0.0e+00  }
0xbe: {  	[tilespmem:s11+$0x16C50] =	vst v1;
	v63 =	vmax.f32 v3, $0.0e+00  }
0xbf: {  	v0 =	vmax.f32 v0, $0.0e+00;
	[tilespmem:s11+$0x16C60] =	vst v63  }
0xc0: {  	s2 =	simm.s32 $0x14280;
	p2 =	seq.s32 s31, $0x1E;
	[tilespmem:s11+$0x16C70] =	vst v0  }
0xc1: {  	[spmem:s1] =	stream.indirect.scatter.add.f32 [tilespmem:s20], [sflag:$0xE], $0x80, s2, s15, $0xb8;
	[tilespmem:$0x1E400] =	vst v63  }
0xc2: {  	s2 =	sadd.s32 @!p2 $0x280, s9  }
0xc3: {  	s17 =	simm.s32 @!p2 $0x0;
	s0 =	sor.u32 @!p2 $0x3, s0;
	s11 =	sand.u32 @!p2 $0x7C00, s2  }
0xc4: {  	p3 =	sgt.u32 @!p2 s0, $0x7C;
	s2 =	sand.u32 @!p2 $0x280, s2;
	s11 =	sadd.s32 @!p2 s13, s11  }
0xc5: {  	p3 =	por p2, !p3;
	_ =	swait.ge [sflag:s23], $0x2800;
	s2 =	sor.u32 @!p2 s2, s11  }
.Ltmp8:
0xc6: {  	[sflag:s23] =	ssyncset.done $0x0;
	s2 =	sshrl.u32 @!p2 s2, $0x3;
	(pc) =	sbr.rel @!p3 .LBB2_10-.Ltmp8, $4  }
0xc7: {  	s18 =	simm.s32 @!p2 $0x14080;
	[sflag:s23] =	ssyncadd.s32 $0xFFFFD800;
	s11 =	sadd.s32 @!p2 s4, s2  }
0xc8: {  	[tilespmem:s18], [sflag:$0x6] =	stream.linear.gather @!p2 [hbm4b:s11+s17], $0x80, $0x38;
	[tilespmem:$0x1E400] =	vst v63  }
0xc9: {  	s2 =	sadd.s32 @!p2 s5, s2;
	s11 =	simm.s32 @!p2 $0x14280  }
0xca: {  	[tilespmem:s11], [sflag:$0xA] =	stream.linear.gather @!p2 [hbm4b:s2+s17], $0x80, $0x38;
	[tilespmem:$0x1E400] =	vst v63  }
0xcb: {  	s2 =	simm.s32 $0x8  }
0xcc: {  	_ =	swait.ge [sflag:s2], $0x80  }
0xcd: {  	s0 =	simm.s32 @p2 $0x7B;
	[sflag:s2] =	ssyncset.done $0x0  }
0xce: {  	s0 =	smul.u32 $0x50, s0;
	[sflag:s2] =	ssyncadd.s32 $0xFFFFFF80  }
0xcf: {  	_ =	swait.ge [sflag:s19], $0x80  }
.Ltmp9:
0xd0: {  	s0 =	sadd.s32 s8, s0;
	[sflag:s19] =	ssyncset.done $0x0;
	(pc) =	sbr.rel .LBB2_11-.Ltmp9, $4  }
0xd1: {  	s17 =	simm.s32 $0x14180;
	s0 =	sshll.u32 s0, $0x4;
	[sflag:s19] =	ssyncadd.s32 $0xFFFFFF80  }
0xd2: {  	[tilespmem:s20], [sflag:$0x2] =	stream.indirect.gather [hbm4b:s7+s15], $0x80, s17, s15, $0xb8;
	[tilespmem:$0x1E400] =	vst v63  }
0xd3: {  	s18 =	simm.s32 $0x1BC00;
	s0 =	sadd.s32 s6, s0  }
0xd4: {  	[tilespmem:s18], [sflag:$0x4] =	stream.linear.gather [hbm4b:s0+s3], $0x2800, $0x38;
	[tilespmem:$0x1E400] =	vst v63  }
.LBB2_10:
.Ltmp10:
0xd5: {  	(pc) =	sbr.rel @p1 .LBB2_14-.Ltmp10, $1  }
0xd6: {  	_ =	sdelay $0x3  }
.LBB2_11:
0xd7: {  	_ =	swait.ge [sflag:s22], $0x2800  }
0xd8: {  	[sflag:s22] =	ssyncset.done $0x0  }
0xd9: {  	[sflag:s22] =	ssyncadd.s32 $0xFFFFD800  }
0xda: {  	_ =	swait.ge [sflag:s10], $0x2800  }
0xdb: {  	[sflag:s10] =	ssyncset.done $0x0  }
0xdc: {  	s0 =	simm.s32 $0x0;
	[sflag:s10] =	ssyncadd.s32 $0xFFFFD800  }
0xdd: {  	v3 =	vld [tilespmem:s0+$0x19400]  }
0xde: {  	v2 =	vld [tilespmem:s0+$0x19410]  }
0xdf: {  	v1 =	vld [tilespmem:s0+$0x19420]  }
0xe0: {  	v0 =	vld [tilespmem:s0+$0x19430]  }
0xe1: {  	v8 =	vld [tilespmem:s0+$0x14400]  }
0xe2: {  	v7 =	vld [tilespmem:s0+$0x14410]  }
0xe3: {  	v6 =	vld [tilespmem:s0+$0x14420]  }
0xe4: {  	v5 =	vld [tilespmem:s0+$0x14430]  }
0xe5: {  	v4 =	vld [tilespmem:s0+$0x14440];
	v10 =	vshll.u32 v3, $0x10  }
0xe6: {  	s2 =	simm.s32 $0x200;
	v9 =	vand.u32 $0xFFFF0000, v3;
	v3 =	vld [tilespmem:s0+$0x14450];
	v8 =	vadd.f32 v10, v8  }
.LBB2_12:
0xe7: {  	p1 =	sne.s32 s2, $0x9E00;
	v7 =	vadd.f32 v9, v7;
	v9 =	vshll.u32 v2, $0x10;
	v10 =	vld [tilespmem:s0+$0x14460]  }
0xe8: {  	s11 =	sshra.s32 s2, $0x2;
	v2 =	vand.u32 $0xFFFF0000, v2;
	v8 =	vmax.f32 v8, $0.0e+00;
	v6 =	vadd.f32 v9, v6;
	v9 =	vld [tilespmem:s0+$0x14470]  }
0xe9: {  	v11 =	vld [tilespmem:s11+$0x19400];
	[tilespmem:s0+$0x14400] =	vst v8;
	v7 =	vmax.f32 v7, $0.0e+00;
	v5 =	vadd.f32 v2, v5;
	v8 =	vshll.u32 v1, $0x10  }
0xea: {  	v2 =	vld [tilespmem:s11+$0x19410];
	[tilespmem:s0+$0x14410] =	vst v7;
	v6 =	vmax.f32 v6, $0.0e+00;
	v7 =	vand.u32 $0xFFFF0000, v1;
	v4 =	vadd.f32 v8, v4  }
0xeb: {  	v1 =	vld [tilespmem:s11+$0x19420];
	[tilespmem:s0+$0x14420] =	vst v6;
	v5 =	vmax.f32 v5, $0.0e+00;
	v3 =	vadd.f32 v7, v3;
	v6 =	vshll.u32 v0, $0x10  }
0xec: {  	[tilespmem:s0+$0x14430] =	vst v5;
	v4 =	vmax.f32 v4, $0.0e+00;
	v5 =	vand.u32 $0xFFFF0000, v0;
	v0 =	vld [tilespmem:s11+$0x19430];
	v6 =	vadd.f32 v6, v10  }
0xed: {  	v8 =	vld [tilespmem:s11+$0x14400];
	[tilespmem:s0+$0x14440] =	vst v4;
	v3 =	vmax.f32 v3, $0.0e+00;
	v4 =	vadd.f32 v5, v9  }
.Ltmp11:
0xee: {  	v7 =	vld [tilespmem:s11+$0x14410];
	[tilespmem:s0+$0x14450] =	vst v3;
	v3 =	vmax.f32 v6, $0.0e+00;
	(pc) =	sbr.rel @p1 .LBB2_12-.Ltmp11, $4  }
0xef: {  	v6 =	vld [tilespmem:s11+$0x14420];
	[tilespmem:s0+$0x14460] =	vst v3;
	v3 =	vmax.f32 v4, $0.0e+00  }
0xf0: {  	v5 =	vld [tilespmem:s11+$0x14430];
	[tilespmem:s0+$0x14470] =	vst v3;
	s0 =	smov.u32 s11  }
0xf1: {  	v3 =	vshll.u32 v11, $0x10;
	v4 =	vld [tilespmem:s0+$0x14440]  }
0xf2: {  	s2 =	sadd.s32 $0x200, s2;
	v9 =	vand.u32 $0xFFFF0000, v11;
	v8 =	vadd.f32 v3, v8;
	v3 =	vld [tilespmem:s0+$0x14450]  }
0xf3: {  	v7 =	vadd.f32 v9, v7;
	v55 =	vshll.u32 v2, $0x10;
	v10 =	vld [tilespmem:s0+$0x14460]  }
0xf4: {  	v56 =	vand.u32 $0xFFFF0000, v2;
	v57 =	vld [tilespmem:s0+$0x14470];
	v8 =	vmax.f32 v8, $0.0e+00;
	v6 =	vadd.f32 v55, v6  }
0xf5: {  	v58 =	vshll.u32 v1, $0x10;
	[tilespmem:s0+$0x14400] =	vst v8;
	v7 =	vmax.f32 v7, $0.0e+00;
	v2 =	vadd.f32 v56, v5  }
0xf6: {  	v59 =	vand.u32 $0xFFFF0000, v1;
	[tilespmem:s0+$0x14410] =	vst v7;
	v6 =	vmax.f32 v6, $0.0e+00;
	v4 =	vadd.f32 v58, v4  }
0xf7: {  	v60 =	vshll.u32 v0, $0x10;
	[tilespmem:s0+$0x14420] =	vst v6;
	v2 =	vmax.f32 v2, $0.0e+00;
	v1 =	vadd.f32 v59, v3  }
0xf8: {  	v62 =	vand.u32 $0xFFFF0000, v0;
	[tilespmem:s0+$0x14430] =	vst v2;
	v61 =	vmax.f32 v4, $0.0e+00;
	v3 =	vadd.f32 v60, v10  }
0xf9: {  	v0 =	vadd.f32 v62, v57;
	[tilespmem:s0+$0x14440] =	vst v61;
	v1 =	vmax.f32 v1, $0.0e+00  }
0xfa: {  	[tilespmem:s0+$0x14450] =	vst v1;
	v63 =	vmax.f32 v3, $0.0e+00  }
0xfb: {  	p1 =	sgt.u32 s31, $0x1D;
	v0 =	vmax.f32 v0, $0.0e+00;
	[tilespmem:s0+$0x14460] =	vst v63  }
0xfc: {  	s11 =	simm.s32 $0x14300;
	[tilespmem:s0+$0x14470] =	vst v0;
	s0 =	sadd.s32 @!p1 $0x300, s9  }
0xfd: {  	[spmem:s1] =	stream.indirect.scatter.add.f32 [tilespmem:s16], [sflag:$0xE], $0x80, s11, s15, $0xb8;
	[tilespmem:$0x1E400] =	vst v63  }
0xfe: {  	s2 =	sand.u32 @!p1 $0x7C00, s0  }
0xff: {  	s0 =	sand.u32 @!p1 $0x300, s0;
	s2 =	sadd.s32 @!p1 s13, s2  }
0x100: {  	_ =	swait.ge [sflag:s23], $0x2800;
	s0 =	sor.u32 @!p1 s0, s2  }
0x101: {  	s17 =	simm.s32 @!p1 $0x14100;
	[sflag:s23] =	ssyncset.done $0x0;
	s0 =	sshrl.u32 @!p1 s0, $0x3  }
0x102: {  	s11 =	simm.s32 @!p1 $0x0;
	[sflag:s23] =	ssyncadd.s32 $0xFFFFD800;
	s2 =	sadd.s32 @!p1 s4, s0  }
0x103: {  	[tilespmem:s17], [sflag:$0x7] =	stream.linear.gather @!p1 [hbm4b:s2+s11], $0x80, $0x38;
	[tilespmem:$0x1E400] =	vst v63  }
0x104: {  	s0 =	sadd.s32 @!p1 s5, s0;
	s2 =	simm.s32 @!p1 $0x14300  }
0x105: {  	[tilespmem:s2], [sflag:$0xB] =	stream.linear.gather @!p1 [hbm4b:s0+s11], $0x80, $0x38;
	[tilespmem:$0x1E400] =	vst v63  }
0x106: {  	_ =	swait.ge [sflag:s12], $0x80  }
0x107: {  	[sflag:s12] =	ssyncset.done $0x0  }
0x108: {  	s17 =	smul.u32 $0x140, s31;
	[sflag:s12] =	ssyncadd.s32 $0xFFFFFF80  }
0x109: {  	_ =	swait.ge [sflag:s14], $0x80  }
0x10a: {  	s0 =	sadd.s32 s17, s26;
	[sflag:s14] =	ssyncset.done $0x0  }
0x10b: {  	s0 =	sshll.u32 s0, $0x4;
	[sflag:s14] =	ssyncadd.s32 $0xFFFFFF80  }
0x10c: {  	[tilespmem:s16], [sflag:$0x1] =	stream.indirect.gather [hbm4b:s7+s15], $0x80, s29, s15, $0xb8;
	[tilespmem:$0x1E400] =	vst v63  }
0x10d: {  	s18 =	simm.s32 $0x19400;
	s0 =	sadd.s32 s6, s0  }
0x10e: {  	[tilespmem:s18], [sflag:$0x3] =	stream.linear.gather [hbm4b:s0+s3], $0x2800, $0x38;
	[tilespmem:$0x1E400] =	vst v63  }
.LBB2_14:
.Ltmp12:
0x10f: {  	(pc) =	sbr.rel @p0 .LBB2_18-.Ltmp12, $1  }
0x110: {  	_ =	sdelay $0x3  }
0x111: {  	_ =	swait.ge [sflag:s24], $0x2800  }
0x112: {  	[sflag:s24] =	ssyncset.done $0x0  }
0x113: {  	[sflag:s24] =	ssyncadd.s32 $0xFFFFD800  }
0x114: {  	_ =	swait.ge [sflag:s25], $0x2800  }
0x115: {  	[sflag:s25] =	ssyncset.done $0x0  }
0x116: {  	s0 =	simm.s32 $0x0;
	[sflag:s25] =	ssyncadd.s32 $0xFFFFD800  }
0x117: {  	v3 =	vld [tilespmem:s0+$0x1BC00]  }
0x118: {  	v2 =	vld [tilespmem:s0+$0x1BC10]  }
0x119: {  	v1 =	vld [tilespmem:s0+$0x1BC20]  }
0x11a: {  	v0 =	vld [tilespmem:s0+$0x1BC30]  }
0x11b: {  	v8 =	vld [tilespmem:s0+$0x16C00]  }
0x11c: {  	v7 =	vld [tilespmem:s0+$0x16C10]  }
0x11d: {  	v6 =	vld [tilespmem:s0+$0x16C20]  }
0x11e: {  	v5 =	vld [tilespmem:s0+$0x16C30]  }
0x11f: {  	v4 =	vld [tilespmem:s0+$0x16C40];
	v10 =	vshll.u32 v3, $0x10  }
0x120: {  	s2 =	simm.s32 $0x200;
	v9 =	vand.u32 $0xFFFF0000, v3;
	v3 =	vld [tilespmem:s0+$0x16C50];
	v8 =	vadd.f32 v10, v8  }
.LBB2_16:
0x121: {  	p0 =	sne.s32 s2, $0x9E00;
	v7 =	vadd.f32 v9, v7;
	v9 =	vshll.u32 v2, $0x10;
	v10 =	vld [tilespmem:s0+$0x16C60]  }
0x122: {  	s11 =	sshra.s32 s2, $0x2;
	v2 =	vand.u32 $0xFFFF0000, v2;
	v8 =	vmax.f32 v8, $0.0e+00;
	v6 =	vadd.f32 v9, v6;
	v9 =	vld [tilespmem:s0+$0x16C70]  }
0x123: {  	v11 =	vld [tilespmem:s11+$0x1BC00];
	[tilespmem:s0+$0x16C00] =	vst v8;
	v7 =	vmax.f32 v7, $0.0e+00;
	v5 =	vadd.f32 v2, v5;
	v8 =	vshll.u32 v1, $0x10  }
0x124: {  	v2 =	vld [tilespmem:s11+$0x1BC10];
	[tilespmem:s0+$0x16C10] =	vst v7;
	v6 =	vmax.f32 v6, $0.0e+00;
	v7 =	vand.u32 $0xFFFF0000, v1;
	v4 =	vadd.f32 v8, v4  }
0x125: {  	v1 =	vld [tilespmem:s11+$0x1BC20];
	[tilespmem:s0+$0x16C20] =	vst v6;
	v5 =	vmax.f32 v5, $0.0e+00;
	v3 =	vadd.f32 v7, v3;
	v6 =	vshll.u32 v0, $0x10  }
0x126: {  	[tilespmem:s0+$0x16C30] =	vst v5;
	v4 =	vmax.f32 v4, $0.0e+00;
	v5 =	vand.u32 $0xFFFF0000, v0;
	v0 =	vld [tilespmem:s11+$0x1BC30];
	v6 =	vadd.f32 v6, v10  }
0x127: {  	v8 =	vld [tilespmem:s11+$0x16C00];
	[tilespmem:s0+$0x16C40] =	vst v4;
	v3 =	vmax.f32 v3, $0.0e+00;
	v4 =	vadd.f32 v5, v9  }
.Ltmp13:
0x128: {  	v7 =	vld [tilespmem:s11+$0x16C10];
	[tilespmem:s0+$0x16C50] =	vst v3;
	v3 =	vmax.f32 v6, $0.0e+00;
	(pc) =	sbr.rel @p0 .LBB2_16-.Ltmp13, $4  }
0x129: {  	v6 =	vld [tilespmem:s11+$0x16C20];
	[tilespmem:s0+$0x16C60] =	vst v3;
	v3 =	vmax.f32 v4, $0.0e+00  }
0x12a: {  	v5 =	vld [tilespmem:s11+$0x16C30];
	[tilespmem:s0+$0x16C70] =	vst v3;
	s0 =	smov.u32 s11  }
0x12b: {  	v3 =	vshll.u32 v11, $0x10;
	v4 =	vld [tilespmem:s0+$0x16C40]  }
0x12c: {  	s2 =	sadd.s32 $0x200, s2;
	v9 =	vand.u32 $0xFFFF0000, v11;
	v8 =	vadd.f32 v3, v8;
	v3 =	vld [tilespmem:s0+$0x16C50]  }
0x12d: {  	v7 =	vadd.f32 v9, v7;
	v55 =	vshll.u32 v2, $0x10;
	v10 =	vld [tilespmem:s0+$0x16C60]  }
0x12e: {  	v56 =	vand.u32 $0xFFFF0000, v2;
	v57 =	vld [tilespmem:s0+$0x16C70];
	v8 =	vmax.f32 v8, $0.0e+00;
	v6 =	vadd.f32 v55, v6  }
0x12f: {  	v58 =	vshll.u32 v1, $0x10;
	[tilespmem:s0+$0x16C00] =	vst v8;
	v7 =	vmax.f32 v7, $0.0e+00;
	v2 =	vadd.f32 v56, v5  }
0x130: {  	v59 =	vand.u32 $0xFFFF0000, v1;
	[tilespmem:s0+$0x16C10] =	vst v7;
	v6 =	vmax.f32 v6, $0.0e+00;
	v4 =	vadd.f32 v58, v4  }
0x131: {  	v60 =	vshll.u32 v0, $0x10;
	[tilespmem:s0+$0x16C20] =	vst v6;
	v2 =	vmax.f32 v2, $0.0e+00;
	v1 =	vadd.f32 v59, v3  }
0x132: {  	v62 =	vand.u32 $0xFFFF0000, v0;
	[tilespmem:s0+$0x16C30] =	vst v2;
	v61 =	vmax.f32 v4, $0.0e+00;
	v3 =	vadd.f32 v60, v10  }
0x133: {  	v0 =	vadd.f32 v62, v57;
	[tilespmem:s0+$0x16C40] =	vst v61;
	v1 =	vmax.f32 v1, $0.0e+00  }
0x134: {  	[tilespmem:s0+$0x16C50] =	vst v1;
	v63 =	vmax.f32 v3, $0.0e+00  }
0x135: {  	p0 =	seq.s32 s31, $0x1E;
	v0 =	vmax.f32 v0, $0.0e+00;
	[tilespmem:s0+$0x16C60] =	vst v63  }
0x136: {  	s18 =	simm.s32 $0x14380;
	[tilespmem:s0+$0x16C70] =	vst v0;
	s0 =	sadd.s32 @!p0 $0x380, s9  }
0x137: {  	[spmem:s1] =	stream.indirect.scatter.add.f32 [tilespmem:s20], [sflag:$0xE], $0x80, s18, s15, $0xb8;
	[tilespmem:$0x1E400] =	vst v63  }
0x138: {  	s2 =	sand.u32 @!p0 $0x7C00, s0  }
0x139: {  	s0 =	sand.u32 @!p0 $0x380, s0;
	s2 =	sadd.s32 @!p0 s13, s2  }
0x13a: {  	_ =	swait.ge [sflag:s23], $0x2800;
	s0 =	sor.u32 @!p0 s0, s2  }
0x13b: {  	s11 =	simm.s32 @!p0 $0x14180;
	[sflag:s23] =	ssyncset.done $0x0;
	s0 =	sshrl.u32 @!p0 s0, $0x3  }
0x13c: {  	s9 =	simm.s32 @!p0 $0x0;
	[sflag:s23] =	ssyncadd.s32 $0xFFFFD800;
	s2 =	sadd.s32 @!p0 s4, s0  }
0x13d: {  	[tilespmem:s11], [sflag:$0x8] =	stream.linear.gather @!p0 [hbm4b:s2+s9], $0x80, $0x38;
	[tilespmem:$0x1E400] =	vst v63  }
0x13e: {  	s0 =	sadd.s32 @!p0 s5, s0;
	s2 =	simm.s32 @!p0 $0x14380  }
0x13f: {  	[tilespmem:s2], [sflag:$0xC] =	stream.linear.gather @!p0 [hbm4b:s0+s9], $0x80, $0x38;
	[tilespmem:$0x1E400] =	vst v63  }
0x140: {  	s0 =	simm.s32 @!p0 $0x6  }
0x141: {  	_ =	swait.ge @!p0 [sflag:s0], $0x80  }
0x142: {  	[sflag:s0] =	ssyncset.done @!p0 $0x0  }
0x143: {  	[sflag:s0] =	ssyncadd.s32 @!p0 $0xFFFFFF80;
	s0 =	simm.s32 @!p0 $0xA  }
0x144: {  	_ =	swait.ge @!p0 [sflag:s0], $0x80  }
0x145: {  	s17 =	smul.u32 @!p0 $0x140, s31;
	s11 =	simm.s32 @!p0 $0x16C00;
	[sflag:s0] =	ssyncset.done @!p0 $0x0  }
0x146: {  	s2 =	simm.s32 @!p0 $0x14080;
	[sflag:s0] =	ssyncadd.s32 @!p0 $0xFFFFFF80;
	s0 =	simm.s32 @!p0 $0x50  }
0x147: {  	[tilespmem:s11], [sflag:$0x2] =	stream.indirect.gather @!p0 [hbm4b:s7+s0], $0x80, s2, s0, $0xb8;
	[tilespmem:$0x1E400] =	vst v63  }
.Ltmp14:
0x148: {  	_ = 	snop;
	(pc) =	sbr.rel .LBB2_18-.Ltmp14, $4  }
0x149: {  	s0 =	sadd.s32 @!p0 s17, s28  }
0x14a: {  	s0 =	sshll.u32 @!p0 s0, $0x4  }
0x14b: {  	s2 =	simm.s32 @!p0 $0x1BC00;
	s0 =	sadd.s32 @!p0 s6, s0  }
0x14c: {  	[tilespmem:s2], [sflag:$0x4] =	stream.linear.gather @!p0 [hbm4b:s0+s9], $0x2800, $0x38;
	[tilespmem:$0x1E400] =	vst v63  }
.LBB2_20:
0x14d: {  	_ =	sfence.sel $0x180000  }
0x14e: {  	[bflag:$0x0] =	sbarrier.arrive $0xFFFF  }
0x14f: {  	_ =	strace $0x9000004A  }
0x150: {  	s0 =	stileid.u32;
	[bflag:$0x2] =	sbarrier.arrive $0xFFFF  }
0x151: {  	p0 =	sne.s32 s0, $0x0;
	s0 =	rddreg [dreg:$0x3]  }
0x152: {  	s0 =	sadd.s32 @!p0 $0x100000, s0  }
0x153: {  	[sflag:s0] =	ssyncadd.tile.s32 @!p0 $0x1;
	_ =	shalt  }
.Lfunc_end2:
_tile_overlayer_lowered:
.L_overlay_start_2:
0x154: {  	(tag) =	ssettag $0x2  }
0x155: {  	s0 =	rddreg [dreg:$0x0];
	s2 =	stileid.u32  }
0x156: {  	s1 =	rddreg [dreg:$0x1];
	p0 =	sne.s32 s2, $0x0  }
0x157: {  	s3 =	rddreg [dreg:$0x2];
	[bflag:$0x3] =	sbarrier.arrive $0xFFFF;
	s2 =	simm.s32 @!p0 $0x1C0E  }
0x158: {  	[timem:s3], [sflag:s2] =	dma.local @!p0 [hbm:s0], s1  }
0x159: {  	s0 =	simm.s32 @!p0 $0xE  }
0x15a: {  	_ =	swait.ge @!p0 [sflag:s0], s1  }
0x15b: {  	s1 =	ssub.s32 @!p0 $0x0, s1;
	[sflag:s0] =	ssyncset.done @!p0 $0x0  }
0x15c: {  	[sflag:s0] =	ssyncadd.s32 @!p0 s1  }
0x15d: {  	[bflag:$0x3] =	sbarrier.arrive $0xFFFF  }
0x15e: {  	_ =	shalt  }

// kernel: kernel.7.cloned.1.call-start
scs
__scs_entry_jumppad:
0x0: {  	(pc) =	sbr.rel $0x88, $3  }
0x1: {  	(tag) =	ssettag $0x0;
	lr =	simm.s32 $0x1  }
0x2: {  	[smem:$0x3F93] =	sst lr;
	_ =	strace $0xD0000000  }
0x3: {  	_ = 	snop  }
0x4: {  	_ = 	snop  }
0x5: {  	_ = 	snop  }
0x6: {  	_ = 	snop  }
0x7: {  	_ = 	snop  }
__scs_overlays_trampoline_lowered:
0x8: {  	[smem:$0x3FA2] =	sst s0  }
0x9: {  	[smem:$0x3FA3] =	sst s1  }
0xa: {  	[smem:$0x3FA4] =	sst s2  }
0xb: {  	[smem:$0x3FA5] =	sst s3  }
0xc: {  	[smem:$0x3FA6] =	sst s4  }
0xd: {  	[smem:$0x3FA7] =	sst s5  }
0xe: {  	[smem:$0x3FA8] =	sst s6  }
0xf: {  	[smem:$0x3FA9] =	sst s7  }
0x10: {  	[smem:$0x3FAA] =	sst s8  }
0x11: {  	[smem:$0x3FAB] =	sst s9;
	s0 =	simm.s32 @!p0 $0x0  }
0x12: {  	s1 =	sld [smem:$0x3F91];
	s0 =	simm.s32 @p0 $0x1  }
0x13: {  	[smem:$0x3FAC] =	sst s0;
	s0 =	simm.s32 @!p1 $0x0  }
0x14: {  	s2 =	sld [smem:$0x3F90];
	s0 =	simm.s32 @p1 $0x1  }
0x15: {  	[smem:$0x3FAD] =	sst s0;
	s0 =	simm.s32 @!p2 $0x0  }
0x16: {  	s3 =	sld [smem:$0x3FDB];
	s0 =	simm.s32 @p2 $0x1  }
0x17: {  	s4 =	simm.s32 $0x1BF5;
	[smem:$0x3FAF] =	sst s0  }
0x18: {  	s0 =	sld [smem:$0x3F92];
	_ =	swait.ge [sflag:s4], $0x0  }
0x19: {  	s7 =	sld [smem:$0x3F93]  }
0x1a: {  	s8 =	sadd.s32 $0xFFFFE003, lr  }
0x1b: {  	s9 =	sadd.s32 $0xFFFFFEF7, lr;
	s5 =	simm.s32 $0xFFFFFFFF;
	p2 =	slt.u32 s8, $0xFFFFF086  }
0x1c: {  	p1 =	slt.u32 s9, $0xF7A;
	s5 =	simm.s32 @!p2 $0x0  }
0x1d: {  	s5 =	simm.s32 @p1 $0x1;
	p0 =	seq.s32 s7, s2  }
0x1e: {  	s7 =	smul.u32 @!p0 $0xF7A, s2;
	p2 =	seq.s32 @!p0 s5, $0x0  }
0x1f: {  	s9 =	smul.u32 $0xF7A, s1;
	s8 =	simm.s32 @!p0 $0x1BF5;
	p2 =	por !p2, p0  }
0x20: {  	[sflag:s8] =	ssyncset.s32 @!p0 $0xFFFFF086;
	s6 =	sadd.s32 @!p0 s3, s7;
	s7 =	simm.s32 @!p0 $0x108  }
0x21: {  	s3 =	sadd.s32 s3, s9;
	s6 =	sadd.s32 @!p0 $0x88, s6;
	s7 =	simm.s32 @p2 $0x1082  }
0x22: {  	[simem:s7], [sflag:s8] =	dma.local @!p0 [hbm:s6], $0xF7A  }
0x23: {  	s9 =	sor.u32 $0xD0000000, s2;
	s6 =	simm.s32 $0x108;
	_ =	swait.ge @!p0 [sflag:s8], $0x0  }
0x24: {  	s3 =	sadd.s32 $0x88, s3;
	s6 =	simm.s32 @!p1 $0x1082;
	[sflag:s4] =	ssyncset.s32 $0xFFFFF086  }
0x25: {  	[simem:s6], [sflag:s4] =	dma.local [hbm:s3], $0xF7A  }
0x26: {  	[smem:$0x3F93] =	sst s1;
	(tag) =	ssettag s2;
	_ =	strace s9  }
0x27: {  	s1 =	sld [smem:$0x3FA3]  }
0x28: {  	s2 =	sld [smem:$0x3FA4]  }
0x29: {  	s4 =	sld [smem:$0x3FA6]  }
0x2a: {  	p0 =	seq.s32 s5, $0x0;
	s5 =	sld [smem:$0x3FA7]  }
0x2b: {  	s6 =	sld [smem:$0x3FA8]  }
0x2c: {  	s7 =	sld [smem:$0x3FA9]  }
0x2d: {  	s3 =	simm.s32 $0x108;
	s8 =	sld [smem:$0x3FAA]  }
0x2e: {  	s3 =	simm.s32 @!p0 $0x1082;
	s9 =	sld [smem:$0x3FAB]  }
0x2f: {  	lr =	sadd.s32 s0, s3;
	s0 =	sld [smem:$0x3FA2]  }
0x30: {  	s3 =	sld [smem:$0x3FA5]  }
0x31: {  	[smem:$0x3FAE] =	sst s10  }
0x32: {  	s10 =	sld [smem:$0x3FAC];
	_ =	sdelay $0x3  }
0x33: {  	p0 =	seq.s32 s10, $0x1;
	s10 =	sld [smem:$0x3FAE];
	_ =	sdelay $0x3  }
0x34: {  	[smem:$0x3FAE] =	sst s10  }
0x35: {  	s10 =	sld [smem:$0x3FAD];
	_ =	sdelay $0x3  }
0x36: {  	p1 =	seq.s32 s10, $0x1;
	s10 =	sld [smem:$0x3FAE];
	_ =	sdelay $0x3  }
0x37: {  	[smem:$0x3FAE] =	sst s10  }
0x38: {  	s10 =	sld [smem:$0x3FAF]  }
0x39: {  	_ = 	snop;
	(pc) =	sbr.ind lr, $3  }
0x3a: {  	_ = 	snop  }
0x3b: {  	_ = 	snop  }
0x3c: {  	p2 =	seq.s32 s10, $0x1;
	s10 =	sld [smem:$0x3FAE]  }
0x3d: {  	_ =	shalt  }
0x3e: {  	_ =	shalt  }
0x3f: {  	_ =	shalt  }
0x40: {  	_ =	shalt  }
0x41: {  	_ =	shalt  }
0x42: {  	_ =	shalt  }
0x43: {  	_ =	shalt  }
0x44: {  	_ =	shalt  }
0x45: {  	_ =	shalt  }
0x46: {  	_ =	shalt  }
0x47: {  	_ =	shalt  }
0x48: {  	_ =	shalt  }
0x49: {  	_ =	shalt  }
0x4a: {  	_ =	shalt  }
0x4b: {  	_ =	shalt  }
0x4c: {  	_ =	shalt  }
0x4d: {  	_ =	shalt  }
0x4e: {  	_ =	shalt  }
0x4f: {  	_ =	shalt  }
0x50: {  	_ =	shalt  }
0x51: {  	_ =	shalt  }
0x52: {  	_ =	shalt  }
0x53: {  	_ =	shalt  }
0x54: {  	_ =	shalt  }
0x55: {  	_ =	shalt  }
0x56: {  	_ =	shalt  }
0x57: {  	_ =	shalt  }
0x58: {  	_ =	shalt  }
0x59: {  	_ =	shalt  }
0x5a: {  	_ =	shalt  }
0x5b: {  	_ =	shalt  }
0x5c: {  	_ =	shalt  }
0x5d: {  	_ =	shalt  }
0x5e: {  	_ =	shalt  }
0x5f: {  	_ =	shalt  }
0x60: {  	_ =	shalt  }
0x61: {  	_ =	shalt  }
0x62: {  	_ =	shalt  }
0x63: {  	_ =	shalt  }
0x64: {  	_ =	shalt  }
0x65: {  	_ =	shalt  }
0x66: {  	_ =	shalt  }
0x67: {  	_ =	shalt  }
0x68: {  	_ =	shalt  }
0x69: {  	_ =	shalt  }
0x6a: {  	_ =	shalt  }
0x6b: {  	_ =	shalt  }
0x6c: {  	_ =	shalt  }
0x6d: {  	_ =	shalt  }
0x6e: {  	_ =	shalt  }
0x6f: {  	_ =	shalt  }
0x70: {  	_ =	shalt  }
0x71: {  	_ =	shalt  }
0x72: {  	_ =	shalt  }
0x73: {  	_ =	shalt  }
0x74: {  	_ =	shalt  }
0x75: {  	_ =	shalt  }
0x76: {  	_ =	shalt  }
0x77: {  	_ =	shalt  }
0x78: {  	_ =	shalt  }
0x79: {  	_ =	shalt  }
0x7a: {  	_ =	shalt  }
0x7b: {  	_ =	shalt  }
0x7c: {  	_ =	shalt  }
0x7d: {  	_ =	shalt  }
0x7e: {  	_ =	shalt  }
0x7f: {  	_ =	shalt  }
0x80: {  	_ =	shalt  }
0x81: {  	_ =	shalt  }
0x82: {  	_ =	shalt  }
0x83: {  	_ =	shalt  }
0x84: {  	_ =	shalt  }
0x85: {  	_ =	shalt  }
0x86: {  	_ =	shalt  }
0x87: {  	_ =	shalt  }
.Lfunc_end0:
.L_simem_size_0:
called_computation_lowered:
.L_overlay_start_0:
0x88: {  	s2 =	sld [smem:$0x3FD9]  }
0x89: {  	s3 =	sld [smem:$0x3FFE];
	_ =	sdelay $0x1  }
0x8a: {  	s1 =	srdreg.scid  }
0x8b: {  	s0 =	sand.u32 $0x1, s1  }
0x8c: {  	s17 =	sshll.u32 s0, $0xA;
	s2 =	sadd.s32 s3, s2  }
0x8d: {  	s2 =	sadd.s32 s2, s17  }
0x8e: {  	[smem:$0x3FBA] =	sst s2  }
0x8f: {  	_ = 	snop  }
0x90: {  	s2 =	sld [smem:$0x3FD0];
	(tm) =	ssettm $0x1  }
0x91: {  	s18 =	sld [smem:$0x3FFB];
	_ =	sdelay $0x3  }
0x92: {  	_ =	strace s18  }
0x93: {  	s3 =	sld [smem:$0x3FFC];
	_ =	sdelay $0x3  }
0x94: {  	_ =	strace s3  }
0x95: {  	s3 =	sld [smem:$0x3FFD];
	_ =	sdelay $0x3  }
0x96: {  	_ =	strace s3  }
0x97: {  	_ =	strace $0x8FFFFFFF  }
0x98: {  	s19 =	sld [smem:$0x3FDB];
	_ =	sdelay $0x1  }
0x99: {  	s4 =	simm.s32 $_scs_section_size  }
0x9a: {  	s5 =	simm.s32 $_size__tile_overlayer_lowered;
	s6 =	simm.s32 $_tile_overlayer_lowered  }
0x9b: {  	s22 =	simm.s32 $0x1BFF;
	s21 =	sshll.u32 s6, $0x1;
	s3 =	sadd.s32 s4, s19  }
0x9c: {  	s7 =	simm.s32 $0x0;
	s20 =	sshll.u32 s5, $0x1;
	s5 =	sadd.s32 s21, s3  }
0x9d: {  	[timem:s7], [sflag:s22] =	dma.local [hbm:s5], s20  }
0x9e: {  	_ =	swait.ge [sflag:s22], s20  }
0x9f: {  	s4 =	ssub.s32 $0x0, s20;
	[sflag:s22] =	ssyncset.done $0x0  }
0xa0: {  	[sflag:s22] =	ssyncadd.s32 s4;
	_ =	sdelay $0x1  }
0xa1: {  	s23 =	simm.s32 $0x1B8B  }
0xa2: {  	_ =	swait.ge [sflag:s23], $0x1  }
0xa3: {  	[sflag:s23] =	ssyncset.done $0x0  }
0xa4: {  	s25 =	simm.s32 $0x1B8E;
	s24 =	sld [smem:$0x3FFE];
	[sflag:s23] =	ssyncadd.s32 $0xFFFFFFFF  }
0xa5: {  	s26 =	simm.s32 $execute0_lowered;
	[smem:$0x3FD2] =	sst s25  }
0xa6: {  	s5 =	sshll.u32 s26, $0x1;
	_ =	strace $0x80000046;
	[dreg:$0x1] =	wrdreg $0xFFFFFFFF  }
0xa7: {  	s28 =	simm.s32 $_size_execute0_lowered;
	s3 =	sadd.s32 s3, s5;
	[dreg:$0x0] =	wrdreg $0x0  }
0xa8: {  	s5 =	sshll.u32 s28, $0x1;
	[dreg:$0x2] =	wrdreg s3  }
0xa9: {  	[dreg:$0x3] =	wrdreg s5  }
0xaa: {  	[dreg:$0x4] =	wrdreg $0xC0  }
0xab: {  	_ =	task [dreg:s7], $0x5FFFF  }
0xac: {  	[dreg:$0x1] =	wrdreg $0xFFFFFFFF  }
0xad: {  	[dreg:$0x0] =	wrdreg $0x60  }
0xae: {  	[dreg:$0x2] =	wrdreg s24  }
0xaf: {  	[dreg:$0x3] =	wrdreg s2  }
0xb0: {  	[dreg:$0x4] =	wrdreg $0x0  }
0xb1: {  	[dreg:$0x5] =	wrdreg $0x9  }
0xb2: {  	_ =	task.clear_ibuf [dreg:s7], $0x6FFFF;
	_ =	strace $0x90000046  }
0xb3: {  	s29 =	simm.s32 $0x9;
	_ =	strace $0x80000048  }
0xb4: {  	_ =	swait.ge [sflag:s29], $0x1  }
0xb5: {  	[sflag:s29] =	ssyncadd.s32 $0xFFFFFFFF  }
0xb6: {  	_ =	strace $0x90000048  }
0xb7: {  	_ =	sfence  }
0xb8: {  	s30 =	sld [smem:$0x0];
	_ =	sdelay $0x2  }
0xb9: {  	s31 =	sshll.u32 s1, $0xD;
	s1 =	sshrl.u32 s1, $0x2  }
0xba: {  	s3 =	sand.u32 $0x4000, s31;
	s1 =	sadd.s32 s1, s30  }
0xbb: {  	s0 =	sor.u32 s3, s0;
	s1 =	sshll.u32 s1, $0x11  }
0xbc: {  	s0 =	sor.u32 s1, s0  }
0xbd: {  	s0 =	sadd.s32 $0x8F2B, s0  }
0xbe: {  	[sflag:s0] =	ssyncadd.remote.s32 $0x1  }
0xbf: {  	_ =	sfence.sel $0xFFFF  }
0xc0: {  	[dreg:$0x0] =	wrdreg $0xFFFFFFFF;
	(pc) =	sbr.abs _section_cstart, $3  }
0xc1: {  	[dreg:$0x1] =	wrdreg $0xFFFFFFFF  }
0xc2: {  	_ =	task.clear_ibuf [dreg:s7], $0x2FFFF;
	_ =	strace $0x9FFFFFFF  }
0xc3: {  	(tm) =	ssettm $0x7FFFFFFF  }
tec
execute0_lowered:
.L_overlay_start_1:
0x0: {  	(tag) =	ssettag $0x1  }
0x1: {  	s0 =	rddreg [dreg:$0x0]  }
0x2: {  	s2 =	rddreg [dreg:$0x1]  }
0x3: {  	s1 =	rddreg [dreg:$0x2];
	s3 =	simm.s32 $0x0  }
0x4: {  	s15 =	stileid.u32;
	s8 =	srdreg.scid;
	s29 =	simm.s32 $0x14000  }
0x5: {  	s30 =	simm.s32 $0x14200;
	[smem:$0x7FF] =	sst s3;
	s4 =	sadd.s32 $0x1600, s0  }
0x6: {  	s5 =	sadd.s32 $0x11600, s0;
	s9 =	smul.u32 $0x14000, s15;
	s6 =	sadd.s32 $0x48800, s0  }
0x7: {  	s7 =	sadd.s32 $0x21600, s0;
	s10 =	sand.u32 $0x1, s8;
	s12 =	smul.u32 $0x50000, s15  }
0x8: {  	s25 =	sshll.u32 s15, $0x6;
	_ =	strace $0x80000047;
	s11 =	ssub.s32 $0x2, s10  }
0x9: {  	s13 =	sshll.u32 s10, $0x4;
	[dreg:$0x5] =	wrdreg s25;
	s26 =	sor.u32 $0x1C0D, s25  }
0xa: {  	s10 =	smul.u32 $0x140000, s10;
	s23 =	sshrl.u32 s9, $0x3;
	s24 =	sshrl.u32 s11, $0x1  }
0xb: {  	s14 =	sor.u32 s15, s13;
	s12 =	sshrl.u32 s12, $0x2;
	[dreg:$0x7] =	wrdreg s26  }
0xc: {  	s0 =	sadd.s32 s23, s0;
	s11 =	ssub.s32 s11, s24;
	s8 =	smul.u32 $0x2710, s14  }
0xd: {  	s12 =	sadd.s32 s12, s1;
	s31 =	sshll.u32 s14, $0xB;
	s21 =	smul.u32 $0x138800, s14  }
0xe: {  	s13 =	sshll.u32 s14, $0xE;
	s9 =	sadd.s32 s9, s10;
	s22 =	smul.u32 $0x27100, s14  }
0xf: {  	s14 =	simm.s32 $0x9;
	[dreg:$0x4] =	wrdreg s12;
	s0 =	sadd.s32 $0xA0C800, s0  }
0x10: {  	s10 =	simm.s32 $0x3;
	s15 =	sadd.s32 s4, s31;
	[dreg:$0x6] =	wrdreg s0  }
0x11: {  	s16 =	sadd.s32 s5, s31;
	s17 =	sor.u32 $0x10, s31;
	[dreg:$0x8] =	wrdreg s15  }
0x12: {  	s18 =	sor.u32 $0x20, s31;
	s9 =	sshrl.u32 s9, $0x3;
	[dreg:$0x9] =	wrdreg s16  }
0x13: {  	s16 =	sadd.s32 s4, s17;
	s12 =	sadd.s32 s5, s17;
	s19 =	sadd.s32 s4, s18  }
0x14: {  	s20 =	sadd.s32 s5, s18;
	s0 =	sor.u32 $0x30, s31;
	[dreg:$0xa] =	wrdreg s16  }
0x15: {  	s2 =	sadd.s32 s2, s9;
	s24 =	sshrl.u32 s21, $0x3;
	[dreg:$0xb] =	wrdreg s12  }
0x16: {  	s25 =	sadd.s32 s6, s22;
	s31 =	smax.u32 s11, $0x1;
	[dreg:$0xc] =	wrdreg s19  }
0x17: {  	s28 =	sadd.s32 $0x190, s8;
	s15 =	simm.s32 $0x50;
	[dreg:$0xd] =	wrdreg s20  }
0x18: {  	s22 =	simm.s32 $0x1;
	s21 =	simm.s32 $0x0;
	[dreg:$0xe] =	wrdreg s2  }
0x19: {  	s23 =	sadd.s32 s4, s0;
	s0 =	sadd.s32 s5, s0;
	[dreg:$0x11] =	wrdreg s25  }
.Ltmp0:
0x1a: {  	s26 =	sadd.s32 s6, s24;
	[dreg:$0x13] =	wrdreg s31;
	(pc) =	sbr.rel .LBB2_1-.Ltmp0, $4  }
0x1b: {  	s12 =	simm.s32 $0x5;
	s16 =	simm.s32 $0x14400;
	s20 =	simm.s32 $0x16C00  }
0x1c: {  	s24 =	simm.s32 $0x2;
	s25 =	simm.s32 $0x4;
	[dreg:$0xf] =	wrdreg s23  }
0x1d: {  	s19 =	simm.s32 $0xC;
	[dreg:$0x10] =	wrdreg s0;
	s0 =	sadd.s32 $0x500, s26  }
0x1e: {  	s26 =	sadd.s32 $0x140, s8;
	s23 =	simm.s32 $0xE;
	[dreg:$0x12] =	wrdreg s0  }
.LBB2_19:
0x1f: {  	[bflag:$0x0] =	sbarrier.arrive $0xFFFF  }
0x20: {  	s0 =	rddreg [dreg:$0x5]  }
0x21: {  	s2 =	rddreg [dreg:$0xe]  }
0x22: {  	s9 =	rddreg [dreg:$0x14];
	s0 =	sor.u32 $0x1C0E, s0  }
0x23: {  	[hbm:s2], [sflag:s0] =	dma.local [spmem:s9], $0x2800  }
0x24: {  	_ =	swait.ge [sflag:s23], $0x2800  }
0x25: {  	s21 =	sadd.s32 $0x1, s21;
	s31 =	rddreg [dreg:$0x13]  }
0x26: {  	p0 =	sne.s32 s21, s31  }
.Ltmp1:
0x27: {  	_ = 	snop;
	(pc) =	sbr.rel @!p0 .LBB2_20-.Ltmp1, $3  }
0x28: {  	_ =	sdelay $0x1  }
0x29: {  	[sflag:s23] =	ssyncset.done $0x0  }
0x2a: {  	[sflag:s23] =	ssyncadd.s32 $0xFFFFD800  }
.LBB2_1:
0x2b: {  	s0 =	rddreg [dreg:$0x4]  }
0x2c: {  	s18 =	rddreg [dreg:$0x6]  }
0x2d: {  	s2 =	rddreg [dreg:$0x7];
	s9 =	sshrl.u32 s0, $0x3  }
0x2e: {  	[dreg:$0x14] =	wrdreg s9  }
0x2f: {  	[spmem:s9], [sflag:s2] =	dma.local [hbm:s18], $0x2800  }
0x30: {  	s0 =	rddreg [dreg:$0x8]  }
0x31: {  	[tilespmem:s29], [sflag:$0x5] =	stream.linear.gather [hbm4b:s0+s3], $0x80, $0x38;
	[tilespmem:$0x1E400] =	vst v63  }
0x32: {  	s9 =	rddreg [dreg:$0x9]  }
0x33: {  	[tilespmem:s30], [sflag:$0x9] =	stream.linear.gather [hbm4b:s9+s3], $0x80, $0x38;
	[tilespmem:$0x1E400] =	vst v63  }
0x34: {  	s2 =	simm.s32 $0x14080;
	s11 =	rddreg [dreg:$0xa]  }
0x35: {  	[tilespmem:s2], [sflag:$0x6] =	stream.linear.gather [hbm4b:s11+s3], $0x80, $0x38;
	[tilespmem:$0x1E400] =	vst v63  }
0x36: {  	s18 =	simm.s32 $0x14280;
	s17 =	rddreg [dreg:$0xb]  }
0x37: {  	[tilespmem:s18], [sflag:$0xA] =	stream.linear.gather [hbm4b:s17+s3], $0x80, $0x38;
	[tilespmem:$0x1E400] =	vst v63  }
0x38: {  	s9 =	rddreg [dreg:$0xc];
	s11 =	simm.s32 $0x14100  }
0x39: {  	[tilespmem:s11], [sflag:$0x7] =	stream.linear.gather [hbm4b:s9+s3], $0x80, $0x38;
	[tilespmem:$0x1E400] =	vst v63  }
0x3a: {  	s17 =	rddreg [dreg:$0xd];
	s18 =	simm.s32 $0x14300  }
0x3b: {  	[tilespmem:s18], [sflag:$0xB] =	stream.linear.gather [hbm4b:s17+s3], $0x80, $0x38;
	[tilespmem:$0x1E400] =	vst v63  }
0x3c: {  	s9 =	rddreg [dreg:$0xf];
	s11 =	simm.s32 $0x14180  }
0x3d: {  	[tilespmem:s11], [sflag:$0x8] =	stream.linear.gather [hbm4b:s9+s3], $0x80, $0x38;
	[tilespmem:$0x1E400] =	vst v63  }
0x3e: {  	s17 =	rddreg [dreg:$0x10];
	s18 =	simm.s32 $0x14380  }
0x3f: {  	[tilespmem:s18], [sflag:$0xC] =	stream.linear.gather [hbm4b:s17+s3], $0x80, $0x38;
	[tilespmem:$0x1E400] =	vst v63  }
0x40: {  	_ =	swait.ge [sflag:s12], $0x80  }
0x41: {  	[sflag:s12] =	ssyncset.done $0x0  }
0x42: {  	[sflag:s12] =	ssyncadd.s32 $0xFFFFFF80  }
0x43: {  	_ =	swait.ge [sflag:s14], $0x80  }
0x44: {  	[sflag:s14] =	ssyncset.done $0x0  }
0x45: {  	[sflag:s14] =	ssyncadd.s32 $0xFFFFFF80  }
0x46: {  	[tilespmem:s16], [sflag:$0x1] =	stream.indirect.gather [hbm4b:s7+s15], $0x80, s29, s15, $0xb8;
	[tilespmem:$0x1E400] =	vst v63  }
0x47: {  	s17 =	simm.s32 $0x19400;
	s18 =	simm.s32 $0x6;
	s11 =	rddreg [dreg:$0x11]  }
0x48: {  	[tilespmem:s17], [sflag:$0x3] =	stream.linear.gather [hbm4b:s11+s3], $0x2800, $0x38;
	[tilespmem:$0x1E400] =	vst v63  }
0x49: {  	_ =	swait.ge [sflag:s18], $0x80  }
0x4a: {  	[sflag:s18] =	ssyncset.done $0x0  }
0x4b: {  	s9 =	simm.s32 $0xA;
	[sflag:s18] =	ssyncadd.s32 $0xFFFFFF80  }
0x4c: {  	_ =	swait.ge [sflag:s9], $0x80  }
0x4d: {  	[sflag:s9] =	ssyncset.done $0x0  }
0x4e: {  	[sflag:s9] =	ssyncadd.s32 $0xFFFFFF80  }
0x4f: {  	[tilespmem:s20], [sflag:$0x2] =	stream.indirect.gather [hbm4b:s7+s15], $0x80, s2, s15, $0xb8;
	[tilespmem:$0x1E400] =	vst v63  }
0x50: {  	s17 =	simm.s32 $0x1BC00;
	s18 =	simm.s32 $0xD;
	s11 =	rddreg [dreg:$0x12]  }
0x51: {  	[tilespmem:s17], [sflag:$0x4] =	stream.linear.gather [hbm4b:s11+s3], $0x2800, $0x38;
	[tilespmem:$0x1E400] =	vst v63  }
.Ltmp2:
0x52: {  	_ =	swait.ge [sflag:s18], $0x2800;
	(pc) =	sbr.rel .LBB2_2-.Ltmp2, $4  }
0x53: {  	[sflag:s18] =	ssyncset.done $0x0  }
0x54: {  	[sflag:s18] =	ssyncadd.s32 $0xFFFFD800  }
0x55: {  	[bflag:$0x0] =	sbarrier.arrive $0xFFFF  }
0x56: {  	s31 =	simm.s32 $0x0  }
.LBB2_18:
0x57: {  	s31 =	sadd.s32 $0x1, s31  }
0x58: {  	p0 =	sne.s32 s31, $0x20  }
.Ltmp3:
0x59: {  	_ = 	snop;
	(pc) =	sbr.rel @!p0 .LBB2_19-.Ltmp3, $1  }
0x5a: {  	_ =	sdelay $0x3  }
.LBB2_2:
0x5b: {  	_ =	swait.ge [sflag:s22], $0x2800  }
0x5c: {  	[sflag:s22] =	ssyncset.done $0x0  }
0x5d: {  	[sflag:s22] =	ssyncadd.s32 $0xFFFFD800  }
0x5e: {  	_ =	swait.ge [sflag:s10], $0x2800  }
0x5f: {  	[sflag:s10] =	ssyncset.done $0x0  }
0x60: {  	s0 =	simm.s32 $0x0;
	[sflag:s10] =	ssyncadd.s32 $0xFFFFD800  }
0x61: {  	v3 =	vld [tilespmem:s0+$0x19400]  }
0x62: {  	v2 =	vld [tilespmem:s0+$0x19410]  }
0x63: {  	v1 =	vld [tilespmem:s0+$0x19420]  }
0x64: {  	v0 =	vld [tilespmem:s0+$0x19430]  }
0x65: {  	v8 =	vld [tilespmem:s0+$0x14400]  }
0x66: {  	v7 =	vld [tilespmem:s0+$0x14410]  }
0x67: {  	v6 =	vld [tilespmem:s0+$0x14420]  }
0x68: {  	v5 =	vld [tilespmem:s0+$0x14430]  }
0x69: {  	v4 =	vld [tilespmem:s0+$0x14440];
	v10 =	vshll.u32 v3, $0x10  }
0x6a: {  	s9 =	simm.s32 $0x200;
	v9 =	vand.u32 $0xFFFF0000, v3;
	v3 =	vld [tilespmem:s0+$0x14450];
	v8 =	vadd.f32 v10, v8  }
.LBB2_3:
0x6b: {  	p0 =	sne.s32 s9, $0x9E00;
	v7 =	vadd.f32 v9, v7;
	v9 =	vshll.u32 v2, $0x10;
	v10 =	vld [tilespmem:s0+$0x14460]  }
0x6c: {  	s2 =	sshra.s32 s9, $0x2;
	v2 =	vand.u32 $0xFFFF0000, v2;
	v8 =	vmax.f32 v8, $0.0e+00;
	v6 =	vadd.f32 v9, v6;
	v9 =	vld [tilespmem:s0+$0x14470]  }
0x6d: {  	v11 =	vld [tilespmem:s2+$0x19400];
	[tilespmem:s0+$0x14400] =	vst v8;
	v7 =	vmax.f32 v7, $0.0e+00;
	v5 =	vadd.f32 v2, v5;
	v8 =	vshll.u32 v1, $0x10  }
0x6e: {  	v2 =	vld [tilespmem:s2+$0x19410];
	[tilespmem:s0+$0x14410] =	vst v7;
	v6 =	vmax.f32 v6, $0.0e+00;
	v7 =	vand.u32 $0xFFFF0000, v1;
	v4 =	vadd.f32 v8, v4  }
0x6f: {  	v1 =	vld [tilespmem:s2+$0x19420];
	[tilespmem:s0+$0x14420] =	vst v6;
	v5 =	vmax.f32 v5, $0.0e+00;
	v3 =	vadd.f32 v7, v3;
	v6 =	vshll.u32 v0, $0x10  }
0x70: {  	[tilespmem:s0+$0x14430] =	vst v5;
	v4 =	vmax.f32 v4, $0.0e+00;
	v5 =	vand.u32 $0xFFFF0000, v0;
	v0 =	vld [tilespmem:s2+$0x19430];
	v6 =	vadd.f32 v6, v10  }
0x71: {  	v8 =	vld [tilespmem:s2+$0x14400];
	[tilespmem:s0+$0x14440] =	vst v4;
	v3 =	vmax.f32 v3, $0.0e+00;
	v4 =	vadd.f32 v5, v9  }
.Ltmp4:
0x72: {  	v7 =	vld [tilespmem:s2+$0x14410];
	[tilespmem:s0+$0x14450] =	vst v3;
	v3 =	vmax.f32 v6, $0.0e+00;
	(pc) =	sbr.rel @p0 .LBB2_3-.Ltmp4, $4  }
0x73: {  	v6 =	vld [tilespmem:s2+$0x14420];
	[tilespmem:s0+$0x14460] =	vst v3;
	v3 =	vmax.f32 v4, $0.0e+00  }
0x74: {  	v5 =	vld [tilespmem:s2+$0x14430];
	[tilespmem:s0+$0x14470] =	vst v3;
	s0 =	smov.u32 s2  }
0x75: {  	v3 =	vshll.u32 v11, $0x10;
	v4 =	vld [tilespmem:s0+$0x14440]  }
0x76: {  	s9 =	sadd.s32 $0x200, s9;
	v9 =	vand.u32 $0xFFFF0000, v11;
	v8 =	vadd.f32 v3, v8;
	v3 =	vld [tilespmem:s0+$0x14450]  }
0x77: {  	v7 =	vadd.f32 v9, v7;
	v55 =	vshll.u32 v2, $0x10;
	v10 =	vld [tilespmem:s0+$0x14460]  }
0x78: {  	v56 =	vand.u32 $0xFFFF0000, v2;
	v57 =	vld [tilespmem:s0+$0x14470];
	v8 =	vmax.f32 v8, $0.0e+00;
	v6 =	vadd.f32 v55, v6  }
0x79: {  	v58 =	vshll.u32 v1, $0x10;
	[tilespmem:s0+$0x14400] =	vst v8;
	v7 =	vmax.f32 v7, $0.0e+00;
	v2 =	vadd.f32 v56, v5  }
0x7a: {  	v59 =	vand.u32 $0xFFFF0000, v1;
	[tilespmem:s0+$0x14410] =	vst v7;
	v6 =	vmax.f32 v6, $0.0e+00;
	v4 =	vadd.f32 v58, v4  }
0x7b: {  	v60 =	vshll.u32 v0, $0x10;
	[tilespmem:s0+$0x14420] =	vst v6;
	v2 =	vmax.f32 v2, $0.0e+00;
	v1 =	vadd.f32 v59, v3  }
0x7c: {  	v62 =	vand.u32 $0xFFFF0000, v0;
	[tilespmem:s0+$0x14430] =	vst v2;
	v61 =	vmax.f32 v4, $0.0e+00;
	v3 =	vadd.f32 v60, v10  }
0x7d: {  	v0 =	vadd.f32 v62, v57;
	[tilespmem:s0+$0x14440] =	vst v61;
	v1 =	vmax.f32 v1, $0.0e+00  }
0x7e: {  	[tilespmem:s0+$0x14450] =	vst v1;
	v63 =	vmax.f32 v3, $0.0e+00  }
0x7f: {  	p0 =	seq.s32 s31, $0x1F;
	v0 =	vmax.f32 v0, $0.0e+00;
	[tilespmem:s0+$0x14460] =	vst v63  }
.Ltmp5:
0x80: {  	[tilespmem:s0+$0x14470] =	vst v0;
	(pc) =	sbr.rel @p0 .LBB2_19-.Ltmp5, $4  }
0x81: {  	[spmem:s1] =	stream.indirect.scatter.add.f32 [tilespmem:s16], [sflag:$0xE], $0x80, s30, s15, $0xb8;
	[tilespmem:$0x1E400] =	vst v63  }
0x82: {  	_ =	swait.ge [sflag:s23], $0x2800  }
0x83: {  	[sflag:s23] =	ssyncset.done $0x0  }
0x84: {  	[sflag:s23] =	ssyncadd.s32 $0xFFFFD800  }
0x85: {  	s9 =	sshll.u32 s31, $0x9  }
0x86: {  	s0 =	sadd.s32 $0x200, s9  }
0x87: {  	s2 =	sand.u32 $0x7C00, s0  }
0x88: {  	s0 =	sand.u32 $0x200, s0;
	s2 =	sadd.s32 s13, s2  }
0x89: {  	s0 =	sor.u32 s0, s2  }
0x8a: {  	s2 =	sshrl.u32 s0, $0x3  }
0x8b: {  	s0 =	sadd.s32 s4, s2  }
0x8c: {  	[tilespmem:s29], [sflag:$0x5] =	stream.linear.gather [hbm4b:s0+s3], $0x80, $0x38;
	[tilespmem:$0x1E400] =	vst v63  }
0x8d: {  	s2 =	sadd.s32 s5, s2;
	s0 =	sshll.u32 s31, $0x2  }
0x8e: {  	[tilespmem:s30], [sflag:$0x9] =	stream.linear.gather [hbm4b:s2+s3], $0x80, $0x38;
	[tilespmem:$0x1E400] =	vst v63  }
0x8f: {  	s2 =	sor.u32 $0x2, s0  }
0x90: {  	p1 =	sgt.u32 s2, $0x7C  }
0x91: {  	s11 =	simm.s32 @!p1 $0x7  }
0x92: {  	_ =	swait.ge @!p1 [sflag:s11], $0x80  }
0x93: {  	p0 =	sgt.u32 s31, $0x1E;
	[sflag:s11] =	ssyncset.done @!p1 $0x0  }
0x94: {  	s2 =	smul.u32 @!p1 $0x50, s2;
	[sflag:s11] =	ssyncadd.s32 @!p1 $0xFFFFFF80;
	s11 =	simm.s32 @!p1 $0xB  }
0x95: {  	s17 =	simm.s32 @!p1 $0x14100;
	s18 =	simm.s32 @!p1 $0x14400;
	_ =	swait.ge @!p1 [sflag:s11], $0x80  }
.Ltmp6:
0x96: {  	s2 =	sadd.s32 @!p1 s8, s2;
	[sflag:s11] =	ssyncset.done @!p1 $0x0;
	(pc) =	sbr.rel @p0 .LBB2_10-.Ltmp6, $4  }
0x97: {  	s2 =	sshll.u32 @!p1 s2, $0x4;
	[sflag:s11] =	ssyncadd.s32 @!p1 $0xFFFFFF80;
	s11 =	simm.s32 @!p1 $0x50  }
0x98: {  	[tilespmem:s18], [sflag:$0x1] =	stream.indirect.gather @!p1 [hbm4b:s7+s11], $0x80, s17, s11, $0xb8;
	[tilespmem:$0x1E400] =	vst v63  }
0x99: {  	s2 =	sadd.s32 @!p1 s6, s2;
	s11 =	simm.s32 @!p1 $0x0;
	s17 =	simm.s32 @!p1 $0x19400  }
0x9a: {  	[tilespmem:s17], [sflag:$0x3] =	stream.linear.gather @!p1 [hbm4b:s2+s11], $0x2800, $0x38;
	[tilespmem:$0x1E400] =	vst v63  }
0x9b: {  	_ =	swait.ge [sflag:s24], $0x2800  }
0x9c: {  	[sflag:s24] =	ssyncset.done $0x0  }
0x9d: {  	[sflag:s24] =	ssyncadd.s32 $0xFFFFD800  }
0x9e: {  	_ =	swait.ge [sflag:s25], $0x2800  }
0x9f: {  	[sflag:s25] =	ssyncset.done $0x0  }
0xa0: {  	s11 =	simm.s32 $0x0;
	[sflag:s25] =	ssyncadd.s32 $0xFFFFD800  }
0xa1: {  	v3 =	vld [tilespmem:s11+$0x1BC00]  }
0xa2: {  	v2 =	vld [tilespmem:s11+$0x1BC10]  }
0xa3: {  	v1 =	vld [tilespmem:s11+$0x1BC20]  }
0xa4: {  	v0 =	vld [tilespmem:s11+$0x1BC30]  }
0xa5: {  	v8 =	vld [tilespmem:s11+$0x16C00]  }
0xa6: {  	v7 =	vld [tilespmem:s11+$0x16C10]  }
0xa7: {  	v6 =	vld [tilespmem:s11+$0x16C20]  }
0xa8: {  	v5 =	vld [tilespmem:s11+$0x16C30]  }
0xa9: {  	v4 =	vld [tilespmem:s11+$0x16C40];
	v10 =	vshll.u32 v3, $0x10  }
0xaa: {  	s2 =	simm.s32 $0x200;
	v9 =	vand.u32 $0xFFFF0000, v3;
	v3 =	vld [tilespmem:s11+$0x16C50];
	v8 =	vadd.f32 v10, v8  }
.LBB2_7:
0xab: {  	p2 =	sne.s32 s2, $0x9E00;
	v7 =	vadd.f32 v9, v7;
	v9 =	vshll.u32 v2, $0x10;
	v10 =	vld [tilespmem:s11+$0x16C60]  }
0xac: {  	s17 =	sshra.s32 s2, $0x2;
	v2 =	vand.u32 $0xFFFF0000, v2;
	v8 =	vmax.f32 v8, $0.0e+00;
	v6 =	vadd.f32 v9, v6;
	v9 =	vld [tilespmem:s11+$0x16C70]  }
0xad: {  	v11 =	vld [tilespmem:s17+$0x1BC00];
	[tilespmem:s11+$0x16C00] =	vst v8;
	v7 =	vmax.f32 v7, $0.0e+00;
	v5 =	vadd.f32 v2, v5;
	v8 =	vshll.u32 v1, $0x10  }
0xae: {  	v2 =	vld [tilespmem:s17+$0x1BC10];
	[tilespmem:s11+$0x16C10] =	vst v7;
	v6 =	vmax.f32 v6, $0.0e+00;
	v7 =	vand.u32 $0xFFFF0000, v1;
	v4 =	vadd.f32 v8, v4  }
0xaf: {  	v1 =	vld [tilespmem:s17+$0x1BC20];
	[tilespmem:s11+$0x16C20] =	vst v6;
	v5 =	vmax.f32 v5, $0.0e+00;
	v3 =	vadd.f32 v7, v3;
	v6 =	vshll.u32 v0, $0x10  }
0xb0: {  	[tilespmem:s11+$0x16C30] =	vst v5;
	v4 =	vmax.f32 v4, $0.0e+00;
	v5 =	vand.u32 $0xFFFF0000, v0;
	v0 =	vld [tilespmem:s17+$0x1BC30];
	v6 =	vadd.f32 v6, v10  }
0xb1: {  	v8 =	vld [tilespmem:s17+$0x16C00];
	[tilespmem:s11+$0x16C40] =	vst v4;
	v3 =	vmax.f32 v3, $0.0e+00;
	v4 =	vadd.f32 v5, v9  }
.Ltmp7:
0xb2: {  	v7 =	vld [tilespmem:s17+$0x16C10];
	[tilespmem:s11+$0x16C50] =	vst v3;
	v3 =	vmax.f32 v6, $0.0e+00;
	(pc) =	sbr.rel @p2 .LBB2_7-.Ltmp7, $4  }
0xb3: {  	v6 =	vld [tilespmem:s17+$0x16C20];
	[tilespmem:s11+$0x16C60] =	vst v3;
	v3 =	vmax.f32 v4, $0.0e+00  }
0xb4: {  	v5 =	vld [tilespmem:s17+$0x16C30];
	[tilespmem:s11+$0x16C70] =	vst v3;
	s11 =	smov.u32 s17  }
0xb5: {  	v3 =	vshll.u32 v11, $0x10;
	v4 =	vld [tilespmem:s11+$0x16C40]  }
0xb6: {  	s2 =	sadd.s32 $0x200, s2;
	v9 =	vand.u32 $0xFFFF0000, v11;
	v8 =	vadd.f32 v3, v8;
	v3 =	vld [tilespmem:s11+$0x16C50]  }
0xb7: {  	v7 =	vadd.f32 v9, v7;
	v55 =	vshll.u32 v2, $0x10;
	v10 =	vld [tilespmem:s11+$0x16C60]  }
0xb8: {  	v56 =	vand.u32 $0xFFFF0000, v2;
	v57 =	vld [tilespmem:s11+$0x16C70];
	v8 =	vmax.f32 v8, $0.0e+00;
	v6 =	vadd.f32 v55, v6  }
0xb9: {  	v58 =	vshll.u32 v1, $0x10;
	[tilespmem:s11+$0x16C00] =	vst v8;
	v7 =	vmax.f32 v7, $0.0e+00;
	v2 =	vadd.f32 v56, v5  }
0xba: {  	v59 =	vand.u32 $0xFFFF0000, v1;
	[tilespmem:s11+$0x16C10] =	vst v7;
	v6 =	vmax.f32 v6, $0.0e+00;
	v4 =	vadd.f32 v58, v4  }
0xbb: {  	v60 =	vshll.u32 v0, $0x10;
	[tilespmem:s11+$0x16C20] =	vst v6;
	v2 =	vmax.f32 v2, $0.0e+00;
	v1 =	vadd.f32 v59, v3  }
0xbc: {  	v62 =	vand.u32 $0xFFFF0000, v0;
	[tilespmem:s11+$0x16C30] =	vst v2;
	v61 =	vmax.f32 v4, $0.0e+00;
	v3 =	vadd.f32 v60, v10  }
0xbd: {  	v0 =	vadd.f32 v62, v57;
	[tilespmem:s11+$0x16C40] =	vst v61;
	v1 =	vmax.f32 v1, $0.0e+00  }
0xbe: {  	[tilespmem:s11+$0x16C50] =	vst v1;
	v63 =	vmax.f32 v3, $0.0e+00  }
0xbf: {  	v0 =	vmax.f32 v0, $0.0e+00;
	[tilespmem:s11+$0x16C60] =	vst v63  }
0xc0: {  	s2 =	simm.s32 $0x14280;
	p2 =	seq.s32 s31, $0x1E;
	[tilespmem:s11+$0x16C70] =	vst v0  }
0xc1: {  	[spmem:s1] =	stream.indirect.scatter.add.f32 [tilespmem:s20], [sflag:$0xE], $0x80, s2, s15, $0xb8;
	[tilespmem:$0x1E400] =	vst v63  }
0xc2: {  	s2 =	sadd.s32 @!p2 $0x280, s9  }
0xc3: {  	s17 =	simm.s32 @!p2 $0x0;
	s0 =	sor.u32 @!p2 $0x3, s0;
	s11 =	sand.u32 @!p2 $0x7C00, s2  }
0xc4: {  	p3 =	sgt.u32 @!p2 s0, $0x7C;
	s2 =	sand.u32 @!p2 $0x280, s2;
	s11 =	sadd.s32 @!p2 s13, s11  }
0xc5: {  	p3 =	por p2, !p3;
	_ =	swait.ge [sflag:s23], $0x2800;
	s2 =	sor.u32 @!p2 s2, s11  }
.Ltmp8:
0xc6: {  	[sflag:s23] =	ssyncset.done $0x0;
	s2 =	sshrl.u32 @!p2 s2, $0x3;
	(pc) =	sbr.rel @!p3 .LBB2_10-.Ltmp8, $4  }
0xc7: {  	s18 =	simm.s32 @!p2 $0x14080;
	[sflag:s23] =	ssyncadd.s32 $0xFFFFD800;
	s11 =	sadd.s32 @!p2 s4, s2  }
0xc8: {  	[tilespmem:s18], [sflag:$0x6] =	stream.linear.gather @!p2 [hbm4b:s11+s17], $0x80, $0x38;
	[tilespmem:$0x1E400] =	vst v63  }
0xc9: {  	s2 =	sadd.s32 @!p2 s5, s2;
	s11 =	simm.s32 @!p2 $0x14280  }
0xca: {  	[tilespmem:s11], [sflag:$0xA] =	stream.linear.gather @!p2 [hbm4b:s2+s17], $0x80, $0x38;
	[tilespmem:$0x1E400] =	vst v63  }
0xcb: {  	s2 =	simm.s32 $0x8  }
0xcc: {  	_ =	swait.ge [sflag:s2], $0x80  }
0xcd: {  	s0 =	simm.s32 @p2 $0x7B;
	[sflag:s2] =	ssyncset.done $0x0  }
0xce: {  	s0 =	smul.u32 $0x50, s0;
	[sflag:s2] =	ssyncadd.s32 $0xFFFFFF80  }
0xcf: {  	_ =	swait.ge [sflag:s19], $0x80  }
.Ltmp9:
0xd0: {  	s0 =	sadd.s32 s8, s0;
	[sflag:s19] =	ssyncset.done $0x0;
	(pc) =	sbr.rel .LBB2_11-.Ltmp9, $4  }
0xd1: {  	s17 =	simm.s32 $0x14180;
	s0 =	sshll.u32 s0, $0x4;
	[sflag:s19] =	ssyncadd.s32 $0xFFFFFF80  }
0xd2: {  	[tilespmem:s20], [sflag:$0x2] =	stream.indirect.gather [hbm4b:s7+s15], $0x80, s17, s15, $0xb8;
	[tilespmem:$0x1E400] =	vst v63  }
0xd3: {  	s18 =	simm.s32 $0x1BC00;
	s0 =	sadd.s32 s6, s0  }
0xd4: {  	[tilespmem:s18], [sflag:$0x4] =	stream.linear.gather [hbm4b:s0+s3], $0x2800, $0x38;
	[tilespmem:$0x1E400] =	vst v63  }
.LBB2_10:
.Ltmp10:
0xd5: {  	(pc) =	sbr.rel @p1 .LBB2_14-.Ltmp10, $1  }
0xd6: {  	_ =	sdelay $0x3  }
.LBB2_11:
0xd7: {  	_ =	swait.ge [sflag:s22], $0x2800  }
0xd8: {  	[sflag:s22] =	ssyncset.done $0x0  }
0xd9: {  	[sflag:s22] =	ssyncadd.s32 $0xFFFFD800  }
0xda: {  	_ =	swait.ge [sflag:s10], $0x2800  }
0xdb: {  	[sflag:s10] =	ssyncset.done $0x0  }
0xdc: {  	s0 =	simm.s32 $0x0;
	[sflag:s10] =	ssyncadd.s32 $0xFFFFD800  }
0xdd: {  	v3 =	vld [tilespmem:s0+$0x19400]  }
0xde: {  	v2 =	vld [tilespmem:s0+$0x19410]  }
0xdf: {  	v1 =	vld [tilespmem:s0+$0x19420]  }
0xe0: {  	v0 =	vld [tilespmem:s0+$0x19430]  }
0xe1: {  	v8 =	vld [tilespmem:s0+$0x14400]  }
0xe2: {  	v7 =	vld [tilespmem:s0+$0x14410]  }
0xe3: {  	v6 =	vld [tilespmem:s0+$0x14420]  }
0xe4: {  	v5 =	vld [tilespmem:s0+$0x14430]  }
0xe5: {  	v4 =	vld [tilespmem:s0+$0x14440];
	v10 =	vshll.u32 v3, $0x10  }
0xe6: {  	s2 =	simm.s32 $0x200;
	v9 =	vand.u32 $0xFFFF0000, v3;
	v3 =	vld [tilespmem:s0+$0x14450];
	v8 =	vadd.f32 v10, v8  }
.LBB2_12:
0xe7: {  	p1 =	sne.s32 s2, $0x9E00;
	v7 =	vadd.f32 v9, v7;
	v9 =	vshll.u32 v2, $0x10;
	v10 =	vld [tilespmem:s0+$0x14460]  }
0xe8: {  	s11 =	sshra.s32 s2, $0x2;
	v2 =	vand.u32 $0xFFFF0000, v2;
	v8 =	vmax.f32 v8, $0.0e+00;
	v6 =	vadd.f32 v9, v6;
	v9 =	vld [tilespmem:s0+$0x14470]  }
0xe9: {  	v11 =	vld [tilespmem:s11+$0x19400];
	[tilespmem:s0+$0x14400] =	vst v8;
	v7 =	vmax.f32 v7, $0.0e+00;
	v5 =	vadd.f32 v2, v5;
	v8 =	vshll.u32 v1, $0x10  }
0xea: {  	v2 =	vld [tilespmem:s11+$0x19410];
	[tilespmem:s0+$0x14410] =	vst v7;
	v6 =	vmax.f32 v6, $0.0e+00;
	v7 =	vand.u32 $0xFFFF0000, v1;
	v4 =	vadd.f32 v8, v4  }
0xeb: {  	v1 =	vld [tilespmem:s11+$0x19420];
	[tilespmem:s0+$0x14420] =	vst v6;
	v5 =	vmax.f32 v5, $0.0e+00;
	v3 =	vadd.f32 v7, v3;
	v6 =	vshll.u32 v0, $0x10  }
0xec: {  	[tilespmem:s0+$0x14430] =	vst v5;
	v4 =	vmax.f32 v4, $0.0e+00;
	v5 =	vand.u32 $0xFFFF0000, v0;
	v0 =	vld [tilespmem:s11+$0x19430];
	v6 =	vadd.f32 v6, v10  }
0xed: {  	v8 =	vld [tilespmem:s11+$0x14400];
	[tilespmem:s0+$0x14440] =	vst v4;
	v3 =	vmax.f32 v3, $0.0e+00;
	v4 =	vadd.f32 v5, v9  }
.Ltmp11:
0xee: {  	v7 =	vld [tilespmem:s11+$0x14410];
	[tilespmem:s0+$0x14450] =	vst v3;
	v3 =	vmax.f32 v6, $0.0e+00;
	(pc) =	sbr.rel @p1 .LBB2_12-.Ltmp11, $4  }
0xef: {  	v6 =	vld [tilespmem:s11+$0x14420];
	[tilespmem:s0+$0x14460] =	vst v3;
	v3 =	vmax.f32 v4, $0.0e+00  }
0xf0: {  	v5 =	vld [tilespmem:s11+$0x14430];
	[tilespmem:s0+$0x14470] =	vst v3;
	s0 =	smov.u32 s11  }
0xf1: {  	v3 =	vshll.u32 v11, $0x10;
	v4 =	vld [tilespmem:s0+$0x14440]  }
0xf2: {  	s2 =	sadd.s32 $0x200, s2;
	v9 =	vand.u32 $0xFFFF0000, v11;
	v8 =	vadd.f32 v3, v8;
	v3 =	vld [tilespmem:s0+$0x14450]  }
0xf3: {  	v7 =	vadd.f32 v9, v7;
	v55 =	vshll.u32 v2, $0x10;
	v10 =	vld [tilespmem:s0+$0x14460]  }
0xf4: {  	v56 =	vand.u32 $0xFFFF0000, v2;
	v57 =	vld [tilespmem:s0+$0x14470];
	v8 =	vmax.f32 v8, $0.0e+00;
	v6 =	vadd.f32 v55, v6  }
0xf5: {  	v58 =	vshll.u32 v1, $0x10;
	[tilespmem:s0+$0x14400] =	vst v8;
	v7 =	vmax.f32 v7, $0.0e+00;
	v2 =	vadd.f32 v56, v5  }
0xf6: {  	v59 =	vand.u32 $0xFFFF0000, v1;
	[tilespmem:s0+$0x14410] =	vst v7;
	v6 =	vmax.f32 v6, $0.0e+00;
	v4 =	vadd.f32 v58, v4  }
0xf7: {  	v60 =	vshll.u32 v0, $0x10;
	[tilespmem:s0+$0x14420] =	vst v6;
	v2 =	vmax.f32 v2, $0.0e+00;
	v1 =	vadd.f32 v59, v3  }
0xf8: {  	v62 =	vand.u32 $0xFFFF0000, v0;
	[tilespmem:s0+$0x14430] =	vst v2;
	v61 =	vmax.f32 v4, $0.0e+00;
	v3 =	vadd.f32 v60, v10  }
0xf9: {  	v0 =	vadd.f32 v62, v57;
	[tilespmem:s0+$0x14440] =	vst v61;
	v1 =	vmax.f32 v1, $0.0e+00  }
0xfa: {  	[tilespmem:s0+$0x14450] =	vst v1;
	v63 =	vmax.f32 v3, $0.0e+00  }
0xfb: {  	p1 =	sgt.u32 s31, $0x1D;
	v0 =	vmax.f32 v0, $0.0e+00;
	[tilespmem:s0+$0x14460] =	vst v63  }
0xfc: {  	s11 =	simm.s32 $0x14300;
	[tilespmem:s0+$0x14470] =	vst v0;
	s0 =	sadd.s32 @!p1 $0x300, s9  }
0xfd: {  	[spmem:s1] =	stream.indirect.scatter.add.f32 [tilespmem:s16], [sflag:$0xE], $0x80, s11, s15, $0xb8;
	[tilespmem:$0x1E400] =	vst v63  }
0xfe: {  	s2 =	sand.u32 @!p1 $0x7C00, s0  }
0xff: {  	s0 =	sand.u32 @!p1 $0x300, s0;
	s2 =	sadd.s32 @!p1 s13, s2  }
0x100: {  	_ =	swait.ge [sflag:s23], $0x2800;
	s0 =	sor.u32 @!p1 s0, s2  }
0x101: {  	s17 =	simm.s32 @!p1 $0x14100;
	[sflag:s23] =	ssyncset.done $0x0;
	s0 =	sshrl.u32 @!p1 s0, $0x3  }
0x102: {  	s11 =	simm.s32 @!p1 $0x0;
	[sflag:s23] =	ssyncadd.s32 $0xFFFFD800;
	s2 =	sadd.s32 @!p1 s4, s0  }
0x103: {  	[tilespmem:s17], [sflag:$0x7] =	stream.linear.gather @!p1 [hbm4b:s2+s11], $0x80, $0x38;
	[tilespmem:$0x1E400] =	vst v63  }
0x104: {  	s0 =	sadd.s32 @!p1 s5, s0;
	s2 =	simm.s32 @!p1 $0x14300  }
0x105: {  	[tilespmem:s2], [sflag:$0xB] =	stream.linear.gather @!p1 [hbm4b:s0+s11], $0x80, $0x38;
	[tilespmem:$0x1E400] =	vst v63  }
0x106: {  	_ =	swait.ge [sflag:s12], $0x80  }
0x107: {  	[sflag:s12] =	ssyncset.done $0x0  }
0x108: {  	s17 =	smul.u32 $0x140, s31;
	[sflag:s12] =	ssyncadd.s32 $0xFFFFFF80  }
0x109: {  	_ =	swait.ge [sflag:s14], $0x80  }
0x10a: {  	s0 =	sadd.s32 s17, s26;
	[sflag:s14] =	ssyncset.done $0x0  }
0x10b: {  	s0 =	sshll.u32 s0, $0x4;
	[sflag:s14] =	ssyncadd.s32 $0xFFFFFF80  }
0x10c: {  	[tilespmem:s16], [sflag:$0x1] =	stream.indirect.gather [hbm4b:s7+s15], $0x80, s29, s15, $0xb8;
	[tilespmem:$0x1E400] =	vst v63  }
0x10d: {  	s18 =	simm.s32 $0x19400;
	s0 =	sadd.s32 s6, s0  }
0x10e: {  	[tilespmem:s18], [sflag:$0x3] =	stream.linear.gather [hbm4b:s0+s3], $0x2800, $0x38;
	[tilespmem:$0x1E400] =	vst v63  }
.LBB2_14:
.Ltmp12:
0x10f: {  	(pc) =	sbr.rel @p0 .LBB2_18-.Ltmp12, $1  }
0x110: {  	_ =	sdelay $0x3  }
0x111: {  	_ =	swait.ge [sflag:s24], $0x2800  }
0x112: {  	[sflag:s24] =	ssyncset.done $0x0  }
0x113: {  	[sflag:s24] =	ssyncadd.s32 $0xFFFFD800  }
0x114: {  	_ =	swait.ge [sflag:s25], $0x2800  }
0x115: {  	[sflag:s25] =	ssyncset.done $0x0  }
0x116: {  	s0 =	simm.s32 $0x0;
	[sflag:s25] =	ssyncadd.s32 $0xFFFFD800  }
0x117: {  	v3 =	vld [tilespmem:s0+$0x1BC00]  }
0x118: {  	v2 =	vld [tilespmem:s0+$0x1BC10]  }
0x119: {  	v1 =	vld [tilespmem:s0+$0x1BC20]  }
0x11a: {  	v0 =	vld [tilespmem:s0+$0x1BC30]  }
0x11b: {  	v8 =	vld [tilespmem:s0+$0x16C00]  }
0x11c: {  	v7 =	vld [tilespmem:s0+$0x16C10]  }
0x11d: {  	v6 =	vld [tilespmem:s0+$0x16C20]  }
0x11e: {  	v5 =	vld [tilespmem:s0+$0x16C30]  }
0x11f: {  	v4 =	vld [tilespmem:s0+$0x16C40];
	v10 =	vshll.u32 v3, $0x10  }
0x120: {  	s2 =	simm.s32 $0x200;
	v9 =	vand.u32 $0xFFFF0000, v3;
	v3 =	vld [tilespmem:s0+$0x16C50];
	v8 =	vadd.f32 v10, v8  }
.LBB2_16:
0x121: {  	p0 =	sne.s32 s2, $0x9E00;
	v7 =	vadd.f32 v9, v7;
	v9 =	vshll.u32 v2, $0x10;
	v10 =	vld [tilespmem:s0+$0x16C60]  }
0x122: {  	s11 =	sshra.s32 s2, $0x2;
	v2 =	vand.u32 $0xFFFF0000, v2;
	v8 =	vmax.f32 v8, $0.0e+00;
	v6 =	vadd.f32 v9, v6;
	v9 =	vld [tilespmem:s0+$0x16C70]  }
0x123: {  	v11 =	vld [tilespmem:s11+$0x1BC00];
	[tilespmem:s0+$0x16C00] =	vst v8;
	v7 =	vmax.f32 v7, $0.0e+00;
	v5 =	vadd.f32 v2, v5;
	v8 =	vshll.u32 v1, $0x10  }
0x124: {  	v2 =	vld [tilespmem:s11+$0x1BC10];
	[tilespmem:s0+$0x16C10] =	vst v7;
	v6 =	vmax.f32 v6, $0.0e+00;
	v7 =	vand.u32 $0xFFFF0000, v1;
	v4 =	vadd.f32 v8, v4  }
0x125: {  	v1 =	vld [tilespmem:s11+$0x1BC20];
	[tilespmem:s0+$0x16C20] =	vst v6;
	v5 =	vmax.f32 v5, $0.0e+00;
	v3 =	vadd.f32 v7, v3;
	v6 =	vshll.u32 v0, $0x10  }
0x126: {  	[tilespmem:s0+$0x16C30] =	vst v5;
	v4 =	vmax.f32 v4, $0.0e+00;
	v5 =	vand.u32 $0xFFFF0000, v0;
	v0 =	vld [tilespmem:s11+$0x1BC30];
	v6 =	vadd.f32 v6, v10  }
0x127: {  	v8 =	vld [tilespmem:s11+$0x16C00];
	[tilespmem:s0+$0x16C40] =	vst v4;
	v3 =	vmax.f32 v3, $0.0e+00;
	v4 =	vadd.f32 v5, v9  }
.Ltmp13:
0x128: {  	v7 =	vld [tilespmem:s11+$0x16C10];
	[tilespmem:s0+$0x16C50] =	vst v3;
	v3 =	vmax.f32 v6, $0.0e+00;
	(pc) =	sbr.rel @p0 .LBB2_16-.Ltmp13, $4  }
0x129: {  	v6 =	vld [tilespmem:s11+$0x16C20];
	[tilespmem:s0+$0x16C60] =	vst v3;
	v3 =	vmax.f32 v4, $0.0e+00  }
0x12a: {  	v5 =	vld [tilespmem:s11+$0x16C30];
	[tilespmem:s0+$0x16C70] =	vst v3;
	s0 =	smov.u32 s11  }
0x12b: {  	v3 =	vshll.u32 v11, $0x10;
	v4 =	vld [tilespmem:s0+$0x16C40]  }
0x12c: {  	s2 =	sadd.s32 $0x200, s2;
	v9 =	vand.u32 $0xFFFF0000, v11;
	v8 =	vadd.f32 v3, v8;
	v3 =	vld [tilespmem:s0+$0x16C50]  }
0x12d: {  	v7 =	vadd.f32 v9, v7;
	v55 =	vshll.u32 v2, $0x10;
	v10 =	vld [tilespmem:s0+$0x16C60]  }
0x12e: {  	v56 =	vand.u32 $0xFFFF0000, v2;
	v57 =	vld [tilespmem:s0+$0x16C70];
	v8 =	vmax.f32 v8, $0.0e+00;
	v6 =	vadd.f32 v55, v6  }
0x12f: {  	v58 =	vshll.u32 v1, $0x10;
	[tilespmem:s0+$0x16C00] =	vst v8;
	v7 =	vmax.f32 v7, $0.0e+00;
	v2 =	vadd.f32 v56, v5  }
0x130: {  	v59 =	vand.u32 $0xFFFF0000, v1;
	[tilespmem:s0+$0x16C10] =	vst v7;
	v6 =	vmax.f32 v6, $0.0e+00;
	v4 =	vadd.f32 v58, v4  }
0x131: {  	v60 =	vshll.u32 v0, $0x10;
	[tilespmem:s0+$0x16C20] =	vst v6;
	v2 =	vmax.f32 v2, $0.0e+00;
	v1 =	vadd.f32 v59, v3  }
0x132: {  	v62 =	vand.u32 $0xFFFF0000, v0;
	[tilespmem:s0+$0x16C30] =	vst v2;
	v61 =	vmax.f32 v4, $0.0e+00;
	v3 =	vadd.f32 v60, v10  }
0x133: {  	v0 =	vadd.f32 v62, v57;
	[tilespmem:s0+$0x16C40] =	vst v61;
	v1 =	vmax.f32 v1, $0.0e+00  }
0x134: {  	[tilespmem:s0+$0x16C50] =	vst v1;
	v63 =	vmax.f32 v3, $0.0e+00  }
0x135: {  	p0 =	seq.s32 s31, $0x1E;
	v0 =	vmax.f32 v0, $0.0e+00;
	[tilespmem:s0+$0x16C60] =	vst v63  }
0x136: {  	s18 =	simm.s32 $0x14380;
	[tilespmem:s0+$0x16C70] =	vst v0;
	s0 =	sadd.s32 @!p0 $0x380, s9  }
0x137: {  	[spmem:s1] =	stream.indirect.scatter.add.f32 [tilespmem:s20], [sflag:$0xE], $0x80, s18, s15, $0xb8;
	[tilespmem:$0x1E400] =	vst v63  }
0x138: {  	s2 =	sand.u32 @!p0 $0x7C00, s0  }
0x139: {  	s0 =	sand.u32 @!p0 $0x380, s0;
	s2 =	sadd.s32 @!p0 s13, s2  }
0x13a: {  	_ =	swait.ge [sflag:s23], $0x2800;
	s0 =	sor.u32 @!p0 s0, s2  }
0x13b: {  	s11 =	simm.s32 @!p0 $0x14180;
	[sflag:s23] =	ssyncset.done $0x0;
	s0 =	sshrl.u32 @!p0 s0, $0x3  }
0x13c: {  	s9 =	simm.s32 @!p0 $0x0;
	[sflag:s23] =	ssyncadd.s32 $0xFFFFD800;
	s2 =	sadd.s32 @!p0 s4, s0  }
0x13d: {  	[tilespmem:s11], [sflag:$0x8] =	stream.linear.gather @!p0 [hbm4b:s2+s9], $0x80, $0x38;
	[tilespmem:$0x1E400] =	vst v63  }
0x13e: {  	s0 =	sadd.s32 @!p0 s5, s0;
	s2 =	simm.s32 @!p0 $0x14380  }
0x13f: {  	[tilespmem:s2], [sflag:$0xC] =	stream.linear.gather @!p0 [hbm4b:s0+s9], $0x80, $0x38;
	[tilespmem:$0x1E400] =	vst v63  }
0x140: {  	s0 =	simm.s32 @!p0 $0x6  }
0x141: {  	_ =	swait.ge @!p0 [sflag:s0], $0x80  }
0x142: {  	[sflag:s0] =	ssyncset.done @!p0 $0x0  }
0x143: {  	[sflag:s0] =	ssyncadd.s32 @!p0 $0xFFFFFF80;
	s0 =	simm.s32 @!p0 $0xA  }
0x144: {  	_ =	swait.ge @!p0 [sflag:s0], $0x80  }
0x145: {  	s17 =	smul.u32 @!p0 $0x140, s31;
	s11 =	simm.s32 @!p0 $0x16C00;
	[sflag:s0] =	ssyncset.done @!p0 $0x0  }
0x146: {  	s2 =	simm.s32 @!p0 $0x14080;
	[sflag:s0] =	ssyncadd.s32 @!p0 $0xFFFFFF80;
	s0 =	simm.s32 @!p0 $0x50  }
0x147: {  	[tilespmem:s11], [sflag:$0x2] =	stream.indirect.gather @!p0 [hbm4b:s7+s0], $0x80, s2, s0, $0xb8;
	[tilespmem:$0x1E400] =	vst v63  }
.Ltmp14:
0x148: {  	_ = 	snop;
	(pc) =	sbr.rel .LBB2_18-.Ltmp14, $4  }
0x149: {  	s0 =	sadd.s32 @!p0 s17, s28  }
0x14a: {  	s0 =	sshll.u32 @!p0 s0, $0x4  }
0x14b: {  	s2 =	simm.s32 @!p0 $0x1BC00;
	s0 =	sadd.s32 @!p0 s6, s0  }
0x14c: {  	[tilespmem:s2], [sflag:$0x4] =	stream.linear.gather @!p0 [hbm4b:s0+s9], $0x2800, $0x38;
	[tilespmem:$0x1E400] =	vst v63  }
.LBB2_20:
0x14d: {  	_ =	sfence.sel $0x180000  }
0x14e: {  	[bflag:$0x0] =	sbarrier.arrive $0xFFFF  }
0x14f: {  	_ =	strace $0x90000047  }
0x150: {  	s0 =	stileid.u32;
	[bflag:$0x2] =	sbarrier.arrive $0xFFFF  }
0x151: {  	p0 =	sne.s32 s0, $0x0;
	s0 =	rddreg [dreg:$0x3]  }
0x152: {  	s0 =	sadd.s32 @!p0 $0x100000, s0  }
0x153: {  	[sflag:s0] =	ssyncadd.tile.s32 @!p0 $0x1;
	_ =	shalt  }
.Lfunc_end2:
_tile_overlayer_lowered:
.L_overlay_start_2:
0x154: {  	(tag) =	ssettag $0x2  }
0x155: {  	s0 =	rddreg [dreg:$0x0];
	s2 =	stileid.u32  }
0x156: {  	s1 =	rddreg [dreg:$0x1];
	p0 =	sne.s32 s2, $0x0  }
0x157: {  	s3 =	rddreg [dreg:$0x2];
	[bflag:$0x3] =	sbarrier.arrive $0xFFFF;
	s2 =	simm.s32 @!p0 $0x1C0E  }
0x158: {  	[timem:s3], [sflag:s2] =	dma.local @!p0 [hbm:s0], s1  }
0x159: {  	s0 =	simm.s32 @!p0 $0xE  }
0x15a: {  	_ =	swait.ge @!p0 [sflag:s0], s1  }
0x15b: {  	s1 =	ssub.s32 @!p0 $0x0, s1;
	[sflag:s0] =	ssyncset.done @!p0 $0x0  }
0x15c: {  	[sflag:s0] =	ssyncadd.s32 @!p0 s1  }
0x15d: {  	[bflag:$0x3] =	sbarrier.arrive $0xFFFF  }
0x15e: {  	_ =	shalt  }

</sc_bundles>
